<compile_context>
chip_gen: v7x
topology: tpu7x:2x2x1
jax: 0.10.2.dev20260603
libtpu: 0.0.44.dev20260713+nightly
codegen_flags: <defaults>
</compile_context>

<pallas_src>
import functools

import jax
import jax.numpy as jnp
from jax import lax
from jax.experimental import pallas as pl
from jax.experimental.pallas import tpu as pltpu
from jax.experimental.pallas import tpu_sc as plsc

N = 10000
D = 128
H = 16
E = 320000
NC = 2
NS = 16
EC = 250
NCHT = E // (NS * EC)
WC = 125
RPT = N // NS
RCH = RPT // WC
NB = 8

_F32 = jnp.float32



def _sc_scratch():
  s = [
      pltpu.VMEM((NCHT, EC), jnp.int32),
      pltpu.VMEM((NCHT, EC), jnp.int32),
      pltpu.VMEM_SHARED((N, H), _F32),
  ]
  s += [pltpu.VMEM((EC, H), _F32)] * NB
  s += [pltpu.SemaphoreType.DMA] * NB
  s += [pltpu.SemaphoreType.DMA] * NB
  return s


def _fill(buf, n, row):
  def body(i, _):
    buf[i] = row
    return 0

  lax.fori_loop(0, n, body, 0)


def _zero_stripe(buf, accs, row0):
  _fill(buf, WC, jnp.zeros((H,), _F32))
  for acc in accs:
    for k in range(RCH):
      pltpu.sync_copy(buf.at[pl.ds(0, WC)],
                      acc.at[pl.ds(row0 + k * WC, WC)])


def _scatter_loop(y_flat, sidx, didx, acc, bufs, gsem, ssem):
  for k in range(NB // 2):
    pltpu.async_copy(y_flat.at[sidx.at[k]], bufs[k], gsem[k])

  def step(i, _):
    for k in range(NB):
      j = NB * i + k
      pltpu.make_async_copy(y_flat.at[sidx.at[j]], bufs[k], gsem[k]).wait()
      pltpu.async_copy(bufs[k], acc.at[didx.at[j]], ssem[k], add=True)
      b2 = (k + NB // 2) % NB

      @pl.when(j + NB // 2 < NCHT)
      def _next():
        @pl.when(j >= NB // 2)
        def _drain():
          pltpu.make_async_copy(
              bufs[b2], acc.at[didx.at[j - NB // 2]], ssem[b2]).wait()

        pltpu.async_copy(
            y_flat.at[sidx.at[j + NB // 2]], bufs[b2], gsem[b2])

    return 0

  lax.fori_loop(0, NCHT // NB, step, 0)
  for k in range(NB):
    j = NCHT - NB + k
    pltpu.make_async_copy(bufs[k], acc.at[didx.at[j]], ssem[k]).wait()


_MESH = plsc.VectorSubcoreMesh(core_axis_name="c", subcore_axis_name="s")
_SC_PARAMS = pltpu.CompilerParams(use_tc_tiling_on_sc=False)


@functools.partial(
    pl.kernel, mesh=_MESH,
    out_type=[jax.ShapeDtypeStruct((NC, N, H), _F32),
              jax.ShapeDtypeStruct((NC, N, H), _F32)],
    scratch_types=_sc_scratch() +
    [pltpu.VMEM((EC, H), _F32)] * NB +
    [pltpu.SemaphoreType.DMA] * NB + [
        pltpu.VMEM_SHARED((N, H), _F32),
    ],
    compiler_params=_SC_PARAMS)
def _sc1(y1, srcs, dsts, out_s, out_rcp, sidx, didx, acc, *rest):
  bufs = rest[:NB]
  gsem = rest[NB:2 * NB]
  ssem = rest[2 * NB:3 * NB]
  ones = rest[3 * NB:4 * NB]
  csem = rest[4 * NB:5 * NB]
  acc_c = rest[5 * NB]

  c = lax.axis_index("c")
  s = lax.axis_index("s")
  row0 = s * RPT

  _zero_stripe(bufs[0], [acc, acc_c], row0)
  orow = jnp.ones((H,), _F32)
  for b in range(NB):
    _fill(ones[b], EC, orow)
  plsc.subcore_barrier()

  ebase = s * NCHT
  pltpu.sync_copy(srcs.at[c, pl.ds(ebase, NCHT)], sidx)
  pltpu.sync_copy(dsts.at[c, pl.ds(ebase, NCHT)], didx)

  def cnt_step(i, _):
    for k in range(NB):
      j = NB * i + k

      @pl.when(j >= NB)
      def _drain():
        pltpu.make_async_copy(
            ones[k], acc_c.at[didx.at[j - NB]], csem[k]).wait()

      pltpu.async_copy(ones[k], acc_c.at[didx.at[j]], csem[k], add=True)
    return 0

  lax.fori_loop(0, NCHT // NB, cnt_step, 0)
  _scatter_loop(y1, sidx, didx, acc, bufs, gsem, ssem)
  for k in range(NB):
    pltpu.make_async_copy(
        ones[k], acc_c.at[didx.at[NCHT - NB + k]], csem[k]).wait()
  plsc.subcore_barrier()

  for k in range(RCH):
    r = row0 + k * WC
    pltpu.sync_copy(acc.at[pl.ds(r, WC)], bufs[0].at[pl.ds(0, WC)])
    pltpu.sync_copy(bufs[0].at[pl.ds(0, WC)], out_s.at[c, pl.ds(r, WC)])
    pltpu.sync_copy(acc_c.at[pl.ds(r, WC)], bufs[1].at[pl.ds(0, WC)])
    pltpu.sync_copy(bufs[1].at[pl.ds(0, WC)], out_rcp.at[c, pl.ds(r, WC)])


@functools.partial(
    pl.kernel, mesh=_MESH,
    out_type=[jax.ShapeDtypeStruct((NC, N, H), _F32)],
    scratch_types=_sc_scratch() + [
        pltpu.VMEM((WC, H), _F32),
        pltpu.VMEM((WC, H), _F32),
        pltpu.VMEM((H,), _F32),
    ],
    compiler_params=_SC_PARAMS)
def _sc2(y2, srcs, dsts, rcp, r2, b2, out2, sidx, didx, acc,
         *rest):
  bufs = rest[:NB]
  gsem = rest[NB:2 * NB]
  ssem = rest[2 * NB:3 * NB]
  rbuf = rest[3 * NB]
  tbuf = rest[3 * NB + 1]
  bbuf = rest[3 * NB + 2]

  c = lax.axis_index("c")
  s = lax.axis_index("s")
  row0 = s * RPT

  _zero_stripe(bufs[0], [acc], row0)
  plsc.subcore_barrier()

  ebase = s * NCHT
  pltpu.sync_copy(srcs.at[c, pl.ds(ebase, NCHT)], sidx)
  pltpu.sync_copy(dsts.at[c, pl.ds(ebase, NCHT)], didx)
  pltpu.sync_copy(b2.at[c], bbuf)
  _scatter_loop(y2, sidx, didx, acc, bufs, gsem, ssem)
  plsc.subcore_barrier()

  bias = bbuf[...]
  for k in range(RCH):
    r = row0 + k * WC
    pltpu.sync_copy(acc.at[pl.ds(r, WC)], bufs[0].at[pl.ds(0, WC)])
    pltpu.sync_copy(rcp.at[c, pl.ds(r, WC)], rbuf)
    pltpu.sync_copy(r2.at[c, pl.ds(r, WC)], tbuf)

    def ep_row(i, _):
      bufs[0][i] = jnp.maximum(
          bufs[0][i] * rbuf[i] + bias + tbuf[i], 0.0)
      return 0

    lax.fori_loop(0, WC, ep_row, 0)

    pltpu.sync_copy(bufs[0].at[pl.ds(0, WC)], out2.at[c, pl.ds(r, WC)])



PN = N // 8
PD = 8 * D
_R = PN


def _tc1_body(xp, xu, wvl, wrl, wvr, wrr, y1, r1):
  p = xp[...]
  u = xu[...]
  y1[0] = jnp.dot(p, wvl[...], preferred_element_type=_F32)
  y1[1] = jnp.dot(u, wrl[...], preferred_element_type=_F32)
  r1[0] = jnp.dot(u, wvr[...], preferred_element_type=_F32)
  r1[1] = jnp.dot(p, wrr[...], preferred_element_type=_F32)


def _tc1(xp, xu, wvl, wrl, wvr, wrr):
  bx = pl.BlockSpec((_R, PD), lambda i: (i, 0))
  bw = pl.BlockSpec((PD, 128), lambda i: (0, 0))
  bo = pl.BlockSpec((NC, _R, 128), lambda i: (0, i, 0))
  return pl.pallas_call(
      _tc1_body,
      grid=(PN // _R,),
      in_specs=[bx, bx, bw, bw, bw, bw],
      out_specs=[bo, bo],
      out_shape=[jax.ShapeDtypeStruct((NC, PN, 128), _F32)] * 2,
  )(xp, xu, wvl, wrl, wvr, wrr)


def _tc2_body(s1, cnt, r1, b1, wvl, wrl, wvr, wrr, y2, r2, rcp):
  sa = s1[...]
  ra = 1.0 / jnp.maximum(cnt[...], 1.0)
  oa = r1[...]
  ba = b1[...]
  u1 = jnp.maximum(sa[0] * ra[0] + ba[0] + oa[0], 0.0)
  p1 = jnp.maximum(sa[1] * ra[1] + ba[1] + oa[1], 0.0)
  y2[0] = jnp.dot(p1, wvl[...], preferred_element_type=_F32)
  y2[1] = jnp.dot(u1, wrl[...], preferred_element_type=_F32)
  r2[0] = jnp.dot(u1, wvr[...], preferred_element_type=_F32)
  r2[1] = jnp.dot(p1, wrr[...], preferred_element_type=_F32)
  rcp[...] = ra


def _tc2(s1, rcp, r1, b1, wvl, wrl, wvr, wrr):
  bp = pl.BlockSpec((NC, _R, 128), lambda i: (0, i, 0))
  bb = pl.BlockSpec((NC, 128), lambda i: (0, 0))
  bw = pl.BlockSpec((128, 128), lambda i: (0, 0))
  return pl.pallas_call(
      _tc2_body,
      grid=(PN // _R,),
      in_specs=[bp, bp, bp, bb, bw, bw, bw, bw],
      out_specs=[bp, bp, bp],
      out_shape=[jax.ShapeDtypeStruct((NC, PN, 128), _F32)] * 3,
  )(s1, rcp, r1, b1, wvl, wrl, wvr, wrr)



def kernel(x_Persona, x_Ubicacion, edge_index_visits, edge_index_rev,
           W1v_l, b1v, W1v_r, W1r_l, b1r, W1r_r,
           W2v_l, b2v, W2v_r, W2r_l, b2r, W2r_r):
  nch = E // EC
  srcs = jnp.stack([edge_index_visits[0].reshape(nch, EC),
                    edge_index_rev[0].reshape(nch, EC) + N])
  dsts = jnp.stack([edge_index_visits[1].reshape(nch, EC),
                    edge_index_rev[1].reshape(nch, EC)])
  b1 = jnp.stack([jnp.tile(b1v, 8), jnp.tile(b1r, 8)])
  b2 = jnp.stack([b2v, b2r])
  eye8 = jnp.eye(8, dtype=_F32)
  wb = [jnp.kron(eye8, w)
        for w in (W1v_l, W1r_l, W1v_r, W1r_r, W2v_l, W2r_l, W2v_r, W2r_r)]

  y1, r1 = _tc1(x_Persona.reshape(PN, PD), x_Ubicacion.reshape(PN, PD),
                wb[0], wb[1], wb[2], wb[3])
  s1, cnt = _sc1(y1.reshape(NC * N, H), srcs, dsts)
  y2, r2, rcp = _tc2(s1.reshape(NC, PN, 128), cnt.reshape(NC, PN, 128),
                     r1, b1, wb[4], wb[5], wb[6], wb[7])
  out2 = _sc2(y2.reshape(NC * N, H), srcs, dsts,
              rcp.reshape(NC, N, H), r2.reshape(NC, N, H), b2)[0]
  return (out2[1], out2[0])

# --- scband reference (transcript-rebuilt; emitter-appended) ---
"""Pipeline reference for scband-pre-crime-model-16209206575619 (READ-ONLY COPY).

The authoritative reference and input builder live on the scoring server;
editing this copy changes nothing except your own understanding.
"""

import jax, jax.numpy as jnp
import numpy as np

N_P = 10000
N_U = 10000
E = 320000
D = 128
H = 16


def _w(key, shape, fan_in):
    return jax.random.normal(key, shape, jnp.float32) / np.sqrt(fan_in)


def setup_inputs(seed: int = 0) -> dict:
    key = jax.random.key(seed)
    ks = jax.random.split(key, 18)
    inp = {}
    inp["x_Persona"] = jax.random.normal(ks[0], (N_P, D), jnp.float32)
    inp["x_Ubicacion"] = jax.random.normal(ks[1], (N_U, D), jnp.float32)
    inp["edge_index_visits"] = jax.random.randint(ks[2], (2, E), 0, N_U)  # src Persona (<N_P), dst Ubicacion (<N_U); both 10000
    inp["edge_index_rev"] = jax.random.randint(ks[3], (2, E), 0, N_P)
    # Layer 1 SAGEConv params per edge type: lin_l (neighbor, with bias), lin_r (root, no bias)
    inp["W1v_l"] = _w(ks[4], (D, H), D)
    inp["b1v"] = jnp.zeros((H,), jnp.float32)
    inp["W1v_r"] = _w(ks[5], (D, H), D)
    inp["W1r_l"] = _w(ks[6], (D, H), D)
    inp["b1r"] = jnp.zeros((H,), jnp.float32)
    inp["W1r_r"] = _w(ks[7], (D, H), D)
    # Layer 2
    inp["W2v_l"] = _w(ks[8], (H, H), H)
    inp["b2v"] = jnp.zeros((H,), jnp.float32)
    inp["W2v_r"] = _w(ks[9], (H, H), H)
    inp["W2r_l"] = _w(ks[10], (H, H), H)
    inp["b2r"] = jnp.zeros((H,), jnp.float32)
    inp["W2r_r"] = _w(ks[11], (H, H), H)
    return inp


def sage(x_src, x_dst, ei, W_l, b_l, W_r):
    # PyG SAGEConv (mean aggr): out = lin_l(mean_j x_src[j]) + lin_r(x_dst)
    num_dst = x_dst.shape[0]
    msgs = jnp.take(x_src, ei[0], axis=0)
    s = jax.ops.segment_sum(msgs, ei[1], num_segments=num_dst)
    cnt = jax.ops.segment_sum(jnp.ones((ei.shape[1],), jnp.float32), ei[1], num_segments=num_dst)
    mean = s / jnp.clip(cnt, 1.0, None)[:, None]
    return mean @ W_l + b_l + x_dst @ W_r


def reference(x_Persona, x_Ubicacion, edge_index_visits, edge_index_rev,
              W1v_l, b1v, W1v_r, W1r_l, b1r, W1r_r,
              W2v_l, b2v, W2v_r, W2r_l, b2r, W2r_r):
    # conv1 (HeteroConv aggr='sum'; each node type has exactly one incoming edge type)
    u1 = jax.nn.relu(sage(x_Persona, x_Ubicacion, edge_index_visits, W1v_l, b1v, W1v_r))
    p1 = jax.nn.relu(sage(x_Ubicacion, x_Persona, edge_index_rev, W1r_l, b1r, W1r_r))
    # conv2
    u2 = jax.nn.relu(sage(p1, u1, edge_index_visits, W2v_l, b2v, W2v_r))
    p2 = jax.nn.relu(sage(u1, p1, edge_index_rev, W2r_l, b2r, W2r_r))
    return (p2, u2)

if __name__ == "__main__":
    import jax
    _d = setup_inputs()
    print(jax.jit(kernel)(*tuple(_d.values())))

</pallas_src>

<mosaic_0001>
#map = affine_map<(d0, d1) -> (0, 0)>
#map1 = affine_map<(d0, d1) -> (0, 0, 0)>
module attributes {stable_mosaic.version = 14 : i64} {
  func.func @_sc2(%arg0: i32, %arg1: i32, %arg2: memref<20000x16xf32, #tpu.memory_space<hbm>>, %arg3: memref<2x1280x250xi32, #tpu.memory_space<hbm>>, %arg4: memref<2x1280x250xi32, #tpu.memory_space<hbm>>, %arg5: memref<2x10000x16xf32, #tpu.memory_space<hbm>>, %arg6: memref<2x10000x16xf32, #tpu.memory_space<hbm>>, %arg7: memref<2x16xf32, #tpu.memory_space<hbm>>, %arg8: memref<2x10000x16xf32, #tpu.memory_space<hbm>>, %arg9: memref<80x250xi32, #tpu.memory_space<vmem>>, %arg10: memref<80x250xi32, #tpu.memory_space<vmem>>, %arg11: memref<10000x16xf32, #tpu.memory_space<vmem_shared>>, %arg12: memref<250x16xf32, #tpu.memory_space<vmem>>, %arg13: memref<250x16xf32, #tpu.memory_space<vmem>>, %arg14: memref<250x16xf32, #tpu.memory_space<vmem>>, %arg15: memref<250x16xf32, #tpu.memory_space<vmem>>, %arg16: memref<250x16xf32, #tpu.memory_space<vmem>>, %arg17: memref<250x16xf32, #tpu.memory_space<vmem>>, %arg18: memref<250x16xf32, #tpu.memory_space<vmem>>, %arg19: memref<250x16xf32, #tpu.memory_space<vmem>>, %arg20: memref<!tpu.dma_semaphore, #tpu.memory_space<semaphore_mem>>, %arg21: memref<!tpu.dma_semaphore, #tpu.memory_space<semaphore_mem>>, %arg22: memref<!tpu.dma_semaphore, #tpu.memory_space<semaphore_mem>>, %arg23: memref<!tpu.dma_semaphore, #tpu.memory_space<semaphore_mem>>, %arg24: memref<!tpu.dma_semaphore, #tpu.memory_space<semaphore_mem>>, %arg25: memref<!tpu.dma_semaphore, #tpu.memory_space<semaphore_mem>>, %arg26: memref<!tpu.dma_semaphore, #tpu.memory_space<semaphore_mem>>, %arg27: memref<!tpu.dma_semaphore, #tpu.memory_space<semaphore_mem>>, %arg28: memref<!tpu.dma_semaphore, #tpu.memory_space<semaphore_mem>>, %arg29: memref<!tpu.dma_semaphore, #tpu.memory_space<semaphore_mem>>, %arg30: memref<!tpu.dma_semaphore, #tpu.memory_space<semaphore_mem>>, %arg31: memref<!tpu.dma_semaphore, #tpu.memory_space<semaphore_mem>>, %arg32: memref<!tpu.dma_semaphore, #tpu.memory_space<semaphore_mem>>, %arg33: memref<!tpu.dma_semaphore, #tpu.memory_space<semaphore_mem>>, %arg34: memref<!tpu.dma_semaphore, #tpu.memory_space<semaphore_mem>>, %arg35: memref<!tpu.dma_semaphore, #tpu.memory_space<semaphore_mem>>, %arg36: memref<125x16xf32, #tpu.memory_space<vmem>>, %arg37: memref<125x16xf32, #tpu.memory_space<vmem>>, %arg38: memref<16xf32, #tpu.memory_space<vmem>>) attributes {dimension_semantics = [#tpu.dimension_semantics<core_parallel>, #tpu.dimension_semantics<subcore_parallel>], iteration_bounds = array<i64: 2, 16>, scalar_prefetch = 0 : i64, scratch_operands = 30 : i64, tpu.core_type = #tpu.core_type<sc_vector_subcore>, window_params = [{transform_indices = #map}, {transform_indices = #map1}, {transform_indices = #map1}, {transform_indices = #map1}, {transform_indices = #map1}, {transform_indices = #map}, {transform_indices = #map1}]} {
    %mul3A = arith.constant 625 : i32
    %mul3A_0 = arith.muli %arg1, %mul3A : i32
    %broadcast_in_dim3A = arith.constant 0.000000e+00 : f32
    %broadcast_in_dim3A_1 = vector.broadcast %broadcast_in_dim3A : f32 to vector<16xf32>
    %scan3A = arith.constant 0 : i32
    %scan3A_2 = arith.constant 0 : i32
    %scan3A_3 = arith.constant 125 : i32
    %scan3A_4 = arith.addi %scan3A_2, %scan3A_3 : i32
    %scan3A_5 = arith.constant 1 : i32
    %scan3A_6 = scf.for %scan3A_156 = %scan3A_2 to %scan3A_4 step %scan3A_5 iter_args(%scan3A_157 = %scan3A) -> (i32)  : i32 {
      %swap3A = arith.index_cast %scan3A_156 : i32 to index
      %swap3A_158 = arith.constant 0 : index
      %swap3A_159 = tpu.vector_load %arg12[%swap3A, %swap3A_158] {strides = array<i32>} : memref<250x16xf32, #tpu.memory_space<vmem>>, vector<1x16xf32>,
      %swap3A_160 = vector.shape_cast %swap3A_159 : vector<1x16xf32> to vector<16xf32>
      %swap3A_161 = vector.shape_cast %broadcast_in_dim3A_1 : vector<16xf32> to vector<1x16xf32>
      tpu.vector_store %arg12[%swap3A, %swap3A_158], %swap3A_161 {strides = array<i32>} : memref<250x16xf32, #tpu.memory_space<vmem>>, vector<1x16xf32>,
      %scan3A_162 = arith.constant 0 : i32
      scf.yield %scan3A_162 : i32
    }
    %scan3A_7 = arith.constant 125 : i32
    %add3A = arith.constant 0 : i32
    %add3A_8 = arith.addi %mul3A_0, %add3A : i32
    "tpu.region"() ({
      %run_scoped3A = tpu.sem_alloc : memref<!tpu.dma_semaphore, #tpu.memory_space<semaphore_mem>>
      %dma_start3A_156 = arith.constant 0 : i32
      %dma_start3A_157 = arith.constant 0 : i32
      %dma_start3A_158 = tpu.memref_slice %arg12[%dma_start3A_156, %dma_start3A_157] : memref<250x16xf32, #tpu.memory_space<vmem>> -> memref<125x16xf32, #tpu.memory_space<vmem>>
      %dma_start3A_159 = arith.constant 0 : i32
      %dma_start3A_160 = tpu.memref_slice %arg11[%add3A_8, %dma_start3A_159] : memref<10000x16xf32, #tpu.memory_space<vmem_shared>> -> memref<125x16xf32, #tpu.memory_space<vmem_shared>>
      %dma_start3A_161 = arith.constant 0 : i32
      %dma_start3A_162 = tpu.memref_slice %arg11[%add3A_8, %dma_start3A_161] : memref<10000x16xf32, #tpu.memory_space<vmem_shared>> -> memref<125x16xf32, #tpu.memory_space<vmem_shared>>
      %dma_start3A_163 = arith.constant 0 : i32
      %dma_start3A_164 = arith.constant 0 : i32
      %dma_start3A_165 = tpu.memref_slice %arg12[%dma_start3A_163, %dma_start3A_164] : memref<250x16xf32, #tpu.memory_space<vmem>> -> memref<125x16xf32, #tpu.memory_space<vmem>>
      tpu.enqueue_dma source(%dma_start3A_165 : memref<125x16xf32, #tpu.memory_space<vmem>>) target(%dma_start3A_162 : memref<125x16xf32, #tpu.memory_space<vmem_shared>>) target_semaphore(%run_scoped3A : memref<!tpu.dma_semaphore, #tpu.memory_space<semaphore_mem>>)
      %dma_wait3A_166 = arith.constant 0 : i32
      %dma_wait3A_167 = arith.constant 0 : i32
      %dma_wait3A_168 = tpu.memref_slice %arg12[%dma_wait3A_166, %dma_wait3A_167] : memref<250x16xf32, #tpu.memory_space<vmem>> -> memref<125x16xf32, #tpu.memory_space<vmem>>
      %dma_wait3A_169 = arith.constant 0 : i32
      %dma_wait3A_170 = tpu.memref_slice %arg11[%add3A_8, %dma_wait3A_169] : memref<10000x16xf32, #tpu.memory_space<vmem_shared>> -> memref<125x16xf32, #tpu.memory_space<vmem_shared>>
      %dma_wait3A_171 = arith.constant 0 : i32
      %dma_wait3A_172 = tpu.memref_slice %arg11[%add3A_8, %dma_wait3A_171] : memref<10000x16xf32, #tpu.memory_space<vmem_shared>> -> memref<125x16xf32, #tpu.memory_space<vmem_shared>>
      %dma_wait3A_173 = arith.constant 0 : i32
      %dma_wait3A_174 = arith.constant 0 : i32
      %dma_wait3A_175 = tpu.memref_slice %arg12[%dma_wait3A_173, %dma_wait3A_174] : memref<250x16xf32, #tpu.memory_space<vmem>> -> memref<125x16xf32, #tpu.memory_space<vmem>>
      tpu.wait_dma2 semaphore(%run_scoped3A : memref<!tpu.dma_semaphore, #tpu.memory_space<semaphore_mem>>) src(%dma_wait3A_175 : memref<125x16xf32, #tpu.memory_space<vmem>>) dst(%dma_wait3A_172 : memref<125x16xf32, #tpu.memory_space<vmem_shared>>)
      tpu.yield
    }) : () -> ()
    %add3A_9 = arith.constant 125 : i32
    %add3A_10 = arith.addi %mul3A_0, %add3A_9 : i32
    "tpu.region"() ({
      %run_scoped3A = tpu.sem_alloc : memref<!tpu.dma_semaphore, #tpu.memory_space<semaphore_mem>>
      %dma_start3A_156 = arith.constant 0 : i32
      %dma_start3A_157 = arith.constant 0 : i32
      %dma_start3A_158 = tpu.memref_slice %arg12[%dma_start3A_156, %dma_start3A_157] : memref<250x16xf32, #tpu.memory_space<vmem>> -> memref<125x16xf32, #tpu.memory_space<vmem>>
      %dma_start3A_159 = arith.constant 0 : i32
      %dma_start3A_160 = tpu.memref_slice %arg11[%add3A_10, %dma_start3A_159] : memref<10000x16xf32, #tpu.memory_space<vmem_shared>> -> memref<125x16xf32, #tpu.memory_space<vmem_shared>>
      %dma_start3A_161 = arith.constant 0 : i32
      %dma_start3A_162 = tpu.memref_slice %arg11[%add3A_10, %dma_start3A_161] : memref<10000x16xf32, #tpu.memory_space<vmem_shared>> -> memref<125x16xf32, #tpu.memory_space<vmem_shared>>
      %dma_start3A_163 = arith.constant 0 : i32
      %dma_start3A_164 = arith.constant 0 : i32
      %dma_start3A_165 = tpu.memref_slice %arg12[%dma_start3A_163, %dma_start3A_164] : memref<250x16xf32, #tpu.memory_space<vmem>> -> memref<125x16xf32, #tpu.memory_space<vmem>>
      tpu.enqueue_dma source(%dma_start3A_165 : memref<125x16xf32, #tpu.memory_space<vmem>>) target(%dma_start3A_162 : memref<125x16xf32, #tpu.memory_space<vmem_shared>>) target_semaphore(%run_scoped3A : memref<!tpu.dma_semaphore, #tpu.memory_space<semaphore_mem>>)
      %dma_wait3A_166 = arith.constant 0 : i32
      %dma_wait3A_167 = arith.constant 0 : i32
      %dma_wait3A_168 = tpu.memref_slice %arg12[%dma_wait3A_166, %dma_wait3A_167] : memref<250x16xf32, #tpu.memory_space<vmem>> -> memref<125x16xf32, #tpu.memory_space<vmem>>
      %dma_wait3A_169 = arith.constant 0 : i32
      %dma_wait3A_170 = tpu.memref_slice %arg11[%add3A_10, %dma_wait3A_169] : memref<10000x16xf32, #tpu.memory_space<vmem_shared>> -> memref<125x16xf32, #tpu.memory_space<vmem_shared>>
      %dma_wait3A_171 = arith.constant 0 : i32
      %dma_wait3A_172 = tpu.memref_slice %arg11[%add3A_10, %dma_wait3A_171] : memref<10000x16xf32, #tpu.memory_space<vmem_shared>> -> memref<125x16xf32, #tpu.memory_space<vmem_shared>>
      %dma_wait3A_173 = arith.constant 0 : i32
      %dma_wait3A_174 = arith.constant 0 : i32
      %dma_wait3A_175 = tpu.memref_slice %arg12[%dma_wait3A_173, %dma_wait3A_174] : memref<250x16xf32, #tpu.memory_space<vmem>> -> memref<125x16xf32, #tpu.memory_space<vmem>>
      tpu.wait_dma2 semaphore(%run_scoped3A : memref<!tpu.dma_semaphore, #tpu.memory_space<semaphore_mem>>) src(%dma_wait3A_175 : memref<125x16xf32, #tpu.memory_space<vmem>>) dst(%dma_wait3A_172 : memref<125x16xf32, #tpu.memory_space<vmem_shared>>)
      tpu.yield
    }) : () -> ()
    %add3A_11 = arith.constant 250 : i32
    %add3A_12 = arith.addi %mul3A_0, %add3A_11 : i32
    "tpu.region"() ({
      %run_scoped3A = tpu.sem_alloc : memref<!tpu.dma_semaphore, #tpu.memory_space<semaphore_mem>>
      %dma_start3A_156 = arith.constant 0 : i32
      %dma_start3A_157 = arith.constant 0 : i32
      %dma_start3A_158 = tpu.memref_slice %arg12[%dma_start3A_156, %dma_start3A_157] : memref<250x16xf32, #tpu.memory_space<vmem>> -> memref<125x16xf32, #tpu.memory_space<vmem>>
      %dma_start3A_159 = arith.constant 0 : i32
      %dma_start3A_160 = tpu.memref_slice %arg11[%add3A_12, %dma_start3A_159] : memref<10000x16xf32, #tpu.memory_space<vmem_shared>> -> memref<125x16xf32, #tpu.memory_space<vmem_shared>>
      %dma_start3A_161 = arith.constant 0 : i32
      %dma_start3A_162 = tpu.memref_slice %arg11[%add3A_12, %dma_start3A_161] : memref<10000x16xf32, #tpu.memory_space<vmem_shared>> -> memref<125x16xf32, #tpu.memory_space<vmem_shared>>
      %dma_start3A_163 = arith.constant 0 : i32
      %dma_start3A_164 = arith.constant 0 : i32
      %dma_start3A_165 = tpu.memref_slice %arg12[%dma_start3A_163, %dma_start3A_164] : memref<250x16xf32, #tpu.memory_space<vmem>> -> memref<125x16xf32, #tpu.memory_space<vmem>>
      tpu.enqueue_dma source(%dma_start3A_165 : memref<125x16xf32, #tpu.memory_space<vmem>>) target(%dma_start3A_162 : memref<125x16xf32, #tpu.memory_space<vmem_shared>>) target_semaphore(%run_scoped3A : memref<!tpu.dma_semaphore, #tpu.memory_space<semaphore_mem>>)
      %dma_wait3A_166 = arith.constant 0 : i32
      %dma_wait3A_167 = arith.constant 0 : i32
      %dma_wait3A_168 = tpu.memref_slice %arg12[%dma_wait3A_166, %dma_wait3A_167] : memref<250x16xf32, #tpu.memory_space<vmem>> -> memref<125x16xf32, #tpu.memory_space<vmem>>
      %dma_wait3A_169 = arith.constant 0 : i32
      %dma_wait3A_170 = tpu.memref_slice %arg11[%add3A_12, %dma_wait3A_169] : memref<10000x16xf32, #tpu.memory_space<vmem_shared>> -> memref<125x16xf32, #tpu.memory_space<vmem_shared>>
      %dma_wait3A_171 = arith.constant 0 : i32
      %dma_wait3A_172 = tpu.memref_slice %arg11[%add3A_12, %dma_wait3A_171] : memref<10000x16xf32, #tpu.memory_space<vmem_shared>> -> memref<125x16xf32, #tpu.memory_space<vmem_shared>>
      %dma_wait3A_173 = arith.constant 0 : i32
      %dma_wait3A_174 = arith.constant 0 : i32
      %dma_wait3A_175 = tpu.memref_slice %arg12[%dma_wait3A_173, %dma_wait3A_174] : memref<250x16xf32, #tpu.memory_space<vmem>> -> memref<125x16xf32, #tpu.memory_space<vmem>>
      tpu.wait_dma2 semaphore(%run_scoped3A : memref<!tpu.dma_semaphore, #tpu.memory_space<semaphore_mem>>) src(%dma_wait3A_175 : memref<125x16xf32, #tpu.memory_space<vmem>>) dst(%dma_wait3A_172 : memref<125x16xf32, #tpu.memory_space<vmem_shared>>)
      tpu.yield
    }) : () -> ()
    %add3A_13 = arith.constant 375 : i32
    %add3A_14 = arith.addi %mul3A_0, %add3A_13 : i32
    "tpu.region"() ({
      %run_scoped3A = tpu.sem_alloc : memref<!tpu.dma_semaphore, #tpu.memory_space<semaphore_mem>>
      %dma_start3A_156 = arith.constant 0 : i32
      %dma_start3A_157 = arith.constant 0 : i32
      %dma_start3A_158 = tpu.memref_slice %arg12[%dma_start3A_156, %dma_start3A_157] : memref<250x16xf32, #tpu.memory_space<vmem>> -> memref<125x16xf32, #tpu.memory_space<vmem>>
      %dma_start3A_159 = arith.constant 0 : i32
      %dma_start3A_160 = tpu.memref_slice %arg11[%add3A_14, %dma_start3A_159] : memref<10000x16xf32, #tpu.memory_space<vmem_shared>> -> memref<125x16xf32, #tpu.memory_space<vmem_shared>>
      %dma_start3A_161 = arith.constant 0 : i32
      %dma_start3A_162 = tpu.memref_slice %arg11[%add3A_14, %dma_start3A_161] : memref<10000x16xf32, #tpu.memory_space<vmem_shared>> -> memref<125x16xf32, #tpu.memory_space<vmem_shared>>
      %dma_start3A_163 = arith.constant 0 : i32
      %dma_start3A_164 = arith.constant 0 : i32
      %dma_start3A_165 = tpu.memref_slice %arg12[%dma_start3A_163, %dma_start3A_164] : memref<250x16xf32, #tpu.memory_space<vmem>> -> memref<125x16xf32, #tpu.memory_space<vmem>>
      tpu.enqueue_dma source(%dma_start3A_165 : memref<125x16xf32, #tpu.memory_space<vmem>>) target(%dma_start3A_162 : memref<125x16xf32, #tpu.memory_space<vmem_shared>>) target_semaphore(%run_scoped3A : memref<!tpu.dma_semaphore, #tpu.memory_space<semaphore_mem>>)
      %dma_wait3A_166 = arith.constant 0 : i32
      %dma_wait3A_167 = arith.constant 0 : i32
      %dma_wait3A_168 = tpu.memref_slice %arg12[%dma_wait3A_166, %dma_wait3A_167] : memref<250x16xf32, #tpu.memory_space<vmem>> -> memref<125x16xf32, #tpu.memory_space<vmem>>
      %dma_wait3A_169 = arith.constant 0 : i32
      %dma_wait3A_170 = tpu.memref_slice %arg11[%add3A_14, %dma_wait3A_169] : memref<10000x16xf32, #tpu.memory_space<vmem_shared>> -> memref<125x16xf32, #tpu.memory_space<vmem_shared>>
      %dma_wait3A_171 = arith.constant 0 : i32
      %dma_wait3A_172 = tpu.memref_slice %arg11[%add3A_14, %dma_wait3A_171] : memref<10000x16xf32, #tpu.memory_space<vmem_shared>> -> memref<125x16xf32, #tpu.memory_space<vmem_shared>>
      %dma_wait3A_173 = arith.constant 0 : i32
      %dma_wait3A_174 = arith.constant 0 : i32
      %dma_wait3A_175 = tpu.memref_slice %arg12[%dma_wait3A_173, %dma_wait3A_174] : memref<250x16xf32, #tpu.memory_space<vmem>> -> memref<125x16xf32, #tpu.memory_space<vmem>>
      tpu.wait_dma2 semaphore(%run_scoped3A : memref<!tpu.dma_semaphore, #tpu.memory_space<semaphore_mem>>) src(%dma_wait3A_175 : memref<125x16xf32, #tpu.memory_space<vmem>>) dst(%dma_wait3A_172 : memref<125x16xf32, #tpu.memory_space<vmem_shared>>)
      tpu.yield
    }) : () -> ()
    %add3A_15 = arith.constant 500 : i32
    %add3A_16 = arith.addi %mul3A_0, %add3A_15 : i32
    "tpu.region"() ({
      %run_scoped3A = tpu.sem_alloc : memref<!tpu.dma_semaphore, #tpu.memory_space<semaphore_mem>>
      %dma_start3A_156 = arith.constant 0 : i32
      %dma_start3A_157 = arith.constant 0 : i32
      %dma_start3A_158 = tpu.memref_slice %arg12[%dma_start3A_156, %dma_start3A_157] : memref<250x16xf32, #tpu.memory_space<vmem>> -> memref<125x16xf32, #tpu.memory_space<vmem>>
      %dma_start3A_159 = arith.constant 0 : i32
      %dma_start3A_160 = tpu.memref_slice %arg11[%add3A_16, %dma_start3A_159] : memref<10000x16xf32, #tpu.memory_space<vmem_shared>> -> memref<125x16xf32, #tpu.memory_space<vmem_shared>>
      %dma_start3A_161 = arith.constant 0 : i32
      %dma_start3A_162 = tpu.memref_slice %arg11[%add3A_16, %dma_start3A_161] : memref<10000x16xf32, #tpu.memory_space<vmem_shared>> -> memref<125x16xf32, #tpu.memory_space<vmem_shared>>
      %dma_start3A_163 = arith.constant 0 : i32
      %dma_start3A_164 = arith.constant 0 : i32
      %dma_start3A_165 = tpu.memref_slice %arg12[%dma_start3A_163, %dma_start3A_164] : memref<250x16xf32, #tpu.memory_space<vmem>> -> memref<125x16xf32, #tpu.memory_space<vmem>>
      tpu.enqueue_dma source(%dma_start3A_165 : memref<125x16xf32, #tpu.memory_space<vmem>>) target(%dma_start3A_162 : memref<125x16xf32, #tpu.memory_space<vmem_shared>>) target_semaphore(%run_scoped3A : memref<!tpu.dma_semaphore, #tpu.memory_space<semaphore_mem>>)
      %dma_wait3A_166 = arith.constant 0 : i32
      %dma_wait3A_167 = arith.constant 0 : i32
      %dma_wait3A_168 = tpu.memref_slice %arg12[%dma_wait3A_166, %dma_wait3A_167] : memref<250x16xf32, #tpu.memory_space<vmem>> -> memref<125x16xf32, #tpu.memory_space<vmem>>
      %dma_wait3A_169 = arith.constant 0 : i32
      %dma_wait3A_170 = tpu.memref_slice %arg11[%add3A_16, %dma_wait3A_169] : memref<10000x16xf32, #tpu.memory_space<vmem_shared>> -> memref<125x16xf32, #tpu.memory_space<vmem_shared>>
      %dma_wait3A_171 = arith.constant 0 : i32
      %dma_wait3A_172 = tpu.memref_slice %arg11[%add3A_16, %dma_wait3A_171] : memref<10000x16xf32, #tpu.memory_space<vmem_shared>> -> memref<125x16xf32, #tpu.memory_space<vmem_shared>>
      %dma_wait3A_173 = arith.constant 0 : i32
      %dma_wait3A_174 = arith.constant 0 : i32
      %dma_wait3A_175 = tpu.memref_slice %arg12[%dma_wait3A_173, %dma_wait3A_174] : memref<250x16xf32, #tpu.memory_space<vmem>> -> memref<125x16xf32, #tpu.memory_space<vmem>>
      tpu.wait_dma2 semaphore(%run_scoped3A : memref<!tpu.dma_semaphore, #tpu.memory_space<semaphore_mem>>) src(%dma_wait3A_175 : memref<125x16xf32, #tpu.memory_space<vmem>>) dst(%dma_wait3A_172 : memref<125x16xf32, #tpu.memory_space<vmem_shared>>)
      tpu.yield
    }) : () -> ()
    %barrier3A = arith.constant 0 : index
    tpu.barrier barrier_id(%barrier3A)
    %mul3A_17 = arith.constant 80 : i32
    %mul3A_18 = arith.muli %arg1, %mul3A_17 : i32
    "tpu.region"() ({
      %run_scoped3A = tpu.sem_alloc : memref<!tpu.dma_semaphore, #tpu.memory_space<semaphore_mem>>
      %dma_start3A_156 = arith.constant 0 : i32
      %dma_start3A_157 = tpu.memref_slice %arg3[%arg0, %mul3A_18, %dma_start3A_156] : memref<2x1280x250xi32, #tpu.memory_space<hbm>> -> memref<1x80x250xi32, #tpu.memory_space<hbm>>
      %dma_start3A_158 = tpu.memref_squeeze %dma_start3A_157 : memref<1x80x250xi32, #tpu.memory_space<hbm>> -> memref<80x250xi32, #tpu.memory_space<hbm>>
      %dma_start3A_159 = arith.constant 0 : i32
      %dma_start3A_160 = tpu.memref_slice %arg3[%arg0, %mul3A_18, %dma_start3A_159] : memref<2x1280x250xi32, #tpu.memory_space<hbm>> -> memref<1x80x250xi32, #tpu.memory_space<hbm>>
      %dma_start3A_161 = tpu.memref_squeeze %dma_start3A_160 : memref<1x80x250xi32, #tpu.memory_space<hbm>> -> memref<80x250xi32, #tpu.memory_space<hbm>>
      tpu.enqueue_dma source(%dma_start3A_161 : memref<80x250xi32, #tpu.memory_space<hbm>>) target(%arg9 : memref<80x250xi32, #tpu.memory_space<vmem>>) target_semaphore(%run_scoped3A : memref<!tpu.dma_semaphore, #tpu.memory_space<semaphore_mem>>)
      %dma_wait3A_162 = arith.constant 0 : i32
      %dma_wait3A_163 = tpu.memref_slice %arg3[%arg0, %mul3A_18, %dma_wait3A_162] : memref<2x1280x250xi32, #tpu.memory_space<hbm>> -> memref<1x80x250xi32, #tpu.memory_space<hbm>>
      %dma_wait3A_164 = tpu.memref_squeeze %dma_wait3A_163 : memref<1x80x250xi32, #tpu.memory_space<hbm>> -> memref<80x250xi32, #tpu.memory_space<hbm>>
      %dma_wait3A_165 = arith.constant 0 : i32
      %dma_wait3A_166 = tpu.memref_slice %arg3[%arg0, %mul3A_18, %dma_wait3A_165] : memref<2x1280x250xi32, #tpu.memory_space<hbm>> -> memref<1x80x250xi32, #tpu.memory_space<hbm>>
      %dma_wait3A_167 = tpu.memref_squeeze %dma_wait3A_166 : memref<1x80x250xi32, #tpu.memory_space<hbm>> -> memref<80x250xi32, #tpu.memory_space<hbm>>
      tpu.wait_dma2 semaphore(%run_scoped3A : memref<!tpu.dma_semaphore, #tpu.memory_space<semaphore_mem>>) src(%dma_wait3A_167 : memref<80x250xi32, #tpu.memory_space<hbm>>) dst(%arg9 : memref<80x250xi32, #tpu.memory_space<vmem>>)
      tpu.yield
    }) : () -> ()
    "tpu.region"() ({
      %run_scoped3A = tpu.sem_alloc : memref<!tpu.dma_semaphore, #tpu.memory_space<semaphore_mem>>
      %dma_start3A_156 = arith.constant 0 : i32
      %dma_start3A_157 = tpu.memref_slice %arg4[%arg0, %mul3A_18, %dma_start3A_156] : memref<2x1280x250xi32, #tpu.memory_space<hbm>> -> memref<1x80x250xi32, #tpu.memory_space<hbm>>
      %dma_start3A_158 = tpu.memref_squeeze %dma_start3A_157 : memref<1x80x250xi32, #tpu.memory_space<hbm>> -> memref<80x250xi32, #tpu.memory_space<hbm>>
      %dma_start3A_159 = arith.constant 0 : i32
      %dma_start3A_160 = tpu.memref_slice %arg4[%arg0, %mul3A_18, %dma_start3A_159] : memref<2x1280x250xi32, #tpu.memory_space<hbm>> -> memref<1x80x250xi32, #tpu.memory_space<hbm>>
      %dma_start3A_161 = tpu.memref_squeeze %dma_start3A_160 : memref<1x80x250xi32, #tpu.memory_space<hbm>> -> memref<80x250xi32, #tpu.memory_space<hbm>>
      tpu.enqueue_dma source(%dma_start3A_161 : memref<80x250xi32, #tpu.memory_space<hbm>>) target(%arg10 : memref<80x250xi32, #tpu.memory_space<vmem>>) target_semaphore(%run_scoped3A : memref<!tpu.dma_semaphore, #tpu.memory_space<semaphore_mem>>)
      %dma_wait3A_162 = arith.constant 0 : i32
      %dma_wait3A_163 = tpu.memref_slice %arg4[%arg0, %mul3A_18, %dma_wait3A_162] : memref<2x1280x250xi32, #tpu.memory_space<hbm>> -> memref<1x80x250xi32, #tpu.memory_space<hbm>>
      %dma_wait3A_164 = tpu.memref_squeeze %dma_wait3A_163 : memref<1x80x250xi32, #tpu.memory_space<hbm>> -> memref<80x250xi32, #tpu.memory_space<hbm>>
      %dma_wait3A_165 = arith.constant 0 : i32
      %dma_wait3A_166 = tpu.memref_slice %arg4[%arg0, %mul3A_18, %dma_wait3A_165] : memref<2x1280x250xi32, #tpu.memory_space<hbm>> -> memref<1x80x250xi32, #tpu.memory_space<hbm>>
      %dma_wait3A_167 = tpu.memref_squeeze %dma_wait3A_166 : memref<1x80x250xi32, #tpu.memory_space<hbm>> -> memref<80x250xi32, #tpu.memory_space<hbm>>
      tpu.wait_dma2 semaphore(%run_scoped3A : memref<!tpu.dma_semaphore, #tpu.memory_space<semaphore_mem>>) src(%dma_wait3A_167 : memref<80x250xi32, #tpu.memory_space<hbm>>) dst(%arg10 : memref<80x250xi32, #tpu.memory_space<vmem>>)
      tpu.yield
    }) : () -> ()
    "tpu.region"() ({
      %run_scoped3A = tpu.sem_alloc : memref<!tpu.dma_semaphore, #tpu.memory_space<semaphore_mem>>
      %dma_start3A_156 = arith.constant 0 : i32
      %dma_start3A_157 = tpu.memref_slice %arg7[%arg0, %dma_start3A_156] : memref<2x16xf32, #tpu.memory_space<hbm>> -> memref<1x16xf32, #tpu.memory_space<hbm>>
      %dma_start3A_158 = tpu.memref_squeeze %dma_start3A_157 : memref<1x16xf32, #tpu.memory_space<hbm>> -> memref<16xf32, #tpu.memory_space<hbm>>
      %dma_start3A_159 = arith.constant 0 : i32
      %dma_start3A_160 = tpu.memref_slice %arg7[%arg0, %dma_start3A_159] : memref<2x16xf32, #tpu.memory_space<hbm>> -> memref<1x16xf32, #tpu.memory_space<hbm>>
      %dma_start3A_161 = tpu.memref_squeeze %dma_start3A_160 : memref<1x16xf32, #tpu.memory_space<hbm>> -> memref<16xf32, #tpu.memory_space<hbm>>
      tpu.enqueue_dma source(%dma_start3A_161 : memref<16xf32, #tpu.memory_space<hbm>>) target(%arg38 : memref<16xf32, #tpu.memory_space<vmem>>) target_semaphore(%run_scoped3A : memref<!tpu.dma_semaphore, #tpu.memory_space<semaphore_mem>>)
      %dma_wait3A_162 = arith.constant 0 : i32
      %dma_wait3A_163 = tpu.memref_slice %arg7[%arg0, %dma_wait3A_162] : memref<2x16xf32, #tpu.memory_space<hbm>> -> memref<1x16xf32, #tpu.memory_space<hbm>>
      %dma_wait3A_164 = tpu.memref_squeeze %dma_wait3A_163 : memref<1x16xf32, #tpu.memory_space<hbm>> -> memref<16xf32, #tpu.memory_space<hbm>>
      %dma_wait3A_165 = arith.constant 0 : i32
      %dma_wait3A_166 = tpu.memref_slice %arg7[%arg0, %dma_wait3A_165] : memref<2x16xf32, #tpu.memory_space<hbm>> -> memref<1x16xf32, #tpu.memory_space<hbm>>
      %dma_wait3A_167 = tpu.memref_squeeze %dma_wait3A_166 : memref<1x16xf32, #tpu.memory_space<hbm>> -> memref<16xf32, #tpu.memory_space<hbm>>
      tpu.wait_dma2 semaphore(%run_scoped3A : memref<!tpu.dma_semaphore, #tpu.memory_space<semaphore_mem>>) src(%dma_wait3A_167 : memref<16xf32, #tpu.memory_space<hbm>>) dst(%arg38 : memref<16xf32, #tpu.memory_space<vmem>>)
      tpu.yield
    }) : () -> ()
    %dma_start3A = arith.constant 0 : i32
    %dma_start3A_19 = arith.constant 0 : i32
    %dma_start3A_20 = tpu.memref_slice %arg9[%dma_start3A, %dma_start3A_19] : memref<80x250xi32, #tpu.memory_space<vmem>> -> memref<1x250xi32, #tpu.memory_space<vmem>>
    %dma_start3A_21 = tpu.memref_squeeze %dma_start3A_20 : memref<1x250xi32, #tpu.memory_space<vmem>> -> memref<250xi32, #tpu.memory_space<vmem>>
    %dma_start3A_22 = arith.constant 0 : i32
    %dma_start3A_23 = arith.constant 0 : i32
    %dma_start3A_24 = tpu.memref_slice %arg2[%dma_start3A_22, %dma_start3A_23] : memref<20000x16xf32, #tpu.memory_space<hbm>> -> memref<20000x16xf32, #tpu.memory_space<hbm>>
    tpu.enqueue_indirect_dma source(%dma_start3A_24 : memref<20000x16xf32, #tpu.memory_space<hbm>>) target(%arg12 : memref<250x16xf32, #tpu.memory_space<vmem>>) offsets(%dma_start3A_21 : memref<250xi32, #tpu.memory_space<vmem>>) semaphore(%arg20 : memref<!tpu.dma_semaphore, #tpu.memory_space<semaphore_mem>>)
    %dma_start3A_25 = arith.constant 1 : i32
    %dma_start3A_26 = arith.constant 0 : i32
    %dma_start3A_27 = tpu.memref_slice %arg9[%dma_start3A_25, %dma_start3A_26] : memref<80x250xi32, #tpu.memory_space<vmem>> -> memref<1x250xi32, #tpu.memory_space<vmem>>
    %dma_start3A_28 = tpu.memref_squeeze %dma_start3A_27 : memref<1x250xi32, #tpu.memory_space<vmem>> -> memref<250xi32, #tpu.memory_space<vmem>>
    %dma_start3A_29 = arith.constant 0 : i32
    %dma_start3A_30 = arith.constant 0 : i32
    %dma_start3A_31 = tpu.memref_slice %arg2[%dma_start3A_29, %dma_start3A_30] : memref<20000x16xf32, #tpu.memory_space<hbm>> -> memref<20000x16xf32, #tpu.memory_space<hbm>>
    tpu.enqueue_indirect_dma source(%dma_start3A_31 : memref<20000x16xf32, #tpu.memory_space<hbm>>) target(%arg13 : memref<250x16xf32, #tpu.memory_space<vmem>>) offsets(%dma_start3A_28 : memref<250xi32, #tpu.memory_space<vmem>>) semaphore(%arg21 : memref<!tpu.dma_semaphore, #tpu.memory_space<semaphore_mem>>)
    %dma_start3A_32 = arith.constant 2 : i32
    %dma_start3A_33 = arith.constant 0 : i32
    %dma_start3A_34 = tpu.memref_slice %arg9[%dma_start3A_32, %dma_start3A_33] : memref<80x250xi32, #tpu.memory_space<vmem>> -> memref<1x250xi32, #tpu.memory_space<vmem>>
    %dma_start3A_35 = tpu.memref_squeeze %dma_start3A_34 : memref<1x250xi32, #tpu.memory_space<vmem>> -> memref<250xi32, #tpu.memory_space<vmem>>
    %dma_start3A_36 = arith.constant 0 : i32
    %dma_start3A_37 = arith.constant 0 : i32
    %dma_start3A_38 = tpu.memref_slice %arg2[%dma_start3A_36, %dma_start3A_37] : memref<20000x16xf32, #tpu.memory_space<hbm>> -> memref<20000x16xf32, #tpu.memory_space<hbm>>
    tpu.enqueue_indirect_dma source(%dma_start3A_38 : memref<20000x16xf32, #tpu.memory_space<hbm>>) target(%arg14 : memref<250x16xf32, #tpu.memory_space<vmem>>) offsets(%dma_start3A_35 : memref<250xi32, #tpu.memory_space<vmem>>) semaphore(%arg22 : memref<!tpu.dma_semaphore, #tpu.memory_space<semaphore_mem>>)
    %dma_start3A_39 = arith.constant 3 : i32
    %dma_start3A_40 = arith.constant 0 : i32
    %dma_start3A_41 = tpu.memref_slice %arg9[%dma_start3A_39, %dma_start3A_40] : memref<80x250xi32, #tpu.memory_space<vmem>> -> memref<1x250xi32, #tpu.memory_space<vmem>>
    %dma_start3A_42 = tpu.memref_squeeze %dma_start3A_41 : memref<1x250xi32, #tpu.memory_space<vmem>> -> memref<250xi32, #tpu.memory_space<vmem>>
    %dma_start3A_43 = arith.constant 0 : i32
    %dma_start3A_44 = arith.constant 0 : i32
    %dma_start3A_45 = tpu.memref_slice %arg2[%dma_start3A_43, %dma_start3A_44] : memref<20000x16xf32, #tpu.memory_space<hbm>> -> memref<20000x16xf32, #tpu.memory_space<hbm>>
    tpu.enqueue_indirect_dma source(%dma_start3A_45 : memref<20000x16xf32, #tpu.memory_space<hbm>>) target(%arg15 : memref<250x16xf32, #tpu.memory_space<vmem>>) offsets(%dma_start3A_42 : memref<250xi32, #tpu.memory_space<vmem>>) semaphore(%arg23 : memref<!tpu.dma_semaphore, #tpu.memory_space<semaphore_mem>>)
    %scan3A_46 = arith.constant 0 : i32
    %scan3A_47 = arith.constant 0 : i32
    %scan3A_48 = arith.constant 10 : i32
    %scan3A_49 = arith.addi %scan3A_47, %scan3A_48 : i32
    %scan3A_50 = arith.constant 1 : i32
    %scan3A_51 = scf.for %scan3A_156 = %scan3A_47 to %scan3A_49 step %scan3A_50 iter_args(%scan3A_157 = %scan3A_46) -> (i32)  : i32 {
      %mul3A_158 = arith.constant 8 : i32
      %mul3A_159 = arith.muli %mul3A_158, %scan3A_156 : i32
      %add3A_160 = arith.constant 0 : i32
      %add3A_161 = arith.addi %mul3A_159, %add3A_160 : i32
      %dma_wait3A_162 = arith.constant 0 : i32
      %dma_wait3A_163 = tpu.memref_slice %arg9[%add3A_161, %dma_wait3A_162] : memref<80x250xi32, #tpu.memory_space<vmem>> -> memref<1x250xi32, #tpu.memory_space<vmem>>
      %dma_wait3A_164 = tpu.memref_squeeze %dma_wait3A_163 : memref<1x250xi32, #tpu.memory_space<vmem>> -> memref<250xi32, #tpu.memory_space<vmem>>
      %dma_wait3A_165 = arith.constant 0 : i32
      %dma_wait3A_166 = arith.constant 0 : i32
      %dma_wait3A_167 = tpu.memref_slice %arg2[%dma_wait3A_165, %dma_wait3A_166] : memref<20000x16xf32, #tpu.memory_space<hbm>> -> memref<20000x16xf32, #tpu.memory_space<hbm>>
      tpu.wait_indirect_dma semaphore(%arg20 : memref<!tpu.dma_semaphore, #tpu.memory_space<semaphore_mem>>) src(%dma_wait3A_167 : memref<20000x16xf32, #tpu.memory_space<hbm>>) dst(%arg12 : memref<250x16xf32, #tpu.memory_space<vmem>>)
      %dma_start3A_168 = arith.constant 0 : i32
      %dma_start3A_169 = tpu.memref_slice %arg10[%add3A_161, %dma_start3A_168] : memref<80x250xi32, #tpu.memory_space<vmem>> -> memref<1x250xi32, #tpu.memory_space<vmem>>
      %dma_start3A_170 = tpu.memref_squeeze %dma_start3A_169 : memref<1x250xi32, #tpu.memory_space<vmem>> -> memref<250xi32, #tpu.memory_space<vmem>>
      %dma_start3A_171 = arith.constant 0 : i32
      %dma_start3A_172 = arith.constant 0 : i32
      %dma_start3A_173 = tpu.memref_slice %arg11[%dma_start3A_171, %dma_start3A_172] : memref<10000x16xf32, #tpu.memory_space<vmem_shared>> -> memref<10000x16xf32, #tpu.memory_space<vmem_shared>>
      tpu.enqueue_indirect_dma source(%arg12 : memref<250x16xf32, #tpu.memory_space<vmem>>) target(%dma_start3A_173 : memref<10000x16xf32, #tpu.memory_space<vmem_shared>>) offsets(%dma_start3A_170 : memref<250xi32, #tpu.memory_space<vmem>>) semaphore(%arg28 : memref<!tpu.dma_semaphore, #tpu.memory_space<semaphore_mem>>) {add = true}
      %add3A_174 = arith.constant 4 : i32
      %add3A_175 = arith.addi %add3A_161, %add3A_174 : i32
      %lt3A = arith.constant 80 : i32
      %lt3A_176 = arith.cmpi slt, %add3A_175, %lt3A : i32
      %convert_element_type3A = arith.extui %lt3A_176 : i1 to i32
      %cond3A = arith.constant 0 : i32
      %cond3A_177 = arith.cmpi ne, %convert_element_type3A, %cond3A : i32
      scf.if %cond3A_177 {
        %ge3A = arith.constant 4 : i32
        %ge3A_340 = arith.cmpi sge, %add3A_161, %ge3A : i32
        %convert_element_type3A_341 = arith.extui %ge3A_340 : i1 to i32
        %cond3A_342 = arith.constant 0 : i32
        %cond3A_343 = arith.cmpi ne, %convert_element_type3A_341, %cond3A_342 : i32
        scf.if %cond3A_343 {
          %sub3A = arith.constant 4 : i32
          %sub3A_352 = arith.subi %add3A_161, %sub3A : i32
          %dma_wait3A_353 = arith.constant 0 : i32
          %dma_wait3A_354 = tpu.memref_slice %arg10[%sub3A_352, %dma_wait3A_353] : memref<80x250xi32, #tpu.memory_space<vmem>> -> memref<1x250xi32, #tpu.memory_space<vmem>>
          %dma_wait3A_355 = tpu.memref_squeeze %dma_wait3A_354 : memref<1x250xi32, #tpu.memory_space<vmem>> -> memref<250xi32, #tpu.memory_space<vmem>>
          %dma_wait3A_356 = arith.constant 0 : i32
          %dma_wait3A_357 = arith.constant 0 : i32
          %dma_wait3A_358 = tpu.memref_slice %arg11[%dma_wait3A_356, %dma_wait3A_357] : memref<10000x16xf32, #tpu.memory_space<vmem_shared>> -> memref<10000x16xf32, #tpu.memory_space<vmem_shared>>
          tpu.wait_indirect_dma semaphore(%arg32 : memref<!tpu.dma_semaphore, #tpu.memory_space<semaphore_mem>>) src(%arg16 : memref<250x16xf32, #tpu.memory_space<vmem>>) dst(%dma_wait3A_358 : memref<10000x16xf32, #tpu.memory_space<vmem_shared>>)
        } else {
        }
        %add3A_344 = arith.constant 4 : i32
        %add3A_345 = arith.addi %add3A_161, %add3A_344 : i32
        %dma_start3A_346 = arith.constant 0 : i32
        %dma_start3A_347 = tpu.memref_slice %arg9[%add3A_345, %dma_start3A_346] : memref<80x250xi32, #tpu.memory_space<vmem>> -> memref<1x250xi32, #tpu.memory_space<vmem>>
        %dma_start3A_348 = tpu.memref_squeeze %dma_start3A_347 : memref<1x250xi32, #tpu.memory_space<vmem>> -> memref<250xi32, #tpu.memory_space<vmem>>
        %dma_start3A_349 = arith.constant 0 : i32
        %dma_start3A_350 = arith.constant 0 : i32
        %dma_start3A_351 = tpu.memref_slice %arg2[%dma_start3A_349, %dma_start3A_350] : memref<20000x16xf32, #tpu.memory_space<hbm>> -> memref<20000x16xf32, #tpu.memory_space<hbm>>
        tpu.enqueue_indirect_dma source(%dma_start3A_351 : memref<20000x16xf32, #tpu.memory_space<hbm>>) target(%arg16 : memref<250x16xf32, #tpu.memory_space<vmem>>) offsets(%dma_start3A_348 : memref<250xi32, #tpu.memory_space<vmem>>) semaphore(%arg24 : memref<!tpu.dma_semaphore, #tpu.memory_space<semaphore_mem>>)
      } else {
      }
      %mul3A_178 = arith.constant 8 : i32
      %mul3A_179 = arith.muli %mul3A_178, %scan3A_156 : i32
      %add3A_180 = arith.constant 1 : i32
      %add3A_181 = arith.addi %mul3A_179, %add3A_180 : i32
      %dma_wait3A_182 = arith.constant 0 : i32
      %dma_wait3A_183 = tpu.memref_slice %arg9[%add3A_181, %dma_wait3A_182] : memref<80x250xi32, #tpu.memory_space<vmem>> -> memref<1x250xi32, #tpu.memory_space<vmem>>
      %dma_wait3A_184 = tpu.memref_squeeze %dma_wait3A_183 : memref<1x250xi32, #tpu.memory_space<vmem>> -> memref<250xi32, #tpu.memory_space<vmem>>
      %dma_wait3A_185 = arith.constant 0 : i32
      %dma_wait3A_186 = arith.constant 0 : i32
      %dma_wait3A_187 = tpu.memref_slice %arg2[%dma_wait3A_185, %dma_wait3A_186] : memref<20000x16xf32, #tpu.memory_space<hbm>> -> memref<20000x16xf32, #tpu.memory_space<hbm>>
      tpu.wait_indirect_dma semaphore(%arg21 : memref<!tpu.dma_semaphore, #tpu.memory_space<semaphore_mem>>) src(%dma_wait3A_187 : memref<20000x16xf32, #tpu.memory_space<hbm>>) dst(%arg13 : memref<250x16xf32, #tpu.memory_space<vmem>>)
      %dma_start3A_188 = arith.constant 0 : i32
      %dma_start3A_189 = tpu.memref_slice %arg10[%add3A_181, %dma_start3A_188] : memref<80x250xi32, #tpu.memory_space<vmem>> -> memref<1x250xi32, #tpu.memory_space<vmem>>
      %dma_start3A_190 = tpu.memref_squeeze %dma_start3A_189 : memref<1x250xi32, #tpu.memory_space<vmem>> -> memref<250xi32, #tpu.memory_space<vmem>>
      %dma_start3A_191 = arith.constant 0 : i32
      %dma_start3A_192 = arith.constant 0 : i32
      %dma_start3A_193 = tpu.memref_slice %arg11[%dma_start3A_191, %dma_start3A_192] : memref<10000x16xf32, #tpu.memory_space<vmem_shared>> -> memref<10000x16xf32, #tpu.memory_space<vmem_shared>>
      tpu.enqueue_indirect_dma source(%arg13 : memref<250x16xf32, #tpu.memory_space<vmem>>) target(%dma_start3A_193 : memref<10000x16xf32, #tpu.memory_space<vmem_shared>>) offsets(%dma_start3A_190 : memref<250xi32, #tpu.memory_space<vmem>>) semaphore(%arg29 : memref<!tpu.dma_semaphore, #tpu.memory_space<semaphore_mem>>) {add = true}
      %add3A_194 = arith.constant 4 : i32
      %add3A_195 = arith.addi %add3A_181, %add3A_194 : i32
      %lt3A_196 = arith.constant 80 : i32
      %lt3A_197 = arith.cmpi slt, %add3A_195, %lt3A_196 : i32
      %convert_element_type3A_198 = arith.extui %lt3A_197 : i1 to i32
      %cond3A_199 = arith.constant 0 : i32
      %cond3A_200 = arith.cmpi ne, %convert_element_type3A_198, %cond3A_199 : i32
      scf.if %cond3A_200 {
        %ge3A = arith.constant 4 : i32
        %ge3A_340 = arith.cmpi sge, %add3A_181, %ge3A : i32
        %convert_element_type3A_341 = arith.extui %ge3A_340 : i1 to i32
        %cond3A_342 = arith.constant 0 : i32
        %cond3A_343 = arith.cmpi ne, %convert_element_type3A_341, %cond3A_342 : i32
        scf.if %cond3A_343 {
          %sub3A = arith.constant 4 : i32
          %sub3A_352 = arith.subi %add3A_181, %sub3A : i32
          %dma_wait3A_353 = arith.constant 0 : i32
          %dma_wait3A_354 = tpu.memref_slice %arg10[%sub3A_352, %dma_wait3A_353] : memref<80x250xi32, #tpu.memory_space<vmem>> -> memref<1x250xi32, #tpu.memory_space<vmem>>
          %dma_wait3A_355 = tpu.memref_squeeze %dma_wait3A_354 : memref<1x250xi32, #tpu.memory_space<vmem>> -> memref<250xi32, #tpu.memory_space<vmem>>
          %dma_wait3A_356 = arith.constant 0 : i32
          %dma_wait3A_357 = arith.constant 0 : i32
          %dma_wait3A_358 = tpu.memref_slice %arg11[%dma_wait3A_356, %dma_wait3A_357] : memref<10000x16xf32, #tpu.memory_space<vmem_shared>> -> memref<10000x16xf32, #tpu.memory_space<vmem_shared>>
          tpu.wait_indirect_dma semaphore(%arg33 : memref<!tpu.dma_semaphore, #tpu.memory_space<semaphore_mem>>) src(%arg17 : memref<250x16xf32, #tpu.memory_space<vmem>>) dst(%dma_wait3A_358 : memref<10000x16xf32, #tpu.memory_space<vmem_shared>>)
        } else {
        }
        %add3A_344 = arith.constant 4 : i32
        %add3A_345 = arith.addi %add3A_181, %add3A_344 : i32
        %dma_start3A_346 = arith.constant 0 : i32
        %dma_start3A_347 = tpu.memref_slice %arg9[%add3A_345, %dma_start3A_346] : memref<80x250xi32, #tpu.memory_space<vmem>> -> memref<1x250xi32, #tpu.memory_space<vmem>>
        %dma_start3A_348 = tpu.memref_squeeze %dma_start3A_347 : memref<1x250xi32, #tpu.memory_space<vmem>> -> memref<250xi32, #tpu.memory_space<vmem>>
        %dma_start3A_349 = arith.constant 0 : i32
        %dma_start3A_350 = arith.constant 0 : i32
        %dma_start3A_351 = tpu.memref_slice %arg2[%dma_start3A_349, %dma_start3A_350] : memref<20000x16xf32, #tpu.memory_space<hbm>> -> memref<20000x16xf32, #tpu.memory_space<hbm>>
        tpu.enqueue_indirect_dma source(%dma_start3A_351 : memref<20000x16xf32, #tpu.memory_space<hbm>>) target(%arg17 : memref<250x16xf32, #tpu.memory_space<vmem>>) offsets(%dma_start3A_348 : memref<250xi32, #tpu.memory_space<vmem>>) semaphore(%arg25 : memref<!tpu.dma_semaphore, #tpu.memory_space<semaphore_mem>>)
      } else {
      }
      %mul3A_201 = arith.constant 8 : i32
      %mul3A_202 = arith.muli %mul3A_201, %scan3A_156 : i32
      %add3A_203 = arith.constant 2 : i32
      %add3A_204 = arith.addi %mul3A_202, %add3A_203 : i32
      %dma_wait3A_205 = arith.constant 0 : i32
      %dma_wait3A_206 = tpu.memref_slice %arg9[%add3A_204, %dma_wait3A_205] : memref<80x250xi32, #tpu.memory_space<vmem>> -> memref<1x250xi32, #tpu.memory_space<vmem>>
      %dma_wait3A_207 = tpu.memref_squeeze %dma_wait3A_206 : memref<1x250xi32, #tpu.memory_space<vmem>> -> memref<250xi32, #tpu.memory_space<vmem>>
      %dma_wait3A_208 = arith.constant 0 : i32
      %dma_wait3A_209 = arith.constant 0 : i32
      %dma_wait3A_210 = tpu.memref_slice %arg2[%dma_wait3A_208, %dma_wait3A_209] : memref<20000x16xf32, #tpu.memory_space<hbm>> -> memref<20000x16xf32, #tpu.memory_space<hbm>>
      tpu.wait_indirect_dma semaphore(%arg22 : memref<!tpu.dma_semaphore, #tpu.memory_space<semaphore_mem>>) src(%dma_wait3A_210 : memref<20000x16xf32, #tpu.memory_space<hbm>>) dst(%arg14 : memref<250x16xf32, #tpu.memory_space<vmem>>)
      %dma_start3A_211 = arith.constant 0 : i32
      %dma_start3A_212 = tpu.memref_slice %arg10[%add3A_204, %dma_start3A_211] : memref<80x250xi32, #tpu.memory_space<vmem>> -> memref<1x250xi32, #tpu.memory_space<vmem>>
      %dma_start3A_213 = tpu.memref_squeeze %dma_start3A_212 : memref<1x250xi32, #tpu.memory_space<vmem>> -> memref<250xi32, #tpu.memory_space<vmem>>
      %dma_start3A_214 = arith.constant 0 : i32
      %dma_start3A_215 = arith.constant 0 : i32
      %dma_start3A_216 = tpu.memref_slice %arg11[%dma_start3A_214, %dma_start3A_215] : memref<10000x16xf32, #tpu.memory_space<vmem_shared>> -> memref<10000x16xf32, #tpu.memory_space<vmem_shared>>
      tpu.enqueue_indirect_dma source(%arg14 : memref<250x16xf32, #tpu.memory_space<vmem>>) target(%dma_start3A_216 : memref<10000x16xf32, #tpu.memory_space<vmem_shared>>) offsets(%dma_start3A_213 : memref<250xi32, #tpu.memory_space<vmem>>) semaphore(%arg30 : memref<!tpu.dma_semaphore, #tpu.memory_space<semaphore_mem>>) {add = true}
      %add3A_217 = arith.constant 4 : i32
      %add3A_218 = arith.addi %add3A_204, %add3A_217 : i32
      %lt3A_219 = arith.constant 80 : i32
      %lt3A_220 = arith.cmpi slt, %add3A_218, %lt3A_219 : i32
      %convert_element_type3A_221 = arith.extui %lt3A_220 : i1 to i32
      %cond3A_222 = arith.constant 0 : i32
      %cond3A_223 = arith.cmpi ne, %convert_element_type3A_221, %cond3A_222 : i32
      scf.if %cond3A_223 {
        %ge3A = arith.constant 4 : i32
        %ge3A_340 = arith.cmpi sge, %add3A_204, %ge3A : i32
        %convert_element_type3A_341 = arith.extui %ge3A_340 : i1 to i32
        %cond3A_342 = arith.constant 0 : i32
        %cond3A_343 = arith.cmpi ne, %convert_element_type3A_341, %cond3A_342 : i32
        scf.if %cond3A_343 {
          %sub3A = arith.constant 4 : i32
          %sub3A_352 = arith.subi %add3A_204, %sub3A : i32
          %dma_wait3A_353 = arith.constant 0 : i32
          %dma_wait3A_354 = tpu.memref_slice %arg10[%sub3A_352, %dma_wait3A_353] : memref<80x250xi32, #tpu.memory_space<vmem>> -> memref<1x250xi32, #tpu.memory_space<vmem>>
          %dma_wait3A_355 = tpu.memref_squeeze %dma_wait3A_354 : memref<1x250xi32, #tpu.memory_space<vmem>> -> memref<250xi32, #tpu.memory_space<vmem>>
          %dma_wait3A_356 = arith.constant 0 : i32
          %dma_wait3A_357 = arith.constant 0 : i32
          %dma_wait3A_358 = tpu.memref_slice %arg11[%dma_wait3A_356, %dma_wait3A_357] : memref<10000x16xf32, #tpu.memory_space<vmem_shared>> -> memref<10000x16xf32, #tpu.memory_space<vmem_shared>>
          tpu.wait_indirect_dma semaphore(%arg34 : memref<!tpu.dma_semaphore, #tpu.memory_space<semaphore_mem>>) src(%arg18 : memref<250x16xf32, #tpu.memory_space<vmem>>) dst(%dma_wait3A_358 : memref<10000x16xf32, #tpu.memory_space<vmem_shared>>)
        } else {
        }
        %add3A_344 = arith.constant 4 : i32
        %add3A_345 = arith.addi %add3A_204, %add3A_344 : i32
        %dma_start3A_346 = arith.constant 0 : i32
        %dma_start3A_347 = tpu.memref_slice %arg9[%add3A_345, %dma_start3A_346] : memref<80x250xi32, #tpu.memory_space<vmem>> -> memref<1x250xi32, #tpu.memory_space<vmem>>
        %dma_start3A_348 = tpu.memref_squeeze %dma_start3A_347 : memref<1x250xi32, #tpu.memory_space<vmem>> -> memref<250xi32, #tpu.memory_space<vmem>>
        %dma_start3A_349 = arith.constant 0 : i32
        %dma_start3A_350 = arith.constant 0 : i32
        %dma_start3A_351 = tpu.memref_slice %arg2[%dma_start3A_349, %dma_start3A_350] : memref<20000x16xf32, #tpu.memory_space<hbm>> -> memref<20000x16xf32, #tpu.memory_space<hbm>>
        tpu.enqueue_indirect_dma source(%dma_start3A_351 : memref<20000x16xf32, #tpu.memory_space<hbm>>) target(%arg18 : memref<250x16xf32, #tpu.memory_space<vmem>>) offsets(%dma_start3A_348 : memref<250xi32, #tpu.memory_space<vmem>>) semaphore(%arg26 : memref<!tpu.dma_semaphore, #tpu.memory_space<semaphore_mem>>)
      } else {
      }
      %mul3A_224 = arith.constant 8 : i32
      %mul3A_225 = arith.muli %mul3A_224, %scan3A_156 : i32
      %add3A_226 = arith.constant 3 : i32
      %add3A_227 = arith.addi %mul3A_225, %add3A_226 : i32
      %dma_wait3A_228 = arith.constant 0 : i32
      %dma_wait3A_229 = tpu.memref_slice %arg9[%add3A_227, %dma_wait3A_228] : memref<80x250xi32, #tpu.memory_space<vmem>> -> memref<1x250xi32, #tpu.memory_space<vmem>>
      %dma_wait3A_230 = tpu.memref_squeeze %dma_wait3A_229 : memref<1x250xi32, #tpu.memory_space<vmem>> -> memref<250xi32, #tpu.memory_space<vmem>>
      %dma_wait3A_231 = arith.constant 0 : i32
      %dma_wait3A_232 = arith.constant 0 : i32
      %dma_wait3A_233 = tpu.memref_slice %arg2[%dma_wait3A_231, %dma_wait3A_232] : memref<20000x16xf32, #tpu.memory_space<hbm>> -> memref<20000x16xf32, #tpu.memory_space<hbm>>
      tpu.wait_indirect_dma semaphore(%arg23 : memref<!tpu.dma_semaphore, #tpu.memory_space<semaphore_mem>>) src(%dma_wait3A_233 : memref<20000x16xf32, #tpu.memory_space<hbm>>) dst(%arg15 : memref<250x16xf32, #tpu.memory_space<vmem>>)
      %dma_start3A_234 = arith.constant 0 : i32
      %dma_start3A_235 = tpu.memref_slice %arg10[%add3A_227, %dma_start3A_234] : memref<80x250xi32, #tpu.memory_space<vmem>> -> memref<1x250xi32, #tpu.memory_space<vmem>>
      %dma_start3A_236 = tpu.memref_squeeze %dma_start3A_235 : memref<1x250xi32, #tpu.memory_space<vmem>> -> memref<250xi32, #tpu.memory_space<vmem>>
      %dma_start3A_237 = arith.constant 0 : i32
      %dma_start3A_238 = arith.constant 0 : i32
      %dma_start3A_239 = tpu.memref_slice %arg11[%dma_start3A_237, %dma_start3A_238] : memref<10000x16xf32, #tpu.memory_space<vmem_shared>> -> memref<10000x16xf32, #tpu.memory_space<vmem_shared>>
      tpu.enqueue_indirect_dma source(%arg15 : memref<250x16xf32, #tpu.memory_space<vmem>>) target(%dma_start3A_239 : memref<10000x16xf32, #tpu.memory_space<vmem_shared>>) offsets(%dma_start3A_236 : memref<250xi32, #tpu.memory_space<vmem>>) semaphore(%arg31 : memref<!tpu.dma_semaphore, #tpu.memory_space<semaphore_mem>>) {add = true}
      %add3A_240 = arith.constant 4 : i32
      %add3A_241 = arith.addi %add3A_227, %add3A_240 : i32
      %lt3A_242 = arith.constant 80 : i32
      %lt3A_243 = arith.cmpi slt, %add3A_241, %lt3A_242 : i32
      %convert_element_type3A_244 = arith.extui %lt3A_243 : i1 to i32
      %cond3A_245 = arith.constant 0 : i32
      %cond3A_246 = arith.cmpi ne, %convert_element_type3A_244, %cond3A_245 : i32
      scf.if %cond3A_246 {
        %ge3A = arith.constant 4 : i32
        %ge3A_340 = arith.cmpi sge, %add3A_227, %ge3A : i32
        %convert_element_type3A_341 = arith.extui %ge3A_340 : i1 to i32
        %cond3A_342 = arith.constant 0 : i32
        %cond3A_343 = arith.cmpi ne, %convert_element_type3A_341, %cond3A_342 : i32
        scf.if %cond3A_343 {
          %sub3A = arith.constant 4 : i32
          %sub3A_352 = arith.subi %add3A_227, %sub3A : i32
          %dma_wait3A_353 = arith.constant 0 : i32
          %dma_wait3A_354 = tpu.memref_slice %arg10[%sub3A_352, %dma_wait3A_353] : memref<80x250xi32, #tpu.memory_space<vmem>> -> memref<1x250xi32, #tpu.memory_space<vmem>>
          %dma_wait3A_355 = tpu.memref_squeeze %dma_wait3A_354 : memref<1x250xi32, #tpu.memory_space<vmem>> -> memref<250xi32, #tpu.memory_space<vmem>>
          %dma_wait3A_356 = arith.constant 0 : i32
          %dma_wait3A_357 = arith.constant 0 : i32
          %dma_wait3A_358 = tpu.memref_slice %arg11[%dma_wait3A_356, %dma_wait3A_357] : memref<10000x16xf32, #tpu.memory_space<vmem_shared>> -> memref<10000x16xf32, #tpu.memory_space<vmem_shared>>
          tpu.wait_indirect_dma semaphore(%arg35 : memref<!tpu.dma_semaphore, #tpu.memory_space<semaphore_mem>>) src(%arg19 : memref<250x16xf32, #tpu.memory_space<vmem>>) dst(%dma_wait3A_358 : memref<10000x16xf32, #tpu.memory_space<vmem_shared>>)
        } else {
        }
        %add3A_344 = arith.constant 4 : i32
        %add3A_345 = arith.addi %add3A_227, %add3A_344 : i32
        %dma_start3A_346 = arith.constant 0 : i32
        %dma_start3A_347 = tpu.memref_slice %arg9[%add3A_345, %dma_start3A_346] : memref<80x250xi32, #tpu.memory_space<vmem>> -> memref<1x250xi32, #tpu.memory_space<vmem>>
        %dma_start3A_348 = tpu.memref_squeeze %dma_start3A_347 : memref<1x250xi32, #tpu.memory_space<vmem>> -> memref<250xi32, #tpu.memory_space<vmem>>
        %dma_start3A_349 = arith.constant 0 : i32
        %dma_start3A_350 = arith.constant 0 : i32
        %dma_start3A_351 = tpu.memref_slice %arg2[%dma_start3A_349, %dma_start3A_350] : memref<20000x16xf32, #tpu.memory_space<hbm>> -> memref<20000x16xf32, #tpu.memory_space<hbm>>
        tpu.enqueue_indirect_dma source(%dma_start3A_351 : memref<20000x16xf32, #tpu.memory_space<hbm>>) target(%arg19 : memref<250x16xf32, #tpu.memory_space<vmem>>) offsets(%dma_start3A_348 : memref<250xi32, #tpu.memory_space<vmem>>) semaphore(%arg27 : memref<!tpu.dma_semaphore, #tpu.memory_space<semaphore_mem>>)
      } else {
      }
      %mul3A_247 = arith.constant 8 : i32
      %mul3A_248 = arith.muli %mul3A_247, %scan3A_156 : i32
      %add3A_249 = arith.constant 4 : i32
      %add3A_250 = arith.addi %mul3A_248, %add3A_249 : i32
      %dma_wait3A_251 = arith.constant 0 : i32
      %dma_wait3A_252 = tpu.memref_slice %arg9[%add3A_250, %dma_wait3A_251] : memref<80x250xi32, #tpu.memory_space<vmem>> -> memref<1x250xi32, #tpu.memory_space<vmem>>
      %dma_wait3A_253 = tpu.memref_squeeze %dma_wait3A_252 : memref<1x250xi32, #tpu.memory_space<vmem>> -> memref<250xi32, #tpu.memory_space<vmem>>
      %dma_wait3A_254 = arith.constant 0 : i32
      %dma_wait3A_255 = arith.constant 0 : i32
      %dma_wait3A_256 = tpu.memref_slice %arg2[%dma_wait3A_254, %dma_wait3A_255] : memref<20000x16xf32, #tpu.memory_space<hbm>> -> memref<20000x16xf32, #tpu.memory_space<hbm>>
      tpu.wait_indirect_dma semaphore(%arg24 : memref<!tpu.dma_semaphore, #tpu.memory_space<semaphore_mem>>) src(%dma_wait3A_256 : memref<20000x16xf32, #tpu.memory_space<hbm>>) dst(%arg16 : memref<250x16xf32, #tpu.memory_space<vmem>>)
      %dma_start3A_257 = arith.constant 0 : i32
      %dma_start3A_258 = tpu.memref_slice %arg10[%add3A_250, %dma_start3A_257] : memref<80x250xi32, #tpu.memory_space<vmem>> -> memref<1x250xi32, #tpu.memory_space<vmem>>
      %dma_start3A_259 = tpu.memref_squeeze %dma_start3A_258 : memref<1x250xi32, #tpu.memory_space<vmem>> -> memref<250xi32, #tpu.memory_space<vmem>>
      %dma_start3A_260 = arith.constant 0 : i32
      %dma_start3A_261 = arith.constant 0 : i32
      %dma_start3A_262 = tpu.memref_slice %arg11[%dma_start3A_260, %dma_start3A_261] : memref<10000x16xf32, #tpu.memory_space<vmem_shared>> -> memref<10000x16xf32, #tpu.memory_space<vmem_shared>>
      tpu.enqueue_indirect_dma source(%arg16 : memref<250x16xf32, #tpu.memory_space<vmem>>) target(%dma_start3A_262 : memref<10000x16xf32, #tpu.memory_space<vmem_shared>>) offsets(%dma_start3A_259 : memref<250xi32, #tpu.memory_space<vmem>>) semaphore(%arg32 : memref<!tpu.dma_semaphore, #tpu.memory_space<semaphore_mem>>) {add = true}
      %add3A_263 = arith.constant 4 : i32
      %add3A_264 = arith.addi %add3A_250, %add3A_263 : i32
      %lt3A_265 = arith.constant 80 : i32
      %lt3A_266 = arith.cmpi slt, %add3A_264, %lt3A_265 : i32
      %convert_element_type3A_267 = arith.extui %lt3A_266 : i1 to i32
      %cond3A_268 = arith.constant 0 : i32
      %cond3A_269 = arith.cmpi ne, %convert_element_type3A_267, %cond3A_268 : i32
      scf.if %cond3A_269 {
        %ge3A = arith.constant 4 : i32
        %ge3A_340 = arith.cmpi sge, %add3A_250, %ge3A : i32
        %convert_element_type3A_341 = arith.extui %ge3A_340 : i1 to i32
        %cond3A_342 = arith.constant 0 : i32
        %cond3A_343 = arith.cmpi ne, %convert_element_type3A_341, %cond3A_342 : i32
        scf.if %cond3A_343 {
          %sub3A = arith.constant 4 : i32
          %sub3A_352 = arith.subi %add3A_250, %sub3A : i32
          %dma_wait3A_353 = arith.constant 0 : i32
          %dma_wait3A_354 = tpu.memref_slice %arg10[%sub3A_352, %dma_wait3A_353] : memref<80x250xi32, #tpu.memory_space<vmem>> -> memref<1x250xi32, #tpu.memory_space<vmem>>
          %dma_wait3A_355 = tpu.memref_squeeze %dma_wait3A_354 : memref<1x250xi32, #tpu.memory_space<vmem>> -> memref<250xi32, #tpu.memory_space<vmem>>
          %dma_wait3A_356 = arith.constant 0 : i32
          %dma_wait3A_357 = arith.constant 0 : i32
          %dma_wait3A_358 = tpu.memref_slice %arg11[%dma_wait3A_356, %dma_wait3A_357] : memref<10000x16xf32, #tpu.memory_space<vmem_shared>> -> memref<10000x16xf32, #tpu.memory_space<vmem_shared>>
          tpu.wait_indirect_dma semaphore(%arg28 : memref<!tpu.dma_semaphore, #tpu.memory_space<semaphore_mem>>) src(%arg12 : memref<250x16xf32, #tpu.memory_space<vmem>>) dst(%dma_wait3A_358 : memref<10000x16xf32, #tpu.memory_space<vmem_shared>>)
        } else {
        }
        %add3A_344 = arith.constant 4 : i32
        %add3A_345 = arith.addi %add3A_250, %add3A_344 : i32
        %dma_start3A_346 = arith.constant 0 : i32
        %dma_start3A_347 = tpu.memref_slice %arg9[%add3A_345, %dma_start3A_346] : memref<80x250xi32, #tpu.memory_space<vmem>> -> memref<1x250xi32, #tpu.memory_space<vmem>>
        %dma_start3A_348 = tpu.memref_squeeze %dma_start3A_347 : memref<1x250xi32, #tpu.memory_space<vmem>> -> memref<250xi32, #tpu.memory_space<vmem>>
        %dma_start3A_349 = arith.constant 0 : i32
        %dma_start3A_350 = arith.constant 0 : i32
        %dma_start3A_351 = tpu.memref_slice %arg2[%dma_start3A_349, %dma_start3A_350] : memref<20000x16xf32, #tpu.memory_space<hbm>> -> memref<20000x16xf32, #tpu.memory_space<hbm>>
        tpu.enqueue_indirect_dma source(%dma_start3A_351 : memref<20000x16xf32, #tpu.memory_space<hbm>>) target(%arg12 : memref<250x16xf32, #tpu.memory_space<vmem>>) offsets(%dma_start3A_348 : memref<250xi32, #tpu.memory_space<vmem>>) semaphore(%arg20 : memref<!tpu.dma_semaphore, #tpu.memory_space<semaphore_mem>>)
      } else {
      }
      %mul3A_270 = arith.constant 8 : i32
      %mul3A_271 = arith.muli %mul3A_270, %scan3A_156 : i32
      %add3A_272 = arith.constant 5 : i32
      %add3A_273 = arith.addi %mul3A_271, %add3A_272 : i32
      %dma_wait3A_274 = arith.constant 0 : i32
      %dma_wait3A_275 = tpu.memref_slice %arg9[%add3A_273, %dma_wait3A_274] : memref<80x250xi32, #tpu.memory_space<vmem>> -> memref<1x250xi32, #tpu.memory_space<vmem>>
      %dma_wait3A_276 = tpu.memref_squeeze %dma_wait3A_275 : memref<1x250xi32, #tpu.memory_space<vmem>> -> memref<250xi32, #tpu.memory_space<vmem>>
      %dma_wait3A_277 = arith.constant 0 : i32
      %dma_wait3A_278 = arith.constant 0 : i32
      %dma_wait3A_279 = tpu.memref_slice %arg2[%dma_wait3A_277, %dma_wait3A_278] : memref<20000x16xf32, #tpu.memory_space<hbm>> -> memref<20000x16xf32, #tpu.memory_space<hbm>>
      tpu.wait_indirect_dma semaphore(%arg25 : memref<!tpu.dma_semaphore, #tpu.memory_space<semaphore_mem>>) src(%dma_wait3A_279 : memref<20000x16xf32, #tpu.memory_space<hbm>>) dst(%arg17 : memref<250x16xf32, #tpu.memory_space<vmem>>)
      %dma_start3A_280 = arith.constant 0 : i32
      %dma_start3A_281 = tpu.memref_slice %arg10[%add3A_273, %dma_start3A_280] : memref<80x250xi32, #tpu.memory_space<vmem>> -> memref<1x250xi32, #tpu.memory_space<vmem>>
      %dma_start3A_282 = tpu.memref_squeeze %dma_start3A_281 : memref<1x250xi32, #tpu.memory_space<vmem>> -> memref<250xi32, #tpu.memory_space<vmem>>
      %dma_start3A_283 = arith.constant 0 : i32
      %dma_start3A_284 = arith.constant 0 : i32
      %dma_start3A_285 = tpu.memref_slice %arg11[%dma_start3A_283, %dma_start3A_284] : memref<10000x16xf32, #tpu.memory_space<vmem_shared>> -> memref<10000x16xf32, #tpu.memory_space<vmem_shared>>
      tpu.enqueue_indirect_dma source(%arg17 : memref<250x16xf32, #tpu.memory_space<vmem>>) target(%dma_start3A_285 : memref<10000x16xf32, #tpu.memory_space<vmem_shared>>) offsets(%dma_start3A_282 : memref<250xi32, #tpu.memory_space<vmem>>) semaphore(%arg33 : memref<!tpu.dma_semaphore, #tpu.memory_space<semaphore_mem>>) {add = true}
      %add3A_286 = arith.constant 4 : i32
      %add3A_287 = arith.addi %add3A_273, %add3A_286 : i32
      %lt3A_288 = arith.constant 80 : i32
      %lt3A_289 = arith.cmpi slt, %add3A_287, %lt3A_288 : i32
      %convert_element_type3A_290 = arith.extui %lt3A_289 : i1 to i32
      %cond3A_291 = arith.constant 0 : i32
      %cond3A_292 = arith.cmpi ne, %convert_element_type3A_290, %cond3A_291 : i32
      scf.if %cond3A_292 {
        %ge3A = arith.constant 4 : i32
        %ge3A_340 = arith.cmpi sge, %add3A_273, %ge3A : i32
        %convert_element_type3A_341 = arith.extui %ge3A_340 : i1 to i32
        %cond3A_342 = arith.constant 0 : i32
        %cond3A_343 = arith.cmpi ne, %convert_element_type3A_341, %cond3A_342 : i32
        scf.if %cond3A_343 {
          %sub3A = arith.constant 4 : i32
          %sub3A_352 = arith.subi %add3A_273, %sub3A : i32
          %dma_wait3A_353 = arith.constant 0 : i32
          %dma_wait3A_354 = tpu.memref_slice %arg10[%sub3A_352, %dma_wait3A_353] : memref<80x250xi32, #tpu.memory_space<vmem>> -> memref<1x250xi32, #tpu.memory_space<vmem>>
          %dma_wait3A_355 = tpu.memref_squeeze %dma_wait3A_354 : memref<1x250xi32, #tpu.memory_space<vmem>> -> memref<250xi32, #tpu.memory_space<vmem>>
          %dma_wait3A_356 = arith.constant 0 : i32
          %dma_wait3A_357 = arith.constant 0 : i32
          %dma_wait3A_358 = tpu.memref_slice %arg11[%dma_wait3A_356, %dma_wait3A_357] : memref<10000x16xf32, #tpu.memory_space<vmem_shared>> -> memref<10000x16xf32, #tpu.memory_space<vmem_shared>>
          tpu.wait_indirect_dma semaphore(%arg29 : memref<!tpu.dma_semaphore, #tpu.memory_space<semaphore_mem>>) src(%arg13 : memref<250x16xf32, #tpu.memory_space<vmem>>) dst(%dma_wait3A_358 : memref<10000x16xf32, #tpu.memory_space<vmem_shared>>)
        } else {
        }
        %add3A_344 = arith.constant 4 : i32
        %add3A_345 = arith.addi %add3A_273, %add3A_344 : i32
        %dma_start3A_346 = arith.constant 0 : i32
        %dma_start3A_347 = tpu.memref_slice %arg9[%add3A_345, %dma_start3A_346] : memref<80x250xi32, #tpu.memory_space<vmem>> -> memref<1x250xi32, #tpu.memory_space<vmem>>
        %dma_start3A_348 = tpu.memref_squeeze %dma_start3A_347 : memref<1x250xi32, #tpu.memory_space<vmem>> -> memref<250xi32, #tpu.memory_space<vmem>>
        %dma_start3A_349 = arith.constant 0 : i32
        %dma_start3A_350 = arith.constant 0 : i32
        %dma_start3A_351 = tpu.memref_slice %arg2[%dma_start3A_349, %dma_start3A_350] : memref<20000x16xf32, #tpu.memory_space<hbm>> -> memref<20000x16xf32, #tpu.memory_space<hbm>>
        tpu.enqueue_indirect_dma source(%dma_start3A_351 : memref<20000x16xf32, #tpu.memory_space<hbm>>) target(%arg13 : memref<250x16xf32, #tpu.memory_space<vmem>>) offsets(%dma_start3A_348 : memref<250xi32, #tpu.memory_space<vmem>>) semaphore(%arg21 : memref<!tpu.dma_semaphore, #tpu.memory_space<semaphore_mem>>)
      } else {
      }
      %mul3A_293 = arith.constant 8 : i32
      %mul3A_294 = arith.muli %mul3A_293, %scan3A_156 : i32
      %add3A_295 = arith.constant 6 : i32
      %add3A_296 = arith.addi %mul3A_294, %add3A_295 : i32
      %dma_wait3A_297 = arith.constant 0 : i32
      %dma_wait3A_298 = tpu.memref_slice %arg9[%add3A_296, %dma_wait3A_297] : memref<80x250xi32, #tpu.memory_space<vmem>> -> memref<1x250xi32, #tpu.memory_space<vmem>>
      %dma_wait3A_299 = tpu.memref_squeeze %dma_wait3A_298 : memref<1x250xi32, #tpu.memory_space<vmem>> -> memref<250xi32, #tpu.memory_space<vmem>>
      %dma_wait3A_300 = arith.constant 0 : i32
      %dma_wait3A_301 = arith.constant 0 : i32
      %dma_wait3A_302 = tpu.memref_slice %arg2[%dma_wait3A_300, %dma_wait3A_301] : memref<20000x16xf32, #tpu.memory_space<hbm>> -> memref<20000x16xf32, #tpu.memory_space<hbm>>
      tpu.wait_indirect_dma semaphore(%arg26 : memref<!tpu.dma_semaphore, #tpu.memory_space<semaphore_mem>>) src(%dma_wait3A_302 : memref<20000x16xf32, #tpu.memory_space<hbm>>) dst(%arg18 : memref<250x16xf32, #tpu.memory_space<vmem>>)
      %dma_start3A_303 = arith.constant 0 : i32
      %dma_start3A_304 = tpu.memref_slice %arg10[%add3A_296, %dma_start3A_303] : memref<80x250xi32, #tpu.memory_space<vmem>> -> memref<1x250xi32, #tpu.memory_space<vmem>>
      %dma_start3A_305 = tpu.memref_squeeze %dma_start3A_304 : memref<1x250xi32, #tpu.memory_space<vmem>> -> memref<250xi32, #tpu.memory_space<vmem>>
      %dma_start3A_306 = arith.constant 0 : i32
      %dma_start3A_307 = arith.constant 0 : i32
      %dma_start3A_308 = tpu.memref_slice %arg11[%dma_start3A_306, %dma_start3A_307] : memref<10000x16xf32, #tpu.memory_space<vmem_shared>> -> memref<10000x16xf32, #tpu.memory_space<vmem_shared>>
      tpu.enqueue_indirect_dma source(%arg18 : memref<250x16xf32, #tpu.memory_space<vmem>>) target(%dma_start3A_308 : memref<10000x16xf32, #tpu.memory_space<vmem_shared>>) offsets(%dma_start3A_305 : memref<250xi32, #tpu.memory_space<vmem>>) semaphore(%arg34 : memref<!tpu.dma_semaphore, #tpu.memory_space<semaphore_mem>>) {add = true}
      %add3A_309 = arith.constant 4 : i32
      %add3A_310 = arith.addi %add3A_296, %add3A_309 : i32
      %lt3A_311 = arith.constant 80 : i32
      %lt3A_312 = arith.cmpi slt, %add3A_310, %lt3A_311 : i32
      %convert_element_type3A_313 = arith.extui %lt3A_312 : i1 to i32
      %cond3A_314 = arith.constant 0 : i32
      %cond3A_315 = arith.cmpi ne, %convert_element_type3A_313, %cond3A_314 : i32
      scf.if %cond3A_315 {
        %ge3A = arith.constant 4 : i32
        %ge3A_340 = arith.cmpi sge, %add3A_296, %ge3A : i32
        %convert_element_type3A_341 = arith.extui %ge3A_340 : i1 to i32
        %cond3A_342 = arith.constant 0 : i32
        %cond3A_343 = arith.cmpi ne, %convert_element_type3A_341, %cond3A_342 : i32
        scf.if %cond3A_343 {
          %sub3A = arith.constant 4 : i32
          %sub3A_352 = arith.subi %add3A_296, %sub3A : i32
          %dma_wait3A_353 = arith.constant 0 : i32
          %dma_wait3A_354 = tpu.memref_slice %arg10[%sub3A_352, %dma_wait3A_353] : memref<80x250xi32, #tpu.memory_space<vmem>> -> memref<1x250xi32, #tpu.memory_space<vmem>>
          %dma_wait3A_355 = tpu.memref_squeeze %dma_wait3A_354 : memref<1x250xi32, #tpu.memory_space<vmem>> -> memref<250xi32, #tpu.memory_space<vmem>>
          %dma_wait3A_356 = arith.constant 0 : i32
          %dma_wait3A_357 = arith.constant 0 : i32
          %dma_wait3A_358 = tpu.memref_slice %arg11[%dma_wait3A_356, %dma_wait3A_357] : memref<10000x16xf32, #tpu.memory_space<vmem_shared>> -> memref<10000x16xf32, #tpu.memory_space<vmem_shared>>
          tpu.wait_indirect_dma semaphore(%arg30 : memref<!tpu.dma_semaphore, #tpu.memory_space<semaphore_mem>>) src(%arg14 : memref<250x16xf32, #tpu.memory_space<vmem>>) dst(%dma_wait3A_358 : memref<10000x16xf32, #tpu.memory_space<vmem_shared>>)
        } else {
        }
        %add3A_344 = arith.constant 4 : i32
        %add3A_345 = arith.addi %add3A_296, %add3A_344 : i32
        %dma_start3A_346 = arith.constant 0 : i32
        %dma_start3A_347 = tpu.memref_slice %arg9[%add3A_345, %dma_start3A_346] : memref<80x250xi32, #tpu.memory_space<vmem>> -> memref<1x250xi32, #tpu.memory_space<vmem>>
        %dma_start3A_348 = tpu.memref_squeeze %dma_start3A_347 : memref<1x250xi32, #tpu.memory_space<vmem>> -> memref<250xi32, #tpu.memory_space<vmem>>
        %dma_start3A_349 = arith.constant 0 : i32
        %dma_start3A_350 = arith.constant 0 : i32
        %dma_start3A_351 = tpu.memref_slice %arg2[%dma_start3A_349, %dma_start3A_350] : memref<20000x16xf32, #tpu.memory_space<hbm>> -> memref<20000x16xf32, #tpu.memory_space<hbm>>
        tpu.enqueue_indirect_dma source(%dma_start3A_351 : memref<20000x16xf32, #tpu.memory_space<hbm>>) target(%arg14 : memref<250x16xf32, #tpu.memory_space<vmem>>) offsets(%dma_start3A_348 : memref<250xi32, #tpu.memory_space<vmem>>) semaphore(%arg22 : memref<!tpu.dma_semaphore, #tpu.memory_space<semaphore_mem>>)
      } else {
      }
      %mul3A_316 = arith.constant 8 : i32
      %mul3A_317 = arith.muli %mul3A_316, %scan3A_156 : i32
      %add3A_318 = arith.constant 7 : i32
      %add3A_319 = arith.addi %mul3A_317, %add3A_318 : i32
      %dma_wait3A_320 = arith.constant 0 : i32
      %dma_wait3A_321 = tpu.memref_slice %arg9[%add3A_319, %dma_wait3A_320] : memref<80x250xi32, #tpu.memory_space<vmem>> -> memref<1x250xi32, #tpu.memory_space<vmem>>
      %dma_wait3A_322 = tpu.memref_squeeze %dma_wait3A_321 : memref<1x250xi32, #tpu.memory_space<vmem>> -> memref<250xi32, #tpu.memory_space<vmem>>
      %dma_wait3A_323 = arith.constant 0 : i32
      %dma_wait3A_324 = arith.constant 0 : i32
      %dma_wait3A_325 = tpu.memref_slice %arg2[%dma_wait3A_323, %dma_wait3A_324] : memref<20000x16xf32, #tpu.memory_space<hbm>> -> memref<20000x16xf32, #tpu.memory_space<hbm>>
      tpu.wait_indirect_dma semaphore(%arg27 : memref<!tpu.dma_semaphore, #tpu.memory_space<semaphore_mem>>) src(%dma_wait3A_325 : memref<20000x16xf32, #tpu.memory_space<hbm>>) dst(%arg19 : memref<250x16xf32, #tpu.memory_space<vmem>>)
      %dma_start3A_326 = arith.constant 0 : i32
      %dma_start3A_327 = tpu.memref_slice %arg10[%add3A_319, %dma_start3A_326] : memref<80x250xi32, #tpu.memory_space<vmem>> -> memref<1x250xi32, #tpu.memory_space<vmem>>
      %dma_start3A_328 = tpu.memref_squeeze %dma_start3A_327 : memref<1x250xi32, #tpu.memory_space<vmem>> -> memref<250xi32, #tpu.memory_space<vmem>>
      %dma_start3A_329 = arith.constant 0 : i32
      %dma_start3A_330 = arith.constant 0 : i32
      %dma_start3A_331 = tpu.memref_slice %arg11[%dma_start3A_329, %dma_start3A_330] : memref<10000x16xf32, #tpu.memory_space<vmem_shared>> -> memref<10000x16xf32, #tpu.memory_space<vmem_shared>>
      tpu.enqueue_indirect_dma source(%arg19 : memref<250x16xf32, #tpu.memory_space<vmem>>) target(%dma_start3A_331 : memref<10000x16xf32, #tpu.memory_space<vmem_shared>>) offsets(%dma_start3A_328 : memref<250xi32, #tpu.memory_space<vmem>>) semaphore(%arg35 : memref<!tpu.dma_semaphore, #tpu.memory_space<semaphore_mem>>) {add = true}
      %add3A_332 = arith.constant 4 : i32
      %add3A_333 = arith.addi %add3A_319, %add3A_332 : i32
      %lt3A_334 = arith.constant 80 : i32
      %lt3A_335 = arith.cmpi slt, %add3A_333, %lt3A_334 : i32
      %convert_element_type3A_336 = arith.extui %lt3A_335 : i1 to i32
      %cond3A_337 = arith.constant 0 : i32
      %cond3A_338 = arith.cmpi ne, %convert_element_type3A_336, %cond3A_337 : i32
      scf.if %cond3A_338 {
        %ge3A = arith.constant 4 : i32
        %ge3A_340 = arith.cmpi sge, %add3A_319, %ge3A : i32
        %convert_element_type3A_341 = arith.extui %ge3A_340 : i1 to i32
        %cond3A_342 = arith.constant 0 : i32
        %cond3A_343 = arith.cmpi ne, %convert_element_type3A_341, %cond3A_342 : i32
        scf.if %cond3A_343 {
          %sub3A = arith.constant 4 : i32
          %sub3A_352 = arith.subi %add3A_319, %sub3A : i32
          %dma_wait3A_353 = arith.constant 0 : i32
          %dma_wait3A_354 = tpu.memref_slice %arg10[%sub3A_352, %dma_wait3A_353] : memref<80x250xi32, #tpu.memory_space<vmem>> -> memref<1x250xi32, #tpu.memory_space<vmem>>
          %dma_wait3A_355 = tpu.memref_squeeze %dma_wait3A_354 : memref<1x250xi32, #tpu.memory_space<vmem>> -> memref<250xi32, #tpu.memory_space<vmem>>
          %dma_wait3A_356 = arith.constant 0 : i32
          %dma_wait3A_357 = arith.constant 0 : i32
          %dma_wait3A_358 = tpu.memref_slice %arg11[%dma_wait3A_356, %dma_wait3A_357] : memref<10000x16xf32, #tpu.memory_space<vmem_shared>> -> memref<10000x16xf32, #tpu.memory_space<vmem_shared>>
          tpu.wait_indirect_dma semaphore(%arg31 : memref<!tpu.dma_semaphore, #tpu.memory_space<semaphore_mem>>) src(%arg15 : memref<250x16xf32, #tpu.memory_space<vmem>>) dst(%dma_wait3A_358 : memref<10000x16xf32, #tpu.memory_space<vmem_shared>>)
        } else {
        }
        %add3A_344 = arith.constant 4 : i32
        %add3A_345 = arith.addi %add3A_319, %add3A_344 : i32
        %dma_start3A_346 = arith.constant 0 : i32
        %dma_start3A_347 = tpu.memref_slice %arg9[%add3A_345, %dma_start3A_346] : memref<80x250xi32, #tpu.memory_space<vmem>> -> memref<1x250xi32, #tpu.memory_space<vmem>>
        %dma_start3A_348 = tpu.memref_squeeze %dma_start3A_347 : memref<1x250xi32, #tpu.memory_space<vmem>> -> memref<250xi32, #tpu.memory_space<vmem>>
        %dma_start3A_349 = arith.constant 0 : i32
        %dma_start3A_350 = arith.constant 0 : i32
        %dma_start3A_351 = tpu.memref_slice %arg2[%dma_start3A_349, %dma_start3A_350] : memref<20000x16xf32, #tpu.memory_space<hbm>> -> memref<20000x16xf32, #tpu.memory_space<hbm>>
        tpu.enqueue_indirect_dma source(%dma_start3A_351 : memref<20000x16xf32, #tpu.memory_space<hbm>>) target(%arg15 : memref<250x16xf32, #tpu.memory_space<vmem>>) offsets(%dma_start3A_348 : memref<250xi32, #tpu.memory_space<vmem>>) semaphore(%arg23 : memref<!tpu.dma_semaphore, #tpu.memory_space<semaphore_mem>>)
      } else {
      }
      %scan3A_339 = arith.constant 0 : i32
      scf.yield %scan3A_339 : i32
    }
    %scan3A_52 = arith.constant 10 : i32
    %dma_wait3A = arith.constant 72 : i32
    %dma_wait3A_53 = arith.constant 0 : i32
    %dma_wait3A_54 = tpu.memref_slice %arg10[%dma_wait3A, %dma_wait3A_53] : memref<80x250xi32, #tpu.memory_space<vmem>> -> memref<1x250xi32, #tpu.memory_space<vmem>>
    %dma_wait3A_55 = tpu.memref_squeeze %dma_wait3A_54 : memref<1x250xi32, #tpu.memory_space<vmem>> -> memref<250xi32, #tpu.memory_space<vmem>>
    %dma_wait3A_56 = arith.constant 0 : i32
    %dma_wait3A_57 = arith.constant 0 : i32
    %dma_wait3A_58 = tpu.memref_slice %arg11[%dma_wait3A_56, %dma_wait3A_57] : memref<10000x16xf32, #tpu.memory_space<vmem_shared>> -> memref<10000x16xf32, #tpu.memory_space<vmem_shared>>
    tpu.wait_indirect_dma semaphore(%arg28 : memref<!tpu.dma_semaphore, #tpu.memory_space<semaphore_mem>>) src(%arg12 : memref<250x16xf32, #tpu.memory_space<vmem>>) dst(%dma_wait3A_58 : memref<10000x16xf32, #tpu.memory_space<vmem_shared>>)
    %dma_wait3A_59 = arith.constant 73 : i32
    %dma_wait3A_60 = arith.constant 0 : i32
    %dma_wait3A_61 = tpu.memref_slice %arg10[%dma_wait3A_59, %dma_wait3A_60] : memref<80x250xi32, #tpu.memory_space<vmem>> -> memref<1x250xi32, #tpu.memory_space<vmem>>
    %dma_wait3A_62 = tpu.memref_squeeze %dma_wait3A_61 : memref<1x250xi32, #tpu.memory_space<vmem>> -> memref<250xi32, #tpu.memory_space<vmem>>
    %dma_wait3A_63 = arith.constant 0 : i32
    %dma_wait3A_64 = arith.constant 0 : i32
    %dma_wait3A_65 = tpu.memref_slice %arg11[%dma_wait3A_63, %dma_wait3A_64] : memref<10000x16xf32, #tpu.memory_space<vmem_shared>> -> memref<10000x16xf32, #tpu.memory_space<vmem_shared>>
    tpu.wait_indirect_dma semaphore(%arg29 : memref<!tpu.dma_semaphore, #tpu.memory_space<semaphore_mem>>) src(%arg13 : memref<250x16xf32, #tpu.memory_space<vmem>>) dst(%dma_wait3A_65 : memref<10000x16xf32, #tpu.memory_space<vmem_shared>>)
    %dma_wait3A_66 = arith.constant 74 : i32
    %dma_wait3A_67 = arith.constant 0 : i32
    %dma_wait3A_68 = tpu.memref_slice %arg10[%dma_wait3A_66, %dma_wait3A_67] : memref<80x250xi32, #tpu.memory_space<vmem>> -> memref<1x250xi32, #tpu.memory_space<vmem>>
    %dma_wait3A_69 = tpu.memref_squeeze %dma_wait3A_68 : memref<1x250xi32, #tpu.memory_space<vmem>> -> memref<250xi32, #tpu.memory_space<vmem>>
    %dma_wait3A_70 = arith.constant 0 : i32
    %dma_wait3A_71 = arith.constant 0 : i32
    %dma_wait3A_72 = tpu.memref_slice %arg11[%dma_wait3A_70, %dma_wait3A_71] : memref<10000x16xf32, #tpu.memory_space<vmem_shared>> -> memref<10000x16xf32, #tpu.memory_space<vmem_shared>>
    tpu.wait_indirect_dma semaphore(%arg30 : memref<!tpu.dma_semaphore, #tpu.memory_space<semaphore_mem>>) src(%arg14 : memref<250x16xf32, #tpu.memory_space<vmem>>) dst(%dma_wait3A_72 : memref<10000x16xf32, #tpu.memory_space<vmem_shared>>)
    %dma_wait3A_73 = arith.constant 75 : i32
    %dma_wait3A_74 = arith.constant 0 : i32
    %dma_wait3A_75 = tpu.memref_slice %arg10[%dma_wait3A_73, %dma_wait3A_74] : memref<80x250xi32, #tpu.memory_space<vmem>> -> memref<1x250xi32, #tpu.memory_space<vmem>>
    %dma_wait3A_76 = tpu.memref_squeeze %dma_wait3A_75 : memref<1x250xi32, #tpu.memory_space<vmem>> -> memref<250xi32, #tpu.memory_space<vmem>>
    %dma_wait3A_77 = arith.constant 0 : i32
    %dma_wait3A_78 = arith.constant 0 : i32
    %dma_wait3A_79 = tpu.memref_slice %arg11[%dma_wait3A_77, %dma_wait3A_78] : memref<10000x16xf32, #tpu.memory_space<vmem_shared>> -> memref<10000x16xf32, #tpu.memory_space<vmem_shared>>
    tpu.wait_indirect_dma semaphore(%arg31 : memref<!tpu.dma_semaphore, #tpu.memory_space<semaphore_mem>>) src(%arg15 : memref<250x16xf32, #tpu.memory_space<vmem>>) dst(%dma_wait3A_79 : memref<10000x16xf32, #tpu.memory_space<vmem_shared>>)
    %dma_wait3A_80 = arith.constant 76 : i32
    %dma_wait3A_81 = arith.constant 0 : i32
    %dma_wait3A_82 = tpu.memref_slice %arg10[%dma_wait3A_80, %dma_wait3A_81] : memref<80x250xi32, #tpu.memory_space<vmem>> -> memref<1x250xi32, #tpu.memory_space<vmem>>
    %dma_wait3A_83 = tpu.memref_squeeze %dma_wait3A_82 : memref<1x250xi32, #tpu.memory_space<vmem>> -> memref<250xi32, #tpu.memory_space<vmem>>
    %dma_wait3A_84 = arith.constant 0 : i32
    %dma_wait3A_85 = arith.constant 0 : i32
    %dma_wait3A_86 = tpu.memref_slice %arg11[%dma_wait3A_84, %dma_wait3A_85] : memref<10000x16xf32, #tpu.memory_space<vmem_shared>> -> memref<10000x16xf32, #tpu.memory_space<vmem_shared>>
    tpu.wait_indirect_dma semaphore(%arg32 : memref<!tpu.dma_semaphore, #tpu.memory_space<semaphore_mem>>) src(%arg16 : memref<250x16xf32, #tpu.memory_space<vmem>>) dst(%dma_wait3A_86 : memref<10000x16xf32, #tpu.memory_space<vmem_shared>>)
    %dma_wait3A_87 = arith.constant 77 : i32
    %dma_wait3A_88 = arith.constant 0 : i32
    %dma_wait3A_89 = tpu.memref_slice %arg10[%dma_wait3A_87, %dma_wait3A_88] : memref<80x250xi32, #tpu.memory_space<vmem>> -> memref<1x250xi32, #tpu.memory_space<vmem>>
    %dma_wait3A_90 = tpu.memref_squeeze %dma_wait3A_89 : memref<1x250xi32, #tpu.memory_space<vmem>> -> memref<250xi32, #tpu.memory_space<vmem>>
    %dma_wait3A_91 = arith.constant 0 : i32
    %dma_wait3A_92 = arith.constant 0 : i32
    %dma_wait3A_93 = tpu.memref_slice %arg11[%dma_wait3A_91, %dma_wait3A_92] : memref<10000x16xf32, #tpu.memory_space<vmem_shared>> -> memref<10000x16xf32, #tpu.memory_space<vmem_shared>>
    tpu.wait_indirect_dma semaphore(%arg33 : memref<!tpu.dma_semaphore, #tpu.memory_space<semaphore_mem>>) src(%arg17 : memref<250x16xf32, #tpu.memory_space<vmem>>) dst(%dma_wait3A_93 : memref<10000x16xf32, #tpu.memory_space<vmem_shared>>)
    %dma_wait3A_94 = arith.constant 78 : i32
    %dma_wait3A_95 = arith.constant 0 : i32
    %dma_wait3A_96 = tpu.memref_slice %arg10[%dma_wait3A_94, %dma_wait3A_95] : memref<80x250xi32, #tpu.memory_space<vmem>> -> memref<1x250xi32, #tpu.memory_space<vmem>>
    %dma_wait3A_97 = tpu.memref_squeeze %dma_wait3A_96 : memref<1x250xi32, #tpu.memory_space<vmem>> -> memref<250xi32, #tpu.memory_space<vmem>>
    %dma_wait3A_98 = arith.constant 0 : i32
    %dma_wait3A_99 = arith.constant 0 : i32
    %dma_wait3A_100 = tpu.memref_slice %arg11[%dma_wait3A_98, %dma_wait3A_99] : memref<10000x16xf32, #tpu.memory_space<vmem_shared>> -> memref<10000x16xf32, #tpu.memory_space<vmem_shared>>
    tpu.wait_indirect_dma semaphore(%arg34 : memref<!tpu.dma_semaphore, #tpu.memory_space<semaphore_mem>>) src(%arg18 : memref<250x16xf32, #tpu.memory_space<vmem>>) dst(%dma_wait3A_100 : memref<10000x16xf32, #tpu.memory_space<vmem_shared>>)
    %dma_wait3A_101 = arith.constant 79 : i32
    %dma_wait3A_102 = arith.constant 0 : i32
    %dma_wait3A_103 = tpu.memref_slice %arg10[%dma_wait3A_101, %dma_wait3A_102] : memref<80x250xi32, #tpu.memory_space<vmem>> -> memref<1x250xi32, #tpu.memory_space<vmem>>
    %dma_wait3A_104 = tpu.memref_squeeze %dma_wait3A_103 : memref<1x250xi32, #tpu.memory_space<vmem>> -> memref<250xi32, #tpu.memory_space<vmem>>
    %dma_wait3A_105 = arith.constant 0 : i32
    %dma_wait3A_106 = arith.constant 0 : i32
    %dma_wait3A_107 = tpu.memref_slice %arg11[%dma_wait3A_105, %dma_wait3A_106] : memref<10000x16xf32, #tpu.memory_space<vmem_shared>> -> memref<10000x16xf32, #tpu.memory_space<vmem_shared>>
    tpu.wait_indirect_dma semaphore(%arg35 : memref<!tpu.dma_semaphore, #tpu.memory_space<semaphore_mem>>) src(%arg19 : memref<250x16xf32, #tpu.memory_space<vmem>>) dst(%dma_wait3A_107 : memref<10000x16xf32, #tpu.memory_space<vmem_shared>>)
    %barrier3A_108 = arith.constant 0 : index
    tpu.barrier barrier_id(%barrier3A_108)
    %get3A = arith.constant 0 : index
    %get3A_109 = tpu.vector_load %arg38[%get3A] {strides = array<i32>} : memref<16xf32, #tpu.memory_space<vmem>>, vector<16xf32>,
    %get3A_110 = vector.shape_cast %get3A_109 : vector<16xf32> to vector<16xf32>
    %add3A_111 = arith.constant 0 : i32
    %add3A_112 = arith.addi %mul3A_0, %add3A_111 : i32
    "tpu.region"() ({
      %run_scoped3A = tpu.sem_alloc : memref<!tpu.dma_semaphore, #tpu.memory_space<semaphore_mem>>
      %dma_start3A_156 = arith.constant 0 : i32
      %dma_start3A_157 = arith.constant 0 : i32
      %dma_start3A_158 = tpu.memref_slice %arg12[%dma_start3A_156, %dma_start3A_157] : memref<250x16xf32, #tpu.memory_space<vmem>> -> memref<125x16xf32, #tpu.memory_space<vmem>>
      %dma_start3A_159 = arith.constant 0 : i32
      %dma_start3A_160 = tpu.memref_slice %arg11[%add3A_112, %dma_start3A_159] : memref<10000x16xf32, #tpu.memory_space<vmem_shared>> -> memref<125x16xf32, #tpu.memory_space<vmem_shared>>
      %dma_start3A_161 = arith.constant 0 : i32
      %dma_start3A_162 = arith.constant 0 : i32
      %dma_start3A_163 = tpu.memref_slice %arg12[%dma_start3A_161, %dma_start3A_162] : memref<250x16xf32, #tpu.memory_space<vmem>> -> memref<125x16xf32, #tpu.memory_space<vmem>>
      %dma_start3A_164 = arith.constant 0 : i32
      %dma_start3A_165 = tpu.memref_slice %arg11[%add3A_112, %dma_start3A_164] : memref<10000x16xf32, #tpu.memory_space<vmem_shared>> -> memref<125x16xf32, #tpu.memory_space<vmem_shared>>
      tpu.enqueue_dma source(%dma_start3A_165 : memref<125x16xf32, #tpu.memory_space<vmem_shared>>) target(%dma_start3A_163 : memref<125x16xf32, #tpu.memory_space<vmem>>) target_semaphore(%run_scoped3A : memref<!tpu.dma_semaphore, #tpu.memory_space<semaphore_mem>>)
      %dma_wait3A_166 = arith.constant 0 : i32
      %dma_wait3A_167 = arith.constant 0 : i32
      %dma_wait3A_168 = tpu.memref_slice %arg12[%dma_wait3A_166, %dma_wait3A_167] : memref<250x16xf32, #tpu.memory_space<vmem>> -> memref<125x16xf32, #tpu.memory_space<vmem>>
      %dma_wait3A_169 = arith.constant 0 : i32
      %dma_wait3A_170 = tpu.memref_slice %arg11[%add3A_112, %dma_wait3A_169] : memref<10000x16xf32, #tpu.memory_space<vmem_shared>> -> memref<125x16xf32, #tpu.memory_space<vmem_shared>>
      %dma_wait3A_171 = arith.constant 0 : i32
      %dma_wait3A_172 = arith.constant 0 : i32
      %dma_wait3A_173 = tpu.memref_slice %arg12[%dma_wait3A_171, %dma_wait3A_172] : memref<250x16xf32, #tpu.memory_space<vmem>> -> memref<125x16xf32, #tpu.memory_space<vmem>>
      %dma_wait3A_174 = arith.constant 0 : i32
      %dma_wait3A_175 = tpu.memref_slice %arg11[%add3A_112, %dma_wait3A_174] : memref<10000x16xf32, #tpu.memory_space<vmem_shared>> -> memref<125x16xf32, #tpu.memory_space<vmem_shared>>
      tpu.wait_dma2 semaphore(%run_scoped3A : memref<!tpu.dma_semaphore, #tpu.memory_space<semaphore_mem>>) src(%dma_wait3A_175 : memref<125x16xf32, #tpu.memory_space<vmem_shared>>) dst(%dma_wait3A_173 : memref<125x16xf32, #tpu.memory_space<vmem>>)
      tpu.yield
    }) : () -> ()
    "tpu.region"() ({
      %run_scoped3A = tpu.sem_alloc : memref<!tpu.dma_semaphore, #tpu.memory_space<semaphore_mem>>
      %dma_start3A_156 = arith.constant 0 : i32
      %dma_start3A_157 = tpu.memref_slice %arg5[%arg0, %add3A_112, %dma_start3A_156] : memref<2x10000x16xf32, #tpu.memory_space<hbm>> -> memref<1x125x16xf32, #tpu.memory_space<hbm>>
      %dma_start3A_158 = tpu.memref_squeeze %dma_start3A_157 : memref<1x125x16xf32, #tpu.memory_space<hbm>> -> memref<125x16xf32, #tpu.memory_space<hbm>>
      %dma_start3A_159 = arith.constant 0 : i32
      %dma_start3A_160 = tpu.memref_slice %arg5[%arg0, %add3A_112, %dma_start3A_159] : memref<2x10000x16xf32, #tpu.memory_space<hbm>> -> memref<1x125x16xf32, #tpu.memory_space<hbm>>
      %dma_start3A_161 = tpu.memref_squeeze %dma_start3A_160 : memref<1x125x16xf32, #tpu.memory_space<hbm>> -> memref<125x16xf32, #tpu.memory_space<hbm>>
      tpu.enqueue_dma source(%dma_start3A_161 : memref<125x16xf32, #tpu.memory_space<hbm>>) target(%arg36 : memref<125x16xf32, #tpu.memory_space<vmem>>) target_semaphore(%run_scoped3A : memref<!tpu.dma_semaphore, #tpu.memory_space<semaphore_mem>>)
      %dma_wait3A_162 = arith.constant 0 : i32
      %dma_wait3A_163 = tpu.memref_slice %arg5[%arg0, %add3A_112, %dma_wait3A_162] : memref<2x10000x16xf32, #tpu.memory_space<hbm>> -> memref<1x125x16xf32, #tpu.memory_space<hbm>>
      %dma_wait3A_164 = tpu.memref_squeeze %dma_wait3A_163 : memref<1x125x16xf32, #tpu.memory_space<hbm>> -> memref<125x16xf32, #tpu.memory_space<hbm>>
      %dma_wait3A_165 = arith.constant 0 : i32
      %dma_wait3A_166 = tpu.memref_slice %arg5[%arg0, %add3A_112, %dma_wait3A_165] : memref<2x10000x16xf32, #tpu.memory_space<hbm>> -> memref<1x125x16xf32, #tpu.memory_space<hbm>>
      %dma_wait3A_167 = tpu.memref_squeeze %dma_wait3A_166 : memref<1x125x16xf32, #tpu.memory_space<hbm>> -> memref<125x16xf32, #tpu.memory_space<hbm>>
      tpu.wait_dma2 semaphore(%run_scoped3A : memref<!tpu.dma_semaphore, #tpu.memory_space<semaphore_mem>>) src(%dma_wait3A_167 : memref<125x16xf32, #tpu.memory_space<hbm>>) dst(%arg36 : memref<125x16xf32, #tpu.memory_space<vmem>>)
      tpu.yield
    }) : () -> ()
    "tpu.region"() ({
      %run_scoped3A = tpu.sem_alloc : memref<!tpu.dma_semaphore, #tpu.memory_space<semaphore_mem>>
      %dma_start3A_156 = arith.constant 0 : i32
      %dma_start3A_157 = tpu.memref_slice %arg6[%arg0, %add3A_112, %dma_start3A_156] : memref<2x10000x16xf32, #tpu.memory_space<hbm>> -> memref<1x125x16xf32, #tpu.memory_space<hbm>>
      %dma_start3A_158 = tpu.memref_squeeze %dma_start3A_157 : memref<1x125x16xf32, #tpu.memory_space<hbm>> -> memref<125x16xf32, #tpu.memory_space<hbm>>
      %dma_start3A_159 = arith.constant 0 : i32
      %dma_start3A_160 = tpu.memref_slice %arg6[%arg0, %add3A_112, %dma_start3A_159] : memref<2x10000x16xf32, #tpu.memory_space<hbm>> -> memref<1x125x16xf32, #tpu.memory_space<hbm>>
      %dma_start3A_161 = tpu.memref_squeeze %dma_start3A_160 : memref<1x125x16xf32, #tpu.memory_space<hbm>> -> memref<125x16xf32, #tpu.memory_space<hbm>>
      tpu.enqueue_dma source(%dma_start3A_161 : memref<125x16xf32, #tpu.memory_space<hbm>>) target(%arg37 : memref<125x16xf32, #tpu.memory_space<vmem>>) target_semaphore(%run_scoped3A : memref<!tpu.dma_semaphore, #tpu.memory_space<semaphore_mem>>)
      %dma_wait3A_162 = arith.constant 0 : i32
      %dma_wait3A_163 = tpu.memref_slice %arg6[%arg0, %add3A_112, %dma_wait3A_162] : memref<2x10000x16xf32, #tpu.memory_space<hbm>> -> memref<1x125x16xf32, #tpu.memory_space<hbm>>
      %dma_wait3A_164 = tpu.memref_squeeze %dma_wait3A_163 : memref<1x125x16xf32, #tpu.memory_space<hbm>> -> memref<125x16xf32, #tpu.memory_space<hbm>>
      %dma_wait3A_165 = arith.constant 0 : i32
      %dma_wait3A_166 = tpu.memref_slice %arg6[%arg0, %add3A_112, %dma_wait3A_165] : memref<2x10000x16xf32, #tpu.memory_space<hbm>> -> memref<1x125x16xf32, #tpu.memory_space<hbm>>
      %dma_wait3A_167 = tpu.memref_squeeze %dma_wait3A_166 : memref<1x125x16xf32, #tpu.memory_space<hbm>> -> memref<125x16xf32, #tpu.memory_space<hbm>>
      tpu.wait_dma2 semaphore(%run_scoped3A : memref<!tpu.dma_semaphore, #tpu.memory_space<semaphore_mem>>) src(%dma_wait3A_167 : memref<125x16xf32, #tpu.memory_space<hbm>>) dst(%arg37 : memref<125x16xf32, #tpu.memory_space<vmem>>)
      tpu.yield
    }) : () -> ()
    %scan3A_113 = arith.constant 0 : i32
    %scan3A_114 = arith.constant 0 : i32
    %scan3A_115 = arith.constant 125 : i32
    %scan3A_116 = arith.addi %scan3A_114, %scan3A_115 : i32
    %scan3A_117 = arith.constant 1 : i32
    %scan3A_118 = scf.for %scan3A_156 = %scan3A_114 to %scan3A_116 step %scan3A_117 iter_args(%scan3A_157 = %scan3A_113) -> (i32)  : i32 {
      %get3A_158 = arith.index_cast %scan3A_156 : i32 to index
      %get3A_159 = arith.constant 0 : index
      %get3A_160 = tpu.vector_load %arg12[%get3A_158, %get3A_159] {strides = array<i32>} : memref<250x16xf32, #tpu.memory_space<vmem>>, vector<1x16xf32>,
      %get3A_161 = vector.shape_cast %get3A_160 : vector<1x16xf32> to vector<16xf32>
      %get3A_162 = arith.index_cast %scan3A_156 : i32 to index
      %get3A_163 = arith.constant 0 : index
      %get3A_164 = tpu.vector_load %arg36[%get3A_162, %get3A_163] {strides = array<i32>} : memref<125x16xf32, #tpu.memory_space<vmem>>, vector<1x16xf32>,
      %get3A_165 = vector.shape_cast %get3A_164 : vector<1x16xf32> to vector<16xf32>
      %mul3A_166 = arith.mulf %get3A_161, %get3A_165 : vector<16xf32>
      %add3A_167 = arith.addf %mul3A_166, %get3A_110 : vector<16xf32>
      %get3A_168 = arith.index_cast %scan3A_156 : i32 to index
      %get3A_169 = arith.constant 0 : index
      %get3A_170 = tpu.vector_load %arg37[%get3A_168, %get3A_169] {strides = array<i32>} : memref<125x16xf32, #tpu.memory_space<vmem>>, vector<1x16xf32>,
      %get3A_171 = vector.shape_cast %get3A_170 : vector<1x16xf32> to vector<16xf32>
      %add3A_172 = arith.addf %add3A_167, %get3A_171 : vector<16xf32>
      %max3A = arith.constant 0.000000e+00 : f32
      %max3A_173 = vector.broadcast %max3A : f32 to vector<16xf32>
      %max3A_174 = arith.maximumf %add3A_172, %max3A_173 : vector<16xf32>
      %swap3A = arith.index_cast %scan3A_156 : i32 to index
      %swap3A_175 = arith.constant 0 : index
      %swap3A_176 = tpu.vector_load %arg12[%swap3A, %swap3A_175] {strides = array<i32>} : memref<250x16xf32, #tpu.memory_space<vmem>>, vector<1x16xf32>,
      %swap3A_177 = vector.shape_cast %swap3A_176 : vector<1x16xf32> to vector<16xf32>
      %swap3A_178 = vector.shape_cast %max3A_174 : vector<16xf32> to vector<1x16xf32>
      tpu.vector_store %arg12[%swap3A, %swap3A_175], %swap3A_178 {strides = array<i32>} : memref<250x16xf32, #tpu.memory_space<vmem>>, vector<1x16xf32>,
      %scan3A_179 = arith.constant 0 : i32
      scf.yield %scan3A_179 : i32
    }
    %scan3A_119 = arith.constant 125 : i32
    "tpu.region"() ({
      %run_scoped3A = tpu.sem_alloc : memref<!tpu.dma_semaphore, #tpu.memory_space<semaphore_mem>>
      %dma_start3A_156 = arith.constant 0 : i32
      %dma_start3A_157 = arith.constant 0 : i32
      %dma_start3A_158 = tpu.memref_slice %arg12[%dma_start3A_156, %dma_start3A_157] : memref<250x16xf32, #tpu.memory_space<vmem>> -> memref<125x16xf32, #tpu.memory_space<vmem>>
      %dma_start3A_159 = arith.constant 0 : i32
      %dma_start3A_160 = tpu.memref_slice %arg8[%arg0, %add3A_112, %dma_start3A_159] : memref<2x10000x16xf32, #tpu.memory_space<hbm>> -> memref<1x125x16xf32, #tpu.memory_space<hbm>>
      %dma_start3A_161 = tpu.memref_squeeze %dma_start3A_160 : memref<1x125x16xf32, #tpu.memory_space<hbm>> -> memref<125x16xf32, #tpu.memory_space<hbm>>
      %dma_start3A_162 = arith.constant 0 : i32
      %dma_start3A_163 = tpu.memref_slice %arg8[%arg0, %add3A_112, %dma_start3A_162] : memref<2x10000x16xf32, #tpu.memory_space<hbm>> -> memref<1x125x16xf32, #tpu.memory_space<hbm>>
      %dma_start3A_164 = tpu.memref_squeeze %dma_start3A_163 : memref<1x125x16xf32, #tpu.memory_space<hbm>> -> memref<125x16xf32, #tpu.memory_space<hbm>>
      %dma_start3A_165 = arith.constant 0 : i32
      %dma_start3A_166 = arith.constant 0 : i32
      %dma_start3A_167 = tpu.memref_slice %arg12[%dma_start3A_165, %dma_start3A_166] : memref<250x16xf32, #tpu.memory_space<vmem>> -> memref<125x16xf32, #tpu.memory_space<vmem>>
      tpu.enqueue_dma source(%dma_start3A_167 : memref<125x16xf32, #tpu.memory_space<vmem>>) target(%dma_start3A_164 : memref<125x16xf32, #tpu.memory_space<hbm>>) target_semaphore(%run_scoped3A : memref<!tpu.dma_semaphore, #tpu.memory_space<semaphore_mem>>)
      %dma_wait3A_168 = arith.constant 0 : i32
      %dma_wait3A_169 = arith.constant 0 : i32
      %dma_wait3A_170 = tpu.memref_slice %arg12[%dma_wait3A_168, %dma_wait3A_169] : memref<250x16xf32, #tpu.memory_space<vmem>> -> memref<125x16xf32, #tpu.memory_space<vmem>>
      %dma_wait3A_171 = arith.constant 0 : i32
      %dma_wait3A_172 = tpu.memref_slice %arg8[%arg0, %add3A_112, %dma_wait3A_171] : memref<2x10000x16xf32, #tpu.memory_space<hbm>> -> memref<1x125x16xf32, #tpu.memory_space<hbm>>
      %dma_wait3A_173 = tpu.memref_squeeze %dma_wait3A_172 : memref<1x125x16xf32, #tpu.memory_space<hbm>> -> memref<125x16xf32, #tpu.memory_space<hbm>>
      %dma_wait3A_174 = arith.constant 0 : i32
      %dma_wait3A_175 = tpu.memref_slice %arg8[%arg0, %add3A_112, %dma_wait3A_174] : memref<2x10000x16xf32, #tpu.memory_space<hbm>> -> memref<1x125x16xf32, #tpu.memory_space<hbm>>
      %dma_wait3A_176 = tpu.memref_squeeze %dma_wait3A_175 : memref<1x125x16xf32, #tpu.memory_space<hbm>> -> memref<125x16xf32, #tpu.memory_space<hbm>>
      %dma_wait3A_177 = arith.constant 0 : i32
      %dma_wait3A_178 = arith.constant 0 : i32
      %dma_wait3A_179 = tpu.memref_slice %arg12[%dma_wait3A_177, %dma_wait3A_178] : memref<250x16xf32, #tpu.memory_space<vmem>> -> memref<125x16xf32, #tpu.memory_space<vmem>>
      tpu.wait_dma2 semaphore(%run_scoped3A : memref<!tpu.dma_semaphore, #tpu.memory_space<semaphore_mem>>) src(%dma_wait3A_179 : memref<125x16xf32, #tpu.memory_space<vmem>>) dst(%dma_wait3A_176 : memref<125x16xf32, #tpu.memory_space<hbm>>)
      tpu.yield
    }) : () -> ()
    %add3A_120 = arith.constant 125 : i32
    %add3A_121 = arith.addi %mul3A_0, %add3A_120 : i32
    "tpu.region"() ({
      %run_scoped3A = tpu.sem_alloc : memref<!tpu.dma_semaphore, #tpu.memory_space<semaphore_mem>>
      %dma_start3A_156 = arith.constant 0 : i32
      %dma_start3A_157 = arith.constant 0 : i32
      %dma_start3A_158 = tpu.memref_slice %arg12[%dma_start3A_156, %dma_start3A_157] : memref<250x16xf32, #tpu.memory_space<vmem>> -> memref<125x16xf32, #tpu.memory_space<vmem>>
      %dma_start3A_159 = arith.constant 0 : i32
      %dma_start3A_160 = tpu.memref_slice %arg11[%add3A_121, %dma_start3A_159] : memref<10000x16xf32, #tpu.memory_space<vmem_shared>> -> memref<125x16xf32, #tpu.memory_space<vmem_shared>>
      %dma_start3A_161 = arith.constant 0 : i32
      %dma_start3A_162 = arith.constant 0 : i32
      %dma_start3A_163 = tpu.memref_slice %arg12[%dma_start3A_161, %dma_start3A_162] : memref<250x16xf32, #tpu.memory_space<vmem>> -> memref<125x16xf32, #tpu.memory_space<vmem>>
      %dma_start3A_164 = arith.constant 0 : i32
      %dma_start3A_165 = tpu.memref_slice %arg11[%add3A_121, %dma_start3A_164] : memref<10000x16xf32, #tpu.memory_space<vmem_shared>> -> memref<125x16xf32, #tpu.memory_space<vmem_shared>>
      tpu.enqueue_dma source(%dma_start3A_165 : memref<125x16xf32, #tpu.memory_space<vmem_shared>>) target(%dma_start3A_163 : memref<125x16xf32, #tpu.memory_space<vmem>>) target_semaphore(%run_scoped3A : memref<!tpu.dma_semaphore, #tpu.memory_space<semaphore_mem>>)
      %dma_wait3A_166 = arith.constant 0 : i32
      %dma_wait3A_167 = arith.constant 0 : i32
      %dma_wait3A_168 = tpu.memref_slice %arg12[%dma_wait3A_166, %dma_wait3A_167] : memref<250x16xf32, #tpu.memory_space<vmem>> -> memref<125x16xf32, #tpu.memory_space<vmem>>
      %dma_wait3A_169 = arith.constant 0 : i32
      %dma_wait3A_170 = tpu.memref_slice %arg11[%add3A_121, %dma_wait3A_169] : memref<10000x16xf32, #tpu.memory_space<vmem_shared>> -> memref<125x16xf32, #tpu.memory_space<vmem_shared>>
      %dma_wait3A_171 = arith.constant 0 : i32
      %dma_wait3A_172 = arith.constant 0 : i32
      %dma_wait3A_173 = tpu.memref_slice %arg12[%dma_wait3A_171, %dma_wait3A_172] : memref<250x16xf32, #tpu.memory_space<vmem>> -> memref<125x16xf32, #tpu.memory_space<vmem>>
      %dma_wait3A_174 = arith.constant 0 : i32
      %dma_wait3A_175 = tpu.memref_slice %arg11[%add3A_121, %dma_wait3A_174] : memref<10000x16xf32, #tpu.memory_space<vmem_shared>> -> memref<125x16xf32, #tpu.memory_space<vmem_shared>>
      tpu.wait_dma2 semaphore(%run_scoped3A : memref<!tpu.dma_semaphore, #tpu.memory_space<semaphore_mem>>) src(%dma_wait3A_175 : memref<125x16xf32, #tpu.memory_space<vmem_shared>>) dst(%dma_wait3A_173 : memref<125x16xf32, #tpu.memory_space<vmem>>)
      tpu.yield
    }) : () -> ()
    "tpu.region"() ({
      %run_scoped3A = tpu.sem_alloc : memref<!tpu.dma_semaphore, #tpu.memory_space<semaphore_mem>>
      %dma_start3A_156 = arith.constant 0 : i32
      %dma_start3A_157 = tpu.memref_slice %arg5[%arg0, %add3A_121, %dma_start3A_156] : memref<2x10000x16xf32, #tpu.memory_space<hbm>> -> memref<1x125x16xf32, #tpu.memory_space<hbm>>
      %dma_start3A_158 = tpu.memref_squeeze %dma_start3A_157 : memref<1x125x16xf32, #tpu.memory_space<hbm>> -> memref<125x16xf32, #tpu.memory_space<hbm>>
      %dma_start3A_159 = arith.constant 0 : i32
      %dma_start3A_160 = tpu.memref_slice %arg5[%arg0, %add3A_121, %dma_start3A_159] : memref<2x10000x16xf32, #tpu.memory_space<hbm>> -> memref<1x125x16xf32, #tpu.memory_space<hbm>>
      %dma_start3A_161 = tpu.memref_squeeze %dma_start3A_160 : memref<1x125x16xf32, #tpu.memory_space<hbm>> -> memref<125x16xf32, #tpu.memory_space<hbm>>
      tpu.enqueue_dma source(%dma_start3A_161 : memref<125x16xf32, #tpu.memory_space<hbm>>) target(%arg36 : memref<125x16xf32, #tpu.memory_space<vmem>>) target_semaphore(%run_scoped3A : memref<!tpu.dma_semaphore, #tpu.memory_space<semaphore_mem>>)
      %dma_wait3A_162 = arith.constant 0 : i32
      %dma_wait3A_163 = tpu.memref_slice %arg5[%arg0, %add3A_121, %dma_wait3A_162] : memref<2x10000x16xf32, #tpu.memory_space<hbm>> -> memref<1x125x16xf32, #tpu.memory_space<hbm>>
      %dma_wait3A_164 = tpu.memref_squeeze %dma_wait3A_163 : memref<1x125x16xf32, #tpu.memory_space<hbm>> -> memref<125x16xf32, #tpu.memory_space<hbm>>
      %dma_wait3A_165 = arith.constant 0 : i32
      %dma_wait3A_166 = tpu.memref_slice %arg5[%arg0, %add3A_121, %dma_wait3A_165] : memref<2x10000x16xf32, #tpu.memory_space<hbm>> -> memref<1x125x16xf32, #tpu.memory_space<hbm>>
      %dma_wait3A_167 = tpu.memref_squeeze %dma_wait3A_166 : memref<1x125x16xf32, #tpu.memory_space<hbm>> -> memref<125x16xf32, #tpu.memory_space<hbm>>
      tpu.wait_dma2 semaphore(%run_scoped3A : memref<!tpu.dma_semaphore, #tpu.memory_space<semaphore_mem>>) src(%dma_wait3A_167 : memref<125x16xf32, #tpu.memory_space<hbm>>) dst(%arg36 : memref<125x16xf32, #tpu.memory_space<vmem>>)
      tpu.yield
    }) : () -> ()
    "tpu.region"() ({
      %run_scoped3A = tpu.sem_alloc : memref<!tpu.dma_semaphore, #tpu.memory_space<semaphore_mem>>
      %dma_start3A_156 = arith.constant 0 : i32
      %dma_start3A_157 = tpu.memref_slice %arg6[%arg0, %add3A_121, %dma_start3A_156] : memref<2x10000x16xf32, #tpu.memory_space<hbm>> -> memref<1x125x16xf32, #tpu.memory_space<hbm>>
      %dma_start3A_158 = tpu.memref_squeeze %dma_start3A_157 : memref<1x125x16xf32, #tpu.memory_space<hbm>> -> memref<125x16xf32, #tpu.memory_space<hbm>>
      %dma_start3A_159 = arith.constant 0 : i32
      %dma_start3A_160 = tpu.memref_slice %arg6[%arg0, %add3A_121, %dma_start3A_159] : memref<2x10000x16xf32, #tpu.memory_space<hbm>> -> memref<1x125x16xf32, #tpu.memory_space<hbm>>
      %dma_start3A_161 = tpu.memref_squeeze %dma_start3A_160 : memref<1x125x16xf32, #tpu.memory_space<hbm>> -> memref<125x16xf32, #tpu.memory_space<hbm>>
      tpu.enqueue_dma source(%dma_start3A_161 : memref<125x16xf32, #tpu.memory_space<hbm>>) target(%arg37 : memref<125x16xf32, #tpu.memory_space<vmem>>) target_semaphore(%run_scoped3A : memref<!tpu.dma_semaphore, #tpu.memory_space<semaphore_mem>>)
      %dma_wait3A_162 = arith.constant 0 : i32
      %dma_wait3A_163 = tpu.memref_slice %arg6[%arg0, %add3A_121, %dma_wait3A_162] : memref<2x10000x16xf32, #tpu.memory_space<hbm>> -> memref<1x125x16xf32, #tpu.memory_space<hbm>>
      %dma_wait3A_164 = tpu.memref_squeeze %dma_wait3A_163 : memref<1x125x16xf32, #tpu.memory_space<hbm>> -> memref<125x16xf32, #tpu.memory_space<hbm>>
      %dma_wait3A_165 = arith.constant 0 : i32
      %dma_wait3A_166 = tpu.memref_slice %arg6[%arg0, %add3A_121, %dma_wait3A_165] : memref<2x10000x16xf32, #tpu.memory_space<hbm>> -> memref<1x125x16xf32, #tpu.memory_space<hbm>>
      %dma_wait3A_167 = tpu.memref_squeeze %dma_wait3A_166 : memref<1x125x16xf32, #tpu.memory_space<hbm>> -> memref<125x16xf32, #tpu.memory_space<hbm>>
      tpu.wait_dma2 semaphore(%run_scoped3A : memref<!tpu.dma_semaphore, #tpu.memory_space<semaphore_mem>>) src(%dma_wait3A_167 : memref<125x16xf32, #tpu.memory_space<hbm>>) dst(%arg37 : memref<125x16xf32, #tpu.memory_space<vmem>>)
      tpu.yield
    }) : () -> ()
    %scan3A_122 = arith.constant 0 : i32
    %scan3A_123 = arith.constant 0 : i32
    %scan3A_124 = arith.constant 125 : i32
    %scan3A_125 = arith.addi %scan3A_123, %scan3A_124 : i32
    %scan3A_126 = arith.constant 1 : i32
    %scan3A_127 = scf.for %scan3A_156 = %scan3A_123 to %scan3A_125 step %scan3A_126 iter_args(%scan3A_157 = %scan3A_122) -> (i32)  : i32 {
      %get3A_158 = arith.index_cast %scan3A_156 : i32 to index
      %get3A_159 = arith.constant 0 : index
      %get3A_160 = tpu.vector_load %arg12[%get3A_158, %get3A_159] {strides = array<i32>} : memref<250x16xf32, #tpu.memory_space<vmem>>, vector<1x16xf32>,
      %get3A_161 = vector.shape_cast %get3A_160 : vector<1x16xf32> to vector<16xf32>
      %get3A_162 = arith.index_cast %scan3A_156 : i32 to index
      %get3A_163 = arith.constant 0 : index
      %get3A_164 = tpu.vector_load %arg36[%get3A_162, %get3A_163] {strides = array<i32>} : memref<125x16xf32, #tpu.memory_space<vmem>>, vector<1x16xf32>,
      %get3A_165 = vector.shape_cast %get3A_164 : vector<1x16xf32> to vector<16xf32>
      %mul3A_166 = arith.mulf %get3A_161, %get3A_165 : vector<16xf32>
      %add3A_167 = arith.addf %mul3A_166, %get3A_110 : vector<16xf32>
      %get3A_168 = arith.index_cast %scan3A_156 : i32 to index
      %get3A_169 = arith.constant 0 : index
      %get3A_170 = tpu.vector_load %arg37[%get3A_168, %get3A_169] {strides = array<i32>} : memref<125x16xf32, #tpu.memory_space<vmem>>, vector<1x16xf32>,
      %get3A_171 = vector.shape_cast %get3A_170 : vector<1x16xf32> to vector<16xf32>
      %add3A_172 = arith.addf %add3A_167, %get3A_171 : vector<16xf32>
      %max3A = arith.constant 0.000000e+00 : f32
      %max3A_173 = vector.broadcast %max3A : f32 to vector<16xf32>
      %max3A_174 = arith.maximumf %add3A_172, %max3A_173 : vector<16xf32>
      %swap3A = arith.index_cast %scan3A_156 : i32 to index
      %swap3A_175 = arith.constant 0 : index
      %swap3A_176 = tpu.vector_load %arg12[%swap3A, %swap3A_175] {strides = array<i32>} : memref<250x16xf32, #tpu.memory_space<vmem>>, vector<1x16xf32>,
      %swap3A_177 = vector.shape_cast %swap3A_176 : vector<1x16xf32> to vector<16xf32>
      %swap3A_178 = vector.shape_cast %max3A_174 : vector<16xf32> to vector<1x16xf32>
      tpu.vector_store %arg12[%swap3A, %swap3A_175], %swap3A_178 {strides = array<i32>} : memref<250x16xf32, #tpu.memory_space<vmem>>, vector<1x16xf32>,
      %scan3A_179 = arith.constant 0 : i32
      scf.yield %scan3A_179 : i32
    }
    %scan3A_128 = arith.constant 125 : i32
    "tpu.region"() ({
      %run_scoped3A = tpu.sem_alloc : memref<!tpu.dma_semaphore, #tpu.memory_space<semaphore_mem>>
      %dma_start3A_156 = arith.constant 0 : i32
      %dma_start3A_157 = arith.constant 0 : i32
      %dma_start3A_158 = tpu.memref_slice %arg12[%dma_start3A_156, %dma_start3A_157] : memref<250x16xf32, #tpu.memory_space<vmem>> -> memref<125x16xf32, #tpu.memory_space<vmem>>
      %dma_start3A_159 = arith.constant 0 : i32
      %dma_start3A_160 = tpu.memref_slice %arg8[%arg0, %add3A_121, %dma_start3A_159] : memref<2x10000x16xf32, #tpu.memory_space<hbm>> -> memref<1x125x16xf32, #tpu.memory_space<hbm>>
      %dma_start3A_161 = tpu.memref_squeeze %dma_start3A_160 : memref<1x125x16xf32, #tpu.memory_space<hbm>> -> memref<125x16xf32, #tpu.memory_space<hbm>>
      %dma_start3A_162 = arith.constant 0 : i32
      %dma_start3A_163 = tpu.memref_slice %arg8[%arg0, %add3A_121, %dma_start3A_162] : memref<2x10000x16xf32, #tpu.memory_space<hbm>> -> memref<1x125x16xf32, #tpu.memory_space<hbm>>
      %dma_start3A_164 = tpu.memref_squeeze %dma_start3A_163 : memref<1x125x16xf32, #tpu.memory_space<hbm>> -> memref<125x16xf32, #tpu.memory_space<hbm>>
      %dma_start3A_165 = arith.constant 0 : i32
      %dma_start3A_166 = arith.constant 0 : i32
      %dma_start3A_167 = tpu.memref_slice %arg12[%dma_start3A_165, %dma_start3A_166] : memref<250x16xf32, #tpu.memory_space<vmem>> -> memref<125x16xf32, #tpu.memory_space<vmem>>
      tpu.enqueue_dma source(%dma_start3A_167 : memref<125x16xf32, #tpu.memory_space<vmem>>) target(%dma_start3A_164 : memref<125x16xf32, #tpu.memory_space<hbm>>) target_semaphore(%run_scoped3A : memref<!tpu.dma_semaphore, #tpu.memory_space<semaphore_mem>>)
      %dma_wait3A_168 = arith.constant 0 : i32
      %dma_wait3A_169 = arith.constant 0 : i32
      %dma_wait3A_170 = tpu.memref_slice %arg12[%dma_wait3A_168, %dma_wait3A_169] : memref<250x16xf32, #tpu.memory_space<vmem>> -> memref<125x16xf32, #tpu.memory_space<vmem>>
      %dma_wait3A_171 = arith.constant 0 : i32
      %dma_wait3A_172 = tpu.memref_slice %arg8[%arg0, %add3A_121, %dma_wait3A_171] : memref<2x10000x16xf32, #tpu.memory_space<hbm>> -> memref<1x125x16xf32, #tpu.memory_space<hbm>>
      %dma_wait3A_173 = tpu.memref_squeeze %dma_wait3A_172 : memref<1x125x16xf32, #tpu.memory_space<hbm>> -> memref<125x16xf32, #tpu.memory_space<hbm>>
      %dma_wait3A_174 = arith.constant 0 : i32
      %dma_wait3A_175 = tpu.memref_slice %arg8[%arg0, %add3A_121, %dma_wait3A_174] : memref<2x10000x16xf32, #tpu.memory_space<hbm>> -> memref<1x125x16xf32, #tpu.memory_space<hbm>>
      %dma_wait3A_176 = tpu.memref_squeeze %dma_wait3A_175 : memref<1x125x16xf32, #tpu.memory_space<hbm>> -> memref<125x16xf32, #tpu.memory_space<hbm>>
      %dma_wait3A_177 = arith.constant 0 : i32
      %dma_wait3A_178 = arith.constant 0 : i32
      %dma_wait3A_179 = tpu.memref_slice %arg12[%dma_wait3A_177, %dma_wait3A_178] : memref<250x16xf32, #tpu.memory_space<vmem>> -> memref<125x16xf32, #tpu.memory_space<vmem>>
      tpu.wait_dma2 semaphore(%run_scoped3A : memref<!tpu.dma_semaphore, #tpu.memory_space<semaphore_mem>>) src(%dma_wait3A_179 : memref<125x16xf32, #tpu.memory_space<vmem>>) dst(%dma_wait3A_176 : memref<125x16xf32, #tpu.memory_space<hbm>>)
      tpu.yield
    }) : () -> ()
    %add3A_129 = arith.constant 250 : i32
    %add3A_130 = arith.addi %mul3A_0, %add3A_129 : i32
    "tpu.region"() ({
      %run_scoped3A = tpu.sem_alloc : memref<!tpu.dma_semaphore, #tpu.memory_space<semaphore_mem>>
      %dma_start3A_156 = arith.constant 0 : i32
      %dma_start3A_157 = arith.constant 0 : i32
      %dma_start3A_158 = tpu.memref_slice %arg12[%dma_start3A_156, %dma_start3A_157] : memref<250x16xf32, #tpu.memory_space<vmem>> -> memref<125x16xf32, #tpu.memory_space<vmem>>
      %dma_start3A_159 = arith.constant 0 : i32
      %dma_start3A_160 = tpu.memref_slice %arg11[%add3A_130, %dma_start3A_159] : memref<10000x16xf32, #tpu.memory_space<vmem_shared>> -> memref<125x16xf32, #tpu.memory_space<vmem_shared>>
      %dma_start3A_161 = arith.constant 0 : i32
      %dma_start3A_162 = arith.constant 0 : i32
      %dma_start3A_163 = tpu.memref_slice %arg12[%dma_start3A_161, %dma_start3A_162] : memref<250x16xf32, #tpu.memory_space<vmem>> -> memref<125x16xf32, #tpu.memory_space<vmem>>
      %dma_start3A_164 = arith.constant 0 : i32
      %dma_start3A_165 = tpu.memref_slice %arg11[%add3A_130, %dma_start3A_164] : memref<10000x16xf32, #tpu.memory_space<vmem_shared>> -> memref<125x16xf32, #tpu.memory_space<vmem_shared>>
      tpu.enqueue_dma source(%dma_start3A_165 : memref<125x16xf32, #tpu.memory_space<vmem_shared>>) target(%dma_start3A_163 : memref<125x16xf32, #tpu.memory_space<vmem>>) target_semaphore(%run_scoped3A : memref<!tpu.dma_semaphore, #tpu.memory_space<semaphore_mem>>)
      %dma_wait3A_166 = arith.constant 0 : i32
      %dma_wait3A_167 = arith.constant 0 : i32
      %dma_wait3A_168 = tpu.memref_slice %arg12[%dma_wait3A_166, %dma_wait3A_167] : memref<250x16xf32, #tpu.memory_space<vmem>> -> memref<125x16xf32, #tpu.memory_space<vmem>>
      %dma_wait3A_169 = arith.constant 0 : i32
      %dma_wait3A_170 = tpu.memref_slice %arg11[%add3A_130, %dma_wait3A_169] : memref<10000x16xf32, #tpu.memory_space<vmem_shared>> -> memref<125x16xf32, #tpu.memory_space<vmem_shared>>
      %dma_wait3A_171 = arith.constant 0 : i32
      %dma_wait3A_172 = arith.constant 0 : i32
      %dma_wait3A_173 = tpu.memref_slice %arg12[%dma_wait3A_171, %dma_wait3A_172] : memref<250x16xf32, #tpu.memory_space<vmem>> -> memref<125x16xf32, #tpu.memory_space<vmem>>
      %dma_wait3A_174 = arith.constant 0 : i32
      %dma_wait3A_175 = tpu.memref_slice %arg11[%add3A_130, %dma_wait3A_174] : memref<10000x16xf32, #tpu.memory_space<vmem_shared>> -> memref<125x16xf32, #tpu.memory_space<vmem_shared>>
      tpu.wait_dma2 semaphore(%run_scoped3A : memref<!tpu.dma_semaphore, #tpu.memory_space<semaphore_mem>>) src(%dma_wait3A_175 : memref<125x16xf32, #tpu.memory_space<vmem_shared>>) dst(%dma_wait3A_173 : memref<125x16xf32, #tpu.memory_space<vmem>>)
      tpu.yield
    }) : () -> ()
    "tpu.region"() ({
      %run_scoped3A = tpu.sem_alloc : memref<!tpu.dma_semaphore, #tpu.memory_space<semaphore_mem>>
      %dma_start3A_156 = arith.constant 0 : i32
      %dma_start3A_157 = tpu.memref_slice %arg5[%arg0, %add3A_130, %dma_start3A_156] : memref<2x10000x16xf32, #tpu.memory_space<hbm>> -> memref<1x125x16xf32, #tpu.memory_space<hbm>>
      %dma_start3A_158 = tpu.memref_squeeze %dma_start3A_157 : memref<1x125x16xf32, #tpu.memory_space<hbm>> -> memref<125x16xf32, #tpu.memory_space<hbm>>
      %dma_start3A_159 = arith.constant 0 : i32
      %dma_start3A_160 = tpu.memref_slice %arg5[%arg0, %add3A_130, %dma_start3A_159] : memref<2x10000x16xf32, #tpu.memory_space<hbm>> -> memref<1x125x16xf32, #tpu.memory_space<hbm>>
      %dma_start3A_161 = tpu.memref_squeeze %dma_start3A_160 : memref<1x125x16xf32, #tpu.memory_space<hbm>> -> memref<125x16xf32, #tpu.memory_space<hbm>>
      tpu.enqueue_dma source(%dma_start3A_161 : memref<125x16xf32, #tpu.memory_space<hbm>>) target(%arg36 : memref<125x16xf32, #tpu.memory_space<vmem>>) target_semaphore(%run_scoped3A : memref<!tpu.dma_semaphore, #tpu.memory_space<semaphore_mem>>)
      %dma_wait3A_162 = arith.constant 0 : i32
      %dma_wait3A_163 = tpu.memref_slice %arg5[%arg0, %add3A_130, %dma_wait3A_162] : memref<2x10000x16xf32, #tpu.memory_space<hbm>> -> memref<1x125x16xf32, #tpu.memory_space<hbm>>
      %dma_wait3A_164 = tpu.memref_squeeze %dma_wait3A_163 : memref<1x125x16xf32, #tpu.memory_space<hbm>> -> memref<125x16xf32, #tpu.memory_space<hbm>>
      %dma_wait3A_165 = arith.constant 0 : i32
      %dma_wait3A_166 = tpu.memref_slice %arg5[%arg0, %add3A_130, %dma_wait3A_165] : memref<2x10000x16xf32, #tpu.memory_space<hbm>> -> memref<1x125x16xf32, #tpu.memory_space<hbm>>
      %dma_wait3A_167 = tpu.memref_squeeze %dma_wait3A_166 : memref<1x125x16xf32, #tpu.memory_space<hbm>> -> memref<125x16xf32, #tpu.memory_space<hbm>>
      tpu.wait_dma2 semaphore(%run_scoped3A : memref<!tpu.dma_semaphore, #tpu.memory_space<semaphore_mem>>) src(%dma_wait3A_167 : memref<125x16xf32, #tpu.memory_space<hbm>>) dst(%arg36 : memref<125x16xf32, #tpu.memory_space<vmem>>)
      tpu.yield
    }) : () -> ()
    "tpu.region"() ({
      %run_scoped3A = tpu.sem_alloc : memref<!tpu.dma_semaphore, #tpu.memory_space<semaphore_mem>>
      %dma_start3A_156 = arith.constant 0 : i32
      %dma_start3A_157 = tpu.memref_slice %arg6[%arg0, %add3A_130, %dma_start3A_156] : memref<2x10000x16xf32, #tpu.memory_space<hbm>> -> memref<1x125x16xf32, #tpu.memory_space<hbm>>
      %dma_start3A_158 = tpu.memref_squeeze %dma_start3A_157 : memref<1x125x16xf32, #tpu.memory_space<hbm>> -> memref<125x16xf32, #tpu.memory_space<hbm>>
      %dma_start3A_159 = arith.constant 0 : i32
      %dma_start3A_160 = tpu.memref_slice %arg6[%arg0, %add3A_130, %dma_start3A_159] : memref<2x10000x16xf32, #tpu.memory_space<hbm>> -> memref<1x125x16xf32, #tpu.memory_space<hbm>>
      %dma_start3A_161 = tpu.memref_squeeze %dma_start3A_160 : memref<1x125x16xf32, #tpu.memory_space<hbm>> -> memref<125x16xf32, #tpu.memory_space<hbm>>
      tpu.enqueue_dma source(%dma_start3A_161 : memref<125x16xf32, #tpu.memory_space<hbm>>) target(%arg37 : memref<125x16xf32, #tpu.memory_space<vmem>>) target_semaphore(%run_scoped3A : memref<!tpu.dma_semaphore, #tpu.memory_space<semaphore_mem>>)
      %dma_wait3A_162 = arith.constant 0 : i32
      %dma_wait3A_163 = tpu.memref_slice %arg6[%arg0, %add3A_130, %dma_wait3A_162] : memref<2x10000x16xf32, #tpu.memory_space<hbm>> -> memref<1x125x16xf32, #tpu.memory_space<hbm>>
      %dma_wait3A_164 = tpu.memref_squeeze %dma_wait3A_163 : memref<1x125x16xf32, #tpu.memory_space<hbm>> -> memref<125x16xf32, #tpu.memory_space<hbm>>
      %dma_wait3A_165 = arith.constant 0 : i32
      %dma_wait3A_166 = tpu.memref_slice %arg6[%arg0, %add3A_130, %dma_wait3A_165] : memref<2x10000x16xf32, #tpu.memory_space<hbm>> -> memref<1x125x16xf32, #tpu.memory_space<hbm>>
      %dma_wait3A_167 = tpu.memref_squeeze %dma_wait3A_166 : memref<1x125x16xf32, #tpu.memory_space<hbm>> -> memref<125x16xf32, #tpu.memory_space<hbm>>
      tpu.wait_dma2 semaphore(%run_scoped3A : memref<!tpu.dma_semaphore, #tpu.memory_space<semaphore_mem>>) src(%dma_wait3A_167 : memref<125x16xf32, #tpu.memory_space<hbm>>) dst(%arg37 : memref<125x16xf32, #tpu.memory_space<vmem>>)
      tpu.yield
    }) : () -> ()
    %scan3A_131 = arith.constant 0 : i32
    %scan3A_132 = arith.constant 0 : i32
    %scan3A_133 = arith.constant 125 : i32
    %scan3A_134 = arith.addi %scan3A_132, %scan3A_133 : i32
    %scan3A_135 = arith.constant 1 : i32
    %scan3A_136 = scf.for %scan3A_156 = %scan3A_132 to %scan3A_134 step %scan3A_135 iter_args(%scan3A_157 = %scan3A_131) -> (i32)  : i32 {
      %get3A_158 = arith.index_cast %scan3A_156 : i32 to index
      %get3A_159 = arith.constant 0 : index
      %get3A_160 = tpu.vector_load %arg12[%get3A_158, %get3A_159] {strides = array<i32>} : memref<250x16xf32, #tpu.memory_space<vmem>>, vector<1x16xf32>,
      %get3A_161 = vector.shape_cast %get3A_160 : vector<1x16xf32> to vector<16xf32>
      %get3A_162 = arith.index_cast %scan3A_156 : i32 to index
      %get3A_163 = arith.constant 0 : index
      %get3A_164 = tpu.vector_load %arg36[%get3A_162, %get3A_163] {strides = array<i32>} : memref<125x16xf32, #tpu.memory_space<vmem>>, vector<1x16xf32>,
      %get3A_165 = vector.shape_cast %get3A_164 : vector<1x16xf32> to vector<16xf32>
      %mul3A_166 = arith.mulf %get3A_161, %get3A_165 : vector<16xf32>
      %add3A_167 = arith.addf %mul3A_166, %get3A_110 : vector<16xf32>
      %get3A_168 = arith.index_cast %scan3A_156 : i32 to index
      %get3A_169 = arith.constant 0 : index
      %get3A_170 = tpu.vector_load %arg37[%get3A_168, %get3A_169] {strides = array<i32>} : memref<125x16xf32, #tpu.memory_space<vmem>>, vector<1x16xf32>,
      %get3A_171 = vector.shape_cast %get3A_170 : vector<1x16xf32> to vector<16xf32>
      %add3A_172 = arith.addf %add3A_167, %get3A_171 : vector<16xf32>
      %max3A = arith.constant 0.000000e+00 : f32
      %max3A_173 = vector.broadcast %max3A : f32 to vector<16xf32>
      %max3A_174 = arith.maximumf %add3A_172, %max3A_173 : vector<16xf32>
      %swap3A = arith.index_cast %scan3A_156 : i32 to index
      %swap3A_175 = arith.constant 0 : index
      %swap3A_176 = tpu.vector_load %arg12[%swap3A, %swap3A_175] {strides = array<i32>} : memref<250x16xf32, #tpu.memory_space<vmem>>, vector<1x16xf32>,
      %swap3A_177 = vector.shape_cast %swap3A_176 : vector<1x16xf32> to vector<16xf32>
      %swap3A_178 = vector.shape_cast %max3A_174 : vector<16xf32> to vector<1x16xf32>
      tpu.vector_store %arg12[%swap3A, %swap3A_175], %swap3A_178 {strides = array<i32>} : memref<250x16xf32, #tpu.memory_space<vmem>>, vector<1x16xf32>,
      %scan3A_179 = arith.constant 0 : i32
      scf.yield %scan3A_179 : i32
    }
    %scan3A_137 = arith.constant 125 : i32
    "tpu.region"() ({
      %run_scoped3A = tpu.sem_alloc : memref<!tpu.dma_semaphore, #tpu.memory_space<semaphore_mem>>
      %dma_start3A_156 = arith.constant 0 : i32
      %dma_start3A_157 = arith.constant 0 : i32
      %dma_start3A_158 = tpu.memref_slice %arg12[%dma_start3A_156, %dma_start3A_157] : memref<250x16xf32, #tpu.memory_space<vmem>> -> memref<125x16xf32, #tpu.memory_space<vmem>>
      %dma_start3A_159 = arith.constant 0 : i32
      %dma_start3A_160 = tpu.memref_slice %arg8[%arg0, %add3A_130, %dma_start3A_159] : memref<2x10000x16xf32, #tpu.memory_space<hbm>> -> memref<1x125x16xf32, #tpu.memory_space<hbm>>
      %dma_start3A_161 = tpu.memref_squeeze %dma_start3A_160 : memref<1x125x16xf32, #tpu.memory_space<hbm>> -> memref<125x16xf32, #tpu.memory_space<hbm>>
      %dma_start3A_162 = arith.constant 0 : i32
      %dma_start3A_163 = tpu.memref_slice %arg8[%arg0, %add3A_130, %dma_start3A_162] : memref<2x10000x16xf32, #tpu.memory_space<hbm>> -> memref<1x125x16xf32, #tpu.memory_space<hbm>>
      %dma_start3A_164 = tpu.memref_squeeze %dma_start3A_163 : memref<1x125x16xf32, #tpu.memory_space<hbm>> -> memref<125x16xf32, #tpu.memory_space<hbm>>
      %dma_start3A_165 = arith.constant 0 : i32
      %dma_start3A_166 = arith.constant 0 : i32
      %dma_start3A_167 = tpu.memref_slice %arg12[%dma_start3A_165, %dma_start3A_166] : memref<250x16xf32, #tpu.memory_space<vmem>> -> memref<125x16xf32, #tpu.memory_space<vmem>>
      tpu.enqueue_dma source(%dma_start3A_167 : memref<125x16xf32, #tpu.memory_space<vmem>>) target(%dma_start3A_164 : memref<125x16xf32, #tpu.memory_space<hbm>>) target_semaphore(%run_scoped3A : memref<!tpu.dma_semaphore, #tpu.memory_space<semaphore_mem>>)
      %dma_wait3A_168 = arith.constant 0 : i32
      %dma_wait3A_169 = arith.constant 0 : i32
      %dma_wait3A_170 = tpu.memref_slice %arg12[%dma_wait3A_168, %dma_wait3A_169] : memref<250x16xf32, #tpu.memory_space<vmem>> -> memref<125x16xf32, #tpu.memory_space<vmem>>
      %dma_wait3A_171 = arith.constant 0 : i32
      %dma_wait3A_172 = tpu.memref_slice %arg8[%arg0, %add3A_130, %dma_wait3A_171] : memref<2x10000x16xf32, #tpu.memory_space<hbm>> -> memref<1x125x16xf32, #tpu.memory_space<hbm>>
      %dma_wait3A_173 = tpu.memref_squeeze %dma_wait3A_172 : memref<1x125x16xf32, #tpu.memory_space<hbm>> -> memref<125x16xf32, #tpu.memory_space<hbm>>
      %dma_wait3A_174 = arith.constant 0 : i32
      %dma_wait3A_175 = tpu.memref_slice %arg8[%arg0, %add3A_130, %dma_wait3A_174] : memref<2x10000x16xf32, #tpu.memory_space<hbm>> -> memref<1x125x16xf32, #tpu.memory_space<hbm>>
      %dma_wait3A_176 = tpu.memref_squeeze %dma_wait3A_175 : memref<1x125x16xf32, #tpu.memory_space<hbm>> -> memref<125x16xf32, #tpu.memory_space<hbm>>
      %dma_wait3A_177 = arith.constant 0 : i32
      %dma_wait3A_178 = arith.constant 0 : i32
      %dma_wait3A_179 = tpu.memref_slice %arg12[%dma_wait3A_177, %dma_wait3A_178] : memref<250x16xf32, #tpu.memory_space<vmem>> -> memref<125x16xf32, #tpu.memory_space<vmem>>
      tpu.wait_dma2 semaphore(%run_scoped3A : memref<!tpu.dma_semaphore, #tpu.memory_space<semaphore_mem>>) src(%dma_wait3A_179 : memref<125x16xf32, #tpu.memory_space<vmem>>) dst(%dma_wait3A_176 : memref<125x16xf32, #tpu.memory_space<hbm>>)
      tpu.yield
    }) : () -> ()
    %add3A_138 = arith.constant 375 : i32
    %add3A_139 = arith.addi %mul3A_0, %add3A_138 : i32
    "tpu.region"() ({
      %run_scoped3A = tpu.sem_alloc : memref<!tpu.dma_semaphore, #tpu.memory_space<semaphore_mem>>
      %dma_start3A_156 = arith.constant 0 : i32
      %dma_start3A_157 = arith.constant 0 : i32
      %dma_start3A_158 = tpu.memref_slice %arg12[%dma_start3A_156, %dma_start3A_157] : memref<250x16xf32, #tpu.memory_space<vmem>> -> memref<125x16xf32, #tpu.memory_space<vmem>>
      %dma_start3A_159 = arith.constant 0 : i32
      %dma_start3A_160 = tpu.memref_slice %arg11[%add3A_139, %dma_start3A_159] : memref<10000x16xf32, #tpu.memory_space<vmem_shared>> -> memref<125x16xf32, #tpu.memory_space<vmem_shared>>
      %dma_start3A_161 = arith.constant 0 : i32
      %dma_start3A_162 = arith.constant 0 : i32
      %dma_start3A_163 = tpu.memref_slice %arg12[%dma_start3A_161, %dma_start3A_162] : memref<250x16xf32, #tpu.memory_space<vmem>> -> memref<125x16xf32, #tpu.memory_space<vmem>>
      %dma_start3A_164 = arith.constant 0 : i32
      %dma_start3A_165 = tpu.memref_slice %arg11[%add3A_139, %dma_start3A_164] : memref<10000x16xf32, #tpu.memory_space<vmem_shared>> -> memref<125x16xf32, #tpu.memory_space<vmem_shared>>
      tpu.enqueue_dma source(%dma_start3A_165 : memref<125x16xf32, #tpu.memory_space<vmem_shared>>) target(%dma_start3A_163 : memref<125x16xf32, #tpu.memory_space<vmem>>) target_semaphore(%run_scoped3A : memref<!tpu.dma_semaphore, #tpu.memory_space<semaphore_mem>>)
      %dma_wait3A_166 = arith.constant 0 : i32
      %dma_wait3A_167 = arith.constant 0 : i32
      %dma_wait3A_168 = tpu.memref_slice %arg12[%dma_wait3A_166, %dma_wait3A_167] : memref<250x16xf32, #tpu.memory_space<vmem>> -> memref<125x16xf32, #tpu.memory_space<vmem>>
      %dma_wait3A_169 = arith.constant 0 : i32
      %dma_wait3A_170 = tpu.memref_slice %arg11[%add3A_139, %dma_wait3A_169] : memref<10000x16xf32, #tpu.memory_space<vmem_shared>> -> memref<125x16xf32, #tpu.memory_space<vmem_shared>>
      %dma_wait3A_171 = arith.constant 0 : i32
      %dma_wait3A_172 = arith.constant 0 : i32
      %dma_wait3A_173 = tpu.memref_slice %arg12[%dma_wait3A_171, %dma_wait3A_172] : memref<250x16xf32, #tpu.memory_space<vmem>> -> memref<125x16xf32, #tpu.memory_space<vmem>>
      %dma_wait3A_174 = arith.constant 0 : i32
      %dma_wait3A_175 = tpu.memref_slice %arg11[%add3A_139, %dma_wait3A_174] : memref<10000x16xf32, #tpu.memory_space<vmem_shared>> -> memref<125x16xf32, #tpu.memory_space<vmem_shared>>
      tpu.wait_dma2 semaphore(%run_scoped3A : memref<!tpu.dma_semaphore, #tpu.memory_space<semaphore_mem>>) src(%dma_wait3A_175 : memref<125x16xf32, #tpu.memory_space<vmem_shared>>) dst(%dma_wait3A_173 : memref<125x16xf32, #tpu.memory_space<vmem>>)
      tpu.yield
    }) : () -> ()
    "tpu.region"() ({
      %run_scoped3A = tpu.sem_alloc : memref<!tpu.dma_semaphore, #tpu.memory_space<semaphore_mem>>
      %dma_start3A_156 = arith.constant 0 : i32
      %dma_start3A_157 = tpu.memref_slice %arg5[%arg0, %add3A_139, %dma_start3A_156] : memref<2x10000x16xf32, #tpu.memory_space<hbm>> -> memref<1x125x16xf32, #tpu.memory_space<hbm>>
      %dma_start3A_158 = tpu.memref_squeeze %dma_start3A_157 : memref<1x125x16xf32, #tpu.memory_space<hbm>> -> memref<125x16xf32, #tpu.memory_space<hbm>>
      %dma_start3A_159 = arith.constant 0 : i32
      %dma_start3A_160 = tpu.memref_slice %arg5[%arg0, %add3A_139, %dma_start3A_159] : memref<2x10000x16xf32, #tpu.memory_space<hbm>> -> memref<1x125x16xf32, #tpu.memory_space<hbm>>
      %dma_start3A_161 = tpu.memref_squeeze %dma_start3A_160 : memref<1x125x16xf32, #tpu.memory_space<hbm>> -> memref<125x16xf32, #tpu.memory_space<hbm>>
      tpu.enqueue_dma source(%dma_start3A_161 : memref<125x16xf32, #tpu.memory_space<hbm>>) target(%arg36 : memref<125x16xf32, #tpu.memory_space<vmem>>) target_semaphore(%run_scoped3A : memref<!tpu.dma_semaphore, #tpu.memory_space<semaphore_mem>>)
      %dma_wait3A_162 = arith.constant 0 : i32
      %dma_wait3A_163 = tpu.memref_slice %arg5[%arg0, %add3A_139, %dma_wait3A_162] : memref<2x10000x16xf32, #tpu.memory_space<hbm>> -> memref<1x125x16xf32, #tpu.memory_space<hbm>>
      %dma_wait3A_164 = tpu.memref_squeeze %dma_wait3A_163 : memref<1x125x16xf32, #tpu.memory_space<hbm>> -> memref<125x16xf32, #tpu.memory_space<hbm>>
      %dma_wait3A_165 = arith.constant 0 : i32
      %dma_wait3A_166 = tpu.memref_slice %arg5[%arg0, %add3A_139, %dma_wait3A_165] : memref<2x10000x16xf32, #tpu.memory_space<hbm>> -> memref<1x125x16xf32, #tpu.memory_space<hbm>>
      %dma_wait3A_167 = tpu.memref_squeeze %dma_wait3A_166 : memref<1x125x16xf32, #tpu.memory_space<hbm>> -> memref<125x16xf32, #tpu.memory_space<hbm>>
      tpu.wait_dma2 semaphore(%run_scoped3A : memref<!tpu.dma_semaphore, #tpu.memory_space<semaphore_mem>>) src(%dma_wait3A_167 : memref<125x16xf32, #tpu.memory_space<hbm>>) dst(%arg36 : memref<125x16xf32, #tpu.memory_space<vmem>>)
      tpu.yield
    }) : () -> ()
    "tpu.region"() ({
      %run_scoped3A = tpu.sem_alloc : memref<!tpu.dma_semaphore, #tpu.memory_space<semaphore_mem>>
      %dma_start3A_156 = arith.constant 0 : i32
      %dma_start3A_157 = tpu.memref_slice %arg6[%arg0, %add3A_139, %dma_start3A_156] : memref<2x10000x16xf32, #tpu.memory_space<hbm>> -> memref<1x125x16xf32, #tpu.memory_space<hbm>>
      %dma_start3A_158 = tpu.memref_squeeze %dma_start3A_157 : memref<1x125x16xf32, #tpu.memory_space<hbm>> -> memref<125x16xf32, #tpu.memory_space<hbm>>
      %dma_start3A_159 = arith.constant 0 : i32
      %dma_start3A_160 = tpu.memref_slice %arg6[%arg0, %add3A_139, %dma_start3A_159] : memref<2x10000x16xf32, #tpu.memory_space<hbm>> -> memref<1x125x16xf32, #tpu.memory_space<hbm>>
      %dma_start3A_161 = tpu.memref_squeeze %dma_start3A_160 : memref<1x125x16xf32, #tpu.memory_space<hbm>> -> memref<125x16xf32, #tpu.memory_space<hbm>>
      tpu.enqueue_dma source(%dma_start3A_161 : memref<125x16xf32, #tpu.memory_space<hbm>>) target(%arg37 : memref<125x16xf32, #tpu.memory_space<vmem>>) target_semaphore(%run_scoped3A : memref<!tpu.dma_semaphore, #tpu.memory_space<semaphore_mem>>)
      %dma_wait3A_162 = arith.constant 0 : i32
      %dma_wait3A_163 = tpu.memref_slice %arg6[%arg0, %add3A_139, %dma_wait3A_162] : memref<2x10000x16xf32, #tpu.memory_space<hbm>> -> memref<1x125x16xf32, #tpu.memory_space<hbm>>
      %dma_wait3A_164 = tpu.memref_squeeze %dma_wait3A_163 : memref<1x125x16xf32, #tpu.memory_space<hbm>> -> memref<125x16xf32, #tpu.memory_space<hbm>>
      %dma_wait3A_165 = arith.constant 0 : i32
      %dma_wait3A_166 = tpu.memref_slice %arg6[%arg0, %add3A_139, %dma_wait3A_165] : memref<2x10000x16xf32, #tpu.memory_space<hbm>> -> memref<1x125x16xf32, #tpu.memory_space<hbm>>
      %dma_wait3A_167 = tpu.memref_squeeze %dma_wait3A_166 : memref<1x125x16xf32, #tpu.memory_space<hbm>> -> memref<125x16xf32, #tpu.memory_space<hbm>>
      tpu.wait_dma2 semaphore(%run_scoped3A : memref<!tpu.dma_semaphore, #tpu.memory_space<semaphore_mem>>) src(%dma_wait3A_167 : memref<125x16xf32, #tpu.memory_space<hbm>>) dst(%arg37 : memref<125x16xf32, #tpu.memory_space<vmem>>)
      tpu.yield
    }) : () -> ()
    %scan3A_140 = arith.constant 0 : i32
    %scan3A_141 = arith.constant 0 : i32
    %scan3A_142 = arith.constant 125 : i32
    %scan3A_143 = arith.addi %scan3A_141, %scan3A_142 : i32
    %scan3A_144 = arith.constant 1 : i32
    %scan3A_145 = scf.for %scan3A_156 = %scan3A_141 to %scan3A_143 step %scan3A_144 iter_args(%scan3A_157 = %scan3A_140) -> (i32)  : i32 {
      %get3A_158 = arith.index_cast %scan3A_156 : i32 to index
      %get3A_159 = arith.constant 0 : index
      %get3A_160 = tpu.vector_load %arg12[%get3A_158, %get3A_159] {strides = array<i32>} : memref<250x16xf32, #tpu.memory_space<vmem>>, vector<1x16xf32>,
      %get3A_161 = vector.shape_cast %get3A_160 : vector<1x16xf32> to vector<16xf32>
      %get3A_162 = arith.index_cast %scan3A_156 : i32 to index
      %get3A_163 = arith.constant 0 : index
      %get3A_164 = tpu.vector_load %arg36[%get3A_162, %get3A_163] {strides = array<i32>} : memref<125x16xf32, #tpu.memory_space<vmem>>, vector<1x16xf32>,
      %get3A_165 = vector.shape_cast %get3A_164 : vector<1x16xf32> to vector<16xf32>
      %mul3A_166 = arith.mulf %get3A_161, %get3A_165 : vector<16xf32>
      %add3A_167 = arith.addf %mul3A_166, %get3A_110 : vector<16xf32>
      %get3A_168 = arith.index_cast %scan3A_156 : i32 to index
      %get3A_169 = arith.constant 0 : index
      %get3A_170 = tpu.vector_load %arg37[%get3A_168, %get3A_169] {strides = array<i32>} : memref<125x16xf32, #tpu.memory_space<vmem>>, vector<1x16xf32>,
      %get3A_171 = vector.shape_cast %get3A_170 : vector<1x16xf32> to vector<16xf32>
      %add3A_172 = arith.addf %add3A_167, %get3A_171 : vector<16xf32>
      %max3A = arith.constant 0.000000e+00 : f32
      %max3A_173 = vector.broadcast %max3A : f32 to vector<16xf32>
      %max3A_174 = arith.maximumf %add3A_172, %max3A_173 : vector<16xf32>
      %swap3A = arith.index_cast %scan3A_156 : i32 to index
      %swap3A_175 = arith.constant 0 : index
      %swap3A_176 = tpu.vector_load %arg12[%swap3A, %swap3A_175] {strides = array<i32>} : memref<250x16xf32, #tpu.memory_space<vmem>>, vector<1x16xf32>,
      %swap3A_177 = vector.shape_cast %swap3A_176 : vector<1x16xf32> to vector<16xf32>
      %swap3A_178 = vector.shape_cast %max3A_174 : vector<16xf32> to vector<1x16xf32>
      tpu.vector_store %arg12[%swap3A, %swap3A_175], %swap3A_178 {strides = array<i32>} : memref<250x16xf32, #tpu.memory_space<vmem>>, vector<1x16xf32>,
      %scan3A_179 = arith.constant 0 : i32
      scf.yield %scan3A_179 : i32
    }
    %scan3A_146 = arith.constant 125 : i32
    "tpu.region"() ({
      %run_scoped3A = tpu.sem_alloc : memref<!tpu.dma_semaphore, #tpu.memory_space<semaphore_mem>>
      %dma_start3A_156 = arith.constant 0 : i32
      %dma_start3A_157 = arith.constant 0 : i32
      %dma_start3A_158 = tpu.memref_slice %arg12[%dma_start3A_156, %dma_start3A_157] : memref<250x16xf32, #tpu.memory_space<vmem>> -> memref<125x16xf32, #tpu.memory_space<vmem>>
      %dma_start3A_159 = arith.constant 0 : i32
      %dma_start3A_160 = tpu.memref_slice %arg8[%arg0, %add3A_139, %dma_start3A_159] : memref<2x10000x16xf32, #tpu.memory_space<hbm>> -> memref<1x125x16xf32, #tpu.memory_space<hbm>>
      %dma_start3A_161 = tpu.memref_squeeze %dma_start3A_160 : memref<1x125x16xf32, #tpu.memory_space<hbm>> -> memref<125x16xf32, #tpu.memory_space<hbm>>
      %dma_start3A_162 = arith.constant 0 : i32
      %dma_start3A_163 = tpu.memref_slice %arg8[%arg0, %add3A_139, %dma_start3A_162] : memref<2x10000x16xf32, #tpu.memory_space<hbm>> -> memref<1x125x16xf32, #tpu.memory_space<hbm>>
      %dma_start3A_164 = tpu.memref_squeeze %dma_start3A_163 : memref<1x125x16xf32, #tpu.memory_space<hbm>> -> memref<125x16xf32, #tpu.memory_space<hbm>>
      %dma_start3A_165 = arith.constant 0 : i32
      %dma_start3A_166 = arith.constant 0 : i32
      %dma_start3A_167 = tpu.memref_slice %arg12[%dma_start3A_165, %dma_start3A_166] : memref<250x16xf32, #tpu.memory_space<vmem>> -> memref<125x16xf32, #tpu.memory_space<vmem>>
      tpu.enqueue_dma source(%dma_start3A_167 : memref<125x16xf32, #tpu.memory_space<vmem>>) target(%dma_start3A_164 : memref<125x16xf32, #tpu.memory_space<hbm>>) target_semaphore(%run_scoped3A : memref<!tpu.dma_semaphore, #tpu.memory_space<semaphore_mem>>)
      %dma_wait3A_168 = arith.constant 0 : i32
      %dma_wait3A_169 = arith.constant 0 : i32
      %dma_wait3A_170 = tpu.memref_slice %arg12[%dma_wait3A_168, %dma_wait3A_169] : memref<250x16xf32, #tpu.memory_space<vmem>> -> memref<125x16xf32, #tpu.memory_space<vmem>>
      %dma_wait3A_171 = arith.constant 0 : i32
      %dma_wait3A_172 = tpu.memref_slice %arg8[%arg0, %add3A_139, %dma_wait3A_171] : memref<2x10000x16xf32, #tpu.memory_space<hbm>> -> memref<1x125x16xf32, #tpu.memory_space<hbm>>
      %dma_wait3A_173 = tpu.memref_squeeze %dma_wait3A_172 : memref<1x125x16xf32, #tpu.memory_space<hbm>> -> memref<125x16xf32, #tpu.memory_space<hbm>>
      %dma_wait3A_174 = arith.constant 0 : i32
      %dma_wait3A_175 = tpu.memref_slice %arg8[%arg0, %add3A_139, %dma_wait3A_174] : memref<2x10000x16xf32, #tpu.memory_space<hbm>> -> memref<1x125x16xf32, #tpu.memory_space<hbm>>
      %dma_wait3A_176 = tpu.memref_squeeze %dma_wait3A_175 : memref<1x125x16xf32, #tpu.memory_space<hbm>> -> memref<125x16xf32, #tpu.memory_space<hbm>>
      %dma_wait3A_177 = arith.constant 0 : i32
      %dma_wait3A_178 = arith.constant 0 : i32
      %dma_wait3A_179 = tpu.memref_slice %arg12[%dma_wait3A_177, %dma_wait3A_178] : memref<250x16xf32, #tpu.memory_space<vmem>> -> memref<125x16xf32, #tpu.memory_space<vmem>>
      tpu.wait_dma2 semaphore(%run_scoped3A : memref<!tpu.dma_semaphore, #tpu.memory_space<semaphore_mem>>) src(%dma_wait3A_179 : memref<125x16xf32, #tpu.memory_space<vmem>>) dst(%dma_wait3A_176 : memref<125x16xf32, #tpu.memory_space<hbm>>)
      tpu.yield
    }) : () -> ()
    %add3A_147 = arith.constant 500 : i32
    %add3A_148 = arith.addi %mul3A_0, %add3A_147 : i32
    "tpu.region"() ({
      %run_scoped3A = tpu.sem_alloc : memref<!tpu.dma_semaphore, #tpu.memory_space<semaphore_mem>>
      %dma_start3A_156 = arith.constant 0 : i32
      %dma_start3A_157 = arith.constant 0 : i32
      %dma_start3A_158 = tpu.memref_slice %arg12[%dma_start3A_156, %dma_start3A_157] : memref<250x16xf32, #tpu.memory_space<vmem>> -> memref<125x16xf32, #tpu.memory_space<vmem>>
      %dma_start3A_159 = arith.constant 0 : i32
      %dma_start3A_160 = tpu.memref_slice %arg11[%add3A_148, %dma_start3A_159] : memref<10000x16xf32, #tpu.memory_space<vmem_shared>> -> memref<125x16xf32, #tpu.memory_space<vmem_shared>>
      %dma_start3A_161 = arith.constant 0 : i32
      %dma_start3A_162 = arith.constant 0 : i32
      %dma_start3A_163 = tpu.memref_slice %arg12[%dma_start3A_161, %dma_start3A_162] : memref<250x16xf32, #tpu.memory_space<vmem>> -> memref<125x16xf32, #tpu.memory_space<vmem>>
      %dma_start3A_164 = arith.constant 0 : i32
      %dma_start3A_165 = tpu.memref_slice %arg11[%add3A_148, %dma_start3A_164] : memref<10000x16xf32, #tpu.memory_space<vmem_shared>> -> memref<125x16xf32, #tpu.memory_space<vmem_shared>>
      tpu.enqueue_dma source(%dma_start3A_165 : memref<125x16xf32, #tpu.memory_space<vmem_shared>>) target(%dma_start3A_163 : memref<125x16xf32, #tpu.memory_space<vmem>>) target_semaphore(%run_scoped3A : memref<!tpu.dma_semaphore, #tpu.memory_space<semaphore_mem>>)
      %dma_wait3A_166 = arith.constant 0 : i32
      %dma_wait3A_167 = arith.constant 0 : i32
      %dma_wait3A_168 = tpu.memref_slice %arg12[%dma_wait3A_166, %dma_wait3A_167] : memref<250x16xf32, #tpu.memory_space<vmem>> -> memref<125x16xf32, #tpu.memory_space<vmem>>
      %dma_wait3A_169 = arith.constant 0 : i32
      %dma_wait3A_170 = tpu.memref_slice %arg11[%add3A_148, %dma_wait3A_169] : memref<10000x16xf32, #tpu.memory_space<vmem_shared>> -> memref<125x16xf32, #tpu.memory_space<vmem_shared>>
      %dma_wait3A_171 = arith.constant 0 : i32
      %dma_wait3A_172 = arith.constant 0 : i32
      %dma_wait3A_173 = tpu.memref_slice %arg12[%dma_wait3A_171, %dma_wait3A_172] : memref<250x16xf32, #tpu.memory_space<vmem>> -> memref<125x16xf32, #tpu.memory_space<vmem>>
      %dma_wait3A_174 = arith.constant 0 : i32
      %dma_wait3A_175 = tpu.memref_slice %arg11[%add3A_148, %dma_wait3A_174] : memref<10000x16xf32, #tpu.memory_space<vmem_shared>> -> memref<125x16xf32, #tpu.memory_space<vmem_shared>>
      tpu.wait_dma2 semaphore(%run_scoped3A : memref<!tpu.dma_semaphore, #tpu.memory_space<semaphore_mem>>) src(%dma_wait3A_175 : memref<125x16xf32, #tpu.memory_space<vmem_shared>>) dst(%dma_wait3A_173 : memref<125x16xf32, #tpu.memory_space<vmem>>)
      tpu.yield
    }) : () -> ()
    "tpu.region"() ({
      %run_scoped3A = tpu.sem_alloc : memref<!tpu.dma_semaphore, #tpu.memory_space<semaphore_mem>>
      %dma_start3A_156 = arith.constant 0 : i32
      %dma_start3A_157 = tpu.memref_slice %arg5[%arg0, %add3A_148, %dma_start3A_156] : memref<2x10000x16xf32, #tpu.memory_space<hbm>> -> memref<1x125x16xf32, #tpu.memory_space<hbm>>
      %dma_start3A_158 = tpu.memref_squeeze %dma_start3A_157 : memref<1x125x16xf32, #tpu.memory_space<hbm>> -> memref<125x16xf32, #tpu.memory_space<hbm>>
      %dma_start3A_159 = arith.constant 0 : i32
      %dma_start3A_160 = tpu.memref_slice %arg5[%arg0, %add3A_148, %dma_start3A_159] : memref<2x10000x16xf32, #tpu.memory_space<hbm>> -> memref<1x125x16xf32, #tpu.memory_space<hbm>>
      %dma_start3A_161 = tpu.memref_squeeze %dma_start3A_160 : memref<1x125x16xf32, #tpu.memory_space<hbm>> -> memref<125x16xf32, #tpu.memory_space<hbm>>
      tpu.enqueue_dma source(%dma_start3A_161 : memref<125x16xf32, #tpu.memory_space<hbm>>) target(%arg36 : memref<125x16xf32, #tpu.memory_space<vmem>>) target_semaphore(%run_scoped3A : memref<!tpu.dma_semaphore, #tpu.memory_space<semaphore_mem>>)
      %dma_wait3A_162 = arith.constant 0 : i32
      %dma_wait3A_163 = tpu.memref_slice %arg5[%arg0, %add3A_148, %dma_wait3A_162] : memref<2x10000x16xf32, #tpu.memory_space<hbm>> -> memref<1x125x16xf32, #tpu.memory_space<hbm>>
      %dma_wait3A_164 = tpu.memref_squeeze %dma_wait3A_163 : memref<1x125x16xf32, #tpu.memory_space<hbm>> -> memref<125x16xf32, #tpu.memory_space<hbm>>
      %dma_wait3A_165 = arith.constant 0 : i32
      %dma_wait3A_166 = tpu.memref_slice %arg5[%arg0, %add3A_148, %dma_wait3A_165] : memref<2x10000x16xf32, #tpu.memory_space<hbm>> -> memref<1x125x16xf32, #tpu.memory_space<hbm>>
      %dma_wait3A_167 = tpu.memref_squeeze %dma_wait3A_166 : memref<1x125x16xf32, #tpu.memory_space<hbm>> -> memref<125x16xf32, #tpu.memory_space<hbm>>
      tpu.wait_dma2 semaphore(%run_scoped3A : memref<!tpu.dma_semaphore, #tpu.memory_space<semaphore_mem>>) src(%dma_wait3A_167 : memref<125x16xf32, #tpu.memory_space<hbm>>) dst(%arg36 : memref<125x16xf32, #tpu.memory_space<vmem>>)
      tpu.yield
    }) : () -> ()
    "tpu.region"() ({
      %run_scoped3A = tpu.sem_alloc : memref<!tpu.dma_semaphore, #tpu.memory_space<semaphore_mem>>
      %dma_start3A_156 = arith.constant 0 : i32
      %dma_start3A_157 = tpu.memref_slice %arg6[%arg0, %add3A_148, %dma_start3A_156] : memref<2x10000x16xf32, #tpu.memory_space<hbm>> -> memref<1x125x16xf32, #tpu.memory_space<hbm>>
      %dma_start3A_158 = tpu.memref_squeeze %dma_start3A_157 : memref<1x125x16xf32, #tpu.memory_space<hbm>> -> memref<125x16xf32, #tpu.memory_space<hbm>>
      %dma_start3A_159 = arith.constant 0 : i32
      %dma_start3A_160 = tpu.memref_slice %arg6[%arg0, %add3A_148, %dma_start3A_159] : memref<2x10000x16xf32, #tpu.memory_space<hbm>> -> memref<1x125x16xf32, #tpu.memory_space<hbm>>
      %dma_start3A_161 = tpu.memref_squeeze %dma_start3A_160 : memref<1x125x16xf32, #tpu.memory_space<hbm>> -> memref<125x16xf32, #tpu.memory_space<hbm>>
      tpu.enqueue_dma source(%dma_start3A_161 : memref<125x16xf32, #tpu.memory_space<hbm>>) target(%arg37 : memref<125x16xf32, #tpu.memory_space<vmem>>) target_semaphore(%run_scoped3A : memref<!tpu.dma_semaphore, #tpu.memory_space<semaphore_mem>>)
      %dma_wait3A_162 = arith.constant 0 : i32
      %dma_wait3A_163 = tpu.memref_slice %arg6[%arg0, %add3A_148, %dma_wait3A_162] : memref<2x10000x16xf32, #tpu.memory_space<hbm>> -> memref<1x125x16xf32, #tpu.memory_space<hbm>>
      %dma_wait3A_164 = tpu.memref_squeeze %dma_wait3A_163 : memref<1x125x16xf32, #tpu.memory_space<hbm>> -> memref<125x16xf32, #tpu.memory_space<hbm>>
      %dma_wait3A_165 = arith.constant 0 : i32
      %dma_wait3A_166 = tpu.memref_slice %arg6[%arg0, %add3A_148, %dma_wait3A_165] : memref<2x10000x16xf32, #tpu.memory_space<hbm>> -> memref<1x125x16xf32, #tpu.memory_space<hbm>>
      %dma_wait3A_167 = tpu.memref_squeeze %dma_wait3A_166 : memref<1x125x16xf32, #tpu.memory_space<hbm>> -> memref<125x16xf32, #tpu.memory_space<hbm>>
      tpu.wait_dma2 semaphore(%run_scoped3A : memref<!tpu.dma_semaphore, #tpu.memory_space<semaphore_mem>>) src(%dma_wait3A_167 : memref<125x16xf32, #tpu.memory_space<hbm>>) dst(%arg37 : memref<125x16xf32, #tpu.memory_space<vmem>>)
      tpu.yield
    }) : () -> ()
    %scan3A_149 = arith.constant 0 : i32
    %scan3A_150 = arith.constant 0 : i32
    %scan3A_151 = arith.constant 125 : i32
    %scan3A_152 = arith.addi %scan3A_150, %scan3A_151 : i32
    %scan3A_153 = arith.constant 1 : i32
    %scan3A_154 = scf.for %scan3A_156 = %scan3A_150 to %scan3A_152 step %scan3A_153 iter_args(%scan3A_157 = %scan3A_149) -> (i32)  : i32 {
      %get3A_158 = arith.index_cast %scan3A_156 : i32 to index
      %get3A_159 = arith.constant 0 : index
      %get3A_160 = tpu.vector_load %arg12[%get3A_158, %get3A_159] {strides = array<i32>} : memref<250x16xf32, #tpu.memory_space<vmem>>, vector<1x16xf32>,
      %get3A_161 = vector.shape_cast %get3A_160 : vector<1x16xf32> to vector<16xf32>
      %get3A_162 = arith.index_cast %scan3A_156 : i32 to index
      %get3A_163 = arith.constant 0 : index
      %get3A_164 = tpu.vector_load %arg36[%get3A_162, %get3A_163] {strides = array<i32>} : memref<125x16xf32, #tpu.memory_space<vmem>>, vector<1x16xf32>,
      %get3A_165 = vector.shape_cast %get3A_164 : vector<1x16xf32> to vector<16xf32>
      %mul3A_166 = arith.mulf %get3A_161, %get3A_165 : vector<16xf32>
      %add3A_167 = arith.addf %mul3A_166, %get3A_110 : vector<16xf32>
      %get3A_168 = arith.index_cast %scan3A_156 : i32 to index
      %get3A_169 = arith.constant 0 : index
      %get3A_170 = tpu.vector_load %arg37[%get3A_168, %get3A_169] {strides = array<i32>} : memref<125x16xf32, #tpu.memory_space<vmem>>, vector<1x16xf32>,
      %get3A_171 = vector.shape_cast %get3A_170 : vector<1x16xf32> to vector<16xf32>
      %add3A_172 = arith.addf %add3A_167, %get3A_171 : vector<16xf32>
      %max3A = arith.constant 0.000000e+00 : f32
      %max3A_173 = vector.broadcast %max3A : f32 to vector<16xf32>
      %max3A_174 = arith.maximumf %add3A_172, %max3A_173 : vector<16xf32>
      %swap3A = arith.index_cast %scan3A_156 : i32 to index
      %swap3A_175 = arith.constant 0 : index
      %swap3A_176 = tpu.vector_load %arg12[%swap3A, %swap3A_175] {strides = array<i32>} : memref<250x16xf32, #tpu.memory_space<vmem>>, vector<1x16xf32>,
      %swap3A_177 = vector.shape_cast %swap3A_176 : vector<1x16xf32> to vector<16xf32>
      %swap3A_178 = vector.shape_cast %max3A_174 : vector<16xf32> to vector<1x16xf32>
      tpu.vector_store %arg12[%swap3A, %swap3A_175], %swap3A_178 {strides = array<i32>} : memref<250x16xf32, #tpu.memory_space<vmem>>, vector<1x16xf32>,
      %scan3A_179 = arith.constant 0 : i32
      scf.yield %scan3A_179 : i32
    }
    %scan3A_155 = arith.constant 125 : i32
    "tpu.region"() ({
      %run_scoped3A = tpu.sem_alloc : memref<!tpu.dma_semaphore, #tpu.memory_space<semaphore_mem>>
      %dma_start3A_156 = arith.constant 0 : i32
      %dma_start3A_157 = arith.constant 0 : i32
      %dma_start3A_158 = tpu.memref_slice %arg12[%dma_start3A_156, %dma_start3A_157] : memref<250x16xf32, #tpu.memory_space<vmem>> -> memref<125x16xf32, #tpu.memory_space<vmem>>
      %dma_start3A_159 = arith.constant 0 : i32
      %dma_start3A_160 = tpu.memref_slice %arg8[%arg0, %add3A_148, %dma_start3A_159] : memref<2x10000x16xf32, #tpu.memory_space<hbm>> -> memref<1x125x16xf32, #tpu.memory_space<hbm>>
      %dma_start3A_161 = tpu.memref_squeeze %dma_start3A_160 : memref<1x125x16xf32, #tpu.memory_space<hbm>> -> memref<125x16xf32, #tpu.memory_space<hbm>>
      %dma_start3A_162 = arith.constant 0 : i32
      %dma_start3A_163 = tpu.memref_slice %arg8[%arg0, %add3A_148, %dma_start3A_162] : memref<2x10000x16xf32, #tpu.memory_space<hbm>> -> memref<1x125x16xf32, #tpu.memory_space<hbm>>
      %dma_start3A_164 = tpu.memref_squeeze %dma_start3A_163 : memref<1x125x16xf32, #tpu.memory_space<hbm>> -> memref<125x16xf32, #tpu.memory_space<hbm>>
      %dma_start3A_165 = arith.constant 0 : i32
      %dma_start3A_166 = arith.constant 0 : i32
      %dma_start3A_167 = tpu.memref_slice %arg12[%dma_start3A_165, %dma_start3A_166] : memref<250x16xf32, #tpu.memory_space<vmem>> -> memref<125x16xf32, #tpu.memory_space<vmem>>
      tpu.enqueue_dma source(%dma_start3A_167 : memref<125x16xf32, #tpu.memory_space<vmem>>) target(%dma_start3A_164 : memref<125x16xf32, #tpu.memory_space<hbm>>) target_semaphore(%run_scoped3A : memref<!tpu.dma_semaphore, #tpu.memory_space<semaphore_mem>>)
      %dma_wait3A_168 = arith.constant 0 : i32
      %dma_wait3A_169 = arith.constant 0 : i32
      %dma_wait3A_170 = tpu.memref_slice %arg12[%dma_wait3A_168, %dma_wait3A_169] : memref<250x16xf32, #tpu.memory_space<vmem>> -> memref<125x16xf32, #tpu.memory_space<vmem>>
      %dma_wait3A_171 = arith.constant 0 : i32
      %dma_wait3A_172 = tpu.memref_slice %arg8[%arg0, %add3A_148, %dma_wait3A_171] : memref<2x10000x16xf32, #tpu.memory_space<hbm>> -> memref<1x125x16xf32, #tpu.memory_space<hbm>>
      %dma_wait3A_173 = tpu.memref_squeeze %dma_wait3A_172 : memref<1x125x16xf32, #tpu.memory_space<hbm>> -> memref<125x16xf32, #tpu.memory_space<hbm>>
      %dma_wait3A_174 = arith.constant 0 : i32
      %dma_wait3A_175 = tpu.memref_slice %arg8[%arg0, %add3A_148, %dma_wait3A_174] : memref<2x10000x16xf32, #tpu.memory_space<hbm>> -> memref<1x125x16xf32, #tpu.memory_space<hbm>>
      %dma_wait3A_176 = tpu.memref_squeeze %dma_wait3A_175 : memref<1x125x16xf32, #tpu.memory_space<hbm>> -> memref<125x16xf32, #tpu.memory_space<hbm>>
      %dma_wait3A_177 = arith.constant 0 : i32
      %dma_wait3A_178 = arith.constant 0 : i32
      %dma_wait3A_179 = tpu.memref_slice %arg12[%dma_wait3A_177, %dma_wait3A_178] : memref<250x16xf32, #tpu.memory_space<vmem>> -> memref<125x16xf32, #tpu.memory_space<vmem>>
      tpu.wait_dma2 semaphore(%run_scoped3A : memref<!tpu.dma_semaphore, #tpu.memory_space<semaphore_mem>>) src(%dma_wait3A_179 : memref<125x16xf32, #tpu.memory_space<vmem>>) dst(%dma_wait3A_176 : memref<125x16xf32, #tpu.memory_space<hbm>>)
      tpu.yield
    }) : () -> ()
    return
  }
}

#map = affine_map<(d0, d1) -> (0, 0)>
#map1 = affine_map<(d0, d1) -> (0, 0, 0)>
module attributes {stable_mosaic.version = 14 : i64} {
  func.func @_sc1(%arg0: i32, %arg1: i32, %arg2: memref<20000x16xf32, #tpu.memory_space<hbm>>, %arg3: memref<2x1280x250xi32, #tpu.memory_space<hbm>>, %arg4: memref<2x1280x250xi32, #tpu.memory_space<hbm>>, %arg5: memref<2x10000x16xf32, #tpu.memory_space<hbm>>, %arg6: memref<2x10000x16xf32, #tpu.memory_space<hbm>>, %arg7: memref<80x250xi32, #tpu.memory_space<vmem>>, %arg8: memref<80x250xi32, #tpu.memory_space<vmem>>, %arg9: memref<10000x16xf32, #tpu.memory_space<vmem_shared>>, %arg10: memref<250x16xf32, #tpu.memory_space<vmem>>, %arg11: memref<250x16xf32, #tpu.memory_space<vmem>>, %arg12: memref<250x16xf32, #tpu.memory_space<vmem>>, %arg13: memref<250x16xf32, #tpu.memory_space<vmem>>, %arg14: memref<250x16xf32, #tpu.memory_space<vmem>>, %arg15: memref<250x16xf32, #tpu.memory_space<vmem>>, %arg16: memref<250x16xf32, #tpu.memory_space<vmem>>, %arg17: memref<250x16xf32, #tpu.memory_space<vmem>>, %arg18: memref<!tpu.dma_semaphore, #tpu.memory_space<semaphore_mem>>, %arg19: memref<!tpu.dma_semaphore, #tpu.memory_space<semaphore_mem>>, %arg20: memref<!tpu.dma_semaphore, #tpu.memory_space<semaphore_mem>>, %arg21: memref<!tpu.dma_semaphore, #tpu.memory_space<semaphore_mem>>, %arg22: memref<!tpu.dma_semaphore, #tpu.memory_space<semaphore_mem>>, %arg23: memref<!tpu.dma_semaphore, #tpu.memory_space<semaphore_mem>>, %arg24: memref<!tpu.dma_semaphore, #tpu.memory_space<semaphore_mem>>, %arg25: memref<!tpu.dma_semaphore, #tpu.memory_space<semaphore_mem>>, %arg26: memref<!tpu.dma_semaphore, #tpu.memory_space<semaphore_mem>>, %arg27: memref<!tpu.dma_semaphore, #tpu.memory_space<semaphore_mem>>, %arg28: memref<!tpu.dma_semaphore, #tpu.memory_space<semaphore_mem>>, %arg29: memref<!tpu.dma_semaphore, #tpu.memory_space<semaphore_mem>>, %arg30: memref<!tpu.dma_semaphore, #tpu.memory_space<semaphore_mem>>, %arg31: memref<!tpu.dma_semaphore, #tpu.memory_space<semaphore_mem>>, %arg32: memref<!tpu.dma_semaphore, #tpu.memory_space<semaphore_mem>>, %arg33: memref<!tpu.dma_semaphore, #tpu.memory_space<semaphore_mem>>, %arg34: memref<250x16xf32, #tpu.memory_space<vmem>>, %arg35: memref<250x16xf32, #tpu.memory_space<vmem>>, %arg36: memref<250x16xf32, #tpu.memory_space<vmem>>, %arg37: memref<250x16xf32, #tpu.memory_space<vmem>>, %arg38: memref<250x16xf32, #tpu.memory_space<vmem>>, %arg39: memref<250x16xf32, #tpu.memory_space<vmem>>, %arg40: memref<250x16xf32, #tpu.memory_space<vmem>>, %arg41: memref<250x16xf32, #tpu.memory_space<vmem>>, %arg42: memref<!tpu.dma_semaphore, #tpu.memory_space<semaphore_mem>>, %arg43: memref<!tpu.dma_semaphore, #tpu.memory_space<semaphore_mem>>, %arg44: memref<!tpu.dma_semaphore, #tpu.memory_space<semaphore_mem>>, %arg45: memref<!tpu.dma_semaphore, #tpu.memory_space<semaphore_mem>>, %arg46: memref<!tpu.dma_semaphore, #tpu.memory_space<semaphore_mem>>, %arg47: memref<!tpu.dma_semaphore, #tpu.memory_space<semaphore_mem>>, %arg48: memref<!tpu.dma_semaphore, #tpu.memory_space<semaphore_mem>>, %arg49: memref<!tpu.dma_semaphore, #tpu.memory_space<semaphore_mem>>, %arg50: memref<10000x16xf32, #tpu.memory_space<vmem_shared>>) attributes {dimension_semantics = [#tpu.dimension_semantics<core_parallel>, #tpu.dimension_semantics<subcore_parallel>], iteration_bounds = array<i64: 2, 16>, scalar_prefetch = 0 : i64, scratch_operands = 44 : i64, tpu.core_type = #tpu.core_type<sc_vector_subcore>, window_params = [{transform_indices = #map}, {transform_indices = #map1}, {transform_indices = #map1}, {transform_indices = #map1}, {transform_indices = #map1}]} {
    %mul3A = arith.constant 625 : i32
    %mul3A_0 = arith.muli %arg1, %mul3A : i32
    %broadcast_in_dim3A = arith.constant 0.000000e+00 : f32
    %broadcast_in_dim3A_1 = vector.broadcast %broadcast_in_dim3A : f32 to vector<16xf32>
    %scan3A = arith.constant 0 : i32
    %scan3A_2 = arith.constant 0 : i32
    %scan3A_3 = arith.constant 125 : i32
    %scan3A_4 = arith.addi %scan3A_2, %scan3A_3 : i32
    %scan3A_5 = arith.constant 1 : i32
    %scan3A_6 = scf.for %scan3A_250 = %scan3A_2 to %scan3A_4 step %scan3A_5 iter_args(%scan3A_251 = %scan3A) -> (i32)  : i32 {
      %swap3A = arith.index_cast %scan3A_250 : i32 to index
      %swap3A_252 = arith.constant 0 : index
      %swap3A_253 = tpu.vector_load %arg10[%swap3A, %swap3A_252] {strides = array<i32>} : memref<250x16xf32, #tpu.memory_space<vmem>>, vector<1x16xf32>,
      %swap3A_254 = vector.shape_cast %swap3A_253 : vector<1x16xf32> to vector<16xf32>
      %swap3A_255 = vector.shape_cast %broadcast_in_dim3A_1 : vector<16xf32> to vector<1x16xf32>
      tpu.vector_store %arg10[%swap3A, %swap3A_252], %swap3A_255 {strides = array<i32>} : memref<250x16xf32, #tpu.memory_space<vmem>>, vector<1x16xf32>,
      %scan3A_256 = arith.constant 0 : i32
      scf.yield %scan3A_256 : i32
    }
    %scan3A_7 = arith.constant 125 : i32
    %add3A = arith.constant 0 : i32
    %add3A_8 = arith.addi %mul3A_0, %add3A : i32
    "tpu.region"() ({
      %run_scoped3A = tpu.sem_alloc : memref<!tpu.dma_semaphore, #tpu.memory_space<semaphore_mem>>
      %dma_start3A_250 = arith.constant 0 : i32
      %dma_start3A_251 = arith.constant 0 : i32
      %dma_start3A_252 = tpu.memref_slice %arg10[%dma_start3A_250, %dma_start3A_251] : memref<250x16xf32, #tpu.memory_space<vmem>> -> memref<125x16xf32, #tpu.memory_space<vmem>>
      %dma_start3A_253 = arith.constant 0 : i32
      %dma_start3A_254 = tpu.memref_slice %arg9[%add3A_8, %dma_start3A_253] : memref<10000x16xf32, #tpu.memory_space<vmem_shared>> -> memref<125x16xf32, #tpu.memory_space<vmem_shared>>
      %dma_start3A_255 = arith.constant 0 : i32
      %dma_start3A_256 = tpu.memref_slice %arg9[%add3A_8, %dma_start3A_255] : memref<10000x16xf32, #tpu.memory_space<vmem_shared>> -> memref<125x16xf32, #tpu.memory_space<vmem_shared>>
      %dma_start3A_257 = arith.constant 0 : i32
      %dma_start3A_258 = arith.constant 0 : i32
      %dma_start3A_259 = tpu.memref_slice %arg10[%dma_start3A_257, %dma_start3A_258] : memref<250x16xf32, #tpu.memory_space<vmem>> -> memref<125x16xf32, #tpu.memory_space<vmem>>
      tpu.enqueue_dma source(%dma_start3A_259 : memref<125x16xf32, #tpu.memory_space<vmem>>) target(%dma_start3A_256 : memref<125x16xf32, #tpu.memory_space<vmem_shared>>) target_semaphore(%run_scoped3A : memref<!tpu.dma_semaphore, #tpu.memory_space<semaphore_mem>>)
      %dma_wait3A_260 = arith.constant 0 : i32
      %dma_wait3A_261 = arith.constant 0 : i32
      %dma_wait3A_262 = tpu.memref_slice %arg10[%dma_wait3A_260, %dma_wait3A_261] : memref<250x16xf32, #tpu.memory_space<vmem>> -> memref<125x16xf32, #tpu.memory_space<vmem>>
      %dma_wait3A_263 = arith.constant 0 : i32
      %dma_wait3A_264 = tpu.memref_slice %arg9[%add3A_8, %dma_wait3A_263] : memref<10000x16xf32, #tpu.memory_space<vmem_shared>> -> memref<125x16xf32, #tpu.memory_space<vmem_shared>>
      %dma_wait3A_265 = arith.constant 0 : i32
      %dma_wait3A_266 = tpu.memref_slice %arg9[%add3A_8, %dma_wait3A_265] : memref<10000x16xf32, #tpu.memory_space<vmem_shared>> -> memref<125x16xf32, #tpu.memory_space<vmem_shared>>
      %dma_wait3A_267 = arith.constant 0 : i32
      %dma_wait3A_268 = arith.constant 0 : i32
      %dma_wait3A_269 = tpu.memref_slice %arg10[%dma_wait3A_267, %dma_wait3A_268] : memref<250x16xf32, #tpu.memory_space<vmem>> -> memref<125x16xf32, #tpu.memory_space<vmem>>
      tpu.wait_dma2 semaphore(%run_scoped3A : memref<!tpu.dma_semaphore, #tpu.memory_space<semaphore_mem>>) src(%dma_wait3A_269 : memref<125x16xf32, #tpu.memory_space<vmem>>) dst(%dma_wait3A_266 : memref<125x16xf32, #tpu.memory_space<vmem_shared>>)
      tpu.yield
    }) : () -> ()
    %add3A_9 = arith.constant 125 : i32
    %add3A_10 = arith.addi %mul3A_0, %add3A_9 : i32
    "tpu.region"() ({
      %run_scoped3A = tpu.sem_alloc : memref<!tpu.dma_semaphore, #tpu.memory_space<semaphore_mem>>
      %dma_start3A_250 = arith.constant 0 : i32
      %dma_start3A_251 = arith.constant 0 : i32
      %dma_start3A_252 = tpu.memref_slice %arg10[%dma_start3A_250, %dma_start3A_251] : memref<250x16xf32, #tpu.memory_space<vmem>> -> memref<125x16xf32, #tpu.memory_space<vmem>>
      %dma_start3A_253 = arith.constant 0 : i32
      %dma_start3A_254 = tpu.memref_slice %arg9[%add3A_10, %dma_start3A_253] : memref<10000x16xf32, #tpu.memory_space<vmem_shared>> -> memref<125x16xf32, #tpu.memory_space<vmem_shared>>
      %dma_start3A_255 = arith.constant 0 : i32
      %dma_start3A_256 = tpu.memref_slice %arg9[%add3A_10, %dma_start3A_255] : memref<10000x16xf32, #tpu.memory_space<vmem_shared>> -> memref<125x16xf32, #tpu.memory_space<vmem_shared>>
      %dma_start3A_257 = arith.constant 0 : i32
      %dma_start3A_258 = arith.constant 0 : i32
      %dma_start3A_259 = tpu.memref_slice %arg10[%dma_start3A_257, %dma_start3A_258] : memref<250x16xf32, #tpu.memory_space<vmem>> -> memref<125x16xf32, #tpu.memory_space<vmem>>
      tpu.enqueue_dma source(%dma_start3A_259 : memref<125x16xf32, #tpu.memory_space<vmem>>) target(%dma_start3A_256 : memref<125x16xf32, #tpu.memory_space<vmem_shared>>) target_semaphore(%run_scoped3A : memref<!tpu.dma_semaphore, #tpu.memory_space<semaphore_mem>>)
      %dma_wait3A_260 = arith.constant 0 : i32
      %dma_wait3A_261 = arith.constant 0 : i32
      %dma_wait3A_262 = tpu.memref_slice %arg10[%dma_wait3A_260, %dma_wait3A_261] : memref<250x16xf32, #tpu.memory_space<vmem>> -> memref<125x16xf32, #tpu.memory_space<vmem>>
      %dma_wait3A_263 = arith.constant 0 : i32
      %dma_wait3A_264 = tpu.memref_slice %arg9[%add3A_10, %dma_wait3A_263] : memref<10000x16xf32, #tpu.memory_space<vmem_shared>> -> memref<125x16xf32, #tpu.memory_space<vmem_shared>>
      %dma_wait3A_265 = arith.constant 0 : i32
      %dma_wait3A_266 = tpu.memref_slice %arg9[%add3A_10, %dma_wait3A_265] : memref<10000x16xf32, #tpu.memory_space<vmem_shared>> -> memref<125x16xf32, #tpu.memory_space<vmem_shared>>
      %dma_wait3A_267 = arith.constant 0 : i32
      %dma_wait3A_268 = arith.constant 0 : i32
      %dma_wait3A_269 = tpu.memref_slice %arg10[%dma_wait3A_267, %dma_wait3A_268] : memref<250x16xf32, #tpu.memory_space<vmem>> -> memref<125x16xf32, #tpu.memory_space<vmem>>
      tpu.wait_dma2 semaphore(%run_scoped3A : memref<!tpu.dma_semaphore, #tpu.memory_space<semaphore_mem>>) src(%dma_wait3A_269 : memref<125x16xf32, #tpu.memory_space<vmem>>) dst(%dma_wait3A_266 : memref<125x16xf32, #tpu.memory_space<vmem_shared>>)
      tpu.yield
    }) : () -> ()
    %add3A_11 = arith.constant 250 : i32
    %add3A_12 = arith.addi %mul3A_0, %add3A_11 : i32
    "tpu.region"() ({
      %run_scoped3A = tpu.sem_alloc : memref<!tpu.dma_semaphore, #tpu.memory_space<semaphore_mem>>
      %dma_start3A_250 = arith.constant 0 : i32
      %dma_start3A_251 = arith.constant 0 : i32
      %dma_start3A_252 = tpu.memref_slice %arg10[%dma_start3A_250, %dma_start3A_251] : memref<250x16xf32, #tpu.memory_space<vmem>> -> memref<125x16xf32, #tpu.memory_space<vmem>>
      %dma_start3A_253 = arith.constant 0 : i32
      %dma_start3A_254 = tpu.memref_slice %arg9[%add3A_12, %dma_start3A_253] : memref<10000x16xf32, #tpu.memory_space<vmem_shared>> -> memref<125x16xf32, #tpu.memory_space<vmem_shared>>
      %dma_start3A_255 = arith.constant 0 : i32
      %dma_start3A_256 = tpu.memref_slice %arg9[%add3A_12, %dma_start3A_255] : memref<10000x16xf32, #tpu.memory_space<vmem_shared>> -> memref<125x16xf32, #tpu.memory_space<vmem_shared>>
      %dma_start3A_257 = arith.constant 0 : i32
      %dma_start3A_258 = arith.constant 0 : i32
      %dma_start3A_259 = tpu.memref_slice %arg10[%dma_start3A_257, %dma_start3A_258] : memref<250x16xf32, #tpu.memory_space<vmem>> -> memref<125x16xf32, #tpu.memory_space<vmem>>
      tpu.enqueue_dma source(%dma_start3A_259 : memref<125x16xf32, #tpu.memory_space<vmem>>) target(%dma_start3A_256 : memref<125x16xf32, #tpu.memory_space<vmem_shared>>) target_semaphore(%run_scoped3A : memref<!tpu.dma_semaphore, #tpu.memory_space<semaphore_mem>>)
      %dma_wait3A_260 = arith.constant 0 : i32
      %dma_wait3A_261 = arith.constant 0 : i32
      %dma_wait3A_262 = tpu.memref_slice %arg10[%dma_wait3A_260, %dma_wait3A_261] : memref<250x16xf32, #tpu.memory_space<vmem>> -> memref<125x16xf32, #tpu.memory_space<vmem>>
      %dma_wait3A_263 = arith.constant 0 : i32
      %dma_wait3A_264 = tpu.memref_slice %arg9[%add3A_12, %dma_wait3A_263] : memref<10000x16xf32, #tpu.memory_space<vmem_shared>> -> memref<125x16xf32, #tpu.memory_space<vmem_shared>>
      %dma_wait3A_265 = arith.constant 0 : i32
      %dma_wait3A_266 = tpu.memref_slice %arg9[%add3A_12, %dma_wait3A_265] : memref<10000x16xf32, #tpu.memory_space<vmem_shared>> -> memref<125x16xf32, #tpu.memory_space<vmem_shared>>
      %dma_wait3A_267 = arith.constant 0 : i32
      %dma_wait3A_268 = arith.constant 0 : i32
      %dma_wait3A_269 = tpu.memref_slice %arg10[%dma_wait3A_267, %dma_wait3A_268] : memref<250x16xf32, #tpu.memory_space<vmem>> -> memref<125x16xf32, #tpu.memory_space<vmem>>
      tpu.wait_dma2 semaphore(%run_scoped3A : memref<!tpu.dma_semaphore, #tpu.memory_space<semaphore_mem>>) src(%dma_wait3A_269 : memref<125x16xf32, #tpu.memory_space<vmem>>) dst(%dma_wait3A_266 : memref<125x16xf32, #tpu.memory_space<vmem_shared>>)
      tpu.yield
    }) : () -> ()
    %add3A_13 = arith.constant 375 : i32
    %add3A_14 = arith.addi %mul3A_0, %add3A_13 : i32
    "tpu.region"() ({
      %run_scoped3A = tpu.sem_alloc : memref<!tpu.dma_semaphore, #tpu.memory_space<semaphore_mem>>
      %dma_start3A_250 = arith.constant 0 : i32
      %dma_start3A_251 = arith.constant 0 : i32
      %dma_start3A_252 = tpu.memref_slice %arg10[%dma_start3A_250, %dma_start3A_251] : memref<250x16xf32, #tpu.memory_space<vmem>> -> memref<125x16xf32, #tpu.memory_space<vmem>>
      %dma_start3A_253 = arith.constant 0 : i32
      %dma_start3A_254 = tpu.memref_slice %arg9[%add3A_14, %dma_start3A_253] : memref<10000x16xf32, #tpu.memory_space<vmem_shared>> -> memref<125x16xf32, #tpu.memory_space<vmem_shared>>
      %dma_start3A_255 = arith.constant 0 : i32
      %dma_start3A_256 = tpu.memref_slice %arg9[%add3A_14, %dma_start3A_255] : memref<10000x16xf32, #tpu.memory_space<vmem_shared>> -> memref<125x16xf32, #tpu.memory_space<vmem_shared>>
      %dma_start3A_257 = arith.constant 0 : i32
      %dma_start3A_258 = arith.constant 0 : i32
      %dma_start3A_259 = tpu.memref_slice %arg10[%dma_start3A_257, %dma_start3A_258] : memref<250x16xf32, #tpu.memory_space<vmem>> -> memref<125x16xf32, #tpu.memory_space<vmem>>
      tpu.enqueue_dma source(%dma_start3A_259 : memref<125x16xf32, #tpu.memory_space<vmem>>) target(%dma_start3A_256 : memref<125x16xf32, #tpu.memory_space<vmem_shared>>) target_semaphore(%run_scoped3A : memref<!tpu.dma_semaphore, #tpu.memory_space<semaphore_mem>>)
      %dma_wait3A_260 = arith.constant 0 : i32
      %dma_wait3A_261 = arith.constant 0 : i32
      %dma_wait3A_262 = tpu.memref_slice %arg10[%dma_wait3A_260, %dma_wait3A_261] : memref<250x16xf32, #tpu.memory_space<vmem>> -> memref<125x16xf32, #tpu.memory_space<vmem>>
      %dma_wait3A_263 = arith.constant 0 : i32
      %dma_wait3A_264 = tpu.memref_slice %arg9[%add3A_14, %dma_wait3A_263] : memref<10000x16xf32, #tpu.memory_space<vmem_shared>> -> memref<125x16xf32, #tpu.memory_space<vmem_shared>>
      %dma_wait3A_265 = arith.constant 0 : i32
      %dma_wait3A_266 = tpu.memref_slice %arg9[%add3A_14, %dma_wait3A_265] : memref<10000x16xf32, #tpu.memory_space<vmem_shared>> -> memref<125x16xf32, #tpu.memory_space<vmem_shared>>
      %dma_wait3A_267 = arith.constant 0 : i32
      %dma_wait3A_268 = arith.constant 0 : i32
      %dma_wait3A_269 = tpu.memref_slice %arg10[%dma_wait3A_267, %dma_wait3A_268] : memref<250x16xf32, #tpu.memory_space<vmem>> -> memref<125x16xf32, #tpu.memory_space<vmem>>
      tpu.wait_dma2 semaphore(%run_scoped3A : memref<!tpu.dma_semaphore, #tpu.memory_space<semaphore_mem>>) src(%dma_wait3A_269 : memref<125x16xf32, #tpu.memory_space<vmem>>) dst(%dma_wait3A_266 : memref<125x16xf32, #tpu.memory_space<vmem_shared>>)
      tpu.yield
    }) : () -> ()
    %add3A_15 = arith.constant 500 : i32
    %add3A_16 = arith.addi %mul3A_0, %add3A_15 : i32
    "tpu.region"() ({
      %run_scoped3A = tpu.sem_alloc : memref<!tpu.dma_semaphore, #tpu.memory_space<semaphore_mem>>
      %dma_start3A_250 = arith.constant 0 : i32
      %dma_start3A_251 = arith.constant 0 : i32
      %dma_start3A_252 = tpu.memref_slice %arg10[%dma_start3A_250, %dma_start3A_251] : memref<250x16xf32, #tpu.memory_space<vmem>> -> memref<125x16xf32, #tpu.memory_space<vmem>>
      %dma_start3A_253 = arith.constant 0 : i32
      %dma_start3A_254 = tpu.memref_slice %arg9[%add3A_16, %dma_start3A_253] : memref<10000x16xf32, #tpu.memory_space<vmem_shared>> -> memref<125x16xf32, #tpu.memory_space<vmem_shared>>
      %dma_start3A_255 = arith.constant 0 : i32
      %dma_start3A_256 = tpu.memref_slice %arg9[%add3A_16, %dma_start3A_255] : memref<10000x16xf32, #tpu.memory_space<vmem_shared>> -> memref<125x16xf32, #tpu.memory_space<vmem_shared>>
      %dma_start3A_257 = arith.constant 0 : i32
      %dma_start3A_258 = arith.constant 0 : i32
      %dma_start3A_259 = tpu.memref_slice %arg10[%dma_start3A_257, %dma_start3A_258] : memref<250x16xf32, #tpu.memory_space<vmem>> -> memref<125x16xf32, #tpu.memory_space<vmem>>
      tpu.enqueue_dma source(%dma_start3A_259 : memref<125x16xf32, #tpu.memory_space<vmem>>) target(%dma_start3A_256 : memref<125x16xf32, #tpu.memory_space<vmem_shared>>) target_semaphore(%run_scoped3A : memref<!tpu.dma_semaphore, #tpu.memory_space<semaphore_mem>>)
      %dma_wait3A_260 = arith.constant 0 : i32
      %dma_wait3A_261 = arith.constant 0 : i32
      %dma_wait3A_262 = tpu.memref_slice %arg10[%dma_wait3A_260, %dma_wait3A_261] : memref<250x16xf32, #tpu.memory_space<vmem>> -> memref<125x16xf32, #tpu.memory_space<vmem>>
      %dma_wait3A_263 = arith.constant 0 : i32
      %dma_wait3A_264 = tpu.memref_slice %arg9[%add3A_16, %dma_wait3A_263] : memref<10000x16xf32, #tpu.memory_space<vmem_shared>> -> memref<125x16xf32, #tpu.memory_space<vmem_shared>>
      %dma_wait3A_265 = arith.constant 0 : i32
      %dma_wait3A_266 = tpu.memref_slice %arg9[%add3A_16, %dma_wait3A_265] : memref<10000x16xf32, #tpu.memory_space<vmem_shared>> -> memref<125x16xf32, #tpu.memory_space<vmem_shared>>
      %dma_wait3A_267 = arith.constant 0 : i32
      %dma_wait3A_268 = arith.constant 0 : i32
      %dma_wait3A_269 = tpu.memref_slice %arg10[%dma_wait3A_267, %dma_wait3A_268] : memref<250x16xf32, #tpu.memory_space<vmem>> -> memref<125x16xf32, #tpu.memory_space<vmem>>
      tpu.wait_dma2 semaphore(%run_scoped3A : memref<!tpu.dma_semaphore, #tpu.memory_space<semaphore_mem>>) src(%dma_wait3A_269 : memref<125x16xf32, #tpu.memory_space<vmem>>) dst(%dma_wait3A_266 : memref<125x16xf32, #tpu.memory_space<vmem_shared>>)
      tpu.yield
    }) : () -> ()
    %add3A_17 = arith.constant 0 : i32
    %add3A_18 = arith.addi %mul3A_0, %add3A_17 : i32
    "tpu.region"() ({
      %run_scoped3A = tpu.sem_alloc : memref<!tpu.dma_semaphore, #tpu.memory_space<semaphore_mem>>
      %dma_start3A_250 = arith.constant 0 : i32
      %dma_start3A_251 = arith.constant 0 : i32
      %dma_start3A_252 = tpu.memref_slice %arg10[%dma_start3A_250, %dma_start3A_251] : memref<250x16xf32, #tpu.memory_space<vmem>> -> memref<125x16xf32, #tpu.memory_space<vmem>>
      %dma_start3A_253 = arith.constant 0 : i32
      %dma_start3A_254 = tpu.memref_slice %arg50[%add3A_18, %dma_start3A_253] : memref<10000x16xf32, #tpu.memory_space<vmem_shared>> -> memref<125x16xf32, #tpu.memory_space<vmem_shared>>
      %dma_start3A_255 = arith.constant 0 : i32
      %dma_start3A_256 = tpu.memref_slice %arg50[%add3A_18, %dma_start3A_255] : memref<10000x16xf32, #tpu.memory_space<vmem_shared>> -> memref<125x16xf32, #tpu.memory_space<vmem_shared>>
      %dma_start3A_257 = arith.constant 0 : i32
      %dma_start3A_258 = arith.constant 0 : i32
      %dma_start3A_259 = tpu.memref_slice %arg10[%dma_start3A_257, %dma_start3A_258] : memref<250x16xf32, #tpu.memory_space<vmem>> -> memref<125x16xf32, #tpu.memory_space<vmem>>
      tpu.enqueue_dma source(%dma_start3A_259 : memref<125x16xf32, #tpu.memory_space<vmem>>) target(%dma_start3A_256 : memref<125x16xf32, #tpu.memory_space<vmem_shared>>) target_semaphore(%run_scoped3A : memref<!tpu.dma_semaphore, #tpu.memory_space<semaphore_mem>>)
      %dma_wait3A_260 = arith.constant 0 : i32
      %dma_wait3A_261 = arith.constant 0 : i32
      %dma_wait3A_262 = tpu.memref_slice %arg10[%dma_wait3A_260, %dma_wait3A_261] : memref<250x16xf32, #tpu.memory_space<vmem>> -> memref<125x16xf32, #tpu.memory_space<vmem>>
      %dma_wait3A_263 = arith.constant 0 : i32
      %dma_wait3A_264 = tpu.memref_slice %arg50[%add3A_18, %dma_wait3A_263] : memref<10000x16xf32, #tpu.memory_space<vmem_shared>> -> memref<125x16xf32, #tpu.memory_space<vmem_shared>>
      %dma_wait3A_265 = arith.constant 0 : i32
      %dma_wait3A_266 = tpu.memref_slice %arg50[%add3A_18, %dma_wait3A_265] : memref<10000x16xf32, #tpu.memory_space<vmem_shared>> -> memref<125x16xf32, #tpu.memory_space<vmem_shared>>
      %dma_wait3A_267 = arith.constant 0 : i32
      %dma_wait3A_268 = arith.constant 0 : i32
      %dma_wait3A_269 = tpu.memref_slice %arg10[%dma_wait3A_267, %dma_wait3A_268] : memref<250x16xf32, #tpu.memory_space<vmem>> -> memref<125x16xf32, #tpu.memory_space<vmem>>
      tpu.wait_dma2 semaphore(%run_scoped3A : memref<!tpu.dma_semaphore, #tpu.memory_space<semaphore_mem>>) src(%dma_wait3A_269 : memref<125x16xf32, #tpu.memory_space<vmem>>) dst(%dma_wait3A_266 : memref<125x16xf32, #tpu.memory_space<vmem_shared>>)
      tpu.yield
    }) : () -> ()
    %add3A_19 = arith.constant 125 : i32
    %add3A_20 = arith.addi %mul3A_0, %add3A_19 : i32
    "tpu.region"() ({
      %run_scoped3A = tpu.sem_alloc : memref<!tpu.dma_semaphore, #tpu.memory_space<semaphore_mem>>
      %dma_start3A_250 = arith.constant 0 : i32
      %dma_start3A_251 = arith.constant 0 : i32
      %dma_start3A_252 = tpu.memref_slice %arg10[%dma_start3A_250, %dma_start3A_251] : memref<250x16xf32, #tpu.memory_space<vmem>> -> memref<125x16xf32, #tpu.memory_space<vmem>>
      %dma_start3A_253 = arith.constant 0 : i32
      %dma_start3A_254 = tpu.memref_slice %arg50[%add3A_20, %dma_start3A_253] : memref<10000x16xf32, #tpu.memory_space<vmem_shared>> -> memref<125x16xf32, #tpu.memory_space<vmem_shared>>
      %dma_start3A_255 = arith.constant 0 : i32
      %dma_start3A_256 = tpu.memref_slice %arg50[%add3A_20, %dma_start3A_255] : memref<10000x16xf32, #tpu.memory_space<vmem_shared>> -> memref<125x16xf32, #tpu.memory_space<vmem_shared>>
      %dma_start3A_257 = arith.constant 0 : i32
      %dma_start3A_258 = arith.constant 0 : i32
      %dma_start3A_259 = tpu.memref_slice %arg10[%dma_start3A_257, %dma_start3A_258] : memref<250x16xf32, #tpu.memory_space<vmem>> -> memref<125x16xf32, #tpu.memory_space<vmem>>
      tpu.enqueue_dma source(%dma_start3A_259 : memref<125x16xf32, #tpu.memory_space<vmem>>) target(%dma_start3A_256 : memref<125x16xf32, #tpu.memory_space<vmem_shared>>) target_semaphore(%run_scoped3A : memref<!tpu.dma_semaphore, #tpu.memory_space<semaphore_mem>>)
      %dma_wait3A_260 = arith.constant 0 : i32
      %dma_wait3A_261 = arith.constant 0 : i32
      %dma_wait3A_262 = tpu.memref_slice %arg10[%dma_wait3A_260, %dma_wait3A_261] : memref<250x16xf32, #tpu.memory_space<vmem>> -> memref<125x16xf32, #tpu.memory_space<vmem>>
      %dma_wait3A_263 = arith.constant 0 : i32
      %dma_wait3A_264 = tpu.memref_slice %arg50[%add3A_20, %dma_wait3A_263] : memref<10000x16xf32, #tpu.memory_space<vmem_shared>> -> memref<125x16xf32, #tpu.memory_space<vmem_shared>>
      %dma_wait3A_265 = arith.constant 0 : i32
      %dma_wait3A_266 = tpu.memref_slice %arg50[%add3A_20, %dma_wait3A_265] : memref<10000x16xf32, #tpu.memory_space<vmem_shared>> -> memref<125x16xf32, #tpu.memory_space<vmem_shared>>
      %dma_wait3A_267 = arith.constant 0 : i32
      %dma_wait3A_268 = arith.constant 0 : i32
      %dma_wait3A_269 = tpu.memref_slice %arg10[%dma_wait3A_267, %dma_wait3A_268] : memref<250x16xf32, #tpu.memory_space<vmem>> -> memref<125x16xf32, #tpu.memory_space<vmem>>
      tpu.wait_dma2 semaphore(%run_scoped3A : memref<!tpu.dma_semaphore, #tpu.memory_space<semaphore_mem>>) src(%dma_wait3A_269 : memref<125x16xf32, #tpu.memory_space<vmem>>) dst(%dma_wait3A_266 : memref<125x16xf32, #tpu.memory_space<vmem_shared>>)
      tpu.yield
    }) : () -> ()
    %add3A_21 = arith.constant 250 : i32
    %add3A_22 = arith.addi %mul3A_0, %add3A_21 : i32
    "tpu.region"() ({
      %run_scoped3A = tpu.sem_alloc : memref<!tpu.dma_semaphore, #tpu.memory_space<semaphore_mem>>
      %dma_start3A_250 = arith.constant 0 : i32
      %dma_start3A_251 = arith.constant 0 : i32
      %dma_start3A_252 = tpu.memref_slice %arg10[%dma_start3A_250, %dma_start3A_251] : memref<250x16xf32, #tpu.memory_space<vmem>> -> memref<125x16xf32, #tpu.memory_space<vmem>>
      %dma_start3A_253 = arith.constant 0 : i32
      %dma_start3A_254 = tpu.memref_slice %arg50[%add3A_22, %dma_start3A_253] : memref<10000x16xf32, #tpu.memory_space<vmem_shared>> -> memref<125x16xf32, #tpu.memory_space<vmem_shared>>
      %dma_start3A_255 = arith.constant 0 : i32
      %dma_start3A_256 = tpu.memref_slice %arg50[%add3A_22, %dma_start3A_255] : memref<10000x16xf32, #tpu.memory_space<vmem_shared>> -> memref<125x16xf32, #tpu.memory_space<vmem_shared>>
      %dma_start3A_257 = arith.constant 0 : i32
      %dma_start3A_258 = arith.constant 0 : i32
      %dma_start3A_259 = tpu.memref_slice %arg10[%dma_start3A_257, %dma_start3A_258] : memref<250x16xf32, #tpu.memory_space<vmem>> -> memref<125x16xf32, #tpu.memory_space<vmem>>
      tpu.enqueue_dma source(%dma_start3A_259 : memref<125x16xf32, #tpu.memory_space<vmem>>) target(%dma_start3A_256 : memref<125x16xf32, #tpu.memory_space<vmem_shared>>) target_semaphore(%run_scoped3A : memref<!tpu.dma_semaphore, #tpu.memory_space<semaphore_mem>>)
      %dma_wait3A_260 = arith.constant 0 : i32
      %dma_wait3A_261 = arith.constant 0 : i32
      %dma_wait3A_262 = tpu.memref_slice %arg10[%dma_wait3A_260, %dma_wait3A_261] : memref<250x16xf32, #tpu.memory_space<vmem>> -> memref<125x16xf32, #tpu.memory_space<vmem>>
      %dma_wait3A_263 = arith.constant 0 : i32
      %dma_wait3A_264 = tpu.memref_slice %arg50[%add3A_22, %dma_wait3A_263] : memref<10000x16xf32, #tpu.memory_space<vmem_shared>> -> memref<125x16xf32, #tpu.memory_space<vmem_shared>>
      %dma_wait3A_265 = arith.constant 0 : i32
      %dma_wait3A_266 = tpu.memref_slice %arg50[%add3A_22, %dma_wait3A_265] : memref<10000x16xf32, #tpu.memory_space<vmem_shared>> -> memref<125x16xf32, #tpu.memory_space<vmem_shared>>
      %dma_wait3A_267 = arith.constant 0 : i32
      %dma_wait3A_268 = arith.constant 0 : i32
      %dma_wait3A_269 = tpu.memref_slice %arg10[%dma_wait3A_267, %dma_wait3A_268] : memref<250x16xf32, #tpu.memory_space<vmem>> -> memref<125x16xf32, #tpu.memory_space<vmem>>
      tpu.wait_dma2 semaphore(%run_scoped3A : memref<!tpu.dma_semaphore, #tpu.memory_space<semaphore_mem>>) src(%dma_wait3A_269 : memref<125x16xf32, #tpu.memory_space<vmem>>) dst(%dma_wait3A_266 : memref<125x16xf32, #tpu.memory_space<vmem_shared>>)
      tpu.yield
    }) : () -> ()
    %add3A_23 = arith.constant 375 : i32
    %add3A_24 = arith.addi %mul3A_0, %add3A_23 : i32
    "tpu.region"() ({
      %run_scoped3A = tpu.sem_alloc : memref<!tpu.dma_semaphore, #tpu.memory_space<semaphore_mem>>
      %dma_start3A_250 = arith.constant 0 : i32
      %dma_start3A_251 = arith.constant 0 : i32
      %dma_start3A_252 = tpu.memref_slice %arg10[%dma_start3A_250, %dma_start3A_251] : memref<250x16xf32, #tpu.memory_space<vmem>> -> memref<125x16xf32, #tpu.memory_space<vmem>>
      %dma_start3A_253 = arith.constant 0 : i32
      %dma_start3A_254 = tpu.memref_slice %arg50[%add3A_24, %dma_start3A_253] : memref<10000x16xf32, #tpu.memory_space<vmem_shared>> -> memref<125x16xf32, #tpu.memory_space<vmem_shared>>
      %dma_start3A_255 = arith.constant 0 : i32
      %dma_start3A_256 = tpu.memref_slice %arg50[%add3A_24, %dma_start3A_255] : memref<10000x16xf32, #tpu.memory_space<vmem_shared>> -> memref<125x16xf32, #tpu.memory_space<vmem_shared>>
      %dma_start3A_257 = arith.constant 0 : i32
      %dma_start3A_258 = arith.constant 0 : i32
      %dma_start3A_259 = tpu.memref_slice %arg10[%dma_start3A_257, %dma_start3A_258] : memref<250x16xf32, #tpu.memory_space<vmem>> -> memref<125x16xf32, #tpu.memory_space<vmem>>
      tpu.enqueue_dma source(%dma_start3A_259 : memref<125x16xf32, #tpu.memory_space<vmem>>) target(%dma_start3A_256 : memref<125x16xf32, #tpu.memory_space<vmem_shared>>) target_semaphore(%run_scoped3A : memref<!tpu.dma_semaphore, #tpu.memory_space<semaphore_mem>>)
      %dma_wait3A_260 = arith.constant 0 : i32
      %dma_wait3A_261 = arith.constant 0 : i32
      %dma_wait3A_262 = tpu.memref_slice %arg10[%dma_wait3A_260, %dma_wait3A_261] : memref<250x16xf32, #tpu.memory_space<vmem>> -> memref<125x16xf32, #tpu.memory_space<vmem>>
      %dma_wait3A_263 = arith.constant 0 : i32
      %dma_wait3A_264 = tpu.memref_slice %arg50[%add3A_24, %dma_wait3A_263] : memref<10000x16xf32, #tpu.memory_space<vmem_shared>> -> memref<125x16xf32, #tpu.memory_space<vmem_shared>>
      %dma_wait3A_265 = arith.constant 0 : i32
      %dma_wait3A_266 = tpu.memref_slice %arg50[%add3A_24, %dma_wait3A_265] : memref<10000x16xf32, #tpu.memory_space<vmem_shared>> -> memref<125x16xf32, #tpu.memory_space<vmem_shared>>
      %dma_wait3A_267 = arith.constant 0 : i32
      %dma_wait3A_268 = arith.constant 0 : i32
      %dma_wait3A_269 = tpu.memref_slice %arg10[%dma_wait3A_267, %dma_wait3A_268] : memref<250x16xf32, #tpu.memory_space<vmem>> -> memref<125x16xf32, #tpu.memory_space<vmem>>
      tpu.wait_dma2 semaphore(%run_scoped3A : memref<!tpu.dma_semaphore, #tpu.memory_space<semaphore_mem>>) src(%dma_wait3A_269 : memref<125x16xf32, #tpu.memory_space<vmem>>) dst(%dma_wait3A_266 : memref<125x16xf32, #tpu.memory_space<vmem_shared>>)
      tpu.yield
    }) : () -> ()
    %add3A_25 = arith.constant 500 : i32
    %add3A_26 = arith.addi %mul3A_0, %add3A_25 : i32
    "tpu.region"() ({
      %run_scoped3A = tpu.sem_alloc : memref<!tpu.dma_semaphore, #tpu.memory_space<semaphore_mem>>
      %dma_start3A_250 = arith.constant 0 : i32
      %dma_start3A_251 = arith.constant 0 : i32
      %dma_start3A_252 = tpu.memref_slice %arg10[%dma_start3A_250, %dma_start3A_251] : memref<250x16xf32, #tpu.memory_space<vmem>> -> memref<125x16xf32, #tpu.memory_space<vmem>>
      %dma_start3A_253 = arith.constant 0 : i32
      %dma_start3A_254 = tpu.memref_slice %arg50[%add3A_26, %dma_start3A_253] : memref<10000x16xf32, #tpu.memory_space<vmem_shared>> -> memref<125x16xf32, #tpu.memory_space<vmem_shared>>
      %dma_start3A_255 = arith.constant 0 : i32
      %dma_start3A_256 = tpu.memref_slice %arg50[%add3A_26, %dma_start3A_255] : memref<10000x16xf32, #tpu.memory_space<vmem_shared>> -> memref<125x16xf32, #tpu.memory_space<vmem_shared>>
      %dma_start3A_257 = arith.constant 0 : i32
      %dma_start3A_258 = arith.constant 0 : i32
      %dma_start3A_259 = tpu.memref_slice %arg10[%dma_start3A_257, %dma_start3A_258] : memref<250x16xf32, #tpu.memory_space<vmem>> -> memref<125x16xf32, #tpu.memory_space<vmem>>
      tpu.enqueue_dma source(%dma_start3A_259 : memref<125x16xf32, #tpu.memory_space<vmem>>) target(%dma_start3A_256 : memref<125x16xf32, #tpu.memory_space<vmem_shared>>) target_semaphore(%run_scoped3A : memref<!tpu.dma_semaphore, #tpu.memory_space<semaphore_mem>>)
      %dma_wait3A_260 = arith.constant 0 : i32
      %dma_wait3A_261 = arith.constant 0 : i32
      %dma_wait3A_262 = tpu.memref_slice %arg10[%dma_wait3A_260, %dma_wait3A_261] : memref<250x16xf32, #tpu.memory_space<vmem>> -> memref<125x16xf32, #tpu.memory_space<vmem>>
      %dma_wait3A_263 = arith.constant 0 : i32
      %dma_wait3A_264 = tpu.memref_slice %arg50[%add3A_26, %dma_wait3A_263] : memref<10000x16xf32, #tpu.memory_space<vmem_shared>> -> memref<125x16xf32, #tpu.memory_space<vmem_shared>>
      %dma_wait3A_265 = arith.constant 0 : i32
      %dma_wait3A_266 = tpu.memref_slice %arg50[%add3A_26, %dma_wait3A_265] : memref<10000x16xf32, #tpu.memory_space<vmem_shared>> -> memref<125x16xf32, #tpu.memory_space<vmem_shared>>
      %dma_wait3A_267 = arith.constant 0 : i32
      %dma_wait3A_268 = arith.constant 0 : i32
      %dma_wait3A_269 = tpu.memref_slice %arg10[%dma_wait3A_267, %dma_wait3A_268] : memref<250x16xf32, #tpu.memory_space<vmem>> -> memref<125x16xf32, #tpu.memory_space<vmem>>
      tpu.wait_dma2 semaphore(%run_scoped3A : memref<!tpu.dma_semaphore, #tpu.memory_space<semaphore_mem>>) src(%dma_wait3A_269 : memref<125x16xf32, #tpu.memory_space<vmem>>) dst(%dma_wait3A_266 : memref<125x16xf32, #tpu.memory_space<vmem_shared>>)
      tpu.yield
    }) : () -> ()
    %broadcast_in_dim3A_27 = arith.constant 1.000000e+00 : f32
    %broadcast_in_dim3A_28 = vector.broadcast %broadcast_in_dim3A_27 : f32 to vector<16xf32>
    %scan3A_29 = arith.constant 0 : i32
    %scan3A_30 = arith.constant 0 : i32
    %scan3A_31 = arith.constant 250 : i32
    %scan3A_32 = arith.addi %scan3A_30, %scan3A_31 : i32
    %scan3A_33 = arith.constant 1 : i32
    %scan3A_34 = scf.for %scan3A_250 = %scan3A_30 to %scan3A_32 step %scan3A_33 iter_args(%scan3A_251 = %scan3A_29) -> (i32)  : i32 {
      %swap3A = arith.index_cast %scan3A_250 : i32 to index
      %swap3A_252 = arith.constant 0 : index
      %swap3A_253 = tpu.vector_load %arg34[%swap3A, %swap3A_252] {strides = array<i32>} : memref<250x16xf32, #tpu.memory_space<vmem>>, vector<1x16xf32>,
      %swap3A_254 = vector.shape_cast %swap3A_253 : vector<1x16xf32> to vector<16xf32>
      %swap3A_255 = vector.shape_cast %broadcast_in_dim3A_28 : vector<16xf32> to vector<1x16xf32>
      tpu.vector_store %arg34[%swap3A, %swap3A_252], %swap3A_255 {strides = array<i32>} : memref<250x16xf32, #tpu.memory_space<vmem>>, vector<1x16xf32>,
      %scan3A_256 = arith.constant 0 : i32
      scf.yield %scan3A_256 : i32
    }
    %scan3A_35 = arith.constant 250 : i32
    %scan3A_36 = arith.constant 0 : i32
    %scan3A_37 = arith.constant 0 : i32
    %scan3A_38 = arith.constant 250 : i32
    %scan3A_39 = arith.addi %scan3A_37, %scan3A_38 : i32
    %scan3A_40 = arith.constant 1 : i32
    %scan3A_41 = scf.for %scan3A_250 = %scan3A_37 to %scan3A_39 step %scan3A_40 iter_args(%scan3A_251 = %scan3A_36) -> (i32)  : i32 {
      %swap3A = arith.index_cast %scan3A_250 : i32 to index
      %swap3A_252 = arith.constant 0 : index
      %swap3A_253 = tpu.vector_load %arg35[%swap3A, %swap3A_252] {strides = array<i32>} : memref<250x16xf32, #tpu.memory_space<vmem>>, vector<1x16xf32>,
      %swap3A_254 = vector.shape_cast %swap3A_253 : vector<1x16xf32> to vector<16xf32>
      %swap3A_255 = vector.shape_cast %broadcast_in_dim3A_28 : vector<16xf32> to vector<1x16xf32>
      tpu.vector_store %arg35[%swap3A, %swap3A_252], %swap3A_255 {strides = array<i32>} : memref<250x16xf32, #tpu.memory_space<vmem>>, vector<1x16xf32>,
      %scan3A_256 = arith.constant 0 : i32
      scf.yield %scan3A_256 : i32
    }
    %scan3A_42 = arith.constant 250 : i32
    %scan3A_43 = arith.constant 0 : i32
    %scan3A_44 = arith.constant 0 : i32
    %scan3A_45 = arith.constant 250 : i32
    %scan3A_46 = arith.addi %scan3A_44, %scan3A_45 : i32
    %scan3A_47 = arith.constant 1 : i32
    %scan3A_48 = scf.for %scan3A_250 = %scan3A_44 to %scan3A_46 step %scan3A_47 iter_args(%scan3A_251 = %scan3A_43) -> (i32)  : i32 {
      %swap3A = arith.index_cast %scan3A_250 : i32 to index
      %swap3A_252 = arith.constant 0 : index
      %swap3A_253 = tpu.vector_load %arg36[%swap3A, %swap3A_252] {strides = array<i32>} : memref<250x16xf32, #tpu.memory_space<vmem>>, vector<1x16xf32>,
      %swap3A_254 = vector.shape_cast %swap3A_253 : vector<1x16xf32> to vector<16xf32>
      %swap3A_255 = vector.shape_cast %broadcast_in_dim3A_28 : vector<16xf32> to vector<1x16xf32>
      tpu.vector_store %arg36[%swap3A, %swap3A_252], %swap3A_255 {strides = array<i32>} : memref<250x16xf32, #tpu.memory_space<vmem>>, vector<1x16xf32>,
      %scan3A_256 = arith.constant 0 : i32
      scf.yield %scan3A_256 : i32
    }
    %scan3A_49 = arith.constant 250 : i32
    %scan3A_50 = arith.constant 0 : i32
    %scan3A_51 = arith.constant 0 : i32
    %scan3A_52 = arith.constant 250 : i32
    %scan3A_53 = arith.addi %scan3A_51, %scan3A_52 : i32
    %scan3A_54 = arith.constant 1 : i32
    %scan3A_55 = scf.for %scan3A_250 = %scan3A_51 to %scan3A_53 step %scan3A_54 iter_args(%scan3A_251 = %scan3A_50) -> (i32)  : i32 {
      %swap3A = arith.index_cast %scan3A_250 : i32 to index
      %swap3A_252 = arith.constant 0 : index
      %swap3A_253 = tpu.vector_load %arg37[%swap3A, %swap3A_252] {strides = array<i32>} : memref<250x16xf32, #tpu.memory_space<vmem>>, vector<1x16xf32>,
      %swap3A_254 = vector.shape_cast %swap3A_253 : vector<1x16xf32> to vector<16xf32>
      %swap3A_255 = vector.shape_cast %broadcast_in_dim3A_28 : vector<16xf32> to vector<1x16xf32>
      tpu.vector_store %arg37[%swap3A, %swap3A_252], %swap3A_255 {strides = array<i32>} : memref<250x16xf32, #tpu.memory_space<vmem>>, vector<1x16xf32>,
      %scan3A_256 = arith.constant 0 : i32
      scf.yield %scan3A_256 : i32
    }
    %scan3A_56 = arith.constant 250 : i32
    %scan3A_57 = arith.constant 0 : i32
    %scan3A_58 = arith.constant 0 : i32
    %scan3A_59 = arith.constant 250 : i32
    %scan3A_60 = arith.addi %scan3A_58, %scan3A_59 : i32
    %scan3A_61 = arith.constant 1 : i32
    %scan3A_62 = scf.for %scan3A_250 = %scan3A_58 to %scan3A_60 step %scan3A_61 iter_args(%scan3A_251 = %scan3A_57) -> (i32)  : i32 {
      %swap3A = arith.index_cast %scan3A_250 : i32 to index
      %swap3A_252 = arith.constant 0 : index
      %swap3A_253 = tpu.vector_load %arg38[%swap3A, %swap3A_252] {strides = array<i32>} : memref<250x16xf32, #tpu.memory_space<vmem>>, vector<1x16xf32>,
      %swap3A_254 = vector.shape_cast %swap3A_253 : vector<1x16xf32> to vector<16xf32>
      %swap3A_255 = vector.shape_cast %broadcast_in_dim3A_28 : vector<16xf32> to vector<1x16xf32>
      tpu.vector_store %arg38[%swap3A, %swap3A_252], %swap3A_255 {strides = array<i32>} : memref<250x16xf32, #tpu.memory_space<vmem>>, vector<1x16xf32>,
      %scan3A_256 = arith.constant 0 : i32
      scf.yield %scan3A_256 : i32
    }
    %scan3A_63 = arith.constant 250 : i32
    %scan3A_64 = arith.constant 0 : i32
    %scan3A_65 = arith.constant 0 : i32
    %scan3A_66 = arith.constant 250 : i32
    %scan3A_67 = arith.addi %scan3A_65, %scan3A_66 : i32
    %scan3A_68 = arith.constant 1 : i32
    %scan3A_69 = scf.for %scan3A_250 = %scan3A_65 to %scan3A_67 step %scan3A_68 iter_args(%scan3A_251 = %scan3A_64) -> (i32)  : i32 {
      %swap3A = arith.index_cast %scan3A_250 : i32 to index
      %swap3A_252 = arith.constant 0 : index
      %swap3A_253 = tpu.vector_load %arg39[%swap3A, %swap3A_252] {strides = array<i32>} : memref<250x16xf32, #tpu.memory_space<vmem>>, vector<1x16xf32>,
      %swap3A_254 = vector.shape_cast %swap3A_253 : vector<1x16xf32> to vector<16xf32>
      %swap3A_255 = vector.shape_cast %broadcast_in_dim3A_28 : vector<16xf32> to vector<1x16xf32>
      tpu.vector_store %arg39[%swap3A, %swap3A_252], %swap3A_255 {strides = array<i32>} : memref<250x16xf32, #tpu.memory_space<vmem>>, vector<1x16xf32>,
      %scan3A_256 = arith.constant 0 : i32
      scf.yield %scan3A_256 : i32
    }
    %scan3A_70 = arith.constant 250 : i32
    %scan3A_71 = arith.constant 0 : i32
    %scan3A_72 = arith.constant 0 : i32
    %scan3A_73 = arith.constant 250 : i32
    %scan3A_74 = arith.addi %scan3A_72, %scan3A_73 : i32
    %scan3A_75 = arith.constant 1 : i32
    %scan3A_76 = scf.for %scan3A_250 = %scan3A_72 to %scan3A_74 step %scan3A_75 iter_args(%scan3A_251 = %scan3A_71) -> (i32)  : i32 {
      %swap3A = arith.index_cast %scan3A_250 : i32 to index
      %swap3A_252 = arith.constant 0 : index
      %swap3A_253 = tpu.vector_load %arg40[%swap3A, %swap3A_252] {strides = array<i32>} : memref<250x16xf32, #tpu.memory_space<vmem>>, vector<1x16xf32>,
      %swap3A_254 = vector.shape_cast %swap3A_253 : vector<1x16xf32> to vector<16xf32>
      %swap3A_255 = vector.shape_cast %broadcast_in_dim3A_28 : vector<16xf32> to vector<1x16xf32>
      tpu.vector_store %arg40[%swap3A, %swap3A_252], %swap3A_255 {strides = array<i32>} : memref<250x16xf32, #tpu.memory_space<vmem>>, vector<1x16xf32>,
      %scan3A_256 = arith.constant 0 : i32
      scf.yield %scan3A_256 : i32
    }
    %scan3A_77 = arith.constant 250 : i32
    %scan3A_78 = arith.constant 0 : i32
    %scan3A_79 = arith.constant 0 : i32
    %scan3A_80 = arith.constant 250 : i32
    %scan3A_81 = arith.addi %scan3A_79, %scan3A_80 : i32
    %scan3A_82 = arith.constant 1 : i32
    %scan3A_83 = scf.for %scan3A_250 = %scan3A_79 to %scan3A_81 step %scan3A_82 iter_args(%scan3A_251 = %scan3A_78) -> (i32)  : i32 {
      %swap3A = arith.index_cast %scan3A_250 : i32 to index
      %swap3A_252 = arith.constant 0 : index
      %swap3A_253 = tpu.vector_load %arg41[%swap3A, %swap3A_252] {strides = array<i32>} : memref<250x16xf32, #tpu.memory_space<vmem>>, vector<1x16xf32>,
      %swap3A_254 = vector.shape_cast %swap3A_253 : vector<1x16xf32> to vector<16xf32>
      %swap3A_255 = vector.shape_cast %broadcast_in_dim3A_28 : vector<16xf32> to vector<1x16xf32>
      tpu.vector_store %arg41[%swap3A, %swap3A_252], %swap3A_255 {strides = array<i32>} : memref<250x16xf32, #tpu.memory_space<vmem>>, vector<1x16xf32>,
      %scan3A_256 = arith.constant 0 : i32
      scf.yield %scan3A_256 : i32
    }
    %scan3A_84 = arith.constant 250 : i32
    %barrier3A = arith.constant 0 : index
    tpu.barrier barrier_id(%barrier3A)
    %mul3A_85 = arith.constant 80 : i32
    %mul3A_86 = arith.muli %arg1, %mul3A_85 : i32
    "tpu.region"() ({
      %run_scoped3A = tpu.sem_alloc : memref<!tpu.dma_semaphore, #tpu.memory_space<semaphore_mem>>
      %dma_start3A_250 = arith.constant 0 : i32
      %dma_start3A_251 = tpu.memref_slice %arg3[%arg0, %mul3A_86, %dma_start3A_250] : memref<2x1280x250xi32, #tpu.memory_space<hbm>> -> memref<1x80x250xi32, #tpu.memory_space<hbm>>
      %dma_start3A_252 = tpu.memref_squeeze %dma_start3A_251 : memref<1x80x250xi32, #tpu.memory_space<hbm>> -> memref<80x250xi32, #tpu.memory_space<hbm>>
      %dma_start3A_253 = arith.constant 0 : i32
      %dma_start3A_254 = tpu.memref_slice %arg3[%arg0, %mul3A_86, %dma_start3A_253] : memref<2x1280x250xi32, #tpu.memory_space<hbm>> -> memref<1x80x250xi32, #tpu.memory_space<hbm>>
      %dma_start3A_255 = tpu.memref_squeeze %dma_start3A_254 : memref<1x80x250xi32, #tpu.memory_space<hbm>> -> memref<80x250xi32, #tpu.memory_space<hbm>>
      tpu.enqueue_dma source(%dma_start3A_255 : memref<80x250xi32, #tpu.memory_space<hbm>>) target(%arg7 : memref<80x250xi32, #tpu.memory_space<vmem>>) target_semaphore(%run_scoped3A : memref<!tpu.dma_semaphore, #tpu.memory_space<semaphore_mem>>)
      %dma_wait3A_256 = arith.constant 0 : i32
      %dma_wait3A_257 = tpu.memref_slice %arg3[%arg0, %mul3A_86, %dma_wait3A_256] : memref<2x1280x250xi32, #tpu.memory_space<hbm>> -> memref<1x80x250xi32, #tpu.memory_space<hbm>>
      %dma_wait3A_258 = tpu.memref_squeeze %dma_wait3A_257 : memref<1x80x250xi32, #tpu.memory_space<hbm>> -> memref<80x250xi32, #tpu.memory_space<hbm>>
      %dma_wait3A_259 = arith.constant 0 : i32
      %dma_wait3A_260 = tpu.memref_slice %arg3[%arg0, %mul3A_86, %dma_wait3A_259] : memref<2x1280x250xi32, #tpu.memory_space<hbm>> -> memref<1x80x250xi32, #tpu.memory_space<hbm>>
      %dma_wait3A_261 = tpu.memref_squeeze %dma_wait3A_260 : memref<1x80x250xi32, #tpu.memory_space<hbm>> -> memref<80x250xi32, #tpu.memory_space<hbm>>
      tpu.wait_dma2 semaphore(%run_scoped3A : memref<!tpu.dma_semaphore, #tpu.memory_space<semaphore_mem>>) src(%dma_wait3A_261 : memref<80x250xi32, #tpu.memory_space<hbm>>) dst(%arg7 : memref<80x250xi32, #tpu.memory_space<vmem>>)
      tpu.yield
    }) : () -> ()
    "tpu.region"() ({
      %run_scoped3A = tpu.sem_alloc : memref<!tpu.dma_semaphore, #tpu.memory_space<semaphore_mem>>
      %dma_start3A_250 = arith.constant 0 : i32
      %dma_start3A_251 = tpu.memref_slice %arg4[%arg0, %mul3A_86, %dma_start3A_250] : memref<2x1280x250xi32, #tpu.memory_space<hbm>> -> memref<1x80x250xi32, #tpu.memory_space<hbm>>
      %dma_start3A_252 = tpu.memref_squeeze %dma_start3A_251 : memref<1x80x250xi32, #tpu.memory_space<hbm>> -> memref<80x250xi32, #tpu.memory_space<hbm>>
      %dma_start3A_253 = arith.constant 0 : i32
      %dma_start3A_254 = tpu.memref_slice %arg4[%arg0, %mul3A_86, %dma_start3A_253] : memref<2x1280x250xi32, #tpu.memory_space<hbm>> -> memref<1x80x250xi32, #tpu.memory_space<hbm>>
      %dma_start3A_255 = tpu.memref_squeeze %dma_start3A_254 : memref<1x80x250xi32, #tpu.memory_space<hbm>> -> memref<80x250xi32, #tpu.memory_space<hbm>>
      tpu.enqueue_dma source(%dma_start3A_255 : memref<80x250xi32, #tpu.memory_space<hbm>>) target(%arg8 : memref<80x250xi32, #tpu.memory_space<vmem>>) target_semaphore(%run_scoped3A : memref<!tpu.dma_semaphore, #tpu.memory_space<semaphore_mem>>)
      %dma_wait3A_256 = arith.constant 0 : i32
      %dma_wait3A_257 = tpu.memref_slice %arg4[%arg0, %mul3A_86, %dma_wait3A_256] : memref<2x1280x250xi32, #tpu.memory_space<hbm>> -> memref<1x80x250xi32, #tpu.memory_space<hbm>>
      %dma_wait3A_258 = tpu.memref_squeeze %dma_wait3A_257 : memref<1x80x250xi32, #tpu.memory_space<hbm>> -> memref<80x250xi32, #tpu.memory_space<hbm>>
      %dma_wait3A_259 = arith.constant 0 : i32
      %dma_wait3A_260 = tpu.memref_slice %arg4[%arg0, %mul3A_86, %dma_wait3A_259] : memref<2x1280x250xi32, #tpu.memory_space<hbm>> -> memref<1x80x250xi32, #tpu.memory_space<hbm>>
      %dma_wait3A_261 = tpu.memref_squeeze %dma_wait3A_260 : memref<1x80x250xi32, #tpu.memory_space<hbm>> -> memref<80x250xi32, #tpu.memory_space<hbm>>
      tpu.wait_dma2 semaphore(%run_scoped3A : memref<!tpu.dma_semaphore, #tpu.memory_space<semaphore_mem>>) src(%dma_wait3A_261 : memref<80x250xi32, #tpu.memory_space<hbm>>) dst(%arg8 : memref<80x250xi32, #tpu.memory_space<vmem>>)
      tpu.yield
    }) : () -> ()
    %scan3A_87 = arith.constant 0 : i32
    %scan3A_88 = arith.constant 0 : i32
    %scan3A_89 = arith.constant 10 : i32
    %scan3A_90 = arith.addi %scan3A_88, %scan3A_89 : i32
    %scan3A_91 = arith.constant 1 : i32
    %scan3A_92 = scf.for %scan3A_250 = %scan3A_88 to %scan3A_90 step %scan3A_91 iter_args(%scan3A_251 = %scan3A_87) -> (i32)  : i32 {
      %mul3A_252 = arith.constant 8 : i32
      %mul3A_253 = arith.muli %mul3A_252, %scan3A_250 : i32
      %add3A_254 = arith.constant 0 : i32
      %add3A_255 = arith.addi %mul3A_253, %add3A_254 : i32
      %ge3A = arith.constant 8 : i32
      %ge3A_256 = arith.cmpi sge, %add3A_255, %ge3A : i32
      %convert_element_type3A = arith.extui %ge3A_256 : i1 to i32
      %cond3A = arith.constant 0 : i32
      %cond3A_257 = arith.cmpi ne, %convert_element_type3A, %cond3A : i32
      scf.if %cond3A_257 {
        %sub3A = arith.constant 8 : i32
        %sub3A_370 = arith.subi %add3A_255, %sub3A : i32
        %dma_wait3A_371 = arith.constant 0 : i32
        %dma_wait3A_372 = tpu.memref_slice %arg8[%sub3A_370, %dma_wait3A_371] : memref<80x250xi32, #tpu.memory_space<vmem>> -> memref<1x250xi32, #tpu.memory_space<vmem>>
        %dma_wait3A_373 = tpu.memref_squeeze %dma_wait3A_372 : memref<1x250xi32, #tpu.memory_space<vmem>> -> memref<250xi32, #tpu.memory_space<vmem>>
        %dma_wait3A_374 = arith.constant 0 : i32
        %dma_wait3A_375 = arith.constant 0 : i32
        %dma_wait3A_376 = tpu.memref_slice %arg50[%dma_wait3A_374, %dma_wait3A_375] : memref<10000x16xf32, #tpu.memory_space<vmem_shared>> -> memref<10000x16xf32, #tpu.memory_space<vmem_shared>>
        tpu.wait_indirect_dma semaphore(%arg42 : memref<!tpu.dma_semaphore, #tpu.memory_space<semaphore_mem>>) src(%arg34 : memref<250x16xf32, #tpu.memory_space<vmem>>) dst(%dma_wait3A_376 : memref<10000x16xf32, #tpu.memory_space<vmem_shared>>)
      } else {
      }
      %dma_start3A_258 = arith.constant 0 : i32
      %dma_start3A_259 = tpu.memref_slice %arg8[%add3A_255, %dma_start3A_258] : memref<80x250xi32, #tpu.memory_space<vmem>> -> memref<1x250xi32, #tpu.memory_space<vmem>>
      %dma_start3A_260 = tpu.memref_squeeze %dma_start3A_259 : memref<1x250xi32, #tpu.memory_space<vmem>> -> memref<250xi32, #tpu.memory_space<vmem>>
      %dma_start3A_261 = arith.constant 0 : i32
      %dma_start3A_262 = arith.constant 0 : i32
      %dma_start3A_263 = tpu.memref_slice %arg50[%dma_start3A_261, %dma_start3A_262] : memref<10000x16xf32, #tpu.memory_space<vmem_shared>> -> memref<10000x16xf32, #tpu.memory_space<vmem_shared>>
      tpu.enqueue_indirect_dma source(%arg34 : memref<250x16xf32, #tpu.memory_space<vmem>>) target(%dma_start3A_263 : memref<10000x16xf32, #tpu.memory_space<vmem_shared>>) offsets(%dma_start3A_260 : memref<250xi32, #tpu.memory_space<vmem>>) semaphore(%arg42 : memref<!tpu.dma_semaphore, #tpu.memory_space<semaphore_mem>>) {add = true}
      %mul3A_264 = arith.constant 8 : i32
      %mul3A_265 = arith.muli %mul3A_264, %scan3A_250 : i32
      %add3A_266 = arith.constant 1 : i32
      %add3A_267 = arith.addi %mul3A_265, %add3A_266 : i32
      %ge3A_268 = arith.constant 8 : i32
      %ge3A_269 = arith.cmpi sge, %add3A_267, %ge3A_268 : i32
      %convert_element_type3A_270 = arith.extui %ge3A_269 : i1 to i32
      %cond3A_271 = arith.constant 0 : i32
      %cond3A_272 = arith.cmpi ne, %convert_element_type3A_270, %cond3A_271 : i32
      scf.if %cond3A_272 {
        %sub3A = arith.constant 8 : i32
        %sub3A_370 = arith.subi %add3A_267, %sub3A : i32
        %dma_wait3A_371 = arith.constant 0 : i32
        %dma_wait3A_372 = tpu.memref_slice %arg8[%sub3A_370, %dma_wait3A_371] : memref<80x250xi32, #tpu.memory_space<vmem>> -> memref<1x250xi32, #tpu.memory_space<vmem>>
        %dma_wait3A_373 = tpu.memref_squeeze %dma_wait3A_372 : memref<1x250xi32, #tpu.memory_space<vmem>> -> memref<250xi32, #tpu.memory_space<vmem>>
        %dma_wait3A_374 = arith.constant 0 : i32
        %dma_wait3A_375 = arith.constant 0 : i32
        %dma_wait3A_376 = tpu.memref_slice %arg50[%dma_wait3A_374, %dma_wait3A_375] : memref<10000x16xf32, #tpu.memory_space<vmem_shared>> -> memref<10000x16xf32, #tpu.memory_space<vmem_shared>>
        tpu.wait_indirect_dma semaphore(%arg43 : memref<!tpu.dma_semaphore, #tpu.memory_space<semaphore_mem>>) src(%arg35 : memref<250x16xf32, #tpu.memory_space<vmem>>) dst(%dma_wait3A_376 : memref<10000x16xf32, #tpu.memory_space<vmem_shared>>)
      } else {
      }
      %dma_start3A_273 = arith.constant 0 : i32
      %dma_start3A_274 = tpu.memref_slice %arg8[%add3A_267, %dma_start3A_273] : memref<80x250xi32, #tpu.memory_space<vmem>> -> memref<1x250xi32, #tpu.memory_space<vmem>>
      %dma_start3A_275 = tpu.memref_squeeze %dma_start3A_274 : memref<1x250xi32, #tpu.memory_space<vmem>> -> memref<250xi32, #tpu.memory_space<vmem>>
      %dma_start3A_276 = arith.constant 0 : i32
      %dma_start3A_277 = arith.constant 0 : i32
      %dma_start3A_278 = tpu.memref_slice %arg50[%dma_start3A_276, %dma_start3A_277] : memref<10000x16xf32, #tpu.memory_space<vmem_shared>> -> memref<10000x16xf32, #tpu.memory_space<vmem_shared>>
      tpu.enqueue_indirect_dma source(%arg35 : memref<250x16xf32, #tpu.memory_space<vmem>>) target(%dma_start3A_278 : memref<10000x16xf32, #tpu.memory_space<vmem_shared>>) offsets(%dma_start3A_275 : memref<250xi32, #tpu.memory_space<vmem>>) semaphore(%arg43 : memref<!tpu.dma_semaphore, #tpu.memory_space<semaphore_mem>>) {add = true}
      %mul3A_279 = arith.constant 8 : i32
      %mul3A_280 = arith.muli %mul3A_279, %scan3A_250 : i32
      %add3A_281 = arith.constant 2 : i32
      %add3A_282 = arith.addi %mul3A_280, %add3A_281 : i32
      %ge3A_283 = arith.constant 8 : i32
      %ge3A_284 = arith.cmpi sge, %add3A_282, %ge3A_283 : i32
      %convert_element_type3A_285 = arith.extui %ge3A_284 : i1 to i32
      %cond3A_286 = arith.constant 0 : i32
      %cond3A_287 = arith.cmpi ne, %convert_element_type3A_285, %cond3A_286 : i32
      scf.if %cond3A_287 {
        %sub3A = arith.constant 8 : i32
        %sub3A_370 = arith.subi %add3A_282, %sub3A : i32
        %dma_wait3A_371 = arith.constant 0 : i32
        %dma_wait3A_372 = tpu.memref_slice %arg8[%sub3A_370, %dma_wait3A_371] : memref<80x250xi32, #tpu.memory_space<vmem>> -> memref<1x250xi32, #tpu.memory_space<vmem>>
        %dma_wait3A_373 = tpu.memref_squeeze %dma_wait3A_372 : memref<1x250xi32, #tpu.memory_space<vmem>> -> memref<250xi32, #tpu.memory_space<vmem>>
        %dma_wait3A_374 = arith.constant 0 : i32
        %dma_wait3A_375 = arith.constant 0 : i32
        %dma_wait3A_376 = tpu.memref_slice %arg50[%dma_wait3A_374, %dma_wait3A_375] : memref<10000x16xf32, #tpu.memory_space<vmem_shared>> -> memref<10000x16xf32, #tpu.memory_space<vmem_shared>>
        tpu.wait_indirect_dma semaphore(%arg44 : memref<!tpu.dma_semaphore, #tpu.memory_space<semaphore_mem>>) src(%arg36 : memref<250x16xf32, #tpu.memory_space<vmem>>) dst(%dma_wait3A_376 : memref<10000x16xf32, #tpu.memory_space<vmem_shared>>)
      } else {
      }
      %dma_start3A_288 = arith.constant 0 : i32
      %dma_start3A_289 = tpu.memref_slice %arg8[%add3A_282, %dma_start3A_288] : memref<80x250xi32, #tpu.memory_space<vmem>> -> memref<1x250xi32, #tpu.memory_space<vmem>>
      %dma_start3A_290 = tpu.memref_squeeze %dma_start3A_289 : memref<1x250xi32, #tpu.memory_space<vmem>> -> memref<250xi32, #tpu.memory_space<vmem>>
      %dma_start3A_291 = arith.constant 0 : i32
      %dma_start3A_292 = arith.constant 0 : i32
      %dma_start3A_293 = tpu.memref_slice %arg50[%dma_start3A_291, %dma_start3A_292] : memref<10000x16xf32, #tpu.memory_space<vmem_shared>> -> memref<10000x16xf32, #tpu.memory_space<vmem_shared>>
      tpu.enqueue_indirect_dma source(%arg36 : memref<250x16xf32, #tpu.memory_space<vmem>>) target(%dma_start3A_293 : memref<10000x16xf32, #tpu.memory_space<vmem_shared>>) offsets(%dma_start3A_290 : memref<250xi32, #tpu.memory_space<vmem>>) semaphore(%arg44 : memref<!tpu.dma_semaphore, #tpu.memory_space<semaphore_mem>>) {add = true}
      %mul3A_294 = arith.constant 8 : i32
      %mul3A_295 = arith.muli %mul3A_294, %scan3A_250 : i32
      %add3A_296 = arith.constant 3 : i32
      %add3A_297 = arith.addi %mul3A_295, %add3A_296 : i32
      %ge3A_298 = arith.constant 8 : i32
      %ge3A_299 = arith.cmpi sge, %add3A_297, %ge3A_298 : i32
      %convert_element_type3A_300 = arith.extui %ge3A_299 : i1 to i32
      %cond3A_301 = arith.constant 0 : i32
      %cond3A_302 = arith.cmpi ne, %convert_element_type3A_300, %cond3A_301 : i32
      scf.if %cond3A_302 {
        %sub3A = arith.constant 8 : i32
        %sub3A_370 = arith.subi %add3A_297, %sub3A : i32
        %dma_wait3A_371 = arith.constant 0 : i32
        %dma_wait3A_372 = tpu.memref_slice %arg8[%sub3A_370, %dma_wait3A_371] : memref<80x250xi32, #tpu.memory_space<vmem>> -> memref<1x250xi32, #tpu.memory_space<vmem>>
        %dma_wait3A_373 = tpu.memref_squeeze %dma_wait3A_372 : memref<1x250xi32, #tpu.memory_space<vmem>> -> memref<250xi32, #tpu.memory_space<vmem>>
        %dma_wait3A_374 = arith.constant 0 : i32
        %dma_wait3A_375 = arith.constant 0 : i32
        %dma_wait3A_376 = tpu.memref_slice %arg50[%dma_wait3A_374, %dma_wait3A_375] : memref<10000x16xf32, #tpu.memory_space<vmem_shared>> -> memref<10000x16xf32, #tpu.memory_space<vmem_shared>>
        tpu.wait_indirect_dma semaphore(%arg45 : memref<!tpu.dma_semaphore, #tpu.memory_space<semaphore_mem>>) src(%arg37 : memref<250x16xf32, #tpu.memory_space<vmem>>) dst(%dma_wait3A_376 : memref<10000x16xf32, #tpu.memory_space<vmem_shared>>)
      } else {
      }
      %dma_start3A_303 = arith.constant 0 : i32
      %dma_start3A_304 = tpu.memref_slice %arg8[%add3A_297, %dma_start3A_303] : memref<80x250xi32, #tpu.memory_space<vmem>> -> memref<1x250xi32, #tpu.memory_space<vmem>>
      %dma_start3A_305 = tpu.memref_squeeze %dma_start3A_304 : memref<1x250xi32, #tpu.memory_space<vmem>> -> memref<250xi32, #tpu.memory_space<vmem>>
      %dma_start3A_306 = arith.constant 0 : i32
      %dma_start3A_307 = arith.constant 0 : i32
      %dma_start3A_308 = tpu.memref_slice %arg50[%dma_start3A_306, %dma_start3A_307] : memref<10000x16xf32, #tpu.memory_space<vmem_shared>> -> memref<10000x16xf32, #tpu.memory_space<vmem_shared>>
      tpu.enqueue_indirect_dma source(%arg37 : memref<250x16xf32, #tpu.memory_space<vmem>>) target(%dma_start3A_308 : memref<10000x16xf32, #tpu.memory_space<vmem_shared>>) offsets(%dma_start3A_305 : memref<250xi32, #tpu.memory_space<vmem>>) semaphore(%arg45 : memref<!tpu.dma_semaphore, #tpu.memory_space<semaphore_mem>>) {add = true}
      %mul3A_309 = arith.constant 8 : i32
      %mul3A_310 = arith.muli %mul3A_309, %scan3A_250 : i32
      %add3A_311 = arith.constant 4 : i32
      %add3A_312 = arith.addi %mul3A_310, %add3A_311 : i32
      %ge3A_313 = arith.constant 8 : i32
      %ge3A_314 = arith.cmpi sge, %add3A_312, %ge3A_313 : i32
      %convert_element_type3A_315 = arith.extui %ge3A_314 : i1 to i32
      %cond3A_316 = arith.constant 0 : i32
      %cond3A_317 = arith.cmpi ne, %convert_element_type3A_315, %cond3A_316 : i32
      scf.if %cond3A_317 {
        %sub3A = arith.constant 8 : i32
        %sub3A_370 = arith.subi %add3A_312, %sub3A : i32
        %dma_wait3A_371 = arith.constant 0 : i32
        %dma_wait3A_372 = tpu.memref_slice %arg8[%sub3A_370, %dma_wait3A_371] : memref<80x250xi32, #tpu.memory_space<vmem>> -> memref<1x250xi32, #tpu.memory_space<vmem>>
        %dma_wait3A_373 = tpu.memref_squeeze %dma_wait3A_372 : memref<1x250xi32, #tpu.memory_space<vmem>> -> memref<250xi32, #tpu.memory_space<vmem>>
        %dma_wait3A_374 = arith.constant 0 : i32
        %dma_wait3A_375 = arith.constant 0 : i32
        %dma_wait3A_376 = tpu.memref_slice %arg50[%dma_wait3A_374, %dma_wait3A_375] : memref<10000x16xf32, #tpu.memory_space<vmem_shared>> -> memref<10000x16xf32, #tpu.memory_space<vmem_shared>>
        tpu.wait_indirect_dma semaphore(%arg46 : memref<!tpu.dma_semaphore, #tpu.memory_space<semaphore_mem>>) src(%arg38 : memref<250x16xf32, #tpu.memory_space<vmem>>) dst(%dma_wait3A_376 : memref<10000x16xf32, #tpu.memory_space<vmem_shared>>)
      } else {
      }
      %dma_start3A_318 = arith.constant 0 : i32
      %dma_start3A_319 = tpu.memref_slice %arg8[%add3A_312, %dma_start3A_318] : memref<80x250xi32, #tpu.memory_space<vmem>> -> memref<1x250xi32, #tpu.memory_space<vmem>>
      %dma_start3A_320 = tpu.memref_squeeze %dma_start3A_319 : memref<1x250xi32, #tpu.memory_space<vmem>> -> memref<250xi32, #tpu.memory_space<vmem>>
      %dma_start3A_321 = arith.constant 0 : i32
      %dma_start3A_322 = arith.constant 0 : i32
      %dma_start3A_323 = tpu.memref_slice %arg50[%dma_start3A_321, %dma_start3A_322] : memref<10000x16xf32, #tpu.memory_space<vmem_shared>> -> memref<10000x16xf32, #tpu.memory_space<vmem_shared>>
      tpu.enqueue_indirect_dma source(%arg38 : memref<250x16xf32, #tpu.memory_space<vmem>>) target(%dma_start3A_323 : memref<10000x16xf32, #tpu.memory_space<vmem_shared>>) offsets(%dma_start3A_320 : memref<250xi32, #tpu.memory_space<vmem>>) semaphore(%arg46 : memref<!tpu.dma_semaphore, #tpu.memory_space<semaphore_mem>>) {add = true}
      %mul3A_324 = arith.constant 8 : i32
      %mul3A_325 = arith.muli %mul3A_324, %scan3A_250 : i32
      %add3A_326 = arith.constant 5 : i32
      %add3A_327 = arith.addi %mul3A_325, %add3A_326 : i32
      %ge3A_328 = arith.constant 8 : i32
      %ge3A_329 = arith.cmpi sge, %add3A_327, %ge3A_328 : i32
      %convert_element_type3A_330 = arith.extui %ge3A_329 : i1 to i32
      %cond3A_331 = arith.constant 0 : i32
      %cond3A_332 = arith.cmpi ne, %convert_element_type3A_330, %cond3A_331 : i32
      scf.if %cond3A_332 {
        %sub3A = arith.constant 8 : i32
        %sub3A_370 = arith.subi %add3A_327, %sub3A : i32
        %dma_wait3A_371 = arith.constant 0 : i32
        %dma_wait3A_372 = tpu.memref_slice %arg8[%sub3A_370, %dma_wait3A_371] : memref<80x250xi32, #tpu.memory_space<vmem>> -> memref<1x250xi32, #tpu.memory_space<vmem>>
        %dma_wait3A_373 = tpu.memref_squeeze %dma_wait3A_372 : memref<1x250xi32, #tpu.memory_space<vmem>> -> memref<250xi32, #tpu.memory_space<vmem>>
        %dma_wait3A_374 = arith.constant 0 : i32
        %dma_wait3A_375 = arith.constant 0 : i32
        %dma_wait3A_376 = tpu.memref_slice %arg50[%dma_wait3A_374, %dma_wait3A_375] : memref<10000x16xf32, #tpu.memory_space<vmem_shared>> -> memref<10000x16xf32, #tpu.memory_space<vmem_shared>>
        tpu.wait_indirect_dma semaphore(%arg47 : memref<!tpu.dma_semaphore, #tpu.memory_space<semaphore_mem>>) src(%arg39 : memref<250x16xf32, #tpu.memory_space<vmem>>) dst(%dma_wait3A_376 : memref<10000x16xf32, #tpu.memory_space<vmem_shared>>)
      } else {
      }
      %dma_start3A_333 = arith.constant 0 : i32
      %dma_start3A_334 = tpu.memref_slice %arg8[%add3A_327, %dma_start3A_333] : memref<80x250xi32, #tpu.memory_space<vmem>> -> memref<1x250xi32, #tpu.memory_space<vmem>>
      %dma_start3A_335 = tpu.memref_squeeze %dma_start3A_334 : memref<1x250xi32, #tpu.memory_space<vmem>> -> memref<250xi32, #tpu.memory_space<vmem>>
      %dma_start3A_336 = arith.constant 0 : i32
      %dma_start3A_337 = arith.constant 0 : i32
      %dma_start3A_338 = tpu.memref_slice %arg50[%dma_start3A_336, %dma_start3A_337] : memref<10000x16xf32, #tpu.memory_space<vmem_shared>> -> memref<10000x16xf32, #tpu.memory_space<vmem_shared>>
      tpu.enqueue_indirect_dma source(%arg39 : memref<250x16xf32, #tpu.memory_space<vmem>>) target(%dma_start3A_338 : memref<10000x16xf32, #tpu.memory_space<vmem_shared>>) offsets(%dma_start3A_335 : memref<250xi32, #tpu.memory_space<vmem>>) semaphore(%arg47 : memref<!tpu.dma_semaphore, #tpu.memory_space<semaphore_mem>>) {add = true}
      %mul3A_339 = arith.constant 8 : i32
      %mul3A_340 = arith.muli %mul3A_339, %scan3A_250 : i32
      %add3A_341 = arith.constant 6 : i32
      %add3A_342 = arith.addi %mul3A_340, %add3A_341 : i32
      %ge3A_343 = arith.constant 8 : i32
      %ge3A_344 = arith.cmpi sge, %add3A_342, %ge3A_343 : i32
      %convert_element_type3A_345 = arith.extui %ge3A_344 : i1 to i32
      %cond3A_346 = arith.constant 0 : i32
      %cond3A_347 = arith.cmpi ne, %convert_element_type3A_345, %cond3A_346 : i32
      scf.if %cond3A_347 {
        %sub3A = arith.constant 8 : i32
        %sub3A_370 = arith.subi %add3A_342, %sub3A : i32
        %dma_wait3A_371 = arith.constant 0 : i32
        %dma_wait3A_372 = tpu.memref_slice %arg8[%sub3A_370, %dma_wait3A_371] : memref<80x250xi32, #tpu.memory_space<vmem>> -> memref<1x250xi32, #tpu.memory_space<vmem>>
        %dma_wait3A_373 = tpu.memref_squeeze %dma_wait3A_372 : memref<1x250xi32, #tpu.memory_space<vmem>> -> memref<250xi32, #tpu.memory_space<vmem>>
        %dma_wait3A_374 = arith.constant 0 : i32
        %dma_wait3A_375 = arith.constant 0 : i32
        %dma_wait3A_376 = tpu.memref_slice %arg50[%dma_wait3A_374, %dma_wait3A_375] : memref<10000x16xf32, #tpu.memory_space<vmem_shared>> -> memref<10000x16xf32, #tpu.memory_space<vmem_shared>>
        tpu.wait_indirect_dma semaphore(%arg48 : memref<!tpu.dma_semaphore, #tpu.memory_space<semaphore_mem>>) src(%arg40 : memref<250x16xf32, #tpu.memory_space<vmem>>) dst(%dma_wait3A_376 : memref<10000x16xf32, #tpu.memory_space<vmem_shared>>)
      } else {
      }
      %dma_start3A_348 = arith.constant 0 : i32
      %dma_start3A_349 = tpu.memref_slice %arg8[%add3A_342, %dma_start3A_348] : memref<80x250xi32, #tpu.memory_space<vmem>> -> memref<1x250xi32, #tpu.memory_space<vmem>>
      %dma_start3A_350 = tpu.memref_squeeze %dma_start3A_349 : memref<1x250xi32, #tpu.memory_space<vmem>> -> memref<250xi32, #tpu.memory_space<vmem>>
      %dma_start3A_351 = arith.constant 0 : i32
      %dma_start3A_352 = arith.constant 0 : i32
      %dma_start3A_353 = tpu.memref_slice %arg50[%dma_start3A_351, %dma_start3A_352] : memref<10000x16xf32, #tpu.memory_space<vmem_shared>> -> memref<10000x16xf32, #tpu.memory_space<vmem_shared>>
      tpu.enqueue_indirect_dma source(%arg40 : memref<250x16xf32, #tpu.memory_space<vmem>>) target(%dma_start3A_353 : memref<10000x16xf32, #tpu.memory_space<vmem_shared>>) offsets(%dma_start3A_350 : memref<250xi32, #tpu.memory_space<vmem>>) semaphore(%arg48 : memref<!tpu.dma_semaphore, #tpu.memory_space<semaphore_mem>>) {add = true}
      %mul3A_354 = arith.constant 8 : i32
      %mul3A_355 = arith.muli %mul3A_354, %scan3A_250 : i32
      %add3A_356 = arith.constant 7 : i32
      %add3A_357 = arith.addi %mul3A_355, %add3A_356 : i32
      %ge3A_358 = arith.constant 8 : i32
      %ge3A_359 = arith.cmpi sge, %add3A_357, %ge3A_358 : i32
      %convert_element_type3A_360 = arith.extui %ge3A_359 : i1 to i32
      %cond3A_361 = arith.constant 0 : i32
      %cond3A_362 = arith.cmpi ne, %convert_element_type3A_360, %cond3A_361 : i32
      scf.if %cond3A_362 {
        %sub3A = arith.constant 8 : i32
        %sub3A_370 = arith.subi %add3A_357, %sub3A : i32
        %dma_wait3A_371 = arith.constant 0 : i32
        %dma_wait3A_372 = tpu.memref_slice %arg8[%sub3A_370, %dma_wait3A_371] : memref<80x250xi32, #tpu.memory_space<vmem>> -> memref<1x250xi32, #tpu.memory_space<vmem>>
        %dma_wait3A_373 = tpu.memref_squeeze %dma_wait3A_372 : memref<1x250xi32, #tpu.memory_space<vmem>> -> memref<250xi32, #tpu.memory_space<vmem>>
        %dma_wait3A_374 = arith.constant 0 : i32
        %dma_wait3A_375 = arith.constant 0 : i32
        %dma_wait3A_376 = tpu.memref_slice %arg50[%dma_wait3A_374, %dma_wait3A_375] : memref<10000x16xf32, #tpu.memory_space<vmem_shared>> -> memref<10000x16xf32, #tpu.memory_space<vmem_shared>>
        tpu.wait_indirect_dma semaphore(%arg49 : memref<!tpu.dma_semaphore, #tpu.memory_space<semaphore_mem>>) src(%arg41 : memref<250x16xf32, #tpu.memory_space<vmem>>) dst(%dma_wait3A_376 : memref<10000x16xf32, #tpu.memory_space<vmem_shared>>)
      } else {
      }
      %dma_start3A_363 = arith.constant 0 : i32
      %dma_start3A_364 = tpu.memref_slice %arg8[%add3A_357, %dma_start3A_363] : memref<80x250xi32, #tpu.memory_space<vmem>> -> memref<1x250xi32, #tpu.memory_space<vmem>>
      %dma_start3A_365 = tpu.memref_squeeze %dma_start3A_364 : memref<1x250xi32, #tpu.memory_space<vmem>> -> memref<250xi32, #tpu.memory_space<vmem>>
      %dma_start3A_366 = arith.constant 0 : i32
      %dma_start3A_367 = arith.constant 0 : i32
      %dma_start3A_368 = tpu.memref_slice %arg50[%dma_start3A_366, %dma_start3A_367] : memref<10000x16xf32, #tpu.memory_space<vmem_shared>> -> memref<10000x16xf32, #tpu.memory_space<vmem_shared>>
      tpu.enqueue_indirect_dma source(%arg41 : memref<250x16xf32, #tpu.memory_space<vmem>>) target(%dma_start3A_368 : memref<10000x16xf32, #tpu.memory_space<vmem_shared>>) offsets(%dma_start3A_365 : memref<250xi32, #tpu.memory_space<vmem>>) semaphore(%arg49 : memref<!tpu.dma_semaphore, #tpu.memory_space<semaphore_mem>>) {add = true}
      %scan3A_369 = arith.constant 0 : i32
      scf.yield %scan3A_369 : i32
    }
    %scan3A_93 = arith.constant 10 : i32
    %dma_start3A = arith.constant 0 : i32
    %dma_start3A_94 = arith.constant 0 : i32
    %dma_start3A_95 = tpu.memref_slice %arg7[%dma_start3A, %dma_start3A_94] : memref<80x250xi32, #tpu.memory_space<vmem>> -> memref<1x250xi32, #tpu.memory_space<vmem>>
    %dma_start3A_96 = tpu.memref_squeeze %dma_start3A_95 : memref<1x250xi32, #tpu.memory_space<vmem>> -> memref<250xi32, #tpu.memory_space<vmem>>
    %dma_start3A_97 = arith.constant 0 : i32
    %dma_start3A_98 = arith.constant 0 : i32
    %dma_start3A_99 = tpu.memref_slice %arg2[%dma_start3A_97, %dma_start3A_98] : memref<20000x16xf32, #tpu.memory_space<hbm>> -> memref<20000x16xf32, #tpu.memory_space<hbm>>
    tpu.enqueue_indirect_dma source(%dma_start3A_99 : memref<20000x16xf32, #tpu.memory_space<hbm>>) target(%arg10 : memref<250x16xf32, #tpu.memory_space<vmem>>) offsets(%dma_start3A_96 : memref<250xi32, #tpu.memory_space<vmem>>) semaphore(%arg18 : memref<!tpu.dma_semaphore, #tpu.memory_space<semaphore_mem>>)
    %dma_start3A_100 = arith.constant 1 : i32
    %dma_start3A_101 = arith.constant 0 : i32
    %dma_start3A_102 = tpu.memref_slice %arg7[%dma_start3A_100, %dma_start3A_101] : memref<80x250xi32, #tpu.memory_space<vmem>> -> memref<1x250xi32, #tpu.memory_space<vmem>>
    %dma_start3A_103 = tpu.memref_squeeze %dma_start3A_102 : memref<1x250xi32, #tpu.memory_space<vmem>> -> memref<250xi32, #tpu.memory_space<vmem>>
    %dma_start3A_104 = arith.constant 0 : i32
    %dma_start3A_105 = arith.constant 0 : i32
    %dma_start3A_106 = tpu.memref_slice %arg2[%dma_start3A_104, %dma_start3A_105] : memref<20000x16xf32, #tpu.memory_space<hbm>> -> memref<20000x16xf32, #tpu.memory_space<hbm>>
    tpu.enqueue_indirect_dma source(%dma_start3A_106 : memref<20000x16xf32, #tpu.memory_space<hbm>>) target(%arg11 : memref<250x16xf32, #tpu.memory_space<vmem>>) offsets(%dma_start3A_103 : memref<250xi32, #tpu.memory_space<vmem>>) semaphore(%arg19 : memref<!tpu.dma_semaphore, #tpu.memory_space<semaphore_mem>>)
    %dma_start3A_107 = arith.constant 2 : i32
    %dma_start3A_108 = arith.constant 0 : i32
    %dma_start3A_109 = tpu.memref_slice %arg7[%dma_start3A_107, %dma_start3A_108] : memref<80x250xi32, #tpu.memory_space<vmem>> -> memref<1x250xi32, #tpu.memory_space<vmem>>
    %dma_start3A_110 = tpu.memref_squeeze %dma_start3A_109 : memref<1x250xi32, #tpu.memory_space<vmem>> -> memref<250xi32, #tpu.memory_space<vmem>>
    %dma_start3A_111 = arith.constant 0 : i32
    %dma_start3A_112 = arith.constant 0 : i32
    %dma_start3A_113 = tpu.memref_slice %arg2[%dma_start3A_111, %dma_start3A_112] : memref<20000x16xf32, #tpu.memory_space<hbm>> -> memref<20000x16xf32, #tpu.memory_space<hbm>>
    tpu.enqueue_indirect_dma source(%dma_start3A_113 : memref<20000x16xf32, #tpu.memory_space<hbm>>) target(%arg12 : memref<250x16xf32, #tpu.memory_space<vmem>>) offsets(%dma_start3A_110 : memref<250xi32, #tpu.memory_space<vmem>>) semaphore(%arg20 : memref<!tpu.dma_semaphore, #tpu.memory_space<semaphore_mem>>)
    %dma_start3A_114 = arith.constant 3 : i32
    %dma_start3A_115 = arith.constant 0 : i32
    %dma_start3A_116 = tpu.memref_slice %arg7[%dma_start3A_114, %dma_start3A_115] : memref<80x250xi32, #tpu.memory_space<vmem>> -> memref<1x250xi32, #tpu.memory_space<vmem>>
    %dma_start3A_117 = tpu.memref_squeeze %dma_start3A_116 : memref<1x250xi32, #tpu.memory_space<vmem>> -> memref<250xi32, #tpu.memory_space<vmem>>
    %dma_start3A_118 = arith.constant 0 : i32
    %dma_start3A_119 = arith.constant 0 : i32
    %dma_start3A_120 = tpu.memref_slice %arg2[%dma_start3A_118, %dma_start3A_119] : memref<20000x16xf32, #tpu.memory_space<hbm>> -> memref<20000x16xf32, #tpu.memory_space<hbm>>
    tpu.enqueue_indirect_dma source(%dma_start3A_120 : memref<20000x16xf32, #tpu.memory_space<hbm>>) target(%arg13 : memref<250x16xf32, #tpu.memory_space<vmem>>) offsets(%dma_start3A_117 : memref<250xi32, #tpu.memory_space<vmem>>) semaphore(%arg21 : memref<!tpu.dma_semaphore, #tpu.memory_space<semaphore_mem>>)
    %scan3A_121 = arith.constant 0 : i32
    %scan3A_122 = arith.constant 0 : i32
    %scan3A_123 = arith.constant 10 : i32
    %scan3A_124 = arith.addi %scan3A_122, %scan3A_123 : i32
    %scan3A_125 = arith.constant 1 : i32
    %scan3A_126 = scf.for %scan3A_250 = %scan3A_122 to %scan3A_124 step %scan3A_125 iter_args(%scan3A_251 = %scan3A_121) -> (i32)  : i32 {
      %mul3A_252 = arith.constant 8 : i32
      %mul3A_253 = arith.muli %mul3A_252, %scan3A_250 : i32
      %add3A_254 = arith.constant 0 : i32
      %add3A_255 = arith.addi %mul3A_253, %add3A_254 : i32
      %dma_wait3A_256 = arith.constant 0 : i32
      %dma_wait3A_257 = tpu.memref_slice %arg7[%add3A_255, %dma_wait3A_256] : memref<80x250xi32, #tpu.memory_space<vmem>> -> memref<1x250xi32, #tpu.memory_space<vmem>>
      %dma_wait3A_258 = tpu.memref_squeeze %dma_wait3A_257 : memref<1x250xi32, #tpu.memory_space<vmem>> -> memref<250xi32, #tpu.memory_space<vmem>>
      %dma_wait3A_259 = arith.constant 0 : i32
      %dma_wait3A_260 = arith.constant 0 : i32
      %dma_wait3A_261 = tpu.memref_slice %arg2[%dma_wait3A_259, %dma_wait3A_260] : memref<20000x16xf32, #tpu.memory_space<hbm>> -> memref<20000x16xf32, #tpu.memory_space<hbm>>
      tpu.wait_indirect_dma semaphore(%arg18 : memref<!tpu.dma_semaphore, #tpu.memory_space<semaphore_mem>>) src(%dma_wait3A_261 : memref<20000x16xf32, #tpu.memory_space<hbm>>) dst(%arg10 : memref<250x16xf32, #tpu.memory_space<vmem>>)
      %dma_start3A_262 = arith.constant 0 : i32
      %dma_start3A_263 = tpu.memref_slice %arg8[%add3A_255, %dma_start3A_262] : memref<80x250xi32, #tpu.memory_space<vmem>> -> memref<1x250xi32, #tpu.memory_space<vmem>>
      %dma_start3A_264 = tpu.memref_squeeze %dma_start3A_263 : memref<1x250xi32, #tpu.memory_space<vmem>> -> memref<250xi32, #tpu.memory_space<vmem>>
      %dma_start3A_265 = arith.constant 0 : i32
      %dma_start3A_266 = arith.constant 0 : i32
      %dma_start3A_267 = tpu.memref_slice %arg9[%dma_start3A_265, %dma_start3A_266] : memref<10000x16xf32, #tpu.memory_space<vmem_shared>> -> memref<10000x16xf32, #tpu.memory_space<vmem_shared>>
      tpu.enqueue_indirect_dma source(%arg10 : memref<250x16xf32, #tpu.memory_space<vmem>>) target(%dma_start3A_267 : memref<10000x16xf32, #tpu.memory_space<vmem_shared>>) offsets(%dma_start3A_264 : memref<250xi32, #tpu.memory_space<vmem>>) semaphore(%arg26 : memref<!tpu.dma_semaphore, #tpu.memory_space<semaphore_mem>>) {add = true}
      %add3A_268 = arith.constant 4 : i32
      %add3A_269 = arith.addi %add3A_255, %add3A_268 : i32
      %lt3A = arith.constant 80 : i32
      %lt3A_270 = arith.cmpi slt, %add3A_269, %lt3A : i32
      %convert_element_type3A = arith.extui %lt3A_270 : i1 to i32
      %cond3A = arith.constant 0 : i32
      %cond3A_271 = arith.cmpi ne, %convert_element_type3A, %cond3A : i32
      scf.if %cond3A_271 {
        %ge3A = arith.constant 4 : i32
        %ge3A_434 = arith.cmpi sge, %add3A_255, %ge3A : i32
        %convert_element_type3A_435 = arith.extui %ge3A_434 : i1 to i32
        %cond3A_436 = arith.constant 0 : i32
        %cond3A_437 = arith.cmpi ne, %convert_element_type3A_435, %cond3A_436 : i32
        scf.if %cond3A_437 {
          %sub3A = arith.constant 4 : i32
          %sub3A_446 = arith.subi %add3A_255, %sub3A : i32
          %dma_wait3A_447 = arith.constant 0 : i32
          %dma_wait3A_448 = tpu.memref_slice %arg8[%sub3A_446, %dma_wait3A_447] : memref<80x250xi32, #tpu.memory_space<vmem>> -> memref<1x250xi32, #tpu.memory_space<vmem>>
          %dma_wait3A_449 = tpu.memref_squeeze %dma_wait3A_448 : memref<1x250xi32, #tpu.memory_space<vmem>> -> memref<250xi32, #tpu.memory_space<vmem>>
          %dma_wait3A_450 = arith.constant 0 : i32
          %dma_wait3A_451 = arith.constant 0 : i32
          %dma_wait3A_452 = tpu.memref_slice %arg9[%dma_wait3A_450, %dma_wait3A_451] : memref<10000x16xf32, #tpu.memory_space<vmem_shared>> -> memref<10000x16xf32, #tpu.memory_space<vmem_shared>>
          tpu.wait_indirect_dma semaphore(%arg30 : memref<!tpu.dma_semaphore, #tpu.memory_space<semaphore_mem>>) src(%arg14 : memref<250x16xf32, #tpu.memory_space<vmem>>) dst(%dma_wait3A_452 : memref<10000x16xf32, #tpu.memory_space<vmem_shared>>)
        } else {
        }
        %add3A_438 = arith.constant 4 : i32
        %add3A_439 = arith.addi %add3A_255, %add3A_438 : i32
        %dma_start3A_440 = arith.constant 0 : i32
        %dma_start3A_441 = tpu.memref_slice %arg7[%add3A_439, %dma_start3A_440] : memref<80x250xi32, #tpu.memory_space<vmem>> -> memref<1x250xi32, #tpu.memory_space<vmem>>
        %dma_start3A_442 = tpu.memref_squeeze %dma_start3A_441 : memref<1x250xi32, #tpu.memory_space<vmem>> -> memref<250xi32, #tpu.memory_space<vmem>>
        %dma_start3A_443 = arith.constant 0 : i32
        %dma_start3A_444 = arith.constant 0 : i32
        %dma_start3A_445 = tpu.memref_slice %arg2[%dma_start3A_443, %dma_start3A_444] : memref<20000x16xf32, #tpu.memory_space<hbm>> -> memref<20000x16xf32, #tpu.memory_space<hbm>>
        tpu.enqueue_indirect_dma source(%dma_start3A_445 : memref<20000x16xf32, #tpu.memory_space<hbm>>) target(%arg14 : memref<250x16xf32, #tpu.memory_space<vmem>>) offsets(%dma_start3A_442 : memref<250xi32, #tpu.memory_space<vmem>>) semaphore(%arg22 : memref<!tpu.dma_semaphore, #tpu.memory_space<semaphore_mem>>)
      } else {
      }
      %mul3A_272 = arith.constant 8 : i32
      %mul3A_273 = arith.muli %mul3A_272, %scan3A_250 : i32
      %add3A_274 = arith.constant 1 : i32
      %add3A_275 = arith.addi %mul3A_273, %add3A_274 : i32
      %dma_wait3A_276 = arith.constant 0 : i32
      %dma_wait3A_277 = tpu.memref_slice %arg7[%add3A_275, %dma_wait3A_276] : memref<80x250xi32, #tpu.memory_space<vmem>> -> memref<1x250xi32, #tpu.memory_space<vmem>>
      %dma_wait3A_278 = tpu.memref_squeeze %dma_wait3A_277 : memref<1x250xi32, #tpu.memory_space<vmem>> -> memref<250xi32, #tpu.memory_space<vmem>>
      %dma_wait3A_279 = arith.constant 0 : i32
      %dma_wait3A_280 = arith.constant 0 : i32
      %dma_wait3A_281 = tpu.memref_slice %arg2[%dma_wait3A_279, %dma_wait3A_280] : memref<20000x16xf32, #tpu.memory_space<hbm>> -> memref<20000x16xf32, #tpu.memory_space<hbm>>
      tpu.wait_indirect_dma semaphore(%arg19 : memref<!tpu.dma_semaphore, #tpu.memory_space<semaphore_mem>>) src(%dma_wait3A_281 : memref<20000x16xf32, #tpu.memory_space<hbm>>) dst(%arg11 : memref<250x16xf32, #tpu.memory_space<vmem>>)
      %dma_start3A_282 = arith.constant 0 : i32
      %dma_start3A_283 = tpu.memref_slice %arg8[%add3A_275, %dma_start3A_282] : memref<80x250xi32, #tpu.memory_space<vmem>> -> memref<1x250xi32, #tpu.memory_space<vmem>>
      %dma_start3A_284 = tpu.memref_squeeze %dma_start3A_283 : memref<1x250xi32, #tpu.memory_space<vmem>> -> memref<250xi32, #tpu.memory_space<vmem>>
      %dma_start3A_285 = arith.constant 0 : i32
      %dma_start3A_286 = arith.constant 0 : i32
      %dma_start3A_287 = tpu.memref_slice %arg9[%dma_start3A_285, %dma_start3A_286] : memref<10000x16xf32, #tpu.memory_space<vmem_shared>> -> memref<10000x16xf32, #tpu.memory_space<vmem_shared>>
      tpu.enqueue_indirect_dma source(%arg11 : memref<250x16xf32, #tpu.memory_space<vmem>>) target(%dma_start3A_287 : memref<10000x16xf32, #tpu.memory_space<vmem_shared>>) offsets(%dma_start3A_284 : memref<250xi32, #tpu.memory_space<vmem>>) semaphore(%arg27 : memref<!tpu.dma_semaphore, #tpu.memory_space<semaphore_mem>>) {add = true}
      %add3A_288 = arith.constant 4 : i32
      %add3A_289 = arith.addi %add3A_275, %add3A_288 : i32
      %lt3A_290 = arith.constant 80 : i32
      %lt3A_291 = arith.cmpi slt, %add3A_289, %lt3A_290 : i32
      %convert_element_type3A_292 = arith.extui %lt3A_291 : i1 to i32
      %cond3A_293 = arith.constant 0 : i32
      %cond3A_294 = arith.cmpi ne, %convert_element_type3A_292, %cond3A_293 : i32
      scf.if %cond3A_294 {
        %ge3A = arith.constant 4 : i32
        %ge3A_434 = arith.cmpi sge, %add3A_275, %ge3A : i32
        %convert_element_type3A_435 = arith.extui %ge3A_434 : i1 to i32
        %cond3A_436 = arith.constant 0 : i32
        %cond3A_437 = arith.cmpi ne, %convert_element_type3A_435, %cond3A_436 : i32
        scf.if %cond3A_437 {
          %sub3A = arith.constant 4 : i32
          %sub3A_446 = arith.subi %add3A_275, %sub3A : i32
          %dma_wait3A_447 = arith.constant 0 : i32
          %dma_wait3A_448 = tpu.memref_slice %arg8[%sub3A_446, %dma_wait3A_447] : memref<80x250xi32, #tpu.memory_space<vmem>> -> memref<1x250xi32, #tpu.memory_space<vmem>>
          %dma_wait3A_449 = tpu.memref_squeeze %dma_wait3A_448 : memref<1x250xi32, #tpu.memory_space<vmem>> -> memref<250xi32, #tpu.memory_space<vmem>>
          %dma_wait3A_450 = arith.constant 0 : i32
          %dma_wait3A_451 = arith.constant 0 : i32
          %dma_wait3A_452 = tpu.memref_slice %arg9[%dma_wait3A_450, %dma_wait3A_451] : memref<10000x16xf32, #tpu.memory_space<vmem_shared>> -> memref<10000x16xf32, #tpu.memory_space<vmem_shared>>
          tpu.wait_indirect_dma semaphore(%arg31 : memref<!tpu.dma_semaphore, #tpu.memory_space<semaphore_mem>>) src(%arg15 : memref<250x16xf32, #tpu.memory_space<vmem>>) dst(%dma_wait3A_452 : memref<10000x16xf32, #tpu.memory_space<vmem_shared>>)
        } else {
        }
        %add3A_438 = arith.constant 4 : i32
        %add3A_439 = arith.addi %add3A_275, %add3A_438 : i32
        %dma_start3A_440 = arith.constant 0 : i32
        %dma_start3A_441 = tpu.memref_slice %arg7[%add3A_439, %dma_start3A_440] : memref<80x250xi32, #tpu.memory_space<vmem>> -> memref<1x250xi32, #tpu.memory_space<vmem>>
        %dma_start3A_442 = tpu.memref_squeeze %dma_start3A_441 : memref<1x250xi32, #tpu.memory_space<vmem>> -> memref<250xi32, #tpu.memory_space<vmem>>
        %dma_start3A_443 = arith.constant 0 : i32
        %dma_start3A_444 = arith.constant 0 : i32
        %dma_start3A_445 = tpu.memref_slice %arg2[%dma_start3A_443, %dma_start3A_444] : memref<20000x16xf32, #tpu.memory_space<hbm>> -> memref<20000x16xf32, #tpu.memory_space<hbm>>
        tpu.enqueue_indirect_dma source(%dma_start3A_445 : memref<20000x16xf32, #tpu.memory_space<hbm>>) target(%arg15 : memref<250x16xf32, #tpu.memory_space<vmem>>) offsets(%dma_start3A_442 : memref<250xi32, #tpu.memory_space<vmem>>) semaphore(%arg23 : memref<!tpu.dma_semaphore, #tpu.memory_space<semaphore_mem>>)
      } else {
      }
      %mul3A_295 = arith.constant 8 : i32
      %mul3A_296 = arith.muli %mul3A_295, %scan3A_250 : i32
      %add3A_297 = arith.constant 2 : i32
      %add3A_298 = arith.addi %mul3A_296, %add3A_297 : i32
      %dma_wait3A_299 = arith.constant 0 : i32
      %dma_wait3A_300 = tpu.memref_slice %arg7[%add3A_298, %dma_wait3A_299] : memref<80x250xi32, #tpu.memory_space<vmem>> -> memref<1x250xi32, #tpu.memory_space<vmem>>
      %dma_wait3A_301 = tpu.memref_squeeze %dma_wait3A_300 : memref<1x250xi32, #tpu.memory_space<vmem>> -> memref<250xi32, #tpu.memory_space<vmem>>
      %dma_wait3A_302 = arith.constant 0 : i32
      %dma_wait3A_303 = arith.constant 0 : i32
      %dma_wait3A_304 = tpu.memref_slice %arg2[%dma_wait3A_302, %dma_wait3A_303] : memref<20000x16xf32, #tpu.memory_space<hbm>> -> memref<20000x16xf32, #tpu.memory_space<hbm>>
      tpu.wait_indirect_dma semaphore(%arg20 : memref<!tpu.dma_semaphore, #tpu.memory_space<semaphore_mem>>) src(%dma_wait3A_304 : memref<20000x16xf32, #tpu.memory_space<hbm>>) dst(%arg12 : memref<250x16xf32, #tpu.memory_space<vmem>>)
      %dma_start3A_305 = arith.constant 0 : i32
      %dma_start3A_306 = tpu.memref_slice %arg8[%add3A_298, %dma_start3A_305] : memref<80x250xi32, #tpu.memory_space<vmem>> -> memref<1x250xi32, #tpu.memory_space<vmem>>
      %dma_start3A_307 = tpu.memref_squeeze %dma_start3A_306 : memref<1x250xi32, #tpu.memory_space<vmem>> -> memref<250xi32, #tpu.memory_space<vmem>>
      %dma_start3A_308 = arith.constant 0 : i32
      %dma_start3A_309 = arith.constant 0 : i32
      %dma_start3A_310 = tpu.memref_slice %arg9[%dma_start3A_308, %dma_start3A_309] : memref<10000x16xf32, #tpu.memory_space<vmem_shared>> -> memref<10000x16xf32, #tpu.memory_space<vmem_shared>>
      tpu.enqueue_indirect_dma source(%arg12 : memref<250x16xf32, #tpu.memory_space<vmem>>) target(%dma_start3A_310 : memref<10000x16xf32, #tpu.memory_space<vmem_shared>>) offsets(%dma_start3A_307 : memref<250xi32, #tpu.memory_space<vmem>>) semaphore(%arg28 : memref<!tpu.dma_semaphore, #tpu.memory_space<semaphore_mem>>) {add = true}
      %add3A_311 = arith.constant 4 : i32
      %add3A_312 = arith.addi %add3A_298, %add3A_311 : i32
      %lt3A_313 = arith.constant 80 : i32
      %lt3A_314 = arith.cmpi slt, %add3A_312, %lt3A_313 : i32
      %convert_element_type3A_315 = arith.extui %lt3A_314 : i1 to i32
      %cond3A_316 = arith.constant 0 : i32
      %cond3A_317 = arith.cmpi ne, %convert_element_type3A_315, %cond3A_316 : i32
      scf.if %cond3A_317 {
        %ge3A = arith.constant 4 : i32
        %ge3A_434 = arith.cmpi sge, %add3A_298, %ge3A : i32
        %convert_element_type3A_435 = arith.extui %ge3A_434 : i1 to i32
        %cond3A_436 = arith.constant 0 : i32
        %cond3A_437 = arith.cmpi ne, %convert_element_type3A_435, %cond3A_436 : i32
        scf.if %cond3A_437 {
          %sub3A = arith.constant 4 : i32
          %sub3A_446 = arith.subi %add3A_298, %sub3A : i32
          %dma_wait3A_447 = arith.constant 0 : i32
          %dma_wait3A_448 = tpu.memref_slice %arg8[%sub3A_446, %dma_wait3A_447] : memref<80x250xi32, #tpu.memory_space<vmem>> -> memref<1x250xi32, #tpu.memory_space<vmem>>
          %dma_wait3A_449 = tpu.memref_squeeze %dma_wait3A_448 : memref<1x250xi32, #tpu.memory_space<vmem>> -> memref<250xi32, #tpu.memory_space<vmem>>
          %dma_wait3A_450 = arith.constant 0 : i32
          %dma_wait3A_451 = arith.constant 0 : i32
          %dma_wait3A_452 = tpu.memref_slice %arg9[%dma_wait3A_450, %dma_wait3A_451] : memref<10000x16xf32, #tpu.memory_space<vmem_shared>> -> memref<10000x16xf32, #tpu.memory_space<vmem_shared>>
          tpu.wait_indirect_dma semaphore(%arg32 : memref<!tpu.dma_semaphore, #tpu.memory_space<semaphore_mem>>) src(%arg16 : memref<250x16xf32, #tpu.memory_space<vmem>>) dst(%dma_wait3A_452 : memref<10000x16xf32, #tpu.memory_space<vmem_shared>>)
        } else {
        }
        %add3A_438 = arith.constant 4 : i32
        %add3A_439 = arith.addi %add3A_298, %add3A_438 : i32
        %dma_start3A_440 = arith.constant 0 : i32
        %dma_start3A_441 = tpu.memref_slice %arg7[%add3A_439, %dma_start3A_440] : memref<80x250xi32, #tpu.memory_space<vmem>> -> memref<1x250xi32, #tpu.memory_space<vmem>>
        %dma_start3A_442 = tpu.memref_squeeze %dma_start3A_441 : memref<1x250xi32, #tpu.memory_space<vmem>> -> memref<250xi32, #tpu.memory_space<vmem>>
        %dma_start3A_443 = arith.constant 0 : i32
        %dma_start3A_444 = arith.constant 0 : i32
        %dma_start3A_445 = tpu.memref_slice %arg2[%dma_start3A_443, %dma_start3A_444] : memref<20000x16xf32, #tpu.memory_space<hbm>> -> memref<20000x16xf32, #tpu.memory_space<hbm>>
        tpu.enqueue_indirect_dma source(%dma_start3A_445 : memref<20000x16xf32, #tpu.memory_space<hbm>>) target(%arg16 : memref<250x16xf32, #tpu.memory_space<vmem>>) offsets(%dma_start3A_442 : memref<250xi32, #tpu.memory_space<vmem>>) semaphore(%arg24 : memref<!tpu.dma_semaphore, #tpu.memory_space<semaphore_mem>>)
      } else {
      }
      %mul3A_318 = arith.constant 8 : i32
      %mul3A_319 = arith.muli %mul3A_318, %scan3A_250 : i32
      %add3A_320 = arith.constant 3 : i32
      %add3A_321 = arith.addi %mul3A_319, %add3A_320 : i32
      %dma_wait3A_322 = arith.constant 0 : i32
      %dma_wait3A_323 = tpu.memref_slice %arg7[%add3A_321, %dma_wait3A_322] : memref<80x250xi32, #tpu.memory_space<vmem>> -> memref<1x250xi32, #tpu.memory_space<vmem>>
      %dma_wait3A_324 = tpu.memref_squeeze %dma_wait3A_323 : memref<1x250xi32, #tpu.memory_space<vmem>> -> memref<250xi32, #tpu.memory_space<vmem>>
      %dma_wait3A_325 = arith.constant 0 : i32
      %dma_wait3A_326 = arith.constant 0 : i32
      %dma_wait3A_327 = tpu.memref_slice %arg2[%dma_wait3A_325, %dma_wait3A_326] : memref<20000x16xf32, #tpu.memory_space<hbm>> -> memref<20000x16xf32, #tpu.memory_space<hbm>>
      tpu.wait_indirect_dma semaphore(%arg21 : memref<!tpu.dma_semaphore, #tpu.memory_space<semaphore_mem>>) src(%dma_wait3A_327 : memref<20000x16xf32, #tpu.memory_space<hbm>>) dst(%arg13 : memref<250x16xf32, #tpu.memory_space<vmem>>)
      %dma_start3A_328 = arith.constant 0 : i32
      %dma_start3A_329 = tpu.memref_slice %arg8[%add3A_321, %dma_start3A_328] : memref<80x250xi32, #tpu.memory_space<vmem>> -> memref<1x250xi32, #tpu.memory_space<vmem>>
      %dma_start3A_330 = tpu.memref_squeeze %dma_start3A_329 : memref<1x250xi32, #tpu.memory_space<vmem>> -> memref<250xi32, #tpu.memory_space<vmem>>
      %dma_start3A_331 = arith.constant 0 : i32
      %dma_start3A_332 = arith.constant 0 : i32
      %dma_start3A_333 = tpu.memref_slice %arg9[%dma_start3A_331, %dma_start3A_332] : memref<10000x16xf32, #tpu.memory_space<vmem_shared>> -> memref<10000x16xf32, #tpu.memory_space<vmem_shared>>
      tpu.enqueue_indirect_dma source(%arg13 : memref<250x16xf32, #tpu.memory_space<vmem>>) target(%dma_start3A_333 : memref<10000x16xf32, #tpu.memory_space<vmem_shared>>) offsets(%dma_start3A_330 : memref<250xi32, #tpu.memory_space<vmem>>) semaphore(%arg29 : memref<!tpu.dma_semaphore, #tpu.memory_space<semaphore_mem>>) {add = true}
      %add3A_334 = arith.constant 4 : i32
      %add3A_335 = arith.addi %add3A_321, %add3A_334 : i32
      %lt3A_336 = arith.constant 80 : i32
      %lt3A_337 = arith.cmpi slt, %add3A_335, %lt3A_336 : i32
      %convert_element_type3A_338 = arith.extui %lt3A_337 : i1 to i32
      %cond3A_339 = arith.constant 0 : i32
      %cond3A_340 = arith.cmpi ne, %convert_element_type3A_338, %cond3A_339 : i32
      scf.if %cond3A_340 {
        %ge3A = arith.constant 4 : i32
        %ge3A_434 = arith.cmpi sge, %add3A_321, %ge3A : i32
        %convert_element_type3A_435 = arith.extui %ge3A_434 : i1 to i32
        %cond3A_436 = arith.constant 0 : i32
        %cond3A_437 = arith.cmpi ne, %convert_element_type3A_435, %cond3A_436 : i32
        scf.if %cond3A_437 {
          %sub3A = arith.constant 4 : i32
          %sub3A_446 = arith.subi %add3A_321, %sub3A : i32
          %dma_wait3A_447 = arith.constant 0 : i32
          %dma_wait3A_448 = tpu.memref_slice %arg8[%sub3A_446, %dma_wait3A_447] : memref<80x250xi32, #tpu.memory_space<vmem>> -> memref<1x250xi32, #tpu.memory_space<vmem>>
          %dma_wait3A_449 = tpu.memref_squeeze %dma_wait3A_448 : memref<1x250xi32, #tpu.memory_space<vmem>> -> memref<250xi32, #tpu.memory_space<vmem>>
          %dma_wait3A_450 = arith.constant 0 : i32
          %dma_wait3A_451 = arith.constant 0 : i32
          %dma_wait3A_452 = tpu.memref_slice %arg9[%dma_wait3A_450, %dma_wait3A_451] : memref<10000x16xf32, #tpu.memory_space<vmem_shared>> -> memref<10000x16xf32, #tpu.memory_space<vmem_shared>>
          tpu.wait_indirect_dma semaphore(%arg33 : memref<!tpu.dma_semaphore, #tpu.memory_space<semaphore_mem>>) src(%arg17 : memref<250x16xf32, #tpu.memory_space<vmem>>) dst(%dma_wait3A_452 : memref<10000x16xf32, #tpu.memory_space<vmem_shared>>)
        } else {
        }
        %add3A_438 = arith.constant 4 : i32
        %add3A_439 = arith.addi %add3A_321, %add3A_438 : i32
        %dma_start3A_440 = arith.constant 0 : i32
        %dma_start3A_441 = tpu.memref_slice %arg7[%add3A_439, %dma_start3A_440] : memref<80x250xi32, #tpu.memory_space<vmem>> -> memref<1x250xi32, #tpu.memory_space<vmem>>
        %dma_start3A_442 = tpu.memref_squeeze %dma_start3A_441 : memref<1x250xi32, #tpu.memory_space<vmem>> -> memref<250xi32, #tpu.memory_space<vmem>>
        %dma_start3A_443 = arith.constant 0 : i32
        %dma_start3A_444 = arith.constant 0 : i32
        %dma_start3A_445 = tpu.memref_slice %arg2[%dma_start3A_443, %dma_start3A_444] : memref<20000x16xf32, #tpu.memory_space<hbm>> -> memref<20000x16xf32, #tpu.memory_space<hbm>>
        tpu.enqueue_indirect_dma source(%dma_start3A_445 : memref<20000x16xf32, #tpu.memory_space<hbm>>) target(%arg17 : memref<250x16xf32, #tpu.memory_space<vmem>>) offsets(%dma_start3A_442 : memref<250xi32, #tpu.memory_space<vmem>>) semaphore(%arg25 : memref<!tpu.dma_semaphore, #tpu.memory_space<semaphore_mem>>)
      } else {
      }
      %mul3A_341 = arith.constant 8 : i32
      %mul3A_342 = arith.muli %mul3A_341, %scan3A_250 : i32
      %add3A_343 = arith.constant 4 : i32
      %add3A_344 = arith.addi %mul3A_342, %add3A_343 : i32
      %dma_wait3A_345 = arith.constant 0 : i32
      %dma_wait3A_346 = tpu.memref_slice %arg7[%add3A_344, %dma_wait3A_345] : memref<80x250xi32, #tpu.memory_space<vmem>> -> memref<1x250xi32, #tpu.memory_space<vmem>>
      %dma_wait3A_347 = tpu.memref_squeeze %dma_wait3A_346 : memref<1x250xi32, #tpu.memory_space<vmem>> -> memref<250xi32, #tpu.memory_space<vmem>>
      %dma_wait3A_348 = arith.constant 0 : i32
      %dma_wait3A_349 = arith.constant 0 : i32
      %dma_wait3A_350 = tpu.memref_slice %arg2[%dma_wait3A_348, %dma_wait3A_349] : memref<20000x16xf32, #tpu.memory_space<hbm>> -> memref<20000x16xf32, #tpu.memory_space<hbm>>
      tpu.wait_indirect_dma semaphore(%arg22 : memref<!tpu.dma_semaphore, #tpu.memory_space<semaphore_mem>>) src(%dma_wait3A_350 : memref<20000x16xf32, #tpu.memory_space<hbm>>) dst(%arg14 : memref<250x16xf32, #tpu.memory_space<vmem>>)
      %dma_start3A_351 = arith.constant 0 : i32
      %dma_start3A_352 = tpu.memref_slice %arg8[%add3A_344, %dma_start3A_351] : memref<80x250xi32, #tpu.memory_space<vmem>> -> memref<1x250xi32, #tpu.memory_space<vmem>>
      %dma_start3A_353 = tpu.memref_squeeze %dma_start3A_352 : memref<1x250xi32, #tpu.memory_space<vmem>> -> memref<250xi32, #tpu.memory_space<vmem>>
      %dma_start3A_354 = arith.constant 0 : i32
      %dma_start3A_355 = arith.constant 0 : i32
      %dma_start3A_356 = tpu.memref_slice %arg9[%dma_start3A_354, %dma_start3A_355] : memref<10000x16xf32, #tpu.memory_space<vmem_shared>> -> memref<10000x16xf32, #tpu.memory_space<vmem_shared>>
      tpu.enqueue_indirect_dma source(%arg14 : memref<250x16xf32, #tpu.memory_space<vmem>>) target(%dma_start3A_356 : memref<10000x16xf32, #tpu.memory_space<vmem_shared>>) offsets(%dma_start3A_353 : memref<250xi32, #tpu.memory_space<vmem>>) semaphore(%arg30 : memref<!tpu.dma_semaphore, #tpu.memory_space<semaphore_mem>>) {add = true}
      %add3A_357 = arith.constant 4 : i32
      %add3A_358 = arith.addi %add3A_344, %add3A_357 : i32
      %lt3A_359 = arith.constant 80 : i32
      %lt3A_360 = arith.cmpi slt, %add3A_358, %lt3A_359 : i32
      %convert_element_type3A_361 = arith.extui %lt3A_360 : i1 to i32
      %cond3A_362 = arith.constant 0 : i32
      %cond3A_363 = arith.cmpi ne, %convert_element_type3A_361, %cond3A_362 : i32
      scf.if %cond3A_363 {
        %ge3A = arith.constant 4 : i32
        %ge3A_434 = arith.cmpi sge, %add3A_344, %ge3A : i32
        %convert_element_type3A_435 = arith.extui %ge3A_434 : i1 to i32
        %cond3A_436 = arith.constant 0 : i32
        %cond3A_437 = arith.cmpi ne, %convert_element_type3A_435, %cond3A_436 : i32
        scf.if %cond3A_437 {
          %sub3A = arith.constant 4 : i32
          %sub3A_446 = arith.subi %add3A_344, %sub3A : i32
          %dma_wait3A_447 = arith.constant 0 : i32
          %dma_wait3A_448 = tpu.memref_slice %arg8[%sub3A_446, %dma_wait3A_447] : memref<80x250xi32, #tpu.memory_space<vmem>> -> memref<1x250xi32, #tpu.memory_space<vmem>>
          %dma_wait3A_449 = tpu.memref_squeeze %dma_wait3A_448 : memref<1x250xi32, #tpu.memory_space<vmem>> -> memref<250xi32, #tpu.memory_space<vmem>>
          %dma_wait3A_450 = arith.constant 0 : i32
          %dma_wait3A_451 = arith.constant 0 : i32
          %dma_wait3A_452 = tpu.memref_slice %arg9[%dma_wait3A_450, %dma_wait3A_451] : memref<10000x16xf32, #tpu.memory_space<vmem_shared>> -> memref<10000x16xf32, #tpu.memory_space<vmem_shared>>
          tpu.wait_indirect_dma semaphore(%arg26 : memref<!tpu.dma_semaphore, #tpu.memory_space<semaphore_mem>>) src(%arg10 : memref<250x16xf32, #tpu.memory_space<vmem>>) dst(%dma_wait3A_452 : memref<10000x16xf32, #tpu.memory_space<vmem_shared>>)
        } else {
        }
        %add3A_438 = arith.constant 4 : i32
        %add3A_439 = arith.addi %add3A_344, %add3A_438 : i32
        %dma_start3A_440 = arith.constant 0 : i32
        %dma_start3A_441 = tpu.memref_slice %arg7[%add3A_439, %dma_start3A_440] : memref<80x250xi32, #tpu.memory_space<vmem>> -> memref<1x250xi32, #tpu.memory_space<vmem>>
        %dma_start3A_442 = tpu.memref_squeeze %dma_start3A_441 : memref<1x250xi32, #tpu.memory_space<vmem>> -> memref<250xi32, #tpu.memory_space<vmem>>
        %dma_start3A_443 = arith.constant 0 : i32
        %dma_start3A_444 = arith.constant 0 : i32
        %dma_start3A_445 = tpu.memref_slice %arg2[%dma_start3A_443, %dma_start3A_444] : memref<20000x16xf32, #tpu.memory_space<hbm>> -> memref<20000x16xf32, #tpu.memory_space<hbm>>
        tpu.enqueue_indirect_dma source(%dma_start3A_445 : memref<20000x16xf32, #tpu.memory_space<hbm>>) target(%arg10 : memref<250x16xf32, #tpu.memory_space<vmem>>) offsets(%dma_start3A_442 : memref<250xi32, #tpu.memory_space<vmem>>) semaphore(%arg18 : memref<!tpu.dma_semaphore, #tpu.memory_space<semaphore_mem>>)
      } else {
      }
      %mul3A_364 = arith.constant 8 : i32
      %mul3A_365 = arith.muli %mul3A_364, %scan3A_250 : i32
      %add3A_366 = arith.constant 5 : i32
      %add3A_367 = arith.addi %mul3A_365, %add3A_366 : i32
      %dma_wait3A_368 = arith.constant 0 : i32
      %dma_wait3A_369 = tpu.memref_slice %arg7[%add3A_367, %dma_wait3A_368] : memref<80x250xi32, #tpu.memory_space<vmem>> -> memref<1x250xi32, #tpu.memory_space<vmem>>
      %dma_wait3A_370 = tpu.memref_squeeze %dma_wait3A_369 : memref<1x250xi32, #tpu.memory_space<vmem>> -> memref<250xi32, #tpu.memory_space<vmem>>
      %dma_wait3A_371 = arith.constant 0 : i32
      %dma_wait3A_372 = arith.constant 0 : i32
      %dma_wait3A_373 = tpu.memref_slice %arg2[%dma_wait3A_371, %dma_wait3A_372] : memref<20000x16xf32, #tpu.memory_space<hbm>> -> memref<20000x16xf32, #tpu.memory_space<hbm>>
      tpu.wait_indirect_dma semaphore(%arg23 : memref<!tpu.dma_semaphore, #tpu.memory_space<semaphore_mem>>) src(%dma_wait3A_373 : memref<20000x16xf32, #tpu.memory_space<hbm>>) dst(%arg15 : memref<250x16xf32, #tpu.memory_space<vmem>>)
      %dma_start3A_374 = arith.constant 0 : i32
      %dma_start3A_375 = tpu.memref_slice %arg8[%add3A_367, %dma_start3A_374] : memref<80x250xi32, #tpu.memory_space<vmem>> -> memref<1x250xi32, #tpu.memory_space<vmem>>
      %dma_start3A_376 = tpu.memref_squeeze %dma_start3A_375 : memref<1x250xi32, #tpu.memory_space<vmem>> -> memref<250xi32, #tpu.memory_space<vmem>>
      %dma_start3A_377 = arith.constant 0 : i32
      %dma_start3A_378 = arith.constant 0 : i32
      %dma_start3A_379 = tpu.memref_slice %arg9[%dma_start3A_377, %dma_start3A_378] : memref<10000x16xf32, #tpu.memory_space<vmem_shared>> -> memref<10000x16xf32, #tpu.memory_space<vmem_shared>>
      tpu.enqueue_indirect_dma source(%arg15 : memref<250x16xf32, #tpu.memory_space<vmem>>) target(%dma_start3A_379 : memref<10000x16xf32, #tpu.memory_space<vmem_shared>>) offsets(%dma_start3A_376 : memref<250xi32, #tpu.memory_space<vmem>>) semaphore(%arg31 : memref<!tpu.dma_semaphore, #tpu.memory_space<semaphore_mem>>) {add = true}
      %add3A_380 = arith.constant 4 : i32
      %add3A_381 = arith.addi %add3A_367, %add3A_380 : i32
      %lt3A_382 = arith.constant 80 : i32
      %lt3A_383 = arith.cmpi slt, %add3A_381, %lt3A_382 : i32
      %convert_element_type3A_384 = arith.extui %lt3A_383 : i1 to i32
      %cond3A_385 = arith.constant 0 : i32
      %cond3A_386 = arith.cmpi ne, %convert_element_type3A_384, %cond3A_385 : i32
      scf.if %cond3A_386 {
        %ge3A = arith.constant 4 : i32
        %ge3A_434 = arith.cmpi sge, %add3A_367, %ge3A : i32
        %convert_element_type3A_435 = arith.extui %ge3A_434 : i1 to i32
        %cond3A_436 = arith.constant 0 : i32
        %cond3A_437 = arith.cmpi ne, %convert_element_type3A_435, %cond3A_436 : i32
        scf.if %cond3A_437 {
          %sub3A = arith.constant 4 : i32
          %sub3A_446 = arith.subi %add3A_367, %sub3A : i32
          %dma_wait3A_447 = arith.constant 0 : i32
          %dma_wait3A_448 = tpu.memref_slice %arg8[%sub3A_446, %dma_wait3A_447] : memref<80x250xi32, #tpu.memory_space<vmem>> -> memref<1x250xi32, #tpu.memory_space<vmem>>
          %dma_wait3A_449 = tpu.memref_squeeze %dma_wait3A_448 : memref<1x250xi32, #tpu.memory_space<vmem>> -> memref<250xi32, #tpu.memory_space<vmem>>
          %dma_wait3A_450 = arith.constant 0 : i32
          %dma_wait3A_451 = arith.constant 0 : i32
          %dma_wait3A_452 = tpu.memref_slice %arg9[%dma_wait3A_450, %dma_wait3A_451] : memref<10000x16xf32, #tpu.memory_space<vmem_shared>> -> memref<10000x16xf32, #tpu.memory_space<vmem_shared>>
          tpu.wait_indirect_dma semaphore(%arg27 : memref<!tpu.dma_semaphore, #tpu.memory_space<semaphore_mem>>) src(%arg11 : memref<250x16xf32, #tpu.memory_space<vmem>>) dst(%dma_wait3A_452 : memref<10000x16xf32, #tpu.memory_space<vmem_shared>>)
        } else {
        }
        %add3A_438 = arith.constant 4 : i32
        %add3A_439 = arith.addi %add3A_367, %add3A_438 : i32
        %dma_start3A_440 = arith.constant 0 : i32
        %dma_start3A_441 = tpu.memref_slice %arg7[%add3A_439, %dma_start3A_440] : memref<80x250xi32, #tpu.memory_space<vmem>> -> memref<1x250xi32, #tpu.memory_space<vmem>>
        %dma_start3A_442 = tpu.memref_squeeze %dma_start3A_441 : memref<1x250xi32, #tpu.memory_space<vmem>> -> memref<250xi32, #tpu.memory_space<vmem>>
        %dma_start3A_443 = arith.constant 0 : i32
        %dma_start3A_444 = arith.constant 0 : i32
        %dma_start3A_445 = tpu.memref_slice %arg2[%dma_start3A_443, %dma_start3A_444] : memref<20000x16xf32, #tpu.memory_space<hbm>> -> memref<20000x16xf32, #tpu.memory_space<hbm>>
        tpu.enqueue_indirect_dma source(%dma_start3A_445 : memref<20000x16xf32, #tpu.memory_space<hbm>>) target(%arg11 : memref<250x16xf32, #tpu.memory_space<vmem>>) offsets(%dma_start3A_442 : memref<250xi32, #tpu.memory_space<vmem>>) semaphore(%arg19 : memref<!tpu.dma_semaphore, #tpu.memory_space<semaphore_mem>>)
      } else {
      }
      %mul3A_387 = arith.constant 8 : i32
      %mul3A_388 = arith.muli %mul3A_387, %scan3A_250 : i32
      %add3A_389 = arith.constant 6 : i32
      %add3A_390 = arith.addi %mul3A_388, %add3A_389 : i32
      %dma_wait3A_391 = arith.constant 0 : i32
      %dma_wait3A_392 = tpu.memref_slice %arg7[%add3A_390, %dma_wait3A_391] : memref<80x250xi32, #tpu.memory_space<vmem>> -> memref<1x250xi32, #tpu.memory_space<vmem>>
      %dma_wait3A_393 = tpu.memref_squeeze %dma_wait3A_392 : memref<1x250xi32, #tpu.memory_space<vmem>> -> memref<250xi32, #tpu.memory_space<vmem>>
      %dma_wait3A_394 = arith.constant 0 : i32
      %dma_wait3A_395 = arith.constant 0 : i32
      %dma_wait3A_396 = tpu.memref_slice %arg2[%dma_wait3A_394, %dma_wait3A_395] : memref<20000x16xf32, #tpu.memory_space<hbm>> -> memref<20000x16xf32, #tpu.memory_space<hbm>>
      tpu.wait_indirect_dma semaphore(%arg24 : memref<!tpu.dma_semaphore, #tpu.memory_space<semaphore_mem>>) src(%dma_wait3A_396 : memref<20000x16xf32, #tpu.memory_space<hbm>>) dst(%arg16 : memref<250x16xf32, #tpu.memory_space<vmem>>)
      %dma_start3A_397 = arith.constant 0 : i32
      %dma_start3A_398 = tpu.memref_slice %arg8[%add3A_390, %dma_start3A_397] : memref<80x250xi32, #tpu.memory_space<vmem>> -> memref<1x250xi32, #tpu.memory_space<vmem>>
      %dma_start3A_399 = tpu.memref_squeeze %dma_start3A_398 : memref<1x250xi32, #tpu.memory_space<vmem>> -> memref<250xi32, #tpu.memory_space<vmem>>
      %dma_start3A_400 = arith.constant 0 : i32
      %dma_start3A_401 = arith.constant 0 : i32
      %dma_start3A_402 = tpu.memref_slice %arg9[%dma_start3A_400, %dma_start3A_401] : memref<10000x16xf32, #tpu.memory_space<vmem_shared>> -> memref<10000x16xf32, #tpu.memory_space<vmem_shared>>
      tpu.enqueue_indirect_dma source(%arg16 : memref<250x16xf32, #tpu.memory_space<vmem>>) target(%dma_start3A_402 : memref<10000x16xf32, #tpu.memory_space<vmem_shared>>) offsets(%dma_start3A_399 : memref<250xi32, #tpu.memory_space<vmem>>) semaphore(%arg32 : memref<!tpu.dma_semaphore, #tpu.memory_space<semaphore_mem>>) {add = true}
      %add3A_403 = arith.constant 4 : i32
      %add3A_404 = arith.addi %add3A_390, %add3A_403 : i32
      %lt3A_405 = arith.constant 80 : i32
      %lt3A_406 = arith.cmpi slt, %add3A_404, %lt3A_405 : i32
      %convert_element_type3A_407 = arith.extui %lt3A_406 : i1 to i32
      %cond3A_408 = arith.constant 0 : i32
      %cond3A_409 = arith.cmpi ne, %convert_element_type3A_407, %cond3A_408 : i32
      scf.if %cond3A_409 {
        %ge3A = arith.constant 4 : i32
        %ge3A_434 = arith.cmpi sge, %add3A_390, %ge3A : i32
        %convert_element_type3A_435 = arith.extui %ge3A_434 : i1 to i32
        %cond3A_436 = arith.constant 0 : i32
        %cond3A_437 = arith.cmpi ne, %convert_element_type3A_435, %cond3A_436 : i32
        scf.if %cond3A_437 {
          %sub3A = arith.constant 4 : i32
          %sub3A_446 = arith.subi %add3A_390, %sub3A : i32
          %dma_wait3A_447 = arith.constant 0 : i32
          %dma_wait3A_448 = tpu.memref_slice %arg8[%sub3A_446, %dma_wait3A_447] : memref<80x250xi32, #tpu.memory_space<vmem>> -> memref<1x250xi32, #tpu.memory_space<vmem>>
          %dma_wait3A_449 = tpu.memref_squeeze %dma_wait3A_448 : memref<1x250xi32, #tpu.memory_space<vmem>> -> memref<250xi32, #tpu.memory_space<vmem>>
          %dma_wait3A_450 = arith.constant 0 : i32
          %dma_wait3A_451 = arith.constant 0 : i32
          %dma_wait3A_452 = tpu.memref_slice %arg9[%dma_wait3A_450, %dma_wait3A_451] : memref<10000x16xf32, #tpu.memory_space<vmem_shared>> -> memref<10000x16xf32, #tpu.memory_space<vmem_shared>>
          tpu.wait_indirect_dma semaphore(%arg28 : memref<!tpu.dma_semaphore, #tpu.memory_space<semaphore_mem>>) src(%arg12 : memref<250x16xf32, #tpu.memory_space<vmem>>) dst(%dma_wait3A_452 : memref<10000x16xf32, #tpu.memory_space<vmem_shared>>)
        } else {
        }
        %add3A_438 = arith.constant 4 : i32
        %add3A_439 = arith.addi %add3A_390, %add3A_438 : i32
        %dma_start3A_440 = arith.constant 0 : i32
        %dma_start3A_441 = tpu.memref_slice %arg7[%add3A_439, %dma_start3A_440] : memref<80x250xi32, #tpu.memory_space<vmem>> -> memref<1x250xi32, #tpu.memory_space<vmem>>
        %dma_start3A_442 = tpu.memref_squeeze %dma_start3A_441 : memref<1x250xi32, #tpu.memory_space<vmem>> -> memref<250xi32, #tpu.memory_space<vmem>>
        %dma_start3A_443 = arith.constant 0 : i32
        %dma_start3A_444 = arith.constant 0 : i32
        %dma_start3A_445 = tpu.memref_slice %arg2[%dma_start3A_443, %dma_start3A_444] : memref<20000x16xf32, #tpu.memory_space<hbm>> -> memref<20000x16xf32, #tpu.memory_space<hbm>>
        tpu.enqueue_indirect_dma source(%dma_start3A_445 : memref<20000x16xf32, #tpu.memory_space<hbm>>) target(%arg12 : memref<250x16xf32, #tpu.memory_space<vmem>>) offsets(%dma_start3A_442 : memref<250xi32, #tpu.memory_space<vmem>>) semaphore(%arg20 : memref<!tpu.dma_semaphore, #tpu.memory_space<semaphore_mem>>)
      } else {
      }
      %mul3A_410 = arith.constant 8 : i32
      %mul3A_411 = arith.muli %mul3A_410, %scan3A_250 : i32
      %add3A_412 = arith.constant 7 : i32
      %add3A_413 = arith.addi %mul3A_411, %add3A_412 : i32
      %dma_wait3A_414 = arith.constant 0 : i32
      %dma_wait3A_415 = tpu.memref_slice %arg7[%add3A_413, %dma_wait3A_414] : memref<80x250xi32, #tpu.memory_space<vmem>> -> memref<1x250xi32, #tpu.memory_space<vmem>>
      %dma_wait3A_416 = tpu.memref_squeeze %dma_wait3A_415 : memref<1x250xi32, #tpu.memory_space<vmem>> -> memref<250xi32, #tpu.memory_space<vmem>>
      %dma_wait3A_417 = arith.constant 0 : i32
      %dma_wait3A_418 = arith.constant 0 : i32
      %dma_wait3A_419 = tpu.memref_slice %arg2[%dma_wait3A_417, %dma_wait3A_418] : memref<20000x16xf32, #tpu.memory_space<hbm>> -> memref<20000x16xf32, #tpu.memory_space<hbm>>
      tpu.wait_indirect_dma semaphore(%arg25 : memref<!tpu.dma_semaphore, #tpu.memory_space<semaphore_mem>>) src(%dma_wait3A_419 : memref<20000x16xf32, #tpu.memory_space<hbm>>) dst(%arg17 : memref<250x16xf32, #tpu.memory_space<vmem>>)
      %dma_start3A_420 = arith.constant 0 : i32
      %dma_start3A_421 = tpu.memref_slice %arg8[%add3A_413, %dma_start3A_420] : memref<80x250xi32, #tpu.memory_space<vmem>> -> memref<1x250xi32, #tpu.memory_space<vmem>>
      %dma_start3A_422 = tpu.memref_squeeze %dma_start3A_421 : memref<1x250xi32, #tpu.memory_space<vmem>> -> memref<250xi32, #tpu.memory_space<vmem>>
      %dma_start3A_423 = arith.constant 0 : i32
      %dma_start3A_424 = arith.constant 0 : i32
      %dma_start3A_425 = tpu.memref_slice %arg9[%dma_start3A_423, %dma_start3A_424] : memref<10000x16xf32, #tpu.memory_space<vmem_shared>> -> memref<10000x16xf32, #tpu.memory_space<vmem_shared>>
      tpu.enqueue_indirect_dma source(%arg17 : memref<250x16xf32, #tpu.memory_space<vmem>>) target(%dma_start3A_425 : memref<10000x16xf32, #tpu.memory_space<vmem_shared>>) offsets(%dma_start3A_422 : memref<250xi32, #tpu.memory_space<vmem>>) semaphore(%arg33 : memref<!tpu.dma_semaphore, #tpu.memory_space<semaphore_mem>>) {add = true}
      %add3A_426 = arith.constant 4 : i32
      %add3A_427 = arith.addi %add3A_413, %add3A_426 : i32
      %lt3A_428 = arith.constant 80 : i32
      %lt3A_429 = arith.cmpi slt, %add3A_427, %lt3A_428 : i32
      %convert_element_type3A_430 = arith.extui %lt3A_429 : i1 to i32
      %cond3A_431 = arith.constant 0 : i32
      %cond3A_432 = arith.cmpi ne, %convert_element_type3A_430, %cond3A_431 : i32
      scf.if %cond3A_432 {
        %ge3A = arith.constant 4 : i32
        %ge3A_434 = arith.cmpi sge, %add3A_413, %ge3A : i32
        %convert_element_type3A_435 = arith.extui %ge3A_434 : i1 to i32
        %cond3A_436 = arith.constant 0 : i32
        %cond3A_437 = arith.cmpi ne, %convert_element_type3A_435, %cond3A_436 : i32
        scf.if %cond3A_437 {
          %sub3A = arith.constant 4 : i32
          %sub3A_446 = arith.subi %add3A_413, %sub3A : i32
          %dma_wait3A_447 = arith.constant 0 : i32
          %dma_wait3A_448 = tpu.memref_slice %arg8[%sub3A_446, %dma_wait3A_447] : memref<80x250xi32, #tpu.memory_space<vmem>> -> memref<1x250xi32, #tpu.memory_space<vmem>>
          %dma_wait3A_449 = tpu.memref_squeeze %dma_wait3A_448 : memref<1x250xi32, #tpu.memory_space<vmem>> -> memref<250xi32, #tpu.memory_space<vmem>>
          %dma_wait3A_450 = arith.constant 0 : i32
          %dma_wait3A_451 = arith.constant 0 : i32
          %dma_wait3A_452 = tpu.memref_slice %arg9[%dma_wait3A_450, %dma_wait3A_451] : memref<10000x16xf32, #tpu.memory_space<vmem_shared>> -> memref<10000x16xf32, #tpu.memory_space<vmem_shared>>
          tpu.wait_indirect_dma semaphore(%arg29 : memref<!tpu.dma_semaphore, #tpu.memory_space<semaphore_mem>>) src(%arg13 : memref<250x16xf32, #tpu.memory_space<vmem>>) dst(%dma_wait3A_452 : memref<10000x16xf32, #tpu.memory_space<vmem_shared>>)
        } else {
        }
        %add3A_438 = arith.constant 4 : i32
        %add3A_439 = arith.addi %add3A_413, %add3A_438 : i32
        %dma_start3A_440 = arith.constant 0 : i32
        %dma_start3A_441 = tpu.memref_slice %arg7[%add3A_439, %dma_start3A_440] : memref<80x250xi32, #tpu.memory_space<vmem>> -> memref<1x250xi32, #tpu.memory_space<vmem>>
        %dma_start3A_442 = tpu.memref_squeeze %dma_start3A_441 : memref<1x250xi32, #tpu.memory_space<vmem>> -> memref<250xi32, #tpu.memory_space<vmem>>
        %dma_start3A_443 = arith.constant 0 : i32
        %dma_start3A_444 = arith.constant 0 : i32
        %dma_start3A_445 = tpu.memref_slice %arg2[%dma_start3A_443, %dma_start3A_444] : memref<20000x16xf32, #tpu.memory_space<hbm>> -> memref<20000x16xf32, #tpu.memory_space<hbm>>
        tpu.enqueue_indirect_dma source(%dma_start3A_445 : memref<20000x16xf32, #tpu.memory_space<hbm>>) target(%arg13 : memref<250x16xf32, #tpu.memory_space<vmem>>) offsets(%dma_start3A_442 : memref<250xi32, #tpu.memory_space<vmem>>) semaphore(%arg21 : memref<!tpu.dma_semaphore, #tpu.memory_space<semaphore_mem>>)
      } else {
      }
      %scan3A_433 = arith.constant 0 : i32
      scf.yield %scan3A_433 : i32
    }
    %scan3A_127 = arith.constant 10 : i32
    %dma_wait3A = arith.constant 72 : i32
    %dma_wait3A_128 = arith.constant 0 : i32
    %dma_wait3A_129 = tpu.memref_slice %arg8[%dma_wait3A, %dma_wait3A_128] : memref<80x250xi32, #tpu.memory_space<vmem>> -> memref<1x250xi32, #tpu.memory_space<vmem>>
    %dma_wait3A_130 = tpu.memref_squeeze %dma_wait3A_129 : memref<1x250xi32, #tpu.memory_space<vmem>> -> memref<250xi32, #tpu.memory_space<vmem>>
    %dma_wait3A_131 = arith.constant 0 : i32
    %dma_wait3A_132 = arith.constant 0 : i32
    %dma_wait3A_133 = tpu.memref_slice %arg9[%dma_wait3A_131, %dma_wait3A_132] : memref<10000x16xf32, #tpu.memory_space<vmem_shared>> -> memref<10000x16xf32, #tpu.memory_space<vmem_shared>>
    tpu.wait_indirect_dma semaphore(%arg26 : memref<!tpu.dma_semaphore, #tpu.memory_space<semaphore_mem>>) src(%arg10 : memref<250x16xf32, #tpu.memory_space<vmem>>) dst(%dma_wait3A_133 : memref<10000x16xf32, #tpu.memory_space<vmem_shared>>)
    %dma_wait3A_134 = arith.constant 73 : i32
    %dma_wait3A_135 = arith.constant 0 : i32
    %dma_wait3A_136 = tpu.memref_slice %arg8[%dma_wait3A_134, %dma_wait3A_135] : memref<80x250xi32, #tpu.memory_space<vmem>> -> memref<1x250xi32, #tpu.memory_space<vmem>>
    %dma_wait3A_137 = tpu.memref_squeeze %dma_wait3A_136 : memref<1x250xi32, #tpu.memory_space<vmem>> -> memref<250xi32, #tpu.memory_space<vmem>>
    %dma_wait3A_138 = arith.constant 0 : i32
    %dma_wait3A_139 = arith.constant 0 : i32
    %dma_wait3A_140 = tpu.memref_slice %arg9[%dma_wait3A_138, %dma_wait3A_139] : memref<10000x16xf32, #tpu.memory_space<vmem_shared>> -> memref<10000x16xf32, #tpu.memory_space<vmem_shared>>
    tpu.wait_indirect_dma semaphore(%arg27 : memref<!tpu.dma_semaphore, #tpu.memory_space<semaphore_mem>>) src(%arg11 : memref<250x16xf32, #tpu.memory_space<vmem>>) dst(%dma_wait3A_140 : memref<10000x16xf32, #tpu.memory_space<vmem_shared>>)
    %dma_wait3A_141 = arith.constant 74 : i32
    %dma_wait3A_142 = arith.constant 0 : i32
    %dma_wait3A_143 = tpu.memref_slice %arg8[%dma_wait3A_141, %dma_wait3A_142] : memref<80x250xi32, #tpu.memory_space<vmem>> -> memref<1x250xi32, #tpu.memory_space<vmem>>
    %dma_wait3A_144 = tpu.memref_squeeze %dma_wait3A_143 : memref<1x250xi32, #tpu.memory_space<vmem>> -> memref<250xi32, #tpu.memory_space<vmem>>
    %dma_wait3A_145 = arith.constant 0 : i32
    %dma_wait3A_146 = arith.constant 0 : i32
    %dma_wait3A_147 = tpu.memref_slice %arg9[%dma_wait3A_145, %dma_wait3A_146] : memref<10000x16xf32, #tpu.memory_space<vmem_shared>> -> memref<10000x16xf32, #tpu.memory_space<vmem_shared>>
    tpu.wait_indirect_dma semaphore(%arg28 : memref<!tpu.dma_semaphore, #tpu.memory_space<semaphore_mem>>) src(%arg12 : memref<250x16xf32, #tpu.memory_space<vmem>>) dst(%dma_wait3A_147 : memref<10000x16xf32, #tpu.memory_space<vmem_shared>>)
    %dma_wait3A_148 = arith.constant 75 : i32
    %dma_wait3A_149 = arith.constant 0 : i32
    %dma_wait3A_150 = tpu.memref_slice %arg8[%dma_wait3A_148, %dma_wait3A_149] : memref<80x250xi32, #tpu.memory_space<vmem>> -> memref<1x250xi32, #tpu.memory_space<vmem>>
    %dma_wait3A_151 = tpu.memref_squeeze %dma_wait3A_150 : memref<1x250xi32, #tpu.memory_space<vmem>> -> memref<250xi32, #tpu.memory_space<vmem>>
    %dma_wait3A_152 = arith.constant 0 : i32
    %dma_wait3A_153 = arith.constant 0 : i32
    %dma_wait3A_154 = tpu.memref_slice %arg9[%dma_wait3A_152, %dma_wait3A_153] : memref<10000x16xf32, #tpu.memory_space<vmem_shared>> -> memref<10000x16xf32, #tpu.memory_space<vmem_shared>>
    tpu.wait_indirect_dma semaphore(%arg29 : memref<!tpu.dma_semaphore, #tpu.memory_space<semaphore_mem>>) src(%arg13 : memref<250x16xf32, #tpu.memory_space<vmem>>) dst(%dma_wait3A_154 : memref<10000x16xf32, #tpu.memory_space<vmem_shared>>)
    %dma_wait3A_155 = arith.constant 76 : i32
    %dma_wait3A_156 = arith.constant 0 : i32
    %dma_wait3A_157 = tpu.memref_slice %arg8[%dma_wait3A_155, %dma_wait3A_156] : memref<80x250xi32, #tpu.memory_space<vmem>> -> memref<1x250xi32, #tpu.memory_space<vmem>>
    %dma_wait3A_158 = tpu.memref_squeeze %dma_wait3A_157 : memref<1x250xi32, #tpu.memory_space<vmem>> -> memref<250xi32, #tpu.memory_space<vmem>>
    %dma_wait3A_159 = arith.constant 0 : i32
    %dma_wait3A_160 = arith.constant 0 : i32
    %dma_wait3A_161 = tpu.memref_slice %arg9[%dma_wait3A_159, %dma_wait3A_160] : memref<10000x16xf32, #tpu.memory_space<vmem_shared>> -> memref<10000x16xf32, #tpu.memory_space<vmem_shared>>
    tpu.wait_indirect_dma semaphore(%arg30 : memref<!tpu.dma_semaphore, #tpu.memory_space<semaphore_mem>>) src(%arg14 : memref<250x16xf32, #tpu.memory_space<vmem>>) dst(%dma_wait3A_161 : memref<10000x16xf32, #tpu.memory_space<vmem_shared>>)
    %dma_wait3A_162 = arith.constant 77 : i32
    %dma_wait3A_163 = arith.constant 0 : i32
    %dma_wait3A_164 = tpu.memref_slice %arg8[%dma_wait3A_162, %dma_wait3A_163] : memref<80x250xi32, #tpu.memory_space<vmem>> -> memref<1x250xi32, #tpu.memory_space<vmem>>
    %dma_wait3A_165 = tpu.memref_squeeze %dma_wait3A_164 : memref<1x250xi32, #tpu.memory_space<vmem>> -> memref<250xi32, #tpu.memory_space<vmem>>
    %dma_wait3A_166 = arith.constant 0 : i32
    %dma_wait3A_167 = arith.constant 0 : i32
    %dma_wait3A_168 = tpu.memref_slice %arg9[%dma_wait3A_166, %dma_wait3A_167] : memref<10000x16xf32, #tpu.memory_space<vmem_shared>> -> memref<10000x16xf32, #tpu.memory_space<vmem_shared>>
    tpu.wait_indirect_dma semaphore(%arg31 : memref<!tpu.dma_semaphore, #tpu.memory_space<semaphore_mem>>) src(%arg15 : memref<250x16xf32, #tpu.memory_space<vmem>>) dst(%dma_wait3A_168 : memref<10000x16xf32, #tpu.memory_space<vmem_shared>>)
    %dma_wait3A_169 = arith.constant 78 : i32
    %dma_wait3A_170 = arith.constant 0 : i32
    %dma_wait3A_171 = tpu.memref_slice %arg8[%dma_wait3A_169, %dma_wait3A_170] : memref<80x250xi32, #tpu.memory_space<vmem>> -> memref<1x250xi32, #tpu.memory_space<vmem>>
    %dma_wait3A_172 = tpu.memref_squeeze %dma_wait3A_171 : memref<1x250xi32, #tpu.memory_space<vmem>> -> memref<250xi32, #tpu.memory_space<vmem>>
    %dma_wait3A_173 = arith.constant 0 : i32
    %dma_wait3A_174 = arith.constant 0 : i32
    %dma_wait3A_175 = tpu.memref_slice %arg9[%dma_wait3A_173, %dma_wait3A_174] : memref<10000x16xf32, #tpu.memory_space<vmem_shared>> -> memref<10000x16xf32, #tpu.memory_space<vmem_shared>>
    tpu.wait_indirect_dma semaphore(%arg32 : memref<!tpu.dma_semaphore, #tpu.memory_space<semaphore_mem>>) src(%arg16 : memref<250x16xf32, #tpu.memory_space<vmem>>) dst(%dma_wait3A_175 : memref<10000x16xf32, #tpu.memory_space<vmem_shared>>)
    %dma_wait3A_176 = arith.constant 79 : i32
    %dma_wait3A_177 = arith.constant 0 : i32
    %dma_wait3A_178 = tpu.memref_slice %arg8[%dma_wait3A_176, %dma_wait3A_177] : memref<80x250xi32, #tpu.memory_space<vmem>> -> memref<1x250xi32, #tpu.memory_space<vmem>>
    %dma_wait3A_179 = tpu.memref_squeeze %dma_wait3A_178 : memref<1x250xi32, #tpu.memory_space<vmem>> -> memref<250xi32, #tpu.memory_space<vmem>>
    %dma_wait3A_180 = arith.constant 0 : i32
    %dma_wait3A_181 = arith.constant 0 : i32
    %dma_wait3A_182 = tpu.memref_slice %arg9[%dma_wait3A_180, %dma_wait3A_181] : memref<10000x16xf32, #tpu.memory_space<vmem_shared>> -> memref<10000x16xf32, #tpu.memory_space<vmem_shared>>
    tpu.wait_indirect_dma semaphore(%arg33 : memref<!tpu.dma_semaphore, #tpu.memory_space<semaphore_mem>>) src(%arg17 : memref<250x16xf32, #tpu.memory_space<vmem>>) dst(%dma_wait3A_182 : memref<10000x16xf32, #tpu.memory_space<vmem_shared>>)
    %dma_wait3A_183 = arith.constant 72 : i32
    %dma_wait3A_184 = arith.constant 0 : i32
    %dma_wait3A_185 = tpu.memref_slice %arg8[%dma_wait3A_183, %dma_wait3A_184] : memref<80x250xi32, #tpu.memory_space<vmem>> -> memref<1x250xi32, #tpu.memory_space<vmem>>
    %dma_wait3A_186 = tpu.memref_squeeze %dma_wait3A_185 : memref<1x250xi32, #tpu.memory_space<vmem>> -> memref<250xi32, #tpu.memory_space<vmem>>
    %dma_wait3A_187 = arith.constant 0 : i32
    %dma_wait3A_188 = arith.constant 0 : i32
    %dma_wait3A_189 = tpu.memref_slice %arg50[%dma_wait3A_187, %dma_wait3A_188] : memref<10000x16xf32, #tpu.memory_space<vmem_shared>> -> memref<10000x16xf32, #tpu.memory_space<vmem_shared>>
    tpu.wait_indirect_dma semaphore(%arg42 : memref<!tpu.dma_semaphore, #tpu.memory_space<semaphore_mem>>) src(%arg34 : memref<250x16xf32, #tpu.memory_space<vmem>>) dst(%dma_wait3A_189 : memref<10000x16xf32, #tpu.memory_space<vmem_shared>>)
    %dma_wait3A_190 = arith.constant 73 : i32
    %dma_wait3A_191 = arith.constant 0 : i32
    %dma_wait3A_192 = tpu.memref_slice %arg8[%dma_wait3A_190, %dma_wait3A_191] : memref<80x250xi32, #tpu.memory_space<vmem>> -> memref<1x250xi32, #tpu.memory_space<vmem>>
    %dma_wait3A_193 = tpu.memref_squeeze %dma_wait3A_192 : memref<1x250xi32, #tpu.memory_space<vmem>> -> memref<250xi32, #tpu.memory_space<vmem>>
    %dma_wait3A_194 = arith.constant 0 : i32
    %dma_wait3A_195 = arith.constant 0 : i32
    %dma_wait3A_196 = tpu.memref_slice %arg50[%dma_wait3A_194, %dma_wait3A_195] : memref<10000x16xf32, #tpu.memory_space<vmem_shared>> -> memref<10000x16xf32, #tpu.memory_space<vmem_shared>>
    tpu.wait_indirect_dma semaphore(%arg43 : memref<!tpu.dma_semaphore, #tpu.memory_space<semaphore_mem>>) src(%arg35 : memref<250x16xf32, #tpu.memory_space<vmem>>) dst(%dma_wait3A_196 : memref<10000x16xf32, #tpu.memory_space<vmem_shared>>)
    %dma_wait3A_197 = arith.constant 74 : i32
    %dma_wait3A_198 = arith.constant 0 : i32
    %dma_wait3A_199 = tpu.memref_slice %arg8[%dma_wait3A_197, %dma_wait3A_198] : memref<80x250xi32, #tpu.memory_space<vmem>> -> memref<1x250xi32, #tpu.memory_space<vmem>>
    %dma_wait3A_200 = tpu.memref_squeeze %dma_wait3A_199 : memref<1x250xi32, #tpu.memory_space<vmem>> -> memref<250xi32, #tpu.memory_space<vmem>>
    %dma_wait3A_201 = arith.constant 0 : i32
    %dma_wait3A_202 = arith.constant 0 : i32
    %dma_wait3A_203 = tpu.memref_slice %arg50[%dma_wait3A_201, %dma_wait3A_202] : memref<10000x16xf32, #tpu.memory_space<vmem_shared>> -> memref<10000x16xf32, #tpu.memory_space<vmem_shared>>
    tpu.wait_indirect_dma semaphore(%arg44 : memref<!tpu.dma_semaphore, #tpu.memory_space<semaphore_mem>>) src(%arg36 : memref<250x16xf32, #tpu.memory_space<vmem>>) dst(%dma_wait3A_203 : memref<10000x16xf32, #tpu.memory_space<vmem_shared>>)
    %dma_wait3A_204 = arith.constant 75 : i32
    %dma_wait3A_205 = arith.constant 0 : i32
    %dma_wait3A_206 = tpu.memref_slice %arg8[%dma_wait3A_204, %dma_wait3A_205] : memref<80x250xi32, #tpu.memory_space<vmem>> -> memref<1x250xi32, #tpu.memory_space<vmem>>
    %dma_wait3A_207 = tpu.memref_squeeze %dma_wait3A_206 : memref<1x250xi32, #tpu.memory_space<vmem>> -> memref<250xi32, #tpu.memory_space<vmem>>
    %dma_wait3A_208 = arith.constant 0 : i32
    %dma_wait3A_209 = arith.constant 0 : i32
    %dma_wait3A_210 = tpu.memref_slice %arg50[%dma_wait3A_208, %dma_wait3A_209] : memref<10000x16xf32, #tpu.memory_space<vmem_shared>> -> memref<10000x16xf32, #tpu.memory_space<vmem_shared>>
    tpu.wait_indirect_dma semaphore(%arg45 : memref<!tpu.dma_semaphore, #tpu.memory_space<semaphore_mem>>) src(%arg37 : memref<250x16xf32, #tpu.memory_space<vmem>>) dst(%dma_wait3A_210 : memref<10000x16xf32, #tpu.memory_space<vmem_shared>>)
    %dma_wait3A_211 = arith.constant 76 : i32
    %dma_wait3A_212 = arith.constant 0 : i32
    %dma_wait3A_213 = tpu.memref_slice %arg8[%dma_wait3A_211, %dma_wait3A_212] : memref<80x250xi32, #tpu.memory_space<vmem>> -> memref<1x250xi32, #tpu.memory_space<vmem>>
    %dma_wait3A_214 = tpu.memref_squeeze %dma_wait3A_213 : memref<1x250xi32, #tpu.memory_space<vmem>> -> memref<250xi32, #tpu.memory_space<vmem>>
    %dma_wait3A_215 = arith.constant 0 : i32
    %dma_wait3A_216 = arith.constant 0 : i32
    %dma_wait3A_217 = tpu.memref_slice %arg50[%dma_wait3A_215, %dma_wait3A_216] : memref<10000x16xf32, #tpu.memory_space<vmem_shared>> -> memref<10000x16xf32, #tpu.memory_space<vmem_shared>>
    tpu.wait_indirect_dma semaphore(%arg46 : memref<!tpu.dma_semaphore, #tpu.memory_space<semaphore_mem>>) src(%arg38 : memref<250x16xf32, #tpu.memory_space<vmem>>) dst(%dma_wait3A_217 : memref<10000x16xf32, #tpu.memory_space<vmem_shared>>)
    %dma_wait3A_218 = arith.constant 77 : i32
    %dma_wait3A_219 = arith.constant 0 : i32
    %dma_wait3A_220 = tpu.memref_slice %arg8[%dma_wait3A_218, %dma_wait3A_219] : memref<80x250xi32, #tpu.memory_space<vmem>> -> memref<1x250xi32, #tpu.memory_space<vmem>>
    %dma_wait3A_221 = tpu.memref_squeeze %dma_wait3A_220 : memref<1x250xi32, #tpu.memory_space<vmem>> -> memref<250xi32, #tpu.memory_space<vmem>>
    %dma_wait3A_222 = arith.constant 0 : i32
    %dma_wait3A_223 = arith.constant 0 : i32
    %dma_wait3A_224 = tpu.memref_slice %arg50[%dma_wait3A_222, %dma_wait3A_223] : memref<10000x16xf32, #tpu.memory_space<vmem_shared>> -> memref<10000x16xf32, #tpu.memory_space<vmem_shared>>
    tpu.wait_indirect_dma semaphore(%arg47 : memref<!tpu.dma_semaphore, #tpu.memory_space<semaphore_mem>>) src(%arg39 : memref<250x16xf32, #tpu.memory_space<vmem>>) dst(%dma_wait3A_224 : memref<10000x16xf32, #tpu.memory_space<vmem_shared>>)
    %dma_wait3A_225 = arith.constant 78 : i32
    %dma_wait3A_226 = arith.constant 0 : i32
    %dma_wait3A_227 = tpu.memref_slice %arg8[%dma_wait3A_225, %dma_wait3A_226] : memref<80x250xi32, #tpu.memory_space<vmem>> -> memref<1x250xi32, #tpu.memory_space<vmem>>
    %dma_wait3A_228 = tpu.memref_squeeze %dma_wait3A_227 : memref<1x250xi32, #tpu.memory_space<vmem>> -> memref<250xi32, #tpu.memory_space<vmem>>
    %dma_wait3A_229 = arith.constant 0 : i32
    %dma_wait3A_230 = arith.constant 0 : i32
    %dma_wait3A_231 = tpu.memref_slice %arg50[%dma_wait3A_229, %dma_wait3A_230] : memref<10000x16xf32, #tpu.memory_space<vmem_shared>> -> memref<10000x16xf32, #tpu.memory_space<vmem_shared>>
    tpu.wait_indirect_dma semaphore(%arg48 : memref<!tpu.dma_semaphore, #tpu.memory_space<semaphore_mem>>) src(%arg40 : memref<250x16xf32, #tpu.memory_space<vmem>>) dst(%dma_wait3A_231 : memref<10000x16xf32, #tpu.memory_space<vmem_shared>>)
    %dma_wait3A_232 = arith.constant 79 : i32
    %dma_wait3A_233 = arith.constant 0 : i32
    %dma_wait3A_234 = tpu.memref_slice %arg8[%dma_wait3A_232, %dma_wait3A_233] : memref<80x250xi32, #tpu.memory_space<vmem>> -> memref<1x250xi32, #tpu.memory_space<vmem>>
    %dma_wait3A_235 = tpu.memref_squeeze %dma_wait3A_234 : memref<1x250xi32, #tpu.memory_space<vmem>> -> memref<250xi32, #tpu.memory_space<vmem>>
    %dma_wait3A_236 = arith.constant 0 : i32
    %dma_wait3A_237 = arith.constant 0 : i32
    %dma_wait3A_238 = tpu.memref_slice %arg50[%dma_wait3A_236, %dma_wait3A_237] : memref<10000x16xf32, #tpu.memory_space<vmem_shared>> -> memref<10000x16xf32, #tpu.memory_space<vmem_shared>>
    tpu.wait_indirect_dma semaphore(%arg49 : memref<!tpu.dma_semaphore, #tpu.memory_space<semaphore_mem>>) src(%arg41 : memref<250x16xf32, #tpu.memory_space<vmem>>) dst(%dma_wait3A_238 : memref<10000x16xf32, #tpu.memory_space<vmem_shared>>)
    %barrier3A_239 = arith.constant 0 : index
    tpu.barrier barrier_id(%barrier3A_239)
    %add3A_240 = arith.constant 0 : i32
    %add3A_241 = arith.addi %mul3A_0, %add3A_240 : i32
    "tpu.region"() ({
      %run_scoped3A = tpu.sem_alloc : memref<!tpu.dma_semaphore, #tpu.memory_space<semaphore_mem>>
      %dma_start3A_250 = arith.constant 0 : i32
      %dma_start3A_251 = arith.constant 0 : i32
      %dma_start3A_252 = tpu.memref_slice %arg10[%dma_start3A_250, %dma_start3A_251] : memref<250x16xf32, #tpu.memory_space<vmem>> -> memref<125x16xf32, #tpu.memory_space<vmem>>
      %dma_start3A_253 = arith.constant 0 : i32
      %dma_start3A_254 = tpu.memref_slice %arg9[%add3A_241, %dma_start3A_253] : memref<10000x16xf32, #tpu.memory_space<vmem_shared>> -> memref<125x16xf32, #tpu.memory_space<vmem_shared>>
      %dma_start3A_255 = arith.constant 0 : i32
      %dma_start3A_256 = arith.constant 0 : i32
      %dma_start3A_257 = tpu.memref_slice %arg10[%dma_start3A_255, %dma_start3A_256] : memref<250x16xf32, #tpu.memory_space<vmem>> -> memref<125x16xf32, #tpu.memory_space<vmem>>
      %dma_start3A_258 = arith.constant 0 : i32
      %dma_start3A_259 = tpu.memref_slice %arg9[%add3A_241, %dma_start3A_258] : memref<10000x16xf32, #tpu.memory_space<vmem_shared>> -> memref<125x16xf32, #tpu.memory_space<vmem_shared>>
      tpu.enqueue_dma source(%dma_start3A_259 : memref<125x16xf32, #tpu.memory_space<vmem_shared>>) target(%dma_start3A_257 : memref<125x16xf32, #tpu.memory_space<vmem>>) target_semaphore(%run_scoped3A : memref<!tpu.dma_semaphore, #tpu.memory_space<semaphore_mem>>)
      %dma_wait3A_260 = arith.constant 0 : i32
      %dma_wait3A_261 = arith.constant 0 : i32
      %dma_wait3A_262 = tpu.memref_slice %arg10[%dma_wait3A_260, %dma_wait3A_261] : memref<250x16xf32, #tpu.memory_space<vmem>> -> memref<125x16xf32, #tpu.memory_space<vmem>>
      %dma_wait3A_263 = arith.constant 0 : i32
      %dma_wait3A_264 = tpu.memref_slice %arg9[%add3A_241, %dma_wait3A_263] : memref<10000x16xf32, #tpu.memory_space<vmem_shared>> -> memref<125x16xf32, #tpu.memory_space<vmem_shared>>
      %dma_wait3A_265 = arith.constant 0 : i32
      %dma_wait3A_266 = arith.constant 0 : i32
      %dma_wait3A_267 = tpu.memref_slice %arg10[%dma_wait3A_265, %dma_wait3A_266] : memref<250x16xf32, #tpu.memory_space<vmem>> -> memref<125x16xf32, #tpu.memory_space<vmem>>
      %dma_wait3A_268 = arith.constant 0 : i32
      %dma_wait3A_269 = tpu.memref_slice %arg9[%add3A_241, %dma_wait3A_268] : memref<10000x16xf32, #tpu.memory_space<vmem_shared>> -> memref<125x16xf32, #tpu.memory_space<vmem_shared>>
      tpu.wait_dma2 semaphore(%run_scoped3A : memref<!tpu.dma_semaphore, #tpu.memory_space<semaphore_mem>>) src(%dma_wait3A_269 : memref<125x16xf32, #tpu.memory_space<vmem_shared>>) dst(%dma_wait3A_267 : memref<125x16xf32, #tpu.memory_space<vmem>>)
      tpu.yield
    }) : () -> ()
    "tpu.region"() ({
      %run_scoped3A = tpu.sem_alloc : memref<!tpu.dma_semaphore, #tpu.memory_space<semaphore_mem>>
      %dma_start3A_250 = arith.constant 0 : i32
      %dma_start3A_251 = arith.constant 0 : i32
      %dma_start3A_252 = tpu.memref_slice %arg10[%dma_start3A_250, %dma_start3A_251] : memref<250x16xf32, #tpu.memory_space<vmem>> -> memref<125x16xf32, #tpu.memory_space<vmem>>
      %dma_start3A_253 = arith.constant 0 : i32
      %dma_start3A_254 = tpu.memref_slice %arg5[%arg0, %add3A_241, %dma_start3A_253] : memref<2x10000x16xf32, #tpu.memory_space<hbm>> -> memref<1x125x16xf32, #tpu.memory_space<hbm>>
      %dma_start3A_255 = tpu.memref_squeeze %dma_start3A_254 : memref<1x125x16xf32, #tpu.memory_space<hbm>> -> memref<125x16xf32, #tpu.memory_space<hbm>>
      %dma_start3A_256 = arith.constant 0 : i32
      %dma_start3A_257 = tpu.memref_slice %arg5[%arg0, %add3A_241, %dma_start3A_256] : memref<2x10000x16xf32, #tpu.memory_space<hbm>> -> memref<1x125x16xf32, #tpu.memory_space<hbm>>
      %dma_start3A_258 = tpu.memref_squeeze %dma_start3A_257 : memref<1x125x16xf32, #tpu.memory_space<hbm>> -> memref<125x16xf32, #tpu.memory_space<hbm>>
      %dma_start3A_259 = arith.constant 0 : i32
      %dma_start3A_260 = arith.constant 0 : i32
      %dma_start3A_261 = tpu.memref_slice %arg10[%dma_start3A_259, %dma_start3A_260] : memref<250x16xf32, #tpu.memory_space<vmem>> -> memref<125x16xf32, #tpu.memory_space<vmem>>
      tpu.enqueue_dma source(%dma_start3A_261 : memref<125x16xf32, #tpu.memory_space<vmem>>) target(%dma_start3A_258 : memref<125x16xf32, #tpu.memory_space<hbm>>) target_semaphore(%run_scoped3A : memref<!tpu.dma_semaphore, #tpu.memory_space<semaphore_mem>>)
      %dma_wait3A_262 = arith.constant 0 : i32
      %dma_wait3A_263 = arith.constant 0 : i32
      %dma_wait3A_264 = tpu.memref_slice %arg10[%dma_wait3A_262, %dma_wait3A_263] : memref<250x16xf32, #tpu.memory_space<vmem>> -> memref<125x16xf32, #tpu.memory_space<vmem>>
      %dma_wait3A_265 = arith.constant 0 : i32
      %dma_wait3A_266 = tpu.memref_slice %arg5[%arg0, %add3A_241, %dma_wait3A_265] : memref<2x10000x16xf32, #tpu.memory_space<hbm>> -> memref<1x125x16xf32, #tpu.memory_space<hbm>>
      %dma_wait3A_267 = tpu.memref_squeeze %dma_wait3A_266 : memref<1x125x16xf32, #tpu.memory_space<hbm>> -> memref<125x16xf32, #tpu.memory_space<hbm>>
      %dma_wait3A_268 = arith.constant 0 : i32
      %dma_wait3A_269 = tpu.memref_slice %arg5[%arg0, %add3A_241, %dma_wait3A_268] : memref<2x10000x16xf32, #tpu.memory_space<hbm>> -> memref<1x125x16xf32, #tpu.memory_space<hbm>>
      %dma_wait3A_270 = tpu.memref_squeeze %dma_wait3A_269 : memref<1x125x16xf32, #tpu.memory_space<hbm>> -> memref<125x16xf32, #tpu.memory_space<hbm>>
      %dma_wait3A_271 = arith.constant 0 : i32
      %dma_wait3A_272 = arith.constant 0 : i32
      %dma_wait3A_273 = tpu.memref_slice %arg10[%dma_wait3A_271, %dma_wait3A_272] : memref<250x16xf32, #tpu.memory_space<vmem>> -> memref<125x16xf32, #tpu.memory_space<vmem>>
      tpu.wait_dma2 semaphore(%run_scoped3A : memref<!tpu.dma_semaphore, #tpu.memory_space<semaphore_mem>>) src(%dma_wait3A_273 : memref<125x16xf32, #tpu.memory_space<vmem>>) dst(%dma_wait3A_270 : memref<125x16xf32, #tpu.memory_space<hbm>>)
      tpu.yield
    }) : () -> ()
    "tpu.region"() ({
      %run_scoped3A = tpu.sem_alloc : memref<!tpu.dma_semaphore, #tpu.memory_space<semaphore_mem>>
      %dma_start3A_250 = arith.constant 0 : i32
      %dma_start3A_251 = arith.constant 0 : i32
      %dma_start3A_252 = tpu.memref_slice %arg11[%dma_start3A_250, %dma_start3A_251] : memref<250x16xf32, #tpu.memory_space<vmem>> -> memref<125x16xf32, #tpu.memory_space<vmem>>
      %dma_start3A_253 = arith.constant 0 : i32
      %dma_start3A_254 = tpu.memref_slice %arg50[%add3A_241, %dma_start3A_253] : memref<10000x16xf32, #tpu.memory_space<vmem_shared>> -> memref<125x16xf32, #tpu.memory_space<vmem_shared>>
      %dma_start3A_255 = arith.constant 0 : i32
      %dma_start3A_256 = arith.constant 0 : i32
      %dma_start3A_257 = tpu.memref_slice %arg11[%dma_start3A_255, %dma_start3A_256] : memref<250x16xf32, #tpu.memory_space<vmem>> -> memref<125x16xf32, #tpu.memory_space<vmem>>
      %dma_start3A_258 = arith.constant 0 : i32
      %dma_start3A_259 = tpu.memref_slice %arg50[%add3A_241, %dma_start3A_258] : memref<10000x16xf32, #tpu.memory_space<vmem_shared>> -> memref<125x16xf32, #tpu.memory_space<vmem_shared>>
      tpu.enqueue_dma source(%dma_start3A_259 : memref<125x16xf32, #tpu.memory_space<vmem_shared>>) target(%dma_start3A_257 : memref<125x16xf32, #tpu.memory_space<vmem>>) target_semaphore(%run_scoped3A : memref<!tpu.dma_semaphore, #tpu.memory_space<semaphore_mem>>)
      %dma_wait3A_260 = arith.constant 0 : i32
      %dma_wait3A_261 = arith.constant 0 : i32
      %dma_wait3A_262 = tpu.memref_slice %arg11[%dma_wait3A_260, %dma_wait3A_261] : memref<250x16xf32, #tpu.memory_space<vmem>> -> memref<125x16xf32, #tpu.memory_space<vmem>>
      %dma_wait3A_263 = arith.constant 0 : i32
      %dma_wait3A_264 = tpu.memref_slice %arg50[%add3A_241, %dma_wait3A_263] : memref<10000x16xf32, #tpu.memory_space<vmem_shared>> -> memref<125x16xf32, #tpu.memory_space<vmem_shared>>
      %dma_wait3A_265 = arith.constant 0 : i32
      %dma_wait3A_266 = arith.constant 0 : i32
      %dma_wait3A_267 = tpu.memref_slice %arg11[%dma_wait3A_265, %dma_wait3A_266] : memref<250x16xf32, #tpu.memory_space<vmem>> -> memref<125x16xf32, #tpu.memory_space<vmem>>
      %dma_wait3A_268 = arith.constant 0 : i32
      %dma_wait3A_269 = tpu.memref_slice %arg50[%add3A_241, %dma_wait3A_268] : memref<10000x16xf32, #tpu.memory_space<vmem_shared>> -> memref<125x16xf32, #tpu.memory_space<vmem_shared>>
      tpu.wait_dma2 semaphore(%run_scoped3A : memref<!tpu.dma_semaphore, #tpu.memory_space<semaphore_mem>>) src(%dma_wait3A_269 : memref<125x16xf32, #tpu.memory_space<vmem_shared>>) dst(%dma_wait3A_267 : memref<125x16xf32, #tpu.memory_space<vmem>>)
      tpu.yield
    }) : () -> ()
    "tpu.region"() ({
      %run_scoped3A = tpu.sem_alloc : memref<!tpu.dma_semaphore, #tpu.memory_space<semaphore_mem>>
      %dma_start3A_250 = arith.constant 0 : i32
      %dma_start3A_251 = arith.constant 0 : i32
      %dma_start3A_252 = tpu.memref_slice %arg11[%dma_start3A_250, %dma_start3A_251] : memref<250x16xf32, #tpu.memory_space<vmem>> -> memref<125x16xf32, #tpu.memory_space<vmem>>
      %dma_start3A_253 = arith.constant 0 : i32
      %dma_start3A_254 = tpu.memref_slice %arg6[%arg0, %add3A_241, %dma_start3A_253] : memref<2x10000x16xf32, #tpu.memory_space<hbm>> -> memref<1x125x16xf32, #tpu.memory_space<hbm>>
      %dma_start3A_255 = tpu.memref_squeeze %dma_start3A_254 : memref<1x125x16xf32, #tpu.memory_space<hbm>> -> memref<125x16xf32, #tpu.memory_space<hbm>>
      %dma_start3A_256 = arith.constant 0 : i32
      %dma_start3A_257 = tpu.memref_slice %arg6[%arg0, %add3A_241, %dma_start3A_256] : memref<2x10000x16xf32, #tpu.memory_space<hbm>> -> memref<1x125x16xf32, #tpu.memory_space<hbm>>
      %dma_start3A_258 = tpu.memref_squeeze %dma_start3A_257 : memref<1x125x16xf32, #tpu.memory_space<hbm>> -> memref<125x16xf32, #tpu.memory_space<hbm>>
      %dma_start3A_259 = arith.constant 0 : i32
      %dma_start3A_260 = arith.constant 0 : i32
      %dma_start3A_261 = tpu.memref_slice %arg11[%dma_start3A_259, %dma_start3A_260] : memref<250x16xf32, #tpu.memory_space<vmem>> -> memref<125x16xf32, #tpu.memory_space<vmem>>
      tpu.enqueue_dma source(%dma_start3A_261 : memref<125x16xf32, #tpu.memory_space<vmem>>) target(%dma_start3A_258 : memref<125x16xf32, #tpu.memory_space<hbm>>) target_semaphore(%run_scoped3A : memref<!tpu.dma_semaphore, #tpu.memory_space<semaphore_mem>>)
      %dma_wait3A_262 = arith.constant 0 : i32
      %dma_wait3A_263 = arith.constant 0 : i32
      %dma_wait3A_264 = tpu.memref_slice %arg11[%dma_wait3A_262, %dma_wait3A_263] : memref<250x16xf32, #tpu.memory_space<vmem>> -> memref<125x16xf32, #tpu.memory_space<vmem>>
      %dma_wait3A_265 = arith.constant 0 : i32
      %dma_wait3A_266 = tpu.memref_slice %arg6[%arg0, %add3A_241, %dma_wait3A_265] : memref<2x10000x16xf32, #tpu.memory_space<hbm>> -> memref<1x125x16xf32, #tpu.memory_space<hbm>>
      %dma_wait3A_267 = tpu.memref_squeeze %dma_wait3A_266 : memref<1x125x16xf32, #tpu.memory_space<hbm>> -> memref<125x16xf32, #tpu.memory_space<hbm>>
      %dma_wait3A_268 = arith.constant 0 : i32
      %dma_wait3A_269 = tpu.memref_slice %arg6[%arg0, %add3A_241, %dma_wait3A_268] : memref<2x10000x16xf32, #tpu.memory_space<hbm>> -> memref<1x125x16xf32, #tpu.memory_space<hbm>>
      %dma_wait3A_270 = tpu.memref_squeeze %dma_wait3A_269 : memref<1x125x16xf32, #tpu.memory_space<hbm>> -> memref<125x16xf32, #tpu.memory_space<hbm>>
      %dma_wait3A_271 = arith.constant 0 : i32
      %dma_wait3A_272 = arith.constant 0 : i32
      %dma_wait3A_273 = tpu.memref_slice %arg11[%dma_wait3A_271, %dma_wait3A_272] : memref<250x16xf32, #tpu.memory_space<vmem>> -> memref<125x16xf32, #tpu.memory_space<vmem>>
      tpu.wait_dma2 semaphore(%run_scoped3A : memref<!tpu.dma_semaphore, #tpu.memory_space<semaphore_mem>>) src(%dma_wait3A_273 : memref<125x16xf32, #tpu.memory_space<vmem>>) dst(%dma_wait3A_270 : memref<125x16xf32, #tpu.memory_space<hbm>>)
      tpu.yield
    }) : () -> ()
    %add3A_242 = arith.constant 125 : i32
    %add3A_243 = arith.addi %mul3A_0, %add3A_242 : i32
    "tpu.region"() ({
      %run_scoped3A = tpu.sem_alloc : memref<!tpu.dma_semaphore, #tpu.memory_space<semaphore_mem>>
      %dma_start3A_250 = arith.constant 0 : i32
      %dma_start3A_251 = arith.constant 0 : i32
      %dma_start3A_252 = tpu.memref_slice %arg10[%dma_start3A_250, %dma_start3A_251] : memref<250x16xf32, #tpu.memory_space<vmem>> -> memref<125x16xf32, #tpu.memory_space<vmem>>
      %dma_start3A_253 = arith.constant 0 : i32
      %dma_start3A_254 = tpu.memref_slice %arg9[%add3A_243, %dma_start3A_253] : memref<10000x16xf32, #tpu.memory_space<vmem_shared>> -> memref<125x16xf32, #tpu.memory_space<vmem_shared>>
      %dma_start3A_255 = arith.constant 0 : i32
      %dma_start3A_256 = arith.constant 0 : i32
      %dma_start3A_257 = tpu.memref_slice %arg10[%dma_start3A_255, %dma_start3A_256] : memref<250x16xf32, #tpu.memory_space<vmem>> -> memref<125x16xf32, #tpu.memory_space<vmem>>
      %dma_start3A_258 = arith.constant 0 : i32
      %dma_start3A_259 = tpu.memref_slice %arg9[%add3A_243, %dma_start3A_258] : memref<10000x16xf32, #tpu.memory_space<vmem_shared>> -> memref<125x16xf32, #tpu.memory_space<vmem_shared>>
      tpu.enqueue_dma source(%dma_start3A_259 : memref<125x16xf32, #tpu.memory_space<vmem_shared>>) target(%dma_start3A_257 : memref<125x16xf32, #tpu.memory_space<vmem>>) target_semaphore(%run_scoped3A : memref<!tpu.dma_semaphore, #tpu.memory_space<semaphore_mem>>)
      %dma_wait3A_260 = arith.constant 0 : i32
      %dma_wait3A_261 = arith.constant 0 : i32
      %dma_wait3A_262 = tpu.memref_slice %arg10[%dma_wait3A_260, %dma_wait3A_261] : memref<250x16xf32, #tpu.memory_space<vmem>> -> memref<125x16xf32, #tpu.memory_space<vmem>>
      %dma_wait3A_263 = arith.constant 0 : i32
      %dma_wait3A_264 = tpu.memref_slice %arg9[%add3A_243, %dma_wait3A_263] : memref<10000x16xf32, #tpu.memory_space<vmem_shared>> -> memref<125x16xf32, #tpu.memory_space<vmem_shared>>
      %dma_wait3A_265 = arith.constant 0 : i32
      %dma_wait3A_266 = arith.constant 0 : i32
      %dma_wait3A_267 = tpu.memref_slice %arg10[%dma_wait3A_265, %dma_wait3A_266] : memref<250x16xf32, #tpu.memory_space<vmem>> -> memref<125x16xf32, #tpu.memory_space<vmem>>
      %dma_wait3A_268 = arith.constant 0 : i32
      %dma_wait3A_269 = tpu.memref_slice %arg9[%add3A_243, %dma_wait3A_268] : memref<10000x16xf32, #tpu.memory_space<vmem_shared>> -> memref<125x16xf32, #tpu.memory_space<vmem_shared>>
      tpu.wait_dma2 semaphore(%run_scoped3A : memref<!tpu.dma_semaphore, #tpu.memory_space<semaphore_mem>>) src(%dma_wait3A_269 : memref<125x16xf32, #tpu.memory_space<vmem_shared>>) dst(%dma_wait3A_267 : memref<125x16xf32, #tpu.memory_space<vmem>>)
      tpu.yield
    }) : () -> ()
    "tpu.region"() ({
      %run_scoped3A = tpu.sem_alloc : memref<!tpu.dma_semaphore, #tpu.memory_space<semaphore_mem>>
      %dma_start3A_250 = arith.constant 0 : i32
      %dma_start3A_251 = arith.constant 0 : i32
      %dma_start3A_252 = tpu.memref_slice %arg10[%dma_start3A_250, %dma_start3A_251] : memref<250x16xf32, #tpu.memory_space<vmem>> -> memref<125x16xf32, #tpu.memory_space<vmem>>
      %dma_start3A_253 = arith.constant 0 : i32
      %dma_start3A_254 = tpu.memref_slice %arg5[%arg0, %add3A_243, %dma_start3A_253] : memref<2x10000x16xf32, #tpu.memory_space<hbm>> -> memref<1x125x16xf32, #tpu.memory_space<hbm>>
      %dma_start3A_255 = tpu.memref_squeeze %dma_start3A_254 : memref<1x125x16xf32, #tpu.memory_space<hbm>> -> memref<125x16xf32, #tpu.memory_space<hbm>>
      %dma_start3A_256 = arith.constant 0 : i32
      %dma_start3A_257 = tpu.memref_slice %arg5[%arg0, %add3A_243, %dma_start3A_256] : memref<2x10000x16xf32, #tpu.memory_space<hbm>> -> memref<1x125x16xf32, #tpu.memory_space<hbm>>
      %dma_start3A_258 = tpu.memref_squeeze %dma_start3A_257 : memref<1x125x16xf32, #tpu.memory_space<hbm>> -> memref<125x16xf32, #tpu.memory_space<hbm>>
      %dma_start3A_259 = arith.constant 0 : i32
      %dma_start3A_260 = arith.constant 0 : i32
      %dma_start3A_261 = tpu.memref_slice %arg10[%dma_start3A_259, %dma_start3A_260] : memref<250x16xf32, #tpu.memory_space<vmem>> -> memref<125x16xf32, #tpu.memory_space<vmem>>
      tpu.enqueue_dma source(%dma_start3A_261 : memref<125x16xf32, #tpu.memory_space<vmem>>) target(%dma_start3A_258 : memref<125x16xf32, #tpu.memory_space<hbm>>) target_semaphore(%run_scoped3A : memref<!tpu.dma_semaphore, #tpu.memory_space<semaphore_mem>>)
      %dma_wait3A_262 = arith.constant 0 : i32
      %dma_wait3A_263 = arith.constant 0 : i32
      %dma_wait3A_264 = tpu.memref_slice %arg10[%dma_wait3A_262, %dma_wait3A_263] : memref<250x16xf32, #tpu.memory_space<vmem>> -> memref<125x16xf32, #tpu.memory_space<vmem>>
      %dma_wait3A_265 = arith.constant 0 : i32
      %dma_wait3A_266 = tpu.memref_slice %arg5[%arg0, %add3A_243, %dma_wait3A_265] : memref<2x10000x16xf32, #tpu.memory_space<hbm>> -> memref<1x125x16xf32, #tpu.memory_space<hbm>>
      %dma_wait3A_267 = tpu.memref_squeeze %dma_wait3A_266 : memref<1x125x16xf32, #tpu.memory_space<hbm>> -> memref<125x16xf32, #tpu.memory_space<hbm>>
      %dma_wait3A_268 = arith.constant 0 : i32
      %dma_wait3A_269 = tpu.memref_slice %arg5[%arg0, %add3A_243, %dma_wait3A_268] : memref<2x10000x16xf32, #tpu.memory_space<hbm>> -> memref<1x125x16xf32, #tpu.memory_space<hbm>>
      %dma_wait3A_270 = tpu.memref_squeeze %dma_wait3A_269 : memref<1x125x16xf32, #tpu.memory_space<hbm>> -> memref<125x16xf32, #tpu.memory_space<hbm>>
      %dma_wait3A_271 = arith.constant 0 : i32
      %dma_wait3A_272 = arith.constant 0 : i32
      %dma_wait3A_273 = tpu.memref_slice %arg10[%dma_wait3A_271, %dma_wait3A_272] : memref<250x16xf32, #tpu.memory_space<vmem>> -> memref<125x16xf32, #tpu.memory_space<vmem>>
      tpu.wait_dma2 semaphore(%run_scoped3A : memref<!tpu.dma_semaphore, #tpu.memory_space<semaphore_mem>>) src(%dma_wait3A_273 : memref<125x16xf32, #tpu.memory_space<vmem>>) dst(%dma_wait3A_270 : memref<125x16xf32, #tpu.memory_space<hbm>>)
      tpu.yield
    }) : () -> ()
    "tpu.region"() ({
      %run_scoped3A = tpu.sem_alloc : memref<!tpu.dma_semaphore, #tpu.memory_space<semaphore_mem>>
      %dma_start3A_250 = arith.constant 0 : i32
      %dma_start3A_251 = arith.constant 0 : i32
      %dma_start3A_252 = tpu.memref_slice %arg11[%dma_start3A_250, %dma_start3A_251] : memref<250x16xf32, #tpu.memory_space<vmem>> -> memref<125x16xf32, #tpu.memory_space<vmem>>
      %dma_start3A_253 = arith.constant 0 : i32
      %dma_start3A_254 = tpu.memref_slice %arg50[%add3A_243, %dma_start3A_253] : memref<10000x16xf32, #tpu.memory_space<vmem_shared>> -> memref<125x16xf32, #tpu.memory_space<vmem_shared>>
      %dma_start3A_255 = arith.constant 0 : i32
      %dma_start3A_256 = arith.constant 0 : i32
      %dma_start3A_257 = tpu.memref_slice %arg11[%dma_start3A_255, %dma_start3A_256] : memref<250x16xf32, #tpu.memory_space<vmem>> -> memref<125x16xf32, #tpu.memory_space<vmem>>
      %dma_start3A_258 = arith.constant 0 : i32
      %dma_start3A_259 = tpu.memref_slice %arg50[%add3A_243, %dma_start3A_258] : memref<10000x16xf32, #tpu.memory_space<vmem_shared>> -> memref<125x16xf32, #tpu.memory_space<vmem_shared>>
      tpu.enqueue_dma source(%dma_start3A_259 : memref<125x16xf32, #tpu.memory_space<vmem_shared>>) target(%dma_start3A_257 : memref<125x16xf32, #tpu.memory_space<vmem>>) target_semaphore(%run_scoped3A : memref<!tpu.dma_semaphore, #tpu.memory_space<semaphore_mem>>)
      %dma_wait3A_260 = arith.constant 0 : i32
      %dma_wait3A_261 = arith.constant 0 : i32
      %dma_wait3A_262 = tpu.memref_slice %arg11[%dma_wait3A_260, %dma_wait3A_261] : memref<250x16xf32, #tpu.memory_space<vmem>> -> memref<125x16xf32, #tpu.memory_space<vmem>>
      %dma_wait3A_263 = arith.constant 0 : i32
      %dma_wait3A_264 = tpu.memref_slice %arg50[%add3A_243, %dma_wait3A_263] : memref<10000x16xf32, #tpu.memory_space<vmem_shared>> -> memref<125x16xf32, #tpu.memory_space<vmem_shared>>
      %dma_wait3A_265 = arith.constant 0 : i32
      %dma_wait3A_266 = arith.constant 0 : i32
      %dma_wait3A_267 = tpu.memref_slice %arg11[%dma_wait3A_265, %dma_wait3A_266] : memref<250x16xf32, #tpu.memory_space<vmem>> -> memref<125x16xf32, #tpu.memory_space<vmem>>
      %dma_wait3A_268 = arith.constant 0 : i32
      %dma_wait3A_269 = tpu.memref_slice %arg50[%add3A_243, %dma_wait3A_268] : memref<10000x16xf32, #tpu.memory_space<vmem_shared>> -> memref<125x16xf32, #tpu.memory_space<vmem_shared>>
      tpu.wait_dma2 semaphore(%run_scoped3A : memref<!tpu.dma_semaphore, #tpu.memory_space<semaphore_mem>>) src(%dma_wait3A_269 : memref<125x16xf32, #tpu.memory_space<vmem_shared>>) dst(%dma_wait3A_267 : memref<125x16xf32, #tpu.memory_space<vmem>>)
      tpu.yield
    }) : () -> ()
    "tpu.region"() ({
      %run_scoped3A = tpu.sem_alloc : memref<!tpu.dma_semaphore, #tpu.memory_space<semaphore_mem>>
      %dma_start3A_250 = arith.constant 0 : i32
      %dma_start3A_251 = arith.constant 0 : i32
      %dma_start3A_252 = tpu.memref_slice %arg11[%dma_start3A_250, %dma_start3A_251] : memref<250x16xf32, #tpu.memory_space<vmem>> -> memref<125x16xf32, #tpu.memory_space<vmem>>
      %dma_start3A_253 = arith.constant 0 : i32
      %dma_start3A_254 = tpu.memref_slice %arg6[%arg0, %add3A_243, %dma_start3A_253] : memref<2x10000x16xf32, #tpu.memory_space<hbm>> -> memref<1x125x16xf32, #tpu.memory_space<hbm>>
      %dma_start3A_255 = tpu.memref_squeeze %dma_start3A_254 : memref<1x125x16xf32, #tpu.memory_space<hbm>> -> memref<125x16xf32, #tpu.memory_space<hbm>>
      %dma_start3A_256 = arith.constant 0 : i32
      %dma_start3A_257 = tpu.memref_slice %arg6[%arg0, %add3A_243, %dma_start3A_256] : memref<2x10000x16xf32, #tpu.memory_space<hbm>> -> memref<1x125x16xf32, #tpu.memory_space<hbm>>
      %dma_start3A_258 = tpu.memref_squeeze %dma_start3A_257 : memref<1x125x16xf32, #tpu.memory_space<hbm>> -> memref<125x16xf32, #tpu.memory_space<hbm>>
      %dma_start3A_259 = arith.constant 0 : i32
      %dma_start3A_260 = arith.constant 0 : i32
      %dma_start3A_261 = tpu.memref_slice %arg11[%dma_start3A_259, %dma_start3A_260] : memref<250x16xf32, #tpu.memory_space<vmem>> -> memref<125x16xf32, #tpu.memory_space<vmem>>
      tpu.enqueue_dma source(%dma_start3A_261 : memref<125x16xf32, #tpu.memory_space<vmem>>) target(%dma_start3A_258 : memref<125x16xf32, #tpu.memory_space<hbm>>) target_semaphore(%run_scoped3A : memref<!tpu.dma_semaphore, #tpu.memory_space<semaphore_mem>>)
      %dma_wait3A_262 = arith.constant 0 : i32
      %dma_wait3A_263 = arith.constant 0 : i32
      %dma_wait3A_264 = tpu.memref_slice %arg11[%dma_wait3A_262, %dma_wait3A_263] : memref<250x16xf32, #tpu.memory_space<vmem>> -> memref<125x16xf32, #tpu.memory_space<vmem>>
      %dma_wait3A_265 = arith.constant 0 : i32
      %dma_wait3A_266 = tpu.memref_slice %arg6[%arg0, %add3A_243, %dma_wait3A_265] : memref<2x10000x16xf32, #tpu.memory_space<hbm>> -> memref<1x125x16xf32, #tpu.memory_space<hbm>>
      %dma_wait3A_267 = tpu.memref_squeeze %dma_wait3A_266 : memref<1x125x16xf32, #tpu.memory_space<hbm>> -> memref<125x16xf32, #tpu.memory_space<hbm>>
      %dma_wait3A_268 = arith.constant 0 : i32
      %dma_wait3A_269 = tpu.memref_slice %arg6[%arg0, %add3A_243, %dma_wait3A_268] : memref<2x10000x16xf32, #tpu.memory_space<hbm>> -> memref<1x125x16xf32, #tpu.memory_space<hbm>>
      %dma_wait3A_270 = tpu.memref_squeeze %dma_wait3A_269 : memref<1x125x16xf32, #tpu.memory_space<hbm>> -> memref<125x16xf32, #tpu.memory_space<hbm>>
      %dma_wait3A_271 = arith.constant 0 : i32
      %dma_wait3A_272 = arith.constant 0 : i32
      %dma_wait3A_273 = tpu.memref_slice %arg11[%dma_wait3A_271, %dma_wait3A_272] : memref<250x16xf32, #tpu.memory_space<vmem>> -> memref<125x16xf32, #tpu.memory_space<vmem>>
      tpu.wait_dma2 semaphore(%run_scoped3A : memref<!tpu.dma_semaphore, #tpu.memory_space<semaphore_mem>>) src(%dma_wait3A_273 : memref<125x16xf32, #tpu.memory_space<vmem>>) dst(%dma_wait3A_270 : memref<125x16xf32, #tpu.memory_space<hbm>>)
      tpu.yield
    }) : () -> ()
    %add3A_244 = arith.constant 250 : i32
    %add3A_245 = arith.addi %mul3A_0, %add3A_244 : i32
    "tpu.region"() ({
      %run_scoped3A = tpu.sem_alloc : memref<!tpu.dma_semaphore, #tpu.memory_space<semaphore_mem>>
      %dma_start3A_250 = arith.constant 0 : i32
      %dma_start3A_251 = arith.constant 0 : i32
      %dma_start3A_252 = tpu.memref_slice %arg10[%dma_start3A_250, %dma_start3A_251] : memref<250x16xf32, #tpu.memory_space<vmem>> -> memref<125x16xf32, #tpu.memory_space<vmem>>
      %dma_start3A_253 = arith.constant 0 : i32
      %dma_start3A_254 = tpu.memref_slice %arg9[%add3A_245, %dma_start3A_253] : memref<10000x16xf32, #tpu.memory_space<vmem_shared>> -> memref<125x16xf32, #tpu.memory_space<vmem_shared>>
      %dma_start3A_255 = arith.constant 0 : i32
      %dma_start3A_256 = arith.constant 0 : i32
      %dma_start3A_257 = tpu.memref_slice %arg10[%dma_start3A_255, %dma_start3A_256] : memref<250x16xf32, #tpu.memory_space<vmem>> -> memref<125x16xf32, #tpu.memory_space<vmem>>
      %dma_start3A_258 = arith.constant 0 : i32
      %dma_start3A_259 = tpu.memref_slice %arg9[%add3A_245, %dma_start3A_258] : memref<10000x16xf32, #tpu.memory_space<vmem_shared>> -> memref<125x16xf32, #tpu.memory_space<vmem_shared>>
      tpu.enqueue_dma source(%dma_start3A_259 : memref<125x16xf32, #tpu.memory_space<vmem_shared>>) target(%dma_start3A_257 : memref<125x16xf32, #tpu.memory_space<vmem>>) target_semaphore(%run_scoped3A : memref<!tpu.dma_semaphore, #tpu.memory_space<semaphore_mem>>)
      %dma_wait3A_260 = arith.constant 0 : i32
      %dma_wait3A_261 = arith.constant 0 : i32
      %dma_wait3A_262 = tpu.memref_slice %arg10[%dma_wait3A_260, %dma_wait3A_261] : memref<250x16xf32, #tpu.memory_space<vmem>> -> memref<125x16xf32, #tpu.memory_space<vmem>>
      %dma_wait3A_263 = arith.constant 0 : i32
      %dma_wait3A_264 = tpu.memref_slice %arg9[%add3A_245, %dma_wait3A_263] : memref<10000x16xf32, #tpu.memory_space<vmem_shared>> -> memref<125x16xf32, #tpu.memory_space<vmem_shared>>
      %dma_wait3A_265 = arith.constant 0 : i32
      %dma_wait3A_266 = arith.constant 0 : i32
      %dma_wait3A_267 = tpu.memref_slice %arg10[%dma_wait3A_265, %dma_wait3A_266] : memref<250x16xf32, #tpu.memory_space<vmem>> -> memref<125x16xf32, #tpu.memory_space<vmem>>
      %dma_wait3A_268 = arith.constant 0 : i32
      %dma_wait3A_269 = tpu.memref_slice %arg9[%add3A_245, %dma_wait3A_268] : memref<10000x16xf32, #tpu.memory_space<vmem_shared>> -> memref<125x16xf32, #tpu.memory_space<vmem_shared>>
      tpu.wait_dma2 semaphore(%run_scoped3A : memref<!tpu.dma_semaphore, #tpu.memory_space<semaphore_mem>>) src(%dma_wait3A_269 : memref<125x16xf32, #tpu.memory_space<vmem_shared>>) dst(%dma_wait3A_267 : memref<125x16xf32, #tpu.memory_space<vmem>>)
      tpu.yield
    }) : () -> ()
    "tpu.region"() ({
      %run_scoped3A = tpu.sem_alloc : memref<!tpu.dma_semaphore, #tpu.memory_space<semaphore_mem>>
      %dma_start3A_250 = arith.constant 0 : i32
      %dma_start3A_251 = arith.constant 0 : i32
      %dma_start3A_252 = tpu.memref_slice %arg10[%dma_start3A_250, %dma_start3A_251] : memref<250x16xf32, #tpu.memory_space<vmem>> -> memref<125x16xf32, #tpu.memory_space<vmem>>
      %dma_start3A_253 = arith.constant 0 : i32
      %dma_start3A_254 = tpu.memref_slice %arg5[%arg0, %add3A_245, %dma_start3A_253] : memref<2x10000x16xf32, #tpu.memory_space<hbm>> -> memref<1x125x16xf32, #tpu.memory_space<hbm>>
      %dma_start3A_255 = tpu.memref_squeeze %dma_start3A_254 : memref<1x125x16xf32, #tpu.memory_space<hbm>> -> memref<125x16xf32, #tpu.memory_space<hbm>>
      %dma_start3A_256 = arith.constant 0 : i32
      %dma_start3A_257 = tpu.memref_slice %arg5[%arg0, %add3A_245, %dma_start3A_256] : memref<2x10000x16xf32, #tpu.memory_space<hbm>> -> memref<1x125x16xf32, #tpu.memory_space<hbm>>
      %dma_start3A_258 = tpu.memref_squeeze %dma_start3A_257 : memref<1x125x16xf32, #tpu.memory_space<hbm>> -> memref<125x16xf32, #tpu.memory_space<hbm>>
      %dma_start3A_259 = arith.constant 0 : i32
      %dma_start3A_260 = arith.constant 0 : i32
      %dma_start3A_261 = tpu.memref_slice %arg10[%dma_start3A_259, %dma_start3A_260] : memref<250x16xf32, #tpu.memory_space<vmem>> -> memref<125x16xf32, #tpu.memory_space<vmem>>
      tpu.enqueue_dma source(%dma_start3A_261 : memref<125x16xf32, #tpu.memory_space<vmem>>) target(%dma_start3A_258 : memref<125x16xf32, #tpu.memory_space<hbm>>) target_semaphore(%run_scoped3A : memref<!tpu.dma_semaphore, #tpu.memory_space<semaphore_mem>>)
      %dma_wait3A_262 = arith.constant 0 : i32
      %dma_wait3A_263 = arith.constant 0 : i32
      %dma_wait3A_264 = tpu.memref_slice %arg10[%dma_wait3A_262, %dma_wait3A_263] : memref<250x16xf32, #tpu.memory_space<vmem>> -> memref<125x16xf32, #tpu.memory_space<vmem>>
      %dma_wait3A_265 = arith.constant 0 : i32
      %dma_wait3A_266 = tpu.memref_slice %arg5[%arg0, %add3A_245, %dma_wait3A_265] : memref<2x10000x16xf32, #tpu.memory_space<hbm>> -> memref<1x125x16xf32, #tpu.memory_space<hbm>>
      %dma_wait3A_267 = tpu.memref_squeeze %dma_wait3A_266 : memref<1x125x16xf32, #tpu.memory_space<hbm>> -> memref<125x16xf32, #tpu.memory_space<hbm>>
      %dma_wait3A_268 = arith.constant 0 : i32
      %dma_wait3A_269 = tpu.memref_slice %arg5[%arg0, %add3A_245, %dma_wait3A_268] : memref<2x10000x16xf32, #tpu.memory_space<hbm>> -> memref<1x125x16xf32, #tpu.memory_space<hbm>>
      %dma_wait3A_270 = tpu.memref_squeeze %dma_wait3A_269 : memref<1x125x16xf32, #tpu.memory_space<hbm>> -> memref<125x16xf32, #tpu.memory_space<hbm>>
      %dma_wait3A_271 = arith.constant 0 : i32
      %dma_wait3A_272 = arith.constant 0 : i32
      %dma_wait3A_273 = tpu.memref_slice %arg10[%dma_wait3A_271, %dma_wait3A_272] : memref<250x16xf32, #tpu.memory_space<vmem>> -> memref<125x16xf32, #tpu.memory_space<vmem>>
      tpu.wait_dma2 semaphore(%run_scoped3A : memref<!tpu.dma_semaphore, #tpu.memory_space<semaphore_mem>>) src(%dma_wait3A_273 : memref<125x16xf32, #tpu.memory_space<vmem>>) dst(%dma_wait3A_270 : memref<125x16xf32, #tpu.memory_space<hbm>>)
      tpu.yield
    }) : () -> ()
    "tpu.region"() ({
      %run_scoped3A = tpu.sem_alloc : memref<!tpu.dma_semaphore, #tpu.memory_space<semaphore_mem>>
      %dma_start3A_250 = arith.constant 0 : i32
      %dma_start3A_251 = arith.constant 0 : i32
      %dma_start3A_252 = tpu.memref_slice %arg11[%dma_start3A_250, %dma_start3A_251] : memref<250x16xf32, #tpu.memory_space<vmem>> -> memref<125x16xf32, #tpu.memory_space<vmem>>
      %dma_start3A_253 = arith.constant 0 : i32
      %dma_start3A_254 = tpu.memref_slice %arg50[%add3A_245, %dma_start3A_253] : memref<10000x16xf32, #tpu.memory_space<vmem_shared>> -> memref<125x16xf32, #tpu.memory_space<vmem_shared>>
      %dma_start3A_255 = arith.constant 0 : i32
      %dma_start3A_256 = arith.constant 0 : i32
      %dma_start3A_257 = tpu.memref_slice %arg11[%dma_start3A_255, %dma_start3A_256] : memref<250x16xf32, #tpu.memory_space<vmem>> -> memref<125x16xf32, #tpu.memory_space<vmem>>
      %dma_start3A_258 = arith.constant 0 : i32
      %dma_start3A_259 = tpu.memref_slice %arg50[%add3A_245, %dma_start3A_258] : memref<10000x16xf32, #tpu.memory_space<vmem_shared>> -> memref<125x16xf32, #tpu.memory_space<vmem_shared>>
      tpu.enqueue_dma source(%dma_start3A_259 : memref<125x16xf32, #tpu.memory_space<vmem_shared>>) target(%dma_start3A_257 : memref<125x16xf32, #tpu.memory_space<vmem>>) target_semaphore(%run_scoped3A : memref<!tpu.dma_semaphore, #tpu.memory_space<semaphore_mem>>)
      %dma_wait3A_260 = arith.constant 0 : i32
      %dma_wait3A_261 = arith.constant 0 : i32
      %dma_wait3A_262 = tpu.memref_slice %arg11[%dma_wait3A_260, %dma_wait3A_261] : memref<250x16xf32, #tpu.memory_space<vmem>> -> memref<125x16xf32, #tpu.memory_space<vmem>>
      %dma_wait3A_263 = arith.constant 0 : i32
      %dma_wait3A_264 = tpu.memref_slice %arg50[%add3A_245, %dma_wait3A_263] : memref<10000x16xf32, #tpu.memory_space<vmem_shared>> -> memref<125x16xf32, #tpu.memory_space<vmem_shared>>
      %dma_wait3A_265 = arith.constant 0 : i32
      %dma_wait3A_266 = arith.constant 0 : i32
      %dma_wait3A_267 = tpu.memref_slice %arg11[%dma_wait3A_265, %dma_wait3A_266] : memref<250x16xf32, #tpu.memory_space<vmem>> -> memref<125x16xf32, #tpu.memory_space<vmem>>
      %dma_wait3A_268 = arith.constant 0 : i32
      %dma_wait3A_269 = tpu.memref_slice %arg50[%add3A_245, %dma_wait3A_268] : memref<10000x16xf32, #tpu.memory_space<vmem_shared>> -> memref<125x16xf32, #tpu.memory_space<vmem_shared>>
      tpu.wait_dma2 semaphore(%run_scoped3A : memref<!tpu.dma_semaphore, #tpu.memory_space<semaphore_mem>>) src(%dma_wait3A_269 : memref<125x16xf32, #tpu.memory_space<vmem_shared>>) dst(%dma_wait3A_267 : memref<125x16xf32, #tpu.memory_space<vmem>>)
      tpu.yield
    }) : () -> ()
    "tpu.region"() ({
      %run_scoped3A = tpu.sem_alloc : memref<!tpu.dma_semaphore, #tpu.memory_space<semaphore_mem>>
      %dma_start3A_250 = arith.constant 0 : i32
      %dma_start3A_251 = arith.constant 0 : i32
      %dma_start3A_252 = tpu.memref_slice %arg11[%dma_start3A_250, %dma_start3A_251] : memref<250x16xf32, #tpu.memory_space<vmem>> -> memref<125x16xf32, #tpu.memory_space<vmem>>
      %dma_start3A_253 = arith.constant 0 : i32
      %dma_start3A_254 = tpu.memref_slice %arg6[%arg0, %add3A_245, %dma_start3A_253] : memref<2x10000x16xf32, #tpu.memory_space<hbm>> -> memref<1x125x16xf32, #tpu.memory_space<hbm>>
      %dma_start3A_255 = tpu.memref_squeeze %dma_start3A_254 : memref<1x125x16xf32, #tpu.memory_space<hbm>> -> memref<125x16xf32, #tpu.memory_space<hbm>>
      %dma_start3A_256 = arith.constant 0 : i32
      %dma_start3A_257 = tpu.memref_slice %arg6[%arg0, %add3A_245, %dma_start3A_256] : memref<2x10000x16xf32, #tpu.memory_space<hbm>> -> memref<1x125x16xf32, #tpu.memory_space<hbm>>
      %dma_start3A_258 = tpu.memref_squeeze %dma_start3A_257 : memref<1x125x16xf32, #tpu.memory_space<hbm>> -> memref<125x16xf32, #tpu.memory_space<hbm>>
      %dma_start3A_259 = arith.constant 0 : i32
      %dma_start3A_260 = arith.constant 0 : i32
      %dma_start3A_261 = tpu.memref_slice %arg11[%dma_start3A_259, %dma_start3A_260] : memref<250x16xf32, #tpu.memory_space<vmem>> -> memref<125x16xf32, #tpu.memory_space<vmem>>
      tpu.enqueue_dma source(%dma_start3A_261 : memref<125x16xf32, #tpu.memory_space<vmem>>) target(%dma_start3A_258 : memref<125x16xf32, #tpu.memory_space<hbm>>) target_semaphore(%run_scoped3A : memref<!tpu.dma_semaphore, #tpu.memory_space<semaphore_mem>>)
      %dma_wait3A_262 = arith.constant 0 : i32
      %dma_wait3A_263 = arith.constant 0 : i32
      %dma_wait3A_264 = tpu.memref_slice %arg11[%dma_wait3A_262, %dma_wait3A_263] : memref<250x16xf32, #tpu.memory_space<vmem>> -> memref<125x16xf32, #tpu.memory_space<vmem>>
      %dma_wait3A_265 = arith.constant 0 : i32
      %dma_wait3A_266 = tpu.memref_slice %arg6[%arg0, %add3A_245, %dma_wait3A_265] : memref<2x10000x16xf32, #tpu.memory_space<hbm>> -> memref<1x125x16xf32, #tpu.memory_space<hbm>>
      %dma_wait3A_267 = tpu.memref_squeeze %dma_wait3A_266 : memref<1x125x16xf32, #tpu.memory_space<hbm>> -> memref<125x16xf32, #tpu.memory_space<hbm>>
      %dma_wait3A_268 = arith.constant 0 : i32
      %dma_wait3A_269 = tpu.memref_slice %arg6[%arg0, %add3A_245, %dma_wait3A_268] : memref<2x10000x16xf32, #tpu.memory_space<hbm>> -> memref<1x125x16xf32, #tpu.memory_space<hbm>>
      %dma_wait3A_270 = tpu.memref_squeeze %dma_wait3A_269 : memref<1x125x16xf32, #tpu.memory_space<hbm>> -> memref<125x16xf32, #tpu.memory_space<hbm>>
      %dma_wait3A_271 = arith.constant 0 : i32
      %dma_wait3A_272 = arith.constant 0 : i32
      %dma_wait3A_273 = tpu.memref_slice %arg11[%dma_wait3A_271, %dma_wait3A_272] : memref<250x16xf32, #tpu.memory_space<vmem>> -> memref<125x16xf32, #tpu.memory_space<vmem>>
      tpu.wait_dma2 semaphore(%run_scoped3A : memref<!tpu.dma_semaphore, #tpu.memory_space<semaphore_mem>>) src(%dma_wait3A_273 : memref<125x16xf32, #tpu.memory_space<vmem>>) dst(%dma_wait3A_270 : memref<125x16xf32, #tpu.memory_space<hbm>>)
      tpu.yield
    }) : () -> ()
    %add3A_246 = arith.constant 375 : i32
    %add3A_247 = arith.addi %mul3A_0, %add3A_246 : i32
    "tpu.region"() ({
      %run_scoped3A = tpu.sem_alloc : memref<!tpu.dma_semaphore, #tpu.memory_space<semaphore_mem>>
      %dma_start3A_250 = arith.constant 0 : i32
      %dma_start3A_251 = arith.constant 0 : i32
      %dma_start3A_252 = tpu.memref_slice %arg10[%dma_start3A_250, %dma_start3A_251] : memref<250x16xf32, #tpu.memory_space<vmem>> -> memref<125x16xf32, #tpu.memory_space<vmem>>
      %dma_start3A_253 = arith.constant 0 : i32
      %dma_start3A_254 = tpu.memref_slice %arg9[%add3A_247, %dma_start3A_253] : memref<10000x16xf32, #tpu.memory_space<vmem_shared>> -> memref<125x16xf32, #tpu.memory_space<vmem_shared>>
      %dma_start3A_255 = arith.constant 0 : i32
      %dma_start3A_256 = arith.constant 0 : i32
      %dma_start3A_257 = tpu.memref_slice %arg10[%dma_start3A_255, %dma_start3A_256] : memref<250x16xf32, #tpu.memory_space<vmem>> -> memref<125x16xf32, #tpu.memory_space<vmem>>
      %dma_start3A_258 = arith.constant 0 : i32
      %dma_start3A_259 = tpu.memref_slice %arg9[%add3A_247, %dma_start3A_258] : memref<10000x16xf32, #tpu.memory_space<vmem_shared>> -> memref<125x16xf32, #tpu.memory_space<vmem_shared>>
      tpu.enqueue_dma source(%dma_start3A_259 : memref<125x16xf32, #tpu.memory_space<vmem_shared>>) target(%dma_start3A_257 : memref<125x16xf32, #tpu.memory_space<vmem>>) target_semaphore(%run_scoped3A : memref<!tpu.dma_semaphore, #tpu.memory_space<semaphore_mem>>)
      %dma_wait3A_260 = arith.constant 0 : i32
      %dma_wait3A_261 = arith.constant 0 : i32
      %dma_wait3A_262 = tpu.memref_slice %arg10[%dma_wait3A_260, %dma_wait3A_261] : memref<250x16xf32, #tpu.memory_space<vmem>> -> memref<125x16xf32, #tpu.memory_space<vmem>>
      %dma_wait3A_263 = arith.constant 0 : i32
      %dma_wait3A_264 = tpu.memref_slice %arg9[%add3A_247, %dma_wait3A_263] : memref<10000x16xf32, #tpu.memory_space<vmem_shared>> -> memref<125x16xf32, #tpu.memory_space<vmem_shared>>
      %dma_wait3A_265 = arith.constant 0 : i32
      %dma_wait3A_266 = arith.constant 0 : i32
      %dma_wait3A_267 = tpu.memref_slice %arg10[%dma_wait3A_265, %dma_wait3A_266] : memref<250x16xf32, #tpu.memory_space<vmem>> -> memref<125x16xf32, #tpu.memory_space<vmem>>
      %dma_wait3A_268 = arith.constant 0 : i32
      %dma_wait3A_269 = tpu.memref_slice %arg9[%add3A_247, %dma_wait3A_268] : memref<10000x16xf32, #tpu.memory_space<vmem_shared>> -> memref<125x16xf32, #tpu.memory_space<vmem_shared>>
      tpu.wait_dma2 semaphore(%run_scoped3A : memref<!tpu.dma_semaphore, #tpu.memory_space<semaphore_mem>>) src(%dma_wait3A_269 : memref<125x16xf32, #tpu.memory_space<vmem_shared>>) dst(%dma_wait3A_267 : memref<125x16xf32, #tpu.memory_space<vmem>>)
      tpu.yield
    }) : () -> ()
    "tpu.region"() ({
      %run_scoped3A = tpu.sem_alloc : memref<!tpu.dma_semaphore, #tpu.memory_space<semaphore_mem>>
      %dma_start3A_250 = arith.constant 0 : i32
      %dma_start3A_251 = arith.constant 0 : i32
      %dma_start3A_252 = tpu.memref_slice %arg10[%dma_start3A_250, %dma_start3A_251] : memref<250x16xf32, #tpu.memory_space<vmem>> -> memref<125x16xf32, #tpu.memory_space<vmem>>
      %dma_start3A_253 = arith.constant 0 : i32
      %dma_start3A_254 = tpu.memref_slice %arg5[%arg0, %add3A_247, %dma_start3A_253] : memref<2x10000x16xf32, #tpu.memory_space<hbm>> -> memref<1x125x16xf32, #tpu.memory_space<hbm>>
      %dma_start3A_255 = tpu.memref_squeeze %dma_start3A_254 : memref<1x125x16xf32, #tpu.memory_space<hbm>> -> memref<125x16xf32, #tpu.memory_space<hbm>>
      %dma_start3A_256 = arith.constant 0 : i32
      %dma_start3A_257 = tpu.memref_slice %arg5[%arg0, %add3A_247, %dma_start3A_256] : memref<2x10000x16xf32, #tpu.memory_space<hbm>> -> memref<1x125x16xf32, #tpu.memory_space<hbm>>
      %dma_start3A_258 = tpu.memref_squeeze %dma_start3A_257 : memref<1x125x16xf32, #tpu.memory_space<hbm>> -> memref<125x16xf32, #tpu.memory_space<hbm>>
      %dma_start3A_259 = arith.constant 0 : i32
      %dma_start3A_260 = arith.constant 0 : i32
      %dma_start3A_261 = tpu.memref_slice %arg10[%dma_start3A_259, %dma_start3A_260] : memref<250x16xf32, #tpu.memory_space<vmem>> -> memref<125x16xf32, #tpu.memory_space<vmem>>
      tpu.enqueue_dma source(%dma_start3A_261 : memref<125x16xf32, #tpu.memory_space<vmem>>) target(%dma_start3A_258 : memref<125x16xf32, #tpu.memory_space<hbm>>) target_semaphore(%run_scoped3A : memref<!tpu.dma_semaphore, #tpu.memory_space<semaphore_mem>>)
      %dma_wait3A_262 = arith.constant 0 : i32
      %dma_wait3A_263 = arith.constant 0 : i32
      %dma_wait3A_264 = tpu.memref_slice %arg10[%dma_wait3A_262, %dma_wait3A_263] : memref<250x16xf32, #tpu.memory_space<vmem>> -> memref<125x16xf32, #tpu.memory_space<vmem>>
      %dma_wait3A_265 = arith.constant 0 : i32
      %dma_wait3A_266 = tpu.memref_slice %arg5[%arg0, %add3A_247, %dma_wait3A_265] : memref<2x10000x16xf32, #tpu.memory_space<hbm>> -> memref<1x125x16xf32, #tpu.memory_space<hbm>>
      %dma_wait3A_267 = tpu.memref_squeeze %dma_wait3A_266 : memref<1x125x16xf32, #tpu.memory_space<hbm>> -> memref<125x16xf32, #tpu.memory_space<hbm>>
      %dma_wait3A_268 = arith.constant 0 : i32
      %dma_wait3A_269 = tpu.memref_slice %arg5[%arg0, %add3A_247, %dma_wait3A_268] : memref<2x10000x16xf32, #tpu.memory_space<hbm>> -> memref<1x125x16xf32, #tpu.memory_space<hbm>>
      %dma_wait3A_270 = tpu.memref_squeeze %dma_wait3A_269 : memref<1x125x16xf32, #tpu.memory_space<hbm>> -> memref<125x16xf32, #tpu.memory_space<hbm>>
      %dma_wait3A_271 = arith.constant 0 : i32
      %dma_wait3A_272 = arith.constant 0 : i32
      %dma_wait3A_273 = tpu.memref_slice %arg10[%dma_wait3A_271, %dma_wait3A_272] : memref<250x16xf32, #tpu.memory_space<vmem>> -> memref<125x16xf32, #tpu.memory_space<vmem>>
      tpu.wait_dma2 semaphore(%run_scoped3A : memref<!tpu.dma_semaphore, #tpu.memory_space<semaphore_mem>>) src(%dma_wait3A_273 : memref<125x16xf32, #tpu.memory_space<vmem>>) dst(%dma_wait3A_270 : memref<125x16xf32, #tpu.memory_space<hbm>>)
      tpu.yield
    }) : () -> ()
    "tpu.region"() ({
      %run_scoped3A = tpu.sem_alloc : memref<!tpu.dma_semaphore, #tpu.memory_space<semaphore_mem>>
      %dma_start3A_250 = arith.constant 0 : i32
      %dma_start3A_251 = arith.constant 0 : i32
      %dma_start3A_252 = tpu.memref_slice %arg11[%dma_start3A_250, %dma_start3A_251] : memref<250x16xf32, #tpu.memory_space<vmem>> -> memref<125x16xf32, #tpu.memory_space<vmem>>
      %dma_start3A_253 = arith.constant 0 : i32
      %dma_start3A_254 = tpu.memref_slice %arg50[%add3A_247, %dma_start3A_253] : memref<10000x16xf32, #tpu.memory_space<vmem_shared>> -> memref<125x16xf32, #tpu.memory_space<vmem_shared>>
      %dma_start3A_255 = arith.constant 0 : i32
      %dma_start3A_256 = arith.constant 0 : i32
      %dma_start3A_257 = tpu.memref_slice %arg11[%dma_start3A_255, %dma_start3A_256] : memref<250x16xf32, #tpu.memory_space<vmem>> -> memref<125x16xf32, #tpu.memory_space<vmem>>
      %dma_start3A_258 = arith.constant 0 : i32
      %dma_start3A_259 = tpu.memref_slice %arg50[%add3A_247, %dma_start3A_258] : memref<10000x16xf32, #tpu.memory_space<vmem_shared>> -> memref<125x16xf32, #tpu.memory_space<vmem_shared>>
      tpu.enqueue_dma source(%dma_start3A_259 : memref<125x16xf32, #tpu.memory_space<vmem_shared>>) target(%dma_start3A_257 : memref<125x16xf32, #tpu.memory_space<vmem>>) target_semaphore(%run_scoped3A : memref<!tpu.dma_semaphore, #tpu.memory_space<semaphore_mem>>)
      %dma_wait3A_260 = arith.constant 0 : i32
      %dma_wait3A_261 = arith.constant 0 : i32
      %dma_wait3A_262 = tpu.memref_slice %arg11[%dma_wait3A_260, %dma_wait3A_261] : memref<250x16xf32, #tpu.memory_space<vmem>> -> memref<125x16xf32, #tpu.memory_space<vmem>>
      %dma_wait3A_263 = arith.constant 0 : i32
      %dma_wait3A_264 = tpu.memref_slice %arg50[%add3A_247, %dma_wait3A_263] : memref<10000x16xf32, #tpu.memory_space<vmem_shared>> -> memref<125x16xf32, #tpu.memory_space<vmem_shared>>
      %dma_wait3A_265 = arith.constant 0 : i32
      %dma_wait3A_266 = arith.constant 0 : i32
      %dma_wait3A_267 = tpu.memref_slice %arg11[%dma_wait3A_265, %dma_wait3A_266] : memref<250x16xf32, #tpu.memory_space<vmem>> -> memref<125x16xf32, #tpu.memory_space<vmem>>
      %dma_wait3A_268 = arith.constant 0 : i32
      %dma_wait3A_269 = tpu.memref_slice %arg50[%add3A_247, %dma_wait3A_268] : memref<10000x16xf32, #tpu.memory_space<vmem_shared>> -> memref<125x16xf32, #tpu.memory_space<vmem_shared>>
      tpu.wait_dma2 semaphore(%run_scoped3A : memref<!tpu.dma_semaphore, #tpu.memory_space<semaphore_mem>>) src(%dma_wait3A_269 : memref<125x16xf32, #tpu.memory_space<vmem_shared>>) dst(%dma_wait3A_267 : memref<125x16xf32, #tpu.memory_space<vmem>>)
      tpu.yield
    }) : () -> ()
    "tpu.region"() ({
      %run_scoped3A = tpu.sem_alloc : memref<!tpu.dma_semaphore, #tpu.memory_space<semaphore_mem>>
      %dma_start3A_250 = arith.constant 0 : i32
      %dma_start3A_251 = arith.constant 0 : i32
      %dma_start3A_252 = tpu.memref_slice %arg11[%dma_start3A_250, %dma_start3A_251] : memref<250x16xf32, #tpu.memory_space<vmem>> -> memref<125x16xf32, #tpu.memory_space<vmem>>
      %dma_start3A_253 = arith.constant 0 : i32
      %dma_start3A_254 = tpu.memref_slice %arg6[%arg0, %add3A_247, %dma_start3A_253] : memref<2x10000x16xf32, #tpu.memory_space<hbm>> -> memref<1x125x16xf32, #tpu.memory_space<hbm>>
      %dma_start3A_255 = tpu.memref_squeeze %dma_start3A_254 : memref<1x125x16xf32, #tpu.memory_space<hbm>> -> memref<125x16xf32, #tpu.memory_space<hbm>>
      %dma_start3A_256 = arith.constant 0 : i32
      %dma_start3A_257 = tpu.memref_slice %arg6[%arg0, %add3A_247, %dma_start3A_256] : memref<2x10000x16xf32, #tpu.memory_space<hbm>> -> memref<1x125x16xf32, #tpu.memory_space<hbm>>
      %dma_start3A_258 = tpu.memref_squeeze %dma_start3A_257 : memref<1x125x16xf32, #tpu.memory_space<hbm>> -> memref<125x16xf32, #tpu.memory_space<hbm>>
      %dma_start3A_259 = arith.constant 0 : i32
      %dma_start3A_260 = arith.constant 0 : i32
      %dma_start3A_261 = tpu.memref_slice %arg11[%dma_start3A_259, %dma_start3A_260] : memref<250x16xf32, #tpu.memory_space<vmem>> -> memref<125x16xf32, #tpu.memory_space<vmem>>
      tpu.enqueue_dma source(%dma_start3A_261 : memref<125x16xf32, #tpu.memory_space<vmem>>) target(%dma_start3A_258 : memref<125x16xf32, #tpu.memory_space<hbm>>) target_semaphore(%run_scoped3A : memref<!tpu.dma_semaphore, #tpu.memory_space<semaphore_mem>>)
      %dma_wait3A_262 = arith.constant 0 : i32
      %dma_wait3A_263 = arith.constant 0 : i32
      %dma_wait3A_264 = tpu.memref_slice %arg11[%dma_wait3A_262, %dma_wait3A_263] : memref<250x16xf32, #tpu.memory_space<vmem>> -> memref<125x16xf32, #tpu.memory_space<vmem>>
      %dma_wait3A_265 = arith.constant 0 : i32
      %dma_wait3A_266 = tpu.memref_slice %arg6[%arg0, %add3A_247, %dma_wait3A_265] : memref<2x10000x16xf32, #tpu.memory_space<hbm>> -> memref<1x125x16xf32, #tpu.memory_space<hbm>>
      %dma_wait3A_267 = tpu.memref_squeeze %dma_wait3A_266 : memref<1x125x16xf32, #tpu.memory_space<hbm>> -> memref<125x16xf32, #tpu.memory_space<hbm>>
      %dma_wait3A_268 = arith.constant 0 : i32
      %dma_wait3A_269 = tpu.memref_slice %arg6[%arg0, %add3A_247, %dma_wait3A_268] : memref<2x10000x16xf32, #tpu.memory_space<hbm>> -> memref<1x125x16xf32, #tpu.memory_space<hbm>>
      %dma_wait3A_270 = tpu.memref_squeeze %dma_wait3A_269 : memref<1x125x16xf32, #tpu.memory_space<hbm>> -> memref<125x16xf32, #tpu.memory_space<hbm>>
      %dma_wait3A_271 = arith.constant 0 : i32
      %dma_wait3A_272 = arith.constant 0 : i32
      %dma_wait3A_273 = tpu.memref_slice %arg11[%dma_wait3A_271, %dma_wait3A_272] : memref<250x16xf32, #tpu.memory_space<vmem>> -> memref<125x16xf32, #tpu.memory_space<vmem>>
      tpu.wait_dma2 semaphore(%run_scoped3A : memref<!tpu.dma_semaphore, #tpu.memory_space<semaphore_mem>>) src(%dma_wait3A_273 : memref<125x16xf32, #tpu.memory_space<vmem>>) dst(%dma_wait3A_270 : memref<125x16xf32, #tpu.memory_space<hbm>>)
      tpu.yield
    }) : () -> ()
    %add3A_248 = arith.constant 500 : i32
    %add3A_249 = arith.addi %mul3A_0, %add3A_248 : i32
    "tpu.region"() ({
      %run_scoped3A = tpu.sem_alloc : memref<!tpu.dma_semaphore, #tpu.memory_space<semaphore_mem>>
      %dma_start3A_250 = arith.constant 0 : i32
      %dma_start3A_251 = arith.constant 0 : i32
      %dma_start3A_252 = tpu.memref_slice %arg10[%dma_start3A_250, %dma_start3A_251] : memref<250x16xf32, #tpu.memory_space<vmem>> -> memref<125x16xf32, #tpu.memory_space<vmem>>
      %dma_start3A_253 = arith.constant 0 : i32
      %dma_start3A_254 = tpu.memref_slice %arg9[%add3A_249, %dma_start3A_253] : memref<10000x16xf32, #tpu.memory_space<vmem_shared>> -> memref<125x16xf32, #tpu.memory_space<vmem_shared>>
      %dma_start3A_255 = arith.constant 0 : i32
      %dma_start3A_256 = arith.constant 0 : i32
      %dma_start3A_257 = tpu.memref_slice %arg10[%dma_start3A_255, %dma_start3A_256] : memref<250x16xf32, #tpu.memory_space<vmem>> -> memref<125x16xf32, #tpu.memory_space<vmem>>
      %dma_start3A_258 = arith.constant 0 : i32
      %dma_start3A_259 = tpu.memref_slice %arg9[%add3A_249, %dma_start3A_258] : memref<10000x16xf32, #tpu.memory_space<vmem_shared>> -> memref<125x16xf32, #tpu.memory_space<vmem_shared>>
      tpu.enqueue_dma source(%dma_start3A_259 : memref<125x16xf32, #tpu.memory_space<vmem_shared>>) target(%dma_start3A_257 : memref<125x16xf32, #tpu.memory_space<vmem>>) target_semaphore(%run_scoped3A : memref<!tpu.dma_semaphore, #tpu.memory_space<semaphore_mem>>)
      %dma_wait3A_260 = arith.constant 0 : i32
      %dma_wait3A_261 = arith.constant 0 : i32
      %dma_wait3A_262 = tpu.memref_slice %arg10[%dma_wait3A_260, %dma_wait3A_261] : memref<250x16xf32, #tpu.memory_space<vmem>> -> memref<125x16xf32, #tpu.memory_space<vmem>>
      %dma_wait3A_263 = arith.constant 0 : i32
      %dma_wait3A_264 = tpu.memref_slice %arg9[%add3A_249, %dma_wait3A_263] : memref<10000x16xf32, #tpu.memory_space<vmem_shared>> -> memref<125x16xf32, #tpu.memory_space<vmem_shared>>
      %dma_wait3A_265 = arith.constant 0 : i32
      %dma_wait3A_266 = arith.constant 0 : i32
      %dma_wait3A_267 = tpu.memref_slice %arg10[%dma_wait3A_265, %dma_wait3A_266] : memref<250x16xf32, #tpu.memory_space<vmem>> -> memref<125x16xf32, #tpu.memory_space<vmem>>
      %dma_wait3A_268 = arith.constant 0 : i32
      %dma_wait3A_269 = tpu.memref_slice %arg9[%add3A_249, %dma_wait3A_268] : memref<10000x16xf32, #tpu.memory_space<vmem_shared>> -> memref<125x16xf32, #tpu.memory_space<vmem_shared>>
      tpu.wait_dma2 semaphore(%run_scoped3A : memref<!tpu.dma_semaphore, #tpu.memory_space<semaphore_mem>>) src(%dma_wait3A_269 : memref<125x16xf32, #tpu.memory_space<vmem_shared>>) dst(%dma_wait3A_267 : memref<125x16xf32, #tpu.memory_space<vmem>>)
      tpu.yield
    }) : () -> ()
    "tpu.region"() ({
      %run_scoped3A = tpu.sem_alloc : memref<!tpu.dma_semaphore, #tpu.memory_space<semaphore_mem>>
      %dma_start3A_250 = arith.constant 0 : i32
      %dma_start3A_251 = arith.constant 0 : i32
      %dma_start3A_252 = tpu.memref_slice %arg10[%dma_start3A_250, %dma_start3A_251] : memref<250x16xf32, #tpu.memory_space<vmem>> -> memref<125x16xf32, #tpu.memory_space<vmem>>
      %dma_start3A_253 = arith.constant 0 : i32
      %dma_start3A_254 = tpu.memref_slice %arg5[%arg0, %add3A_249, %dma_start3A_253] : memref<2x10000x16xf32, #tpu.memory_space<hbm>> -> memref<1x125x16xf32, #tpu.memory_space<hbm>>
      %dma_start3A_255 = tpu.memref_squeeze %dma_start3A_254 : memref<1x125x16xf32, #tpu.memory_space<hbm>> -> memref<125x16xf32, #tpu.memory_space<hbm>>
      %dma_start3A_256 = arith.constant 0 : i32
      %dma_start3A_257 = tpu.memref_slice %arg5[%arg0, %add3A_249, %dma_start3A_256] : memref<2x10000x16xf32, #tpu.memory_space<hbm>> -> memref<1x125x16xf32, #tpu.memory_space<hbm>>
      %dma_start3A_258 = tpu.memref_squeeze %dma_start3A_257 : memref<1x125x16xf32, #tpu.memory_space<hbm>> -> memref<125x16xf32, #tpu.memory_space<hbm>>
      %dma_start3A_259 = arith.constant 0 : i32
      %dma_start3A_260 = arith.constant 0 : i32
      %dma_start3A_261 = tpu.memref_slice %arg10[%dma_start3A_259, %dma_start3A_260] : memref<250x16xf32, #tpu.memory_space<vmem>> -> memref<125x16xf32, #tpu.memory_space<vmem>>
      tpu.enqueue_dma source(%dma_start3A_261 : memref<125x16xf32, #tpu.memory_space<vmem>>) target(%dma_start3A_258 : memref<125x16xf32, #tpu.memory_space<hbm>>) target_semaphore(%run_scoped3A : memref<!tpu.dma_semaphore, #tpu.memory_space<semaphore_mem>>)
      %dma_wait3A_262 = arith.constant 0 : i32
      %dma_wait3A_263 = arith.constant 0 : i32
      %dma_wait3A_264 = tpu.memref_slice %arg10[%dma_wait3A_262, %dma_wait3A_263] : memref<250x16xf32, #tpu.memory_space<vmem>> -> memref<125x16xf32, #tpu.memory_space<vmem>>
      %dma_wait3A_265 = arith.constant 0 : i32
      %dma_wait3A_266 = tpu.memref_slice %arg5[%arg0, %add3A_249, %dma_wait3A_265] : memref<2x10000x16xf32, #tpu.memory_space<hbm>> -> memref<1x125x16xf32, #tpu.memory_space<hbm>>
      %dma_wait3A_267 = tpu.memref_squeeze %dma_wait3A_266 : memref<1x125x16xf32, #tpu.memory_space<hbm>> -> memref<125x16xf32, #tpu.memory_space<hbm>>
      %dma_wait3A_268 = arith.constant 0 : i32
      %dma_wait3A_269 = tpu.memref_slice %arg5[%arg0, %add3A_249, %dma_wait3A_268] : memref<2x10000x16xf32, #tpu.memory_space<hbm>> -> memref<1x125x16xf32, #tpu.memory_space<hbm>>
      %dma_wait3A_270 = tpu.memref_squeeze %dma_wait3A_269 : memref<1x125x16xf32, #tpu.memory_space<hbm>> -> memref<125x16xf32, #tpu.memory_space<hbm>>
      %dma_wait3A_271 = arith.constant 0 : i32
      %dma_wait3A_272 = arith.constant 0 : i32
      %dma_wait3A_273 = tpu.memref_slice %arg10[%dma_wait3A_271, %dma_wait3A_272] : memref<250x16xf32, #tpu.memory_space<vmem>> -> memref<125x16xf32, #tpu.memory_space<vmem>>
      tpu.wait_dma2 semaphore(%run_scoped3A : memref<!tpu.dma_semaphore, #tpu.memory_space<semaphore_mem>>) src(%dma_wait3A_273 : memref<125x16xf32, #tpu.memory_space<vmem>>) dst(%dma_wait3A_270 : memref<125x16xf32, #tpu.memory_space<hbm>>)
      tpu.yield
    }) : () -> ()
    "tpu.region"() ({
      %run_scoped3A = tpu.sem_alloc : memref<!tpu.dma_semaphore, #tpu.memory_space<semaphore_mem>>
      %dma_start3A_250 = arith.constant 0 : i32
      %dma_start3A_251 = arith.constant 0 : i32
      %dma_start3A_252 = tpu.memref_slice %arg11[%dma_start3A_250, %dma_start3A_251] : memref<250x16xf32, #tpu.memory_space<vmem>> -> memref<125x16xf32, #tpu.memory_space<vmem>>
      %dma_start3A_253 = arith.constant 0 : i32
      %dma_start3A_254 = tpu.memref_slice %arg50[%add3A_249, %dma_start3A_253] : memref<10000x16xf32, #tpu.memory_space<vmem_shared>> -> memref<125x16xf32, #tpu.memory_space<vmem_shared>>
      %dma_start3A_255 = arith.constant 0 : i32
      %dma_start3A_256 = arith.constant 0 : i32
      %dma_start3A_257 = tpu.memref_slice %arg11[%dma_start3A_255, %dma_start3A_256] : memref<250x16xf32, #tpu.memory_space<vmem>> -> memref<125x16xf32, #tpu.memory_space<vmem>>
      %dma_start3A_258 = arith.constant 0 : i32
      %dma_start3A_259 = tpu.memref_slice %arg50[%add3A_249, %dma_start3A_258] : memref<10000x16xf32, #tpu.memory_space<vmem_shared>> -> memref<125x16xf32, #tpu.memory_space<vmem_shared>>
      tpu.enqueue_dma source(%dma_start3A_259 : memref<125x16xf32, #tpu.memory_space<vmem_shared>>) target(%dma_start3A_257 : memref<125x16xf32, #tpu.memory_space<vmem>>) target_semaphore(%run_scoped3A : memref<!tpu.dma_semaphore, #tpu.memory_space<semaphore_mem>>)
      %dma_wait3A_260 = arith.constant 0 : i32
      %dma_wait3A_261 = arith.constant 0 : i32
      %dma_wait3A_262 = tpu.memref_slice %arg11[%dma_wait3A_260, %dma_wait3A_261] : memref<250x16xf32, #tpu.memory_space<vmem>> -> memref<125x16xf32, #tpu.memory_space<vmem>>
      %dma_wait3A_263 = arith.constant 0 : i32
      %dma_wait3A_264 = tpu.memref_slice %arg50[%add3A_249, %dma_wait3A_263] : memref<10000x16xf32, #tpu.memory_space<vmem_shared>> -> memref<125x16xf32, #tpu.memory_space<vmem_shared>>
      %dma_wait3A_265 = arith.constant 0 : i32
      %dma_wait3A_266 = arith.constant 0 : i32
      %dma_wait3A_267 = tpu.memref_slice %arg11[%dma_wait3A_265, %dma_wait3A_266] : memref<250x16xf32, #tpu.memory_space<vmem>> -> memref<125x16xf32, #tpu.memory_space<vmem>>
      %dma_wait3A_268 = arith.constant 0 : i32
      %dma_wait3A_269 = tpu.memref_slice %arg50[%add3A_249, %dma_wait3A_268] : memref<10000x16xf32, #tpu.memory_space<vmem_shared>> -> memref<125x16xf32, #tpu.memory_space<vmem_shared>>
      tpu.wait_dma2 semaphore(%run_scoped3A : memref<!tpu.dma_semaphore, #tpu.memory_space<semaphore_mem>>) src(%dma_wait3A_269 : memref<125x16xf32, #tpu.memory_space<vmem_shared>>) dst(%dma_wait3A_267 : memref<125x16xf32, #tpu.memory_space<vmem>>)
      tpu.yield
    }) : () -> ()
    "tpu.region"() ({
      %run_scoped3A = tpu.sem_alloc : memref<!tpu.dma_semaphore, #tpu.memory_space<semaphore_mem>>
      %dma_start3A_250 = arith.constant 0 : i32
      %dma_start3A_251 = arith.constant 0 : i32
      %dma_start3A_252 = tpu.memref_slice %arg11[%dma_start3A_250, %dma_start3A_251] : memref<250x16xf32, #tpu.memory_space<vmem>> -> memref<125x16xf32, #tpu.memory_space<vmem>>
      %dma_start3A_253 = arith.constant 0 : i32
      %dma_start3A_254 = tpu.memref_slice %arg6[%arg0, %add3A_249, %dma_start3A_253] : memref<2x10000x16xf32, #tpu.memory_space<hbm>> -> memref<1x125x16xf32, #tpu.memory_space<hbm>>
      %dma_start3A_255 = tpu.memref_squeeze %dma_start3A_254 : memref<1x125x16xf32, #tpu.memory_space<hbm>> -> memref<125x16xf32, #tpu.memory_space<hbm>>
      %dma_start3A_256 = arith.constant 0 : i32
      %dma_start3A_257 = tpu.memref_slice %arg6[%arg0, %add3A_249, %dma_start3A_256] : memref<2x10000x16xf32, #tpu.memory_space<hbm>> -> memref<1x125x16xf32, #tpu.memory_space<hbm>>
      %dma_start3A_258 = tpu.memref_squeeze %dma_start3A_257 : memref<1x125x16xf32, #tpu.memory_space<hbm>> -> memref<125x16xf32, #tpu.memory_space<hbm>>
      %dma_start3A_259 = arith.constant 0 : i32
      %dma_start3A_260 = arith.constant 0 : i32
      %dma_start3A_261 = tpu.memref_slice %arg11[%dma_start3A_259, %dma_start3A_260] : memref<250x16xf32, #tpu.memory_space<vmem>> -> memref<125x16xf32, #tpu.memory_space<vmem>>
      tpu.enqueue_dma source(%dma_start3A_261 : memref<125x16xf32, #tpu.memory_space<vmem>>) target(%dma_start3A_258 : memref<125x16xf32, #tpu.memory_space<hbm>>) target_semaphore(%run_scoped3A : memref<!tpu.dma_semaphore, #tpu.memory_space<semaphore_mem>>)
      %dma_wait3A_262 = arith.constant 0 : i32
      %dma_wait3A_263 = arith.constant 0 : i32
      %dma_wait3A_264 = tpu.memref_slice %arg11[%dma_wait3A_262, %dma_wait3A_263] : memref<250x16xf32, #tpu.memory_space<vmem>> -> memref<125x16xf32, #tpu.memory_space<vmem>>
      %dma_wait3A_265 = arith.constant 0 : i32
      %dma_wait3A_266 = tpu.memref_slice %arg6[%arg0, %add3A_249, %dma_wait3A_265] : memref<2x10000x16xf32, #tpu.memory_space<hbm>> -> memref<1x125x16xf32, #tpu.memory_space<hbm>>
      %dma_wait3A_267 = tpu.memref_squeeze %dma_wait3A_266 : memref<1x125x16xf32, #tpu.memory_space<hbm>> -> memref<125x16xf32, #tpu.memory_space<hbm>>
      %dma_wait3A_268 = arith.constant 0 : i32
      %dma_wait3A_269 = tpu.memref_slice %arg6[%arg0, %add3A_249, %dma_wait3A_268] : memref<2x10000x16xf32, #tpu.memory_space<hbm>> -> memref<1x125x16xf32, #tpu.memory_space<hbm>>
      %dma_wait3A_270 = tpu.memref_squeeze %dma_wait3A_269 : memref<1x125x16xf32, #tpu.memory_space<hbm>> -> memref<125x16xf32, #tpu.memory_space<hbm>>
      %dma_wait3A_271 = arith.constant 0 : i32
      %dma_wait3A_272 = arith.constant 0 : i32
      %dma_wait3A_273 = tpu.memref_slice %arg11[%dma_wait3A_271, %dma_wait3A_272] : memref<250x16xf32, #tpu.memory_space<vmem>> -> memref<125x16xf32, #tpu.memory_space<vmem>>
      tpu.wait_dma2 semaphore(%run_scoped3A : memref<!tpu.dma_semaphore, #tpu.memory_space<semaphore_mem>>) src(%dma_wait3A_273 : memref<125x16xf32, #tpu.memory_space<vmem>>) dst(%dma_wait3A_270 : memref<125x16xf32, #tpu.memory_space<hbm>>)
      tpu.yield
    }) : () -> ()
    return
  }
}

module attributes {stable_mosaic.version = 14 : i64} {
  func.func @_tc1_body(%arg0: i32, %arg1: memref<1250x1024xf32, #tpu.memory_space<vmem>>, %arg2: memref<1250x1024xf32, #tpu.memory_space<vmem>>, %arg3: memref<1024x128xf32, #tpu.memory_space<vmem>>, %arg4: memref<1024x128xf32, #tpu.memory_space<vmem>>, %arg5: memref<1024x128xf32, #tpu.memory_space<vmem>>, %arg6: memref<1024x128xf32, #tpu.memory_space<vmem>>, %arg7: memref<2x1250x128xf32, #tpu.memory_space<vmem>>, %arg8: memref<2x1250x128xf32, #tpu.memory_space<vmem>>) attributes {dimension_semantics = [#tpu.dimension_semantics<arbitrary>], iteration_bounds = array<i64: 1>, scalar_prefetch = 0 : i64, scratch_operands = 0 : i64, tpu.core_type = #tpu.core_type<tc>, window_params = [{transform_indices = @transform_0, window_bounds = array<i64: 1250, 1024>}, {transform_indices = @transform_1, window_bounds = array<i64: 1250, 1024>}, {pipeline_mode = #tpu.pipeline_mode<synchronous>, transform_indices = @transform_2, window_bounds = array<i64: 1024, 128>}, {pipeline_mode = #tpu.pipeline_mode<synchronous>, transform_indices = @transform_3, window_bounds = array<i64: 1024, 128>}, {pipeline_mode = #tpu.pipeline_mode<synchronous>, transform_indices = @transform_4, window_bounds = array<i64: 1024, 128>}, {pipeline_mode = #tpu.pipeline_mode<synchronous>, transform_indices = @transform_5, window_bounds = array<i64: 1024, 128>}, {transform_indices = @transform_6, window_bounds = array<i64: 2, 1250, 128>}, {transform_indices = @transform_7, window_bounds = array<i64: 2, 1250, 128>}]} {
    %get3A = arith.constant 0 : index
    %get3A_0 = arith.constant 0 : index
    %get3A_1 = vector.load %arg1[%get3A, %get3A_0] : memref<1250x1024xf32, #tpu.memory_space<vmem>>, vector<1250x1024xf32>
    %get3A_2 = arith.constant 0 : index
    %get3A_3 = arith.constant 0 : index
    %get3A_4 = vector.load %arg2[%get3A_2, %get3A_3] : memref<1250x1024xf32, #tpu.memory_space<vmem>>, vector<1250x1024xf32>
    %get3A_5 = arith.constant 0 : index
    %get3A_6 = arith.constant 0 : index
    %get3A_7 = vector.load %arg3[%get3A_5, %get3A_6] : memref<1024x128xf32, #tpu.memory_space<vmem>>, vector<1024x128xf32>
    %dot_general3A = arith.constant dense<0.000000e+00> : vector<1250x128xf32>
    %dot_general3A_8 = tpu.matmul %get3A_1, %get3A_7, %dot_general3A {dimension_numbers = #tpu.dot_dimension_numbers<[1], [0], [0], [1], [0, 0, 1, 1], [], []>, transpose_lhs_hint = false} : vector<1250x1024xf32>, vector<1024x128xf32>, vector<1250x128xf32> -> vector<1250x128xf32>
    %swap3A = arith.constant 0 : index
    %swap3A_9 = arith.constant 0 : index
    %swap3A_10 = arith.constant 0 : index
    %swap3A_11 = vector.load %arg7[%swap3A, %swap3A_9, %swap3A_10] : memref<2x1250x128xf32, #tpu.memory_space<vmem>>, vector<1x1250x128xf32>
    %swap3A_12 = vector.shape_cast %swap3A_11 : vector<1x1250x128xf32> to vector<1250x128xf32>
    %swap3A_13 = vector.shape_cast %dot_general3A_8 : vector<1250x128xf32> to vector<1x1250x128xf32>
    tpu.vector_store %arg7[%swap3A, %swap3A_9, %swap3A_10], %swap3A_13 {strides = array<i32>} : memref<2x1250x128xf32, #tpu.memory_space<vmem>>, vector<1x1250x128xf32>,
    %get3A_14 = arith.constant 0 : index
    %get3A_15 = arith.constant 0 : index
    %get3A_16 = vector.load %arg4[%get3A_14, %get3A_15] : memref<1024x128xf32, #tpu.memory_space<vmem>>, vector<1024x128xf32>
    %dot_general3A_17 = arith.constant dense<0.000000e+00> : vector<1250x128xf32>
    %dot_general3A_18 = tpu.matmul %get3A_4, %get3A_16, %dot_general3A_17 {dimension_numbers = #tpu.dot_dimension_numbers<[1], [0], [0], [1], [0, 0, 1, 1], [], []>, transpose_lhs_hint = false} : vector<1250x1024xf32>, vector<1024x128xf32>, vector<1250x128xf32> -> vector<1250x128xf32>
    %swap3A_19 = arith.constant 1 : index
    %swap3A_20 = arith.constant 0 : index
    %swap3A_21 = arith.constant 0 : index
    %swap3A_22 = vector.load %arg7[%swap3A_19, %swap3A_20, %swap3A_21] : memref<2x1250x128xf32, #tpu.memory_space<vmem>>, vector<1x1250x128xf32>
    %swap3A_23 = vector.shape_cast %swap3A_22 : vector<1x1250x128xf32> to vector<1250x128xf32>
    %swap3A_24 = vector.shape_cast %dot_general3A_18 : vector<1250x128xf32> to vector<1x1250x128xf32>
    tpu.vector_store %arg7[%swap3A_19, %swap3A_20, %swap3A_21], %swap3A_24 {strides = array<i32>} : memref<2x1250x128xf32, #tpu.memory_space<vmem>>, vector<1x1250x128xf32>,
    %get3A_25 = arith.constant 0 : index
    %get3A_26 = arith.constant 0 : index
    %get3A_27 = vector.load %arg5[%get3A_25, %get3A_26] : memref<1024x128xf32, #tpu.memory_space<vmem>>, vector<1024x128xf32>
    %dot_general3A_28 = arith.constant dense<0.000000e+00> : vector<1250x128xf32>
    %dot_general3A_29 = tpu.matmul %get3A_4, %get3A_27, %dot_general3A_28 {dimension_numbers = #tpu.dot_dimension_numbers<[1], [0], [0], [1], [0, 0, 1, 1], [], []>, transpose_lhs_hint = false} : vector<1250x1024xf32>, vector<1024x128xf32>, vector<1250x128xf32> -> vector<1250x128xf32>
    %swap3A_30 = arith.constant 0 : index
    %swap3A_31 = arith.constant 0 : index
    %swap3A_32 = arith.constant 0 : index
    %swap3A_33 = vector.load %arg8[%swap3A_30, %swap3A_31, %swap3A_32] : memref<2x1250x128xf32, #tpu.memory_space<vmem>>, vector<1x1250x128xf32>
    %swap3A_34 = vector.shape_cast %swap3A_33 : vector<1x1250x128xf32> to vector<1250x128xf32>
    %swap3A_35 = vector.shape_cast %dot_general3A_29 : vector<1250x128xf32> to vector<1x1250x128xf32>
    tpu.vector_store %arg8[%swap3A_30, %swap3A_31, %swap3A_32], %swap3A_35 {strides = array<i32>} : memref<2x1250x128xf32, #tpu.memory_space<vmem>>, vector<1x1250x128xf32>,
    %get3A_36 = arith.constant 0 : index
    %get3A_37 = arith.constant 0 : index
    %get3A_38 = vector.load %arg6[%get3A_36, %get3A_37] : memref<1024x128xf32, #tpu.memory_space<vmem>>, vector<1024x128xf32>
    %dot_general3A_39 = arith.constant dense<0.000000e+00> : vector<1250x128xf32>
    %dot_general3A_40 = tpu.matmul %get3A_1, %get3A_38, %dot_general3A_39 {dimension_numbers = #tpu.dot_dimension_numbers<[1], [0], [0], [1], [0, 0, 1, 1], [], []>, transpose_lhs_hint = false} : vector<1250x1024xf32>, vector<1024x128xf32>, vector<1250x128xf32> -> vector<1250x128xf32>
    %swap3A_41 = arith.constant 1 : index
    %swap3A_42 = arith.constant 0 : index
    %swap3A_43 = arith.constant 0 : index
    %swap3A_44 = vector.load %arg8[%swap3A_41, %swap3A_42, %swap3A_43] : memref<2x1250x128xf32, #tpu.memory_space<vmem>>, vector<1x1250x128xf32>
    %swap3A_45 = vector.shape_cast %swap3A_44 : vector<1x1250x128xf32> to vector<1250x128xf32>
    %swap3A_46 = vector.shape_cast %dot_general3A_40 : vector<1250x128xf32> to vector<1x1250x128xf32>
    tpu.vector_store %arg8[%swap3A_41, %swap3A_42, %swap3A_43], %swap3A_46 {strides = array<i32>} : memref<2x1250x128xf32, #tpu.memory_space<vmem>>, vector<1x1250x128xf32>,
    return
  }
  func.func @transform_0(%arg0: i32) -> (i32, i32) {
    %c0_i32 = arith.constant 0 : i32
    %c0_i32_0 = arith.constant 0 : i32
    return %arg0, %c0_i32 : i32, i32
  }
  func.func @transform_1(%arg0: i32) -> (i32, i32) {
    %c0_i32 = arith.constant 0 : i32
    %c0_i32_0 = arith.constant 0 : i32
    return %arg0, %c0_i32 : i32, i32
  }
  func.func @transform_2(%arg0: i32) -> (i32, i32) {
    %c0_i32 = arith.constant 0 : i32
    %c0_i32_0 = arith.constant 0 : i32
    %c0_i32_1 = arith.constant 0 : i32
    return %c0_i32, %c0_i32_0 : i32, i32
  }
  func.func @transform_3(%arg0: i32) -> (i32, i32) {
    %c0_i32 = arith.constant 0 : i32
    %c0_i32_0 = arith.constant 0 : i32
    %c0_i32_1 = arith.constant 0 : i32
    return %c0_i32, %c0_i32_0 : i32, i32
  }
  func.func @transform_4(%arg0: i32) -> (i32, i32) {
    %c0_i32 = arith.constant 0 : i32
    %c0_i32_0 = arith.constant 0 : i32
    %c0_i32_1 = arith.constant 0 : i32
    return %c0_i32, %c0_i32_0 : i32, i32
  }
  func.func @transform_5(%arg0: i32) -> (i32, i32) {
    %c0_i32 = arith.constant 0 : i32
    %c0_i32_0 = arith.constant 0 : i32
    %c0_i32_1 = arith.constant 0 : i32
    return %c0_i32, %c0_i32_0 : i32, i32
  }
  func.func @transform_6(%arg0: i32) -> (i32, i32, i32) {
    %c0_i32 = arith.constant 0 : i32
    %c0_i32_0 = arith.constant 0 : i32
    %c0_i32_1 = arith.constant 0 : i32
    return %c0_i32, %arg0, %c0_i32_0 : i32, i32, i32
  }
  func.func @transform_7(%arg0: i32) -> (i32, i32, i32) {
    %c0_i32 = arith.constant 0 : i32
    %c0_i32_0 = arith.constant 0 : i32
    %c0_i32_1 = arith.constant 0 : i32
    return %c0_i32, %arg0, %c0_i32_0 : i32, i32, i32
  }
}

module attributes {stable_mosaic.version = 14 : i64} {
  func.func @_tc2_body(%arg0: i32, %arg1: memref<2x1250x128xf32, #tpu.memory_space<vmem>>, %arg2: memref<2x1250x128xf32, #tpu.memory_space<vmem>>, %arg3: memref<2x1250x128xf32, #tpu.memory_space<vmem>>, %arg4: memref<2x128xf32, #tpu.memory_space<vmem>>, %arg5: memref<128x128xf32, #tpu.memory_space<vmem>>, %arg6: memref<128x128xf32, #tpu.memory_space<vmem>>, %arg7: memref<128x128xf32, #tpu.memory_space<vmem>>, %arg8: memref<128x128xf32, #tpu.memory_space<vmem>>, %arg9: memref<2x1250x128xf32, #tpu.memory_space<vmem>>, %arg10: memref<2x1250x128xf32, #tpu.memory_space<vmem>>, %arg11: memref<2x1250x128xf32, #tpu.memory_space<vmem>>) attributes {dimension_semantics = [#tpu.dimension_semantics<arbitrary>], iteration_bounds = array<i64: 1>, scalar_prefetch = 0 : i64, scratch_operands = 0 : i64, tpu.core_type = #tpu.core_type<tc>, window_params = [{transform_indices = @transform_0, window_bounds = array<i64: 2, 1250, 128>}, {transform_indices = @transform_1, window_bounds = array<i64: 2, 1250, 128>}, {transform_indices = @transform_2, window_bounds = array<i64: 2, 1250, 128>}, {pipeline_mode = #tpu.pipeline_mode<synchronous>, transform_indices = @transform_3, window_bounds = array<i64: 2, 128>}, {pipeline_mode = #tpu.pipeline_mode<synchronous>, transform_indices = @transform_4, window_bounds = array<i64: 128, 128>}, {pipeline_mode = #tpu.pipeline_mode<synchronous>, transform_indices = @transform_5, window_bounds = array<i64: 128, 128>}, {pipeline_mode = #tpu.pipeline_mode<synchronous>, transform_indices = @transform_6, window_bounds = array<i64: 128, 128>}, {pipeline_mode = #tpu.pipeline_mode<synchronous>, transform_indices = @transform_7, window_bounds = array<i64: 128, 128>}, {transform_indices = @transform_8, window_bounds = array<i64: 2, 1250, 128>}, {transform_indices = @transform_9, window_bounds = array<i64: 2, 1250, 128>}, {transform_indices = @transform_10, window_bounds = array<i64: 2, 1250, 128>}]} {
    %get3A = arith.constant 0 : index
    %get3A_0 = arith.constant 0 : index
    %get3A_1 = arith.constant 0 : index
    %get3A_2 = vector.load %arg1[%get3A, %get3A_0, %get3A_1] : memref<2x1250x128xf32, #tpu.memory_space<vmem>>, vector<2x1250x128xf32>
    %get3A_3 = arith.constant 0 : index
    %get3A_4 = arith.constant 0 : index
    %get3A_5 = arith.constant 0 : index
    %get3A_6 = vector.load %arg2[%get3A_3, %get3A_4, %get3A_5] : memref<2x1250x128xf32, #tpu.memory_space<vmem>>, vector<2x1250x128xf32>
    %max3A = arith.constant 1.000000e+00 : f32
    %max3A_7 = vector.broadcast %max3A : f32 to vector<2x1250x128xf32>
    %max3A_8 = arith.maximumf %get3A_6, %max3A_7 : vector<2x1250x128xf32>
    %div3A = arith.constant 1.000000e+00 : f32
    %div3A_9 = vector.broadcast %div3A : f32 to vector<2x1250x128xf32>
    %div3A_10 = arith.divf %div3A_9, %max3A_8 : vector<2x1250x128xf32>
    %get3A_11 = arith.constant 0 : index
    %get3A_12 = arith.constant 0 : index
    %get3A_13 = arith.constant 0 : index
    %get3A_14 = vector.load %arg3[%get3A_11, %get3A_12, %get3A_13] : memref<2x1250x128xf32, #tpu.memory_space<vmem>>, vector<2x1250x128xf32>
    %get3A_15 = arith.constant 0 : index
    %get3A_16 = arith.constant 0 : index
    %get3A_17 = vector.load %arg4[%get3A_15, %get3A_16] : memref<2x128xf32, #tpu.memory_space<vmem>>, vector<2x128xf32>
    %slice3A = vector.extract_strided_slice %get3A_2 {offsets = [0, 0, 0], sizes = [1, 1250, 128], strides = [1, 1, 1]} : vector<2x1250x128xf32> to vector<1x1250x128xf32>
    %squeeze3A = vector.shape_cast %slice3A : vector<1x1250x128xf32> to vector<1250x128xf32>
    %slice3A_18 = vector.extract_strided_slice %div3A_10 {offsets = [0, 0, 0], sizes = [1, 1250, 128], strides = [1, 1, 1]} : vector<2x1250x128xf32> to vector<1x1250x128xf32>
    %squeeze3A_19 = vector.shape_cast %slice3A_18 : vector<1x1250x128xf32> to vector<1250x128xf32>
    %mul3A = arith.mulf %squeeze3A, %squeeze3A_19 : vector<1250x128xf32>
    %slice3A_20 = vector.extract_strided_slice %get3A_17 {offsets = [0, 0], sizes = [1, 128], strides = [1, 1]} : vector<2x128xf32> to vector<1x128xf32>
    %squeeze3A_21 = vector.shape_cast %slice3A_20 : vector<1x128xf32> to vector<128xf32>
    %broadcast_in_dim3A = vector.shape_cast %squeeze3A_21 : vector<128xf32> to vector<1x128xf32>
    %add3A = vector.broadcast %broadcast_in_dim3A : vector<1x128xf32> to vector<1250x128xf32>
    %add3A_22 = arith.addf %mul3A, %add3A : vector<1250x128xf32>
    %slice3A_23 = vector.extract_strided_slice %get3A_14 {offsets = [0, 0, 0], sizes = [1, 1250, 128], strides = [1, 1, 1]} : vector<2x1250x128xf32> to vector<1x1250x128xf32>
    %squeeze3A_24 = vector.shape_cast %slice3A_23 : vector<1x1250x128xf32> to vector<1250x128xf32>
    %add3A_25 = arith.addf %add3A_22, %squeeze3A_24 : vector<1250x128xf32>
    %max3A_26 = arith.constant 0.000000e+00 : f32
    %max3A_27 = vector.broadcast %max3A_26 : f32 to vector<1250x128xf32>
    %max3A_28 = arith.maximumf %add3A_25, %max3A_27 : vector<1250x128xf32>
    %slice3A_29 = vector.extract_strided_slice %get3A_2 {offsets = [1, 0, 0], sizes = [1, 1250, 128], strides = [1, 1, 1]} : vector<2x1250x128xf32> to vector<1x1250x128xf32>
    %squeeze3A_30 = vector.shape_cast %slice3A_29 : vector<1x1250x128xf32> to vector<1250x128xf32>
    %slice3A_31 = vector.extract_strided_slice %div3A_10 {offsets = [1, 0, 0], sizes = [1, 1250, 128], strides = [1, 1, 1]} : vector<2x1250x128xf32> to vector<1x1250x128xf32>
    %squeeze3A_32 = vector.shape_cast %slice3A_31 : vector<1x1250x128xf32> to vector<1250x128xf32>
    %mul3A_33 = arith.mulf %squeeze3A_30, %squeeze3A_32 : vector<1250x128xf32>
    %slice3A_34 = vector.extract_strided_slice %get3A_17 {offsets = [1, 0], sizes = [1, 128], strides = [1, 1]} : vector<2x128xf32> to vector<1x128xf32>
    %squeeze3A_35 = vector.shape_cast %slice3A_34 : vector<1x128xf32> to vector<128xf32>
    %broadcast_in_dim3A_36 = vector.shape_cast %squeeze3A_35 : vector<128xf32> to vector<1x128xf32>
    %add3A_37 = vector.broadcast %broadcast_in_dim3A_36 : vector<1x128xf32> to vector<1250x128xf32>
    %add3A_38 = arith.addf %mul3A_33, %add3A_37 : vector<1250x128xf32>
    %slice3A_39 = vector.extract_strided_slice %get3A_14 {offsets = [1, 0, 0], sizes = [1, 1250, 128], strides = [1, 1, 1]} : vector<2x1250x128xf32> to vector<1x1250x128xf32>
    %squeeze3A_40 = vector.shape_cast %slice3A_39 : vector<1x1250x128xf32> to vector<1250x128xf32>
    %add3A_41 = arith.addf %add3A_38, %squeeze3A_40 : vector<1250x128xf32>
    %max3A_42 = arith.constant 0.000000e+00 : f32
    %max3A_43 = vector.broadcast %max3A_42 : f32 to vector<1250x128xf32>
    %max3A_44 = arith.maximumf %add3A_41, %max3A_43 : vector<1250x128xf32>
    %get3A_45 = arith.constant 0 : index
    %get3A_46 = arith.constant 0 : index
    %get3A_47 = vector.load %arg5[%get3A_45, %get3A_46] : memref<128x128xf32, #tpu.memory_space<vmem>>, vector<128x128xf32>
    %dot_general3A = arith.constant dense<0.000000e+00> : vector<1250x128xf32>
    %dot_general3A_48 = tpu.matmul %max3A_44, %get3A_47, %dot_general3A {dimension_numbers = #tpu.dot_dimension_numbers<[1], [0], [0], [1], [0, 0, 1, 1], [], []>, transpose_lhs_hint = false} : vector<1250x128xf32>, vector<128x128xf32>, vector<1250x128xf32> -> vector<1250x128xf32>
    %swap3A = arith.constant 0 : index
    %swap3A_49 = arith.constant 0 : index
    %swap3A_50 = arith.constant 0 : index
    %swap3A_51 = vector.load %arg9[%swap3A, %swap3A_49, %swap3A_50] : memref<2x1250x128xf32, #tpu.memory_space<vmem>>, vector<1x1250x128xf32>
    %swap3A_52 = vector.shape_cast %swap3A_51 : vector<1x1250x128xf32> to vector<1250x128xf32>
    %swap3A_53 = vector.shape_cast %dot_general3A_48 : vector<1250x128xf32> to vector<1x1250x128xf32>
    tpu.vector_store %arg9[%swap3A, %swap3A_49, %swap3A_50], %swap3A_53 {strides = array<i32>} : memref<2x1250x128xf32, #tpu.memory_space<vmem>>, vector<1x1250x128xf32>,
    %get3A_54 = arith.constant 0 : index
    %get3A_55 = arith.constant 0 : index
    %get3A_56 = vector.load %arg6[%get3A_54, %get3A_55] : memref<128x128xf32, #tpu.memory_space<vmem>>, vector<128x128xf32>
    %dot_general3A_57 = arith.constant dense<0.000000e+00> : vector<1250x128xf32>
    %dot_general3A_58 = tpu.matmul %max3A_28, %get3A_56, %dot_general3A_57 {dimension_numbers = #tpu.dot_dimension_numbers<[1], [0], [0], [1], [0, 0, 1, 1], [], []>, transpose_lhs_hint = false} : vector<1250x128xf32>, vector<128x128xf32>, vector<1250x128xf32> -> vector<1250x128xf32>
    %swap3A_59 = arith.constant 1 : index
    %swap3A_60 = arith.constant 0 : index
    %swap3A_61 = arith.constant 0 : index
    %swap3A_62 = vector.load %arg9[%swap3A_59, %swap3A_60, %swap3A_61] : memref<2x1250x128xf32, #tpu.memory_space<vmem>>, vector<1x1250x128xf32>
    %swap3A_63 = vector.shape_cast %swap3A_62 : vector<1x1250x128xf32> to vector<1250x128xf32>
    %swap3A_64 = vector.shape_cast %dot_general3A_58 : vector<1250x128xf32> to vector<1x1250x128xf32>
    tpu.vector_store %arg9[%swap3A_59, %swap3A_60, %swap3A_61], %swap3A_64 {strides = array<i32>} : memref<2x1250x128xf32, #tpu.memory_space<vmem>>, vector<1x1250x128xf32>,
    %get3A_65 = arith.constant 0 : index
    %get3A_66 = arith.constant 0 : index
    %get3A_67 = vector.load %arg7[%get3A_65, %get3A_66] : memref<128x128xf32, #tpu.memory_space<vmem>>, vector<128x128xf32>
    %dot_general3A_68 = arith.constant dense<0.000000e+00> : vector<1250x128xf32>
    %dot_general3A_69 = tpu.matmul %max3A_28, %get3A_67, %dot_general3A_68 {dimension_numbers = #tpu.dot_dimension_numbers<[1], [0], [0], [1], [0, 0, 1, 1], [], []>, transpose_lhs_hint = false} : vector<1250x128xf32>, vector<128x128xf32>, vector<1250x128xf32> -> vector<1250x128xf32>
    %swap3A_70 = arith.constant 0 : index
    %swap3A_71 = arith.constant 0 : index
    %swap3A_72 = arith.constant 0 : index
    %swap3A_73 = vector.load %arg10[%swap3A_70, %swap3A_71, %swap3A_72] : memref<2x1250x128xf32, #tpu.memory_space<vmem>>, vector<1x1250x128xf32>
    %swap3A_74 = vector.shape_cast %swap3A_73 : vector<1x1250x128xf32> to vector<1250x128xf32>
    %swap3A_75 = vector.shape_cast %dot_general3A_69 : vector<1250x128xf32> to vector<1x1250x128xf32>
    tpu.vector_store %arg10[%swap3A_70, %swap3A_71, %swap3A_72], %swap3A_75 {strides = array<i32>} : memref<2x1250x128xf32, #tpu.memory_space<vmem>>, vector<1x1250x128xf32>,
    %get3A_76 = arith.constant 0 : index
    %get3A_77 = arith.constant 0 : index
    %get3A_78 = vector.load %arg8[%get3A_76, %get3A_77] : memref<128x128xf32, #tpu.memory_space<vmem>>, vector<128x128xf32>
    %dot_general3A_79 = arith.constant dense<0.000000e+00> : vector<1250x128xf32>
    %dot_general3A_80 = tpu.matmul %max3A_44, %get3A_78, %dot_general3A_79 {dimension_numbers = #tpu.dot_dimension_numbers<[1], [0], [0], [1], [0, 0, 1, 1], [], []>, transpose_lhs_hint = false} : vector<1250x128xf32>, vector<128x128xf32>, vector<1250x128xf32> -> vector<1250x128xf32>
    %swap3A_81 = arith.constant 1 : index
    %swap3A_82 = arith.constant 0 : index
    %swap3A_83 = arith.constant 0 : index
    %swap3A_84 = vector.load %arg10[%swap3A_81, %swap3A_82, %swap3A_83] : memref<2x1250x128xf32, #tpu.memory_space<vmem>>, vector<1x1250x128xf32>
    %swap3A_85 = vector.shape_cast %swap3A_84 : vector<1x1250x128xf32> to vector<1250x128xf32>
    %swap3A_86 = vector.shape_cast %dot_general3A_80 : vector<1250x128xf32> to vector<1x1250x128xf32>
    tpu.vector_store %arg10[%swap3A_81, %swap3A_82, %swap3A_83], %swap3A_86 {strides = array<i32>} : memref<2x1250x128xf32, #tpu.memory_space<vmem>>, vector<1x1250x128xf32>,
    %swap3A_87 = arith.constant 0 : index
    %swap3A_88 = arith.constant 0 : index
    %swap3A_89 = arith.constant 0 : index
    %swap3A_90 = vector.load %arg11[%swap3A_87, %swap3A_88, %swap3A_89] : memref<2x1250x128xf32, #tpu.memory_space<vmem>>, vector<2x1250x128xf32>
    tpu.vector_store %arg11[%swap3A_87, %swap3A_88, %swap3A_89], %div3A_10 {strides = array<i32>} : memref<2x1250x128xf32, #tpu.memory_space<vmem>>, vector<2x1250x128xf32>,
    return
  }
  func.func @transform_0(%arg0: i32) -> (i32, i32, i32) {
    %c0_i32 = arith.constant 0 : i32
    %c0_i32_0 = arith.constant 0 : i32
    %c0_i32_1 = arith.constant 0 : i32
    return %c0_i32, %arg0, %c0_i32_0 : i32, i32, i32
  }
  func.func @transform_1(%arg0: i32) -> (i32, i32, i32) {
    %c0_i32 = arith.constant 0 : i32
    %c0_i32_0 = arith.constant 0 : i32
    %c0_i32_1 = arith.constant 0 : i32
    return %c0_i32, %arg0, %c0_i32_0 : i32, i32, i32
  }
  func.func @transform_2(%arg0: i32) -> (i32, i32, i32) {
    %c0_i32 = arith.constant 0 : i32
    %c0_i32_0 = arith.constant 0 : i32
    %c0_i32_1 = arith.constant 0 : i32
    return %c0_i32, %arg0, %c0_i32_0 : i32, i32, i32
  }
  func.func @transform_3(%arg0: i32) -> (i32, i32) {
    %c0_i32 = arith.constant 0 : i32
    %c0_i32_0 = arith.constant 0 : i32
    %c0_i32_1 = arith.constant 0 : i32
    return %c0_i32, %c0_i32_0 : i32, i32
  }
  func.func @transform_4(%arg0: i32) -> (i32, i32) {
    %c0_i32 = arith.constant 0 : i32
    %c0_i32_0 = arith.constant 0 : i32
    %c0_i32_1 = arith.constant 0 : i32
    return %c0_i32, %c0_i32_0 : i32, i32
  }
  func.func @transform_5(%arg0: i32) -> (i32, i32) {
    %c0_i32 = arith.constant 0 : i32
    %c0_i32_0 = arith.constant 0 : i32
    %c0_i32_1 = arith.constant 0 : i32
    return %c0_i32, %c0_i32_0 : i32, i32
  }
  func.func @transform_6(%arg0: i32) -> (i32, i32) {
    %c0_i32 = arith.constant 0 : i32
    %c0_i32_0 = arith.constant 0 : i32
    %c0_i32_1 = arith.constant 0 : i32
    return %c0_i32, %c0_i32_0 : i32, i32
  }
  func.func @transform_7(%arg0: i32) -> (i32, i32) {
    %c0_i32 = arith.constant 0 : i32
    %c0_i32_0 = arith.constant 0 : i32
    %c0_i32_1 = arith.constant 0 : i32
    return %c0_i32, %c0_i32_0 : i32, i32
  }
  func.func @transform_8(%arg0: i32) -> (i32, i32, i32) {
    %c0_i32 = arith.constant 0 : i32
    %c0_i32_0 = arith.constant 0 : i32
    %c0_i32_1 = arith.constant 0 : i32
    return %c0_i32, %arg0, %c0_i32_0 : i32, i32, i32
  }
  func.func @transform_9(%arg0: i32) -> (i32, i32, i32) {
    %c0_i32 = arith.constant 0 : i32
    %c0_i32_0 = arith.constant 0 : i32
    %c0_i32_1 = arith.constant 0 : i32
    return %c0_i32, %arg0, %c0_i32_0 : i32, i32, i32
  }
  func.func @transform_10(%arg0: i32) -> (i32, i32, i32) {
    %c0_i32 = arith.constant 0 : i32
    %c0_i32_0 = arith.constant 0 : i32
    %c0_i32_1 = arith.constant 0 : i32
    return %c0_i32, %arg0, %c0_i32_0 : i32, i32, i32
  }
}

</mosaic_0001>

<sc_bundles>
// kernel: kernel.6.cloned.1.call-start
scs
__scs_entry_jumppad:
0x0: {  	(pc) =	sbr.rel $0x88, $3  }
0x1: {  	(tag) =	ssettag $0x0;
	lr =	simm.s32 $0x1  }
0x2: {  	[smem:$0x3F91] =	sst lr;
	_ =	strace $0xD0000000  }
0x3: {  	_ = 	snop  }
0x4: {  	_ = 	snop  }
0x5: {  	_ = 	snop  }
0x6: {  	_ = 	snop  }
0x7: {  	_ = 	snop  }
__scs_overlays_trampoline_lowered:
0x8: {  	[smem:$0x3FA0] =	sst s0  }
0x9: {  	[smem:$0x3FA1] =	sst s1  }
0xa: {  	[smem:$0x3FA2] =	sst s2  }
0xb: {  	[smem:$0x3FA3] =	sst s3  }
0xc: {  	[smem:$0x3FA4] =	sst s4  }
0xd: {  	[smem:$0x3FA5] =	sst s5  }
0xe: {  	[smem:$0x3FA6] =	sst s6  }
0xf: {  	[smem:$0x3FA7] =	sst s7  }
0x10: {  	[smem:$0x3FA8] =	sst s8  }
0x11: {  	[smem:$0x3FA9] =	sst s9;
	s0 =	simm.s32 @!p0 $0x0  }
0x12: {  	s1 =	sld [smem:$0x3F8F];
	s0 =	simm.s32 @p0 $0x1  }
0x13: {  	[smem:$0x3FAA] =	sst s0;
	s0 =	simm.s32 @!p1 $0x0  }
0x14: {  	s2 =	sld [smem:$0x3F8E];
	s0 =	simm.s32 @p1 $0x1  }
0x15: {  	[smem:$0x3FAB] =	sst s0;
	s0 =	simm.s32 @!p2 $0x0  }
0x16: {  	s3 =	sld [smem:$0x3FDB];
	s0 =	simm.s32 @p2 $0x1  }
0x17: {  	s4 =	simm.s32 $0x1BF5;
	[smem:$0x3FAD] =	sst s0  }
0x18: {  	s0 =	sld [smem:$0x3F90];
	_ =	swait.ge [sflag:s4], $0x0  }
0x19: {  	s7 =	sld [smem:$0x3F91]  }
0x1a: {  	s8 =	sadd.s32 $0xFFFFE003, lr  }
0x1b: {  	s9 =	sadd.s32 $0xFFFFFEF7, lr;
	s5 =	simm.s32 $0xFFFFFFFF;
	p2 =	slt.u32 s8, $0xFFFFF086  }
0x1c: {  	p1 =	slt.u32 s9, $0xF7A;
	s5 =	simm.s32 @!p2 $0x0  }
0x1d: {  	s5 =	simm.s32 @p1 $0x1;
	p0 =	seq.s32 s7, s2  }
0x1e: {  	s7 =	smul.u32 @!p0 $0xF7A, s2;
	p2 =	seq.s32 @!p0 s5, $0x0  }
0x1f: {  	s9 =	smul.u32 $0xF7A, s1;
	s8 =	simm.s32 @!p0 $0x1BF5;
	p2 =	por !p2, p0  }
0x20: {  	[sflag:s8] =	ssyncset.s32 @!p0 $0xFFFFF086;
	s6 =	sadd.s32 @!p0 s3, s7;
	s7 =	simm.s32 @!p0 $0x108  }
0x21: {  	s3 =	sadd.s32 s3, s9;
	s6 =	sadd.s32 @!p0 $0x88, s6;
	s7 =	simm.s32 @p2 $0x1082  }
0x22: {  	[simem:s7], [sflag:s8] =	dma.local @!p0 [hbm:s6], $0xF7A  }
0x23: {  	s9 =	sor.u32 $0xD0000000, s2;
	s6 =	simm.s32 $0x108;
	_ =	swait.ge @!p0 [sflag:s8], $0x0  }
0x24: {  	s3 =	sadd.s32 $0x88, s3;
	s6 =	simm.s32 @!p1 $0x1082;
	[sflag:s4] =	ssyncset.s32 $0xFFFFF086  }
0x25: {  	[simem:s6], [sflag:s4] =	dma.local [hbm:s3], $0xF7A  }
0x26: {  	[smem:$0x3F91] =	sst s1;
	(tag) =	ssettag s2;
	_ =	strace s9  }
0x27: {  	s1 =	sld [smem:$0x3FA1]  }
0x28: {  	s2 =	sld [smem:$0x3FA2]  }
0x29: {  	s4 =	sld [smem:$0x3FA4]  }
0x2a: {  	p0 =	seq.s32 s5, $0x0;
	s5 =	sld [smem:$0x3FA5]  }
0x2b: {  	s6 =	sld [smem:$0x3FA6]  }
0x2c: {  	s7 =	sld [smem:$0x3FA7]  }
0x2d: {  	s3 =	simm.s32 $0x108;
	s8 =	sld [smem:$0x3FA8]  }
0x2e: {  	s3 =	simm.s32 @!p0 $0x1082;
	s9 =	sld [smem:$0x3FA9]  }
0x2f: {  	lr =	sadd.s32 s0, s3;
	s0 =	sld [smem:$0x3FA0]  }
0x30: {  	s3 =	sld [smem:$0x3FA3]  }
0x31: {  	[smem:$0x3FAC] =	sst s10  }
0x32: {  	s10 =	sld [smem:$0x3FAA];
	_ =	sdelay $0x3  }
0x33: {  	p0 =	seq.s32 s10, $0x1;
	s10 =	sld [smem:$0x3FAC];
	_ =	sdelay $0x3  }
0x34: {  	[smem:$0x3FAC] =	sst s10  }
0x35: {  	s10 =	sld [smem:$0x3FAB];
	_ =	sdelay $0x3  }
0x36: {  	p1 =	seq.s32 s10, $0x1;
	s10 =	sld [smem:$0x3FAC];
	_ =	sdelay $0x3  }
0x37: {  	[smem:$0x3FAC] =	sst s10  }
0x38: {  	s10 =	sld [smem:$0x3FAD]  }
0x39: {  	_ = 	snop;
	(pc) =	sbr.ind lr, $3  }
0x3a: {  	_ = 	snop  }
0x3b: {  	_ = 	snop  }
0x3c: {  	p2 =	seq.s32 s10, $0x1;
	s10 =	sld [smem:$0x3FAC]  }
0x3d: {  	_ =	shalt  }
0x3e: {  	_ =	shalt  }
0x3f: {  	_ =	shalt  }
0x40: {  	_ =	shalt  }
0x41: {  	_ =	shalt  }
0x42: {  	_ =	shalt  }
0x43: {  	_ =	shalt  }
0x44: {  	_ =	shalt  }
0x45: {  	_ =	shalt  }
0x46: {  	_ =	shalt  }
0x47: {  	_ =	shalt  }
0x48: {  	_ =	shalt  }
0x49: {  	_ =	shalt  }
0x4a: {  	_ =	shalt  }
0x4b: {  	_ =	shalt  }
0x4c: {  	_ =	shalt  }
0x4d: {  	_ =	shalt  }
0x4e: {  	_ =	shalt  }
0x4f: {  	_ =	shalt  }
0x50: {  	_ =	shalt  }
0x51: {  	_ =	shalt  }
0x52: {  	_ =	shalt  }
0x53: {  	_ =	shalt  }
0x54: {  	_ =	shalt  }
0x55: {  	_ =	shalt  }
0x56: {  	_ =	shalt  }
0x57: {  	_ =	shalt  }
0x58: {  	_ =	shalt  }
0x59: {  	_ =	shalt  }
0x5a: {  	_ =	shalt  }
0x5b: {  	_ =	shalt  }
0x5c: {  	_ =	shalt  }
0x5d: {  	_ =	shalt  }
0x5e: {  	_ =	shalt  }
0x5f: {  	_ =	shalt  }
0x60: {  	_ =	shalt  }
0x61: {  	_ =	shalt  }
0x62: {  	_ =	shalt  }
0x63: {  	_ =	shalt  }
0x64: {  	_ =	shalt  }
0x65: {  	_ =	shalt  }
0x66: {  	_ =	shalt  }
0x67: {  	_ =	shalt  }
0x68: {  	_ =	shalt  }
0x69: {  	_ =	shalt  }
0x6a: {  	_ =	shalt  }
0x6b: {  	_ =	shalt  }
0x6c: {  	_ =	shalt  }
0x6d: {  	_ =	shalt  }
0x6e: {  	_ =	shalt  }
0x6f: {  	_ =	shalt  }
0x70: {  	_ =	shalt  }
0x71: {  	_ =	shalt  }
0x72: {  	_ =	shalt  }
0x73: {  	_ =	shalt  }
0x74: {  	_ =	shalt  }
0x75: {  	_ =	shalt  }
0x76: {  	_ =	shalt  }
0x77: {  	_ =	shalt  }
0x78: {  	_ =	shalt  }
0x79: {  	_ =	shalt  }
0x7a: {  	_ =	shalt  }
0x7b: {  	_ =	shalt  }
0x7c: {  	_ =	shalt  }
0x7d: {  	_ =	shalt  }
0x7e: {  	_ =	shalt  }
0x7f: {  	_ =	shalt  }
0x80: {  	_ =	shalt  }
0x81: {  	_ =	shalt  }
0x82: {  	_ =	shalt  }
0x83: {  	_ =	shalt  }
0x84: {  	_ =	shalt  }
0x85: {  	_ =	shalt  }
0x86: {  	_ =	shalt  }
0x87: {  	_ =	shalt  }
.Lfunc_end0:
.L_simem_size_0:
called_computation_lowered:
.L_overlay_start_0:
0x88: {  	s2 =	sld [smem:$0x3FD9]  }
0x89: {  	s3 =	sld [smem:$0x3FFE];
	_ =	sdelay $0x1  }
0x8a: {  	s1 =	srdreg.scid  }
0x8b: {  	s0 =	sand.u32 $0x1, s1  }
0x8c: {  	s16 =	sshll.u32 s0, $0xA;
	s2 =	sadd.s32 s3, s2  }
0x8d: {  	s2 =	sadd.s32 s2, s16  }
0x8e: {  	[smem:$0x3FB8] =	sst s2  }
0x8f: {  	_ = 	snop  }
0x90: {  	(tm) =	ssettm $0x1  }
0x91: {  	s17 =	sld [smem:$0x3FFB];
	_ =	sdelay $0x3  }
0x92: {  	_ =	strace s17  }
0x93: {  	s2 =	sld [smem:$0x3FFC];
	_ =	sdelay $0x3  }
0x94: {  	_ =	strace s2  }
0x95: {  	s2 =	sld [smem:$0x3FFD];
	_ =	sdelay $0x3  }
0x96: {  	_ =	strace s2  }
0x97: {  	_ =	strace $0x8FFFFFFF  }
0x98: {  	s18 =	sld [smem:$0x3FDB];
	_ =	sdelay $0x1  }
0x99: {  	s19 =	simm.s32 $_scs_section_size  }
0x9a: {  	s4 =	simm.s32 $_size__tile_overlayer_lowered;
	s5 =	simm.s32 $_tile_overlayer_lowered  }
0x9b: {  	s22 =	simm.s32 $0x1BFF;
	s21 =	sshll.u32 s5, $0x1;
	s2 =	sadd.s32 s19, s18  }
0x9c: {  	s6 =	simm.s32 $0x0;
	s20 =	sshll.u32 s4, $0x1;
	s4 =	sadd.s32 s21, s2  }
0x9d: {  	[timem:s6], [sflag:s22] =	dma.local [hbm:s4], s20  }
0x9e: {  	_ =	swait.ge [sflag:s22], s20  }
0x9f: {  	s3 =	ssub.s32 $0x0, s20;
	[sflag:s22] =	ssyncset.done $0x0  }
0xa0: {  	[sflag:s22] =	ssyncadd.s32 s3;
	_ =	sdelay $0x1  }
0xa1: {  	s23 =	simm.s32 $0x1B8B  }
0xa2: {  	_ =	swait.ge [sflag:s23], $0x1  }
0xa3: {  	[sflag:s23] =	ssyncset.done $0x0  }
0xa4: {  	s25 =	simm.s32 $0x1B8E;
	s24 =	sld [smem:$0x3FFE];
	[sflag:s23] =	ssyncadd.s32 $0xFFFFFFFF  }
0xa5: {  	s26 =	simm.s32 $execute0_lowered;
	[smem:$0x3FD2] =	sst s25  }
0xa6: {  	s4 =	sshll.u32 s26, $0x1;
	_ =	strace $0x80000046;
	[dreg:$0x1] =	wrdreg $0xFFFFFFFF  }
0xa7: {  	s28 =	simm.s32 $_size_execute0_lowered;
	s2 =	sadd.s32 s2, s4;
	[dreg:$0x0] =	wrdreg $0x0  }
0xa8: {  	s4 =	sshll.u32 s28, $0x1;
	[dreg:$0x2] =	wrdreg s2  }
0xa9: {  	[dreg:$0x3] =	wrdreg s4  }
0xaa: {  	[dreg:$0x4] =	wrdreg $0xC0  }
0xab: {  	_ =	task [dreg:s6], $0x5FFFF  }
0xac: {  	[dreg:$0x1] =	wrdreg $0xFFFFFFFF  }
0xad: {  	[dreg:$0x0] =	wrdreg $0x60  }
0xae: {  	[dreg:$0x2] =	wrdreg s24  }
0xaf: {  	[dreg:$0x3] =	wrdreg $0xA0000  }
0xb0: {  	[dreg:$0x4] =	wrdreg $0x1C1100  }
0xb1: {  	[dreg:$0x5] =	wrdreg $0x9  }
0xb2: {  	_ =	task.clear_ibuf [dreg:s6], $0x6FFFF;
	_ =	strace $0x90000046  }
0xb3: {  	s29 =	simm.s32 $0x9;
	_ =	strace $0x80000048  }
0xb4: {  	_ =	swait.ge [sflag:s29], $0x1  }
0xb5: {  	[sflag:s29] =	ssyncadd.s32 $0xFFFFFFFF  }
0xb6: {  	_ =	strace $0x90000048  }
0xb7: {  	_ =	sfence  }
0xb8: {  	s30 =	sld [smem:$0x0];
	_ =	sdelay $0x2  }
0xb9: {  	s31 =	sshll.u32 s1, $0xD;
	s1 =	sshrl.u32 s1, $0x2  }
0xba: {  	s3 =	sand.u32 $0x4000, s31;
	s1 =	sadd.s32 s1, s30  }
0xbb: {  	s0 =	sor.u32 s3, s0;
	s1 =	sshll.u32 s1, $0x11  }
0xbc: {  	s0 =	sor.u32 s1, s0  }
0xbd: {  	s0 =	sadd.s32 $0x8F2B, s0  }
0xbe: {  	[sflag:s0] =	ssyncadd.remote.s32 $0x1  }
0xbf: {  	_ =	sfence.sel $0xFFFF  }
0xc0: {  	[dreg:$0x0] =	wrdreg $0xFFFFFFFF;
	(pc) =	sbr.abs _section_cstart, $3  }
0xc1: {  	[dreg:$0x1] =	wrdreg $0xFFFFFFFF  }
0xc2: {  	_ =	task.clear_ibuf [dreg:s6], $0x2FFFF;
	_ =	strace $0x9FFFFFFF  }
0xc3: {  	(tm) =	ssettm $0x7FFFFFFF  }
tec
execute0_lowered:
.L_overlay_start_1:
0x0: {  	(tag) =	ssettag $0x1  }
0x1: {  	s0 =	rddreg [dreg:$0x0]  }
0x2: {  	s1 =	srdreg.scid;
	s2 =	rddreg [dreg:$0x1]  }
0x3: {  	s6 =	stileid.u32;
	s3 =	rddreg [dreg:$0x2]  }
0x4: {  	s7 =	simm.s32 $0x0;
	s28 =	simm.s32 $0x15;
	s29 =	simm.s32 $0x16  }
0x5: {  	s30 =	simm.s32 $0xF5F0;
	s1 =	sand.u32 $0x1, s1;
	s5 =	smul.u32 $0x5000, s6  }
0x6: {  	[smem:$0x7FF] =	sst s7;
	s6 =	smul.u32 $0x2710, s6;
	s19 =	sadd.s32 $0x3E600, s0  }
0x7: {  	s4 =	smul.u32 $0x50000, s1;
	_ =	strace $0x80000047;
	s8 =	ssub.s32 $0x2, s1  }
0x8: {  	s1 =	smul.u32 $0x27100, s1;
	s9 =	sshrl.u32 s8, $0x1;
	s10 =	sadd.s32 $0x7D0, s6  }
0x9: {  	s20 =	sadd.s32 s6, s2;
	s21 =	sadd.s32 $0xFA0, s6;
	s11 =	sadd.s32 $0x1770, s6  }
0xa: {  	s13 =	sadd.s32 $0x1F40, s6;
	s4 =	sadd.s32 s5, s4;
	s5 =	sadd.s32 $0x2AA00, s0  }
0xb: {  	s8 =	ssub.s32 s8, s9;
	[dreg:$0x4] =	wrdreg s20;
	s25 =	sadd.s32 s10, s2  }
0xc: {  	s12 =	sadd.s32 s6, s1;
	s14 =	sadd.s32 s1, s10;
	s22 =	sadd.s32 s1, s21  }
0xd: {  	s31 =	sadd.s32 s1, s11;
	s1 =	sadd.s32 s1, s13;
	s20 =	sadd.s32 s21, s2  }
0xe: {  	s16 =	sadd.s32 s10, s3;
	s17 =	sadd.s32 s21, s3;
	s18 =	sadd.s32 s11, s2  }
0xf: {  	s21 =	sadd.s32 s13, s2;
	s9 =	simm.s32 $0x153B0;
	[dreg:$0x12] =	wrdreg s16  }
0x10: {  	s10 =	simm.s32 $0x16350;
	s4 =	sshrl.u32 s4, $0x3;
	[dreg:$0x13] =	wrdreg s17  }
0x11: {  	s12 =	sshrl.u32 s12, $0x3;
	s14 =	sshrl.u32 s14, $0x3;
	[dreg:$0x14] =	wrdreg s18  }
0x12: {  	s24 =	sshrl.u32 s22, $0x3;
	s1 =	sshrl.u32 s1, $0x3;
	[dreg:$0x16] =	wrdreg s21  }
0x13: {  	s22 =	sadd.s32 s6, s3;
	s16 =	simm.s32 $0x11;
	[dreg:$0x5] =	wrdreg s25  }
0x14: {  	s17 =	simm.s32 $0x12;
	s6 =	simm.s32 $0x17;
	[dreg:$0x10] =	wrdreg s20  }
0x15: {  	s4 =	sadd.s32 s4, s0;
	s15 =	sadd.s32 s19, s12;
	[dreg:$0x11] =	wrdreg s22  }
0x16: {  	s0 =	sadd.s32 $0x34800, s0;
	s23 =	sadd.s32 s19, s14;
	[dreg:$0x6] =	wrdreg s15  }
0x17: {  	s26 =	sadd.s32 s19, s24;
	s7 =	sadd.s32 s19, s1;
	[dreg:$0x8] =	wrdreg s23  }
0x18: {  	s12 =	sadd.s32 s0, s12;
	s14 =	sadd.s32 s0, s14;
	[dreg:$0xa] =	wrdreg s26  }
0x19: {  	s15 =	sshrl.u32 s31, $0x3;
	[dreg:$0xe] =	wrdreg s7;
	s23 =	sadd.s32 s13, s3  }
0x1a: {  	s26 =	sadd.s32 $0x2A00, s4;
	s31 =	smax.u32 s8, $0x1;
	[dreg:$0x7] =	wrdreg s12  }
0x1b: {  	s8 =	simm.s32 $0x14410;
	s13 =	simm.s32 $0x19230;
	[dreg:$0x9] =	wrdreg s14  }
0x1c: {  	s7 =	simm.s32 $0x18;
	s12 =	sadd.s32 s0, s24;
	[dreg:$0x17] =	wrdreg s23  }
0x1d: {  	s14 =	sadd.s32 s19, s15;
	s19 =	sadd.s32 s11, s3;
	[dreg:$0x19] =	wrdreg s26  }
0x1e: {  	s24 =	sadd.s32 $0x16A00, s4;
	[dreg:$0x1a] =	wrdreg s31;
	s23 =	simm.s32 $0x19  }
0x1f: {  	s11 =	simm.s32 $0x172F0;
	s26 =	simm.s32 $0x14;
	[dreg:$0xb] =	wrdreg s12  }
.Ltmp0:
0x20: {  	s4 =	simm.s32 $0xC;
	[dreg:$0xc] =	wrdreg s14;
	(pc) =	sbr.rel .LBB2_1-.Ltmp0, $4  }
0x21: {  	s12 =	sadd.s32 s0, s15;
	s0 =	sadd.s32 s0, s1;
	[dreg:$0x15] =	wrdreg s19  }
0x22: {  	[dreg:$0x18] =	wrdreg s24;
	s14 =	simm.s32 $0x1A1D0;
	s15 =	simm.s32 $0x1B170  }
0x23: {  	s1 =	simm.s32 $0x13;
	s19 =	simm.s32 $0x0;
	[dreg:$0xd] =	wrdreg s12  }
0x24: {  	v0 =	vimm.f32 $0.0e+00;
	v1 =	vimm.f32 $1.000000000e+00;
	[dreg:$0xf] =	wrdreg s0;
	s0 =	simm.s32 $0xFA;
	s12 =	simm.s32 $0x18290  }
.LBB2_24:
0x25: {  	s18 =	simm.s32 $0x8  }
0x26: {  	_ =	swait.ge [sflag:s18], $0xFA0  }
0x27: {  	[sflag:s18] =	ssyncset.done $0x0  }
0x28: {  	s19 =	simm.s32 $0x9;
	[sflag:s18] =	ssyncadd.s32 $0xFFFFF060  }
0x29: {  	[spmem:s2] =	stream.indirect.scatter.add.f32 [tilespmem:s22], [sflag:$0x10], $0x10, s21, s0, $0xb8;
	[tilespmem:$0x1E820] =	vst v63  }
0x2a: {  	_ =	swait.ge [sflag:s19], $0xFA0  }
0x2b: {  	[sflag:s19] =	ssyncset.done $0x0  }
0x2c: {  	s20 =	simm.s32 $0xA;
	[sflag:s19] =	ssyncadd.s32 $0xFFFFF060  }
0x2d: {  	_ =	swait.ge [sflag:s20], $0xFA0  }
0x2e: {  	[sflag:s20] =	ssyncset.done $0x0  }
0x2f: {  	s21 =	simm.s32 $0xB;
	[sflag:s20] =	ssyncadd.s32 $0xFFFFF060  }
0x30: {  	_ =	swait.ge [sflag:s21], $0xFA0  }
0x31: {  	[sflag:s21] =	ssyncset.done $0x0  }
0x32: {  	[sflag:s21] =	ssyncadd.s32 $0xFFFFF060  }
0x33: {  	_ =	swait.ge [sflag:s4], $0xFA0  }
0x34: {  	[sflag:s4] =	ssyncset.done $0x0  }
0x35: {  	s22 =	simm.s32 $0xD;
	[sflag:s4] =	ssyncadd.s32 $0xFFFFF060  }
0x36: {  	_ =	swait.ge [sflag:s22], $0xFA0  }
0x37: {  	[sflag:s22] =	ssyncset.done $0x0  }
0x38: {  	s23 =	simm.s32 $0xE;
	[sflag:s22] =	ssyncadd.s32 $0xFFFFF060  }
0x39: {  	_ =	swait.ge [sflag:s23], $0xFA0  }
0x3a: {  	[sflag:s23] =	ssyncset.done $0x0  }
0x3b: {  	s24 =	simm.s32 $0xF;
	[sflag:s23] =	ssyncadd.s32 $0xFFFFF060  }
0x3c: {  	_ =	swait.ge [sflag:s24], $0xFA0  }
0x3d: {  	[sflag:s24] =	ssyncset.done $0x0  }
0x3e: {  	s25 =	simm.s32 $0x10;
	[sflag:s24] =	ssyncadd.s32 $0xFFFFF060  }
0x3f: {  	_ =	swait.ge [sflag:s25], $0xFA0  }
0x40: {  	[sflag:s25] =	ssyncset.done $0x0  }
0x41: {  	[sflag:s25] =	ssyncadd.s32 $0xFFFFF060  }
0x42: {  	_ =	swait.ge [sflag:s16], $0xFA0  }
0x43: {  	[sflag:s16] =	ssyncset.done $0x0  }
0x44: {  	[sflag:s16] =	ssyncadd.s32 $0xFFFFF060  }
0x45: {  	_ =	swait.ge [sflag:s17], $0xFA0  }
0x46: {  	[sflag:s17] =	ssyncset.done $0x0  }
0x47: {  	[sflag:s17] =	ssyncadd.s32 $0xFFFFF060  }
0x48: {  	_ =	swait.ge [sflag:s1], $0xFA0  }
0x49: {  	[sflag:s1] =	ssyncset.done $0x0  }
0x4a: {  	[sflag:s1] =	ssyncadd.s32 $0xFFFFF060  }
0x4b: {  	_ =	swait.ge [sflag:s26], $0xFA0  }
0x4c: {  	[sflag:s26] =	ssyncset.done $0x0  }
0x4d: {  	[sflag:s26] =	ssyncadd.s32 $0xFFFFF060  }
0x4e: {  	_ =	swait.ge [sflag:s28], $0xFA0  }
0x4f: {  	[sflag:s28] =	ssyncset.done $0x0  }
0x50: {  	[sflag:s28] =	ssyncadd.s32 $0xFFFFF060  }
0x51: {  	_ =	swait.ge [sflag:s29], $0xFA0  }
0x52: {  	[sflag:s29] =	ssyncset.done $0x0  }
0x53: {  	[sflag:s29] =	ssyncadd.s32 $0xFFFFF060  }
0x54: {  	_ =	swait.ge [sflag:s6], $0xFA0  }
0x55: {  	[sflag:s6] =	ssyncset.done $0x0  }
0x56: {  	[sflag:s6] =	ssyncadd.s32 $0xFFFFF060  }
0x57: {  	_ =	swait.ge [sflag:s7], $0xFA0  }
0x58: {  	[sflag:s7] =	ssyncset.done $0x0  }
0x59: {  	[sflag:s7] =	ssyncadd.s32 $0xFFFFF060  }
0x5a: {  	[bflag:$0x0] =	sbarrier.arrive $0xFFFF  }
0x5b: {  	s23 =	simm.s32 $0xC710;
	s24 =	simm.s32 $0x19;
	s31 =	rddreg [dreg:$0x4]  }
0x5c: {  	[tilespmem:s23], [sflag:$0x19] =	stream.linear.gather [spmem:s31], $0x7D0, $0x38;
	[tilespmem:$0x1E820] =	vst v63  }
0x5d: {  	_ =	swait.ge [sflag:s24], $0x7D0  }
0x5e: {  	[sflag:s24] =	ssyncset.done $0x0  }
0x5f: {  	s18 =	simm.s32 $0x0;
	s19 =	rddreg [dreg:$0x6];
	[sflag:s24] =	ssyncadd.s32 $0xFFFFF830  }
0x60: {  	[hbm4b:s19+s18] =	stream.linear.scatter [tilespmem:s23], [sflag:$0x19], $0x7D0, $0x38;
	[tilespmem:$0x1E820] =	vst v63  }
0x61: {  	_ =	swait.ge [sflag:s24], $0x7D0  }
0x62: {  	[sflag:s24] =	ssyncset.done $0x0  }
0x63: {  	s31 =	simm.s32 $0xD6B0;
	s19 =	rddreg [dreg:$0x11];
	[sflag:s24] =	ssyncadd.s32 $0xFFFFF830  }
0x64: {  	[tilespmem:s31], [sflag:$0x19] =	stream.linear.gather [spmem:s19], $0x7D0, $0x38;
	[tilespmem:$0x1E820] =	vst v63  }
0x65: {  	_ =	swait.ge [sflag:s24], $0x7D0  }
0x66: {  	[sflag:s24] =	ssyncset.done $0x0  }
0x67: {  	s20 =	rddreg [dreg:$0x7];
	[sflag:s24] =	ssyncadd.s32 $0xFFFFF830  }
0x68: {  	[hbm4b:s20+s18] =	stream.linear.scatter [tilespmem:s31], [sflag:$0x19], $0x7D0, $0x38;
	[tilespmem:$0x1E820] =	vst v63  }
0x69: {  	_ =	swait.ge [sflag:s24], $0x7D0  }
0x6a: {  	[sflag:s24] =	ssyncset.done $0x0  }
0x6b: {  	s21 =	rddreg [dreg:$0x5];
	[sflag:s24] =	ssyncadd.s32 $0xFFFFF830  }
0x6c: {  	[tilespmem:s23], [sflag:$0x19] =	stream.linear.gather [spmem:s21], $0x7D0, $0x38;
	[tilespmem:$0x1E820] =	vst v63  }
0x6d: {  	_ =	swait.ge [sflag:s24], $0x7D0  }
0x6e: {  	[sflag:s24] =	ssyncset.done $0x0  }
0x6f: {  	s20 =	rddreg [dreg:$0x8];
	[sflag:s24] =	ssyncadd.s32 $0xFFFFF830  }
0x70: {  	[hbm4b:s20+s18] =	stream.linear.scatter [tilespmem:s23], [sflag:$0x19], $0x7D0, $0x38;
	[tilespmem:$0x1E820] =	vst v63  }
0x71: {  	_ =	swait.ge [sflag:s24], $0x7D0  }
0x72: {  	[sflag:s24] =	ssyncset.done $0x0  }
0x73: {  	s22 =	smov.u32 s19;
	s19 =	rddreg [dreg:$0x12];
	[sflag:s24] =	ssyncadd.s32 $0xFFFFF830  }
0x74: {  	[tilespmem:s31], [sflag:$0x19] =	stream.linear.gather [spmem:s19], $0x7D0, $0x38;
	[tilespmem:$0x1E820] =	vst v63  }
0x75: {  	_ =	swait.ge [sflag:s24], $0x7D0  }
0x76: {  	[sflag:s24] =	ssyncset.done $0x0  }
0x77: {  	s20 =	rddreg [dreg:$0x9];
	[sflag:s24] =	ssyncadd.s32 $0xFFFFF830  }
0x78: {  	[hbm4b:s20+s18] =	stream.linear.scatter [tilespmem:s31], [sflag:$0x19], $0x7D0, $0x38;
	[tilespmem:$0x1E820] =	vst v63  }
0x79: {  	_ =	swait.ge [sflag:s24], $0x7D0  }
0x7a: {  	[sflag:s24] =	ssyncset.done $0x0  }
0x7b: {  	s25 =	smov.u32 s21;
	s21 =	rddreg [dreg:$0x10];
	[sflag:s24] =	ssyncadd.s32 $0xFFFFF830  }
0x7c: {  	[tilespmem:s23], [sflag:$0x19] =	stream.linear.gather [spmem:s21], $0x7D0, $0x38;
	[tilespmem:$0x1E820] =	vst v63  }
0x7d: {  	_ =	swait.ge [sflag:s24], $0x7D0  }
0x7e: {  	[sflag:s24] =	ssyncset.done $0x0  }
0x7f: {  	s19 =	rddreg [dreg:$0xa];
	[sflag:s24] =	ssyncadd.s32 $0xFFFFF830  }
0x80: {  	[hbm4b:s19+s18] =	stream.linear.scatter [tilespmem:s23], [sflag:$0x19], $0x7D0, $0x38;
	[tilespmem:$0x1E820] =	vst v63  }
0x81: {  	_ =	swait.ge [sflag:s24], $0x7D0  }
0x82: {  	[sflag:s24] =	ssyncset.done $0x0  }
0x83: {  	s19 =	rddreg [dreg:$0x13];
	[sflag:s24] =	ssyncadd.s32 $0xFFFFF830  }
0x84: {  	[tilespmem:s31], [sflag:$0x19] =	stream.linear.gather [spmem:s19], $0x7D0, $0x38;
	[tilespmem:$0x1E820] =	vst v63  }
0x85: {  	_ =	swait.ge [sflag:s24], $0x7D0  }
0x86: {  	[sflag:s24] =	ssyncset.done $0x0  }
0x87: {  	s19 =	rddreg [dreg:$0xb];
	[sflag:s24] =	ssyncadd.s32 $0xFFFFF830  }
0x88: {  	[hbm4b:s19+s18] =	stream.linear.scatter [tilespmem:s31], [sflag:$0x19], $0x7D0, $0x38;
	[tilespmem:$0x1E820] =	vst v63  }
0x89: {  	_ =	swait.ge [sflag:s24], $0x7D0  }
0x8a: {  	[sflag:s24] =	ssyncset.done $0x0  }
0x8b: {  	s19 =	rddreg [dreg:$0x14];
	[sflag:s24] =	ssyncadd.s32 $0xFFFFF830  }
0x8c: {  	[tilespmem:s23], [sflag:$0x19] =	stream.linear.gather [spmem:s19], $0x7D0, $0x38;
	[tilespmem:$0x1E820] =	vst v63  }
0x8d: {  	_ =	swait.ge [sflag:s24], $0x7D0  }
0x8e: {  	[sflag:s24] =	ssyncset.done $0x0  }
0x8f: {  	s19 =	rddreg [dreg:$0xc];
	[sflag:s24] =	ssyncadd.s32 $0xFFFFF830  }
0x90: {  	[hbm4b:s19+s18] =	stream.linear.scatter [tilespmem:s23], [sflag:$0x19], $0x7D0, $0x38;
	[tilespmem:$0x1E820] =	vst v63  }
0x91: {  	_ =	swait.ge [sflag:s24], $0x7D0  }
0x92: {  	[sflag:s24] =	ssyncset.done $0x0  }
0x93: {  	s19 =	rddreg [dreg:$0x15];
	[sflag:s24] =	ssyncadd.s32 $0xFFFFF830  }
0x94: {  	[tilespmem:s31], [sflag:$0x19] =	stream.linear.gather [spmem:s19], $0x7D0, $0x38;
	[tilespmem:$0x1E820] =	vst v63  }
0x95: {  	_ =	swait.ge [sflag:s24], $0x7D0  }
0x96: {  	[sflag:s24] =	ssyncset.done $0x0  }
0x97: {  	s19 =	rddreg [dreg:$0xd];
	[sflag:s24] =	ssyncadd.s32 $0xFFFFF830  }
0x98: {  	[hbm4b:s19+s18] =	stream.linear.scatter [tilespmem:s31], [sflag:$0x19], $0x7D0, $0x38;
	[tilespmem:$0x1E820] =	vst v63  }
0x99: {  	_ =	swait.ge [sflag:s24], $0x7D0  }
0x9a: {  	[sflag:s24] =	ssyncset.done $0x0  }
0x9b: {  	s19 =	rddreg [dreg:$0x16];
	[sflag:s24] =	ssyncadd.s32 $0xFFFFF830  }
0x9c: {  	[tilespmem:s23], [sflag:$0x19] =	stream.linear.gather [spmem:s19], $0x7D0, $0x38;
	[tilespmem:$0x1E820] =	vst v63  }
0x9d: {  	_ =	swait.ge [sflag:s24], $0x7D0  }
0x9e: {  	[sflag:s24] =	ssyncset.done $0x0  }
0x9f: {  	s19 =	rddreg [dreg:$0xe];
	[sflag:s24] =	ssyncadd.s32 $0xFFFFF830  }
0xa0: {  	[hbm4b:s19+s18] =	stream.linear.scatter [tilespmem:s23], [sflag:$0x19], $0x7D0, $0x38;
	[tilespmem:$0x1E820] =	vst v63  }
0xa1: {  	s23 =	simm.s32 $0x19  }
0xa2: {  	_ =	swait.ge [sflag:s23], $0x7D0  }
0xa3: {  	[sflag:s23] =	ssyncset.done $0x0  }
0xa4: {  	s24 =	rddreg [dreg:$0x17];
	[sflag:s23] =	ssyncadd.s32 $0xFFFFF830  }
0xa5: {  	[tilespmem:s31], [sflag:$0x19] =	stream.linear.gather [spmem:s24], $0x7D0, $0x38;
	[tilespmem:$0x1E820] =	vst v63  }
0xa6: {  	_ =	swait.ge [sflag:s23], $0x7D0  }
0xa7: {  	[sflag:s23] =	ssyncset.done $0x0  }
0xa8: {  	s19 =	rddreg [dreg:$0xf];
	[sflag:s23] =	ssyncadd.s32 $0xFFFFF830  }
0xa9: {  	[hbm4b:s19+s18] =	stream.linear.scatter [tilespmem:s31], [sflag:$0x19], $0x7D0, $0x38;
	[tilespmem:$0x1E820] =	vst v63  }
0xaa: {  	_ =	swait.ge [sflag:s23], $0x7D0  }
0xab: {  	s24 =	rddreg [dreg:$0x1b]  }
0xac: {  	s31 =	rddreg [dreg:$0x1a];
	s19 =	sadd.s32 $0x1, s24  }
0xad: {  	p0 =	sne.s32 s19, s31  }
.Ltmp1:
0xae: {  	_ = 	snop;
	(pc) =	sbr.rel @!p0 .LBB2_25-.Ltmp1, $3  }
0xaf: {  	_ =	sdelay $0x1  }
0xb0: {  	[sflag:s23] =	ssyncset.done $0x0  }
0xb1: {  	s30 =	simm.s32 $0xF5F0;
	s20 =	smov.u32 s21;
	[sflag:s23] =	ssyncadd.s32 $0xFFFFF830  }
.LBB2_1:
0xb2: {  	s18 =	simm.s32 $0x40;
	s21 =	simm.s32 $0x0  }
.LBB2_2:
0xb3: {  	p0 =	sne.s32 s18, $0x1F00;
	[tilespmem:s21+$0xC710] =	vst v0;
	s21 =	smov.u32 s18;
	s18 =	sadd.s32 $0x40, s18  }
.Ltmp2:
0xb4: {  	(pc) =	sbr.rel @p0 .LBB2_2-.Ltmp2, $2  }
0xb5: {  	_ =	sdelay $0x2  }
0xb6: {  	s21 =	sshra.s32 s21, $0x2  }
0xb7: {  	[tilespmem:s21+$0xC710] =	vst v0;
	s21 =	simm.s32 $0xC710;
	s31 =	rddreg [dreg:$0x4]  }
0xb8: {  	[spmem:s31] =	stream.linear.scatter [tilespmem:s21], [sflag:$0x19], $0x7D0, $0x38;
	[tilespmem:$0x1E820] =	vst v63  }
0xb9: {  	_ =	swait.ge [sflag:s23], $0x7D0  }
0xba: {  	[sflag:s23] =	ssyncset.done $0x0  }
0xbb: {  	[sflag:s23] =	ssyncadd.s32 $0xFFFFF830  }
0xbc: {  	[spmem:s25] =	stream.linear.scatter [tilespmem:s21], [sflag:$0x19], $0x7D0, $0x38;
	[tilespmem:$0x1E820] =	vst v63  }
0xbd: {  	_ =	swait.ge [sflag:s23], $0x7D0  }
0xbe: {  	[sflag:s23] =	ssyncset.done $0x0  }
0xbf: {  	[sflag:s23] =	ssyncadd.s32 $0xFFFFF830  }
0xc0: {  	[spmem:s20] =	stream.linear.scatter [tilespmem:s21], [sflag:$0x19], $0x7D0, $0x38;
	[tilespmem:$0x1E820] =	vst v63  }
0xc1: {  	_ =	swait.ge [sflag:s23], $0x7D0  }
0xc2: {  	[sflag:s23] =	ssyncset.done $0x0  }
0xc3: {  	s18 =	rddreg [dreg:$0x14];
	[sflag:s23] =	ssyncadd.s32 $0xFFFFF830  }
0xc4: {  	[spmem:s18] =	stream.linear.scatter [tilespmem:s21], [sflag:$0x19], $0x7D0, $0x38;
	[tilespmem:$0x1E820] =	vst v63  }
0xc5: {  	_ =	swait.ge [sflag:s23], $0x7D0  }
0xc6: {  	[sflag:s23] =	ssyncset.done $0x0  }
0xc7: {  	s20 =	rddreg [dreg:$0x16];
	[sflag:s23] =	ssyncadd.s32 $0xFFFFF830  }
0xc8: {  	[spmem:s20] =	stream.linear.scatter [tilespmem:s21], [sflag:$0x19], $0x7D0, $0x38;
	[tilespmem:$0x1E820] =	vst v63  }
0xc9: {  	_ =	swait.ge [sflag:s23], $0x7D0  }
0xca: {  	[sflag:s23] =	ssyncset.done $0x0  }
0xcb: {  	[sflag:s23] =	ssyncadd.s32 $0xFFFFF830  }
0xcc: {  	[spmem:s22] =	stream.linear.scatter [tilespmem:s21], [sflag:$0x19], $0x7D0, $0x38;
	[tilespmem:$0x1E820] =	vst v63  }
0xcd: {  	_ =	swait.ge [sflag:s23], $0x7D0  }
0xce: {  	[sflag:s23] =	ssyncset.done $0x0  }
0xcf: {  	s22 =	rddreg [dreg:$0x12];
	[sflag:s23] =	ssyncadd.s32 $0xFFFFF830  }
0xd0: {  	[spmem:s22] =	stream.linear.scatter [tilespmem:s21], [sflag:$0x19], $0x7D0, $0x38;
	[tilespmem:$0x1E820] =	vst v63  }
0xd1: {  	_ =	swait.ge [sflag:s23], $0x7D0  }
0xd2: {  	[sflag:s23] =	ssyncset.done $0x0  }
0xd3: {  	s24 =	rddreg [dreg:$0x13];
	[sflag:s23] =	ssyncadd.s32 $0xFFFFF830  }
0xd4: {  	[spmem:s24] =	stream.linear.scatter [tilespmem:s21], [sflag:$0x19], $0x7D0, $0x38;
	[tilespmem:$0x1E820] =	vst v63  }
0xd5: {  	_ =	swait.ge [sflag:s23], $0x7D0  }
0xd6: {  	[sflag:s23] =	ssyncset.done $0x0  }
0xd7: {  	s25 =	rddreg [dreg:$0x15];
	[sflag:s23] =	ssyncadd.s32 $0xFFFFF830  }
0xd8: {  	[spmem:s25] =	stream.linear.scatter [tilespmem:s21], [sflag:$0x19], $0x7D0, $0x38;
	[tilespmem:$0x1E820] =	vst v63  }
0xd9: {  	_ =	swait.ge [sflag:s23], $0x7D0  }
0xda: {  	[sflag:s23] =	ssyncset.done $0x0  }
0xdb: {  	s31 =	rddreg [dreg:$0x17];
	[sflag:s23] =	ssyncadd.s32 $0xFFFFF830  }
0xdc: {  	[spmem:s31] =	stream.linear.scatter [tilespmem:s21], [sflag:$0x19], $0x7D0, $0x38;
	[tilespmem:$0x1E820] =	vst v63  }
0xdd: {  	_ =	swait.ge [sflag:s23], $0x7D0  }
0xde: {  	[sflag:s23] =	ssyncset.done $0x0  }
0xdf: {  	s18 =	simm.s32 $0x40;
	s21 =	simm.s32 $0x0;
	[sflag:s23] =	ssyncadd.s32 $0xFFFFF830  }
.LBB2_4:
0xe0: {  	p0 =	sne.s32 s18, $0x3E40;
	[tilespmem:s21+$0x14410] =	vst v1;
	s21 =	smov.u32 s18;
	s18 =	sadd.s32 $0x40, s18  }
.Ltmp3:
0xe1: {  	(pc) =	sbr.rel @p0 .LBB2_4-.Ltmp3, $2  }
0xe2: {  	_ =	sdelay $0x2  }
0xe3: {  	s21 =	sshra.s32 s21, $0x2  }
0xe4: {  	[tilespmem:s21+$0x14410] =	vst v1;
	s18 =	simm.s32 $0x40;
	s21 =	simm.s32 $0x0  }
.LBB2_6:
0xe5: {  	p0 =	sne.s32 s18, $0x3E40;
	[tilespmem:s21+$0x153B0] =	vst v1;
	s21 =	smov.u32 s18;
	s18 =	sadd.s32 $0x40, s18  }
.Ltmp4:
0xe6: {  	(pc) =	sbr.rel @p0 .LBB2_6-.Ltmp4, $2  }
0xe7: {  	_ =	sdelay $0x2  }
0xe8: {  	s21 =	sshra.s32 s21, $0x2  }
0xe9: {  	[tilespmem:s21+$0x153B0] =	vst v1;
	s18 =	simm.s32 $0x40;
	s21 =	simm.s32 $0x0  }
.LBB2_8:
0xea: {  	p0 =	sne.s32 s18, $0x3E40;
	[tilespmem:s21+$0x16350] =	vst v1;
	s21 =	smov.u32 s18;
	s18 =	sadd.s32 $0x40, s18  }
.Ltmp5:
0xeb: {  	(pc) =	sbr.rel @p0 .LBB2_8-.Ltmp5, $2  }
0xec: {  	_ =	sdelay $0x2  }
0xed: {  	s21 =	sshra.s32 s21, $0x2  }
0xee: {  	[tilespmem:s21+$0x16350] =	vst v1;
	s18 =	simm.s32 $0x40;
	s21 =	simm.s32 $0x0  }
.LBB2_10:
0xef: {  	p0 =	sne.s32 s18, $0x3E40;
	[tilespmem:s21+$0x172F0] =	vst v1;
	s21 =	smov.u32 s18;
	s18 =	sadd.s32 $0x40, s18  }
.Ltmp6:
0xf0: {  	(pc) =	sbr.rel @p0 .LBB2_10-.Ltmp6, $2  }
0xf1: {  	_ =	sdelay $0x2  }
0xf2: {  	s21 =	sshra.s32 s21, $0x2  }
0xf3: {  	[tilespmem:s21+$0x172F0] =	vst v1;
	s18 =	simm.s32 $0x40;
	s21 =	simm.s32 $0x0  }
.LBB2_12:
0xf4: {  	p0 =	sne.s32 s18, $0x3E40;
	[tilespmem:s21+$0x18290] =	vst v1;
	s21 =	smov.u32 s18;
	s18 =	sadd.s32 $0x40, s18  }
.Ltmp7:
0xf5: {  	(pc) =	sbr.rel @p0 .LBB2_12-.Ltmp7, $2  }
0xf6: {  	_ =	sdelay $0x2  }
0xf7: {  	s21 =	sshra.s32 s21, $0x2  }
0xf8: {  	[tilespmem:s21+$0x18290] =	vst v1;
	s18 =	simm.s32 $0x40;
	s21 =	simm.s32 $0x0  }
.LBB2_14:
0xf9: {  	p0 =	sne.s32 s18, $0x3E40;
	[tilespmem:s21+$0x19230] =	vst v1;
	s21 =	smov.u32 s18;
	s18 =	sadd.s32 $0x40, s18  }
.Ltmp8:
0xfa: {  	(pc) =	sbr.rel @p0 .LBB2_14-.Ltmp8, $2  }
0xfb: {  	_ =	sdelay $0x2  }
0xfc: {  	s21 =	sshra.s32 s21, $0x2  }
0xfd: {  	[tilespmem:s21+$0x19230] =	vst v1;
	s18 =	simm.s32 $0x40;
	s21 =	simm.s32 $0x0  }
.LBB2_16:
0xfe: {  	p0 =	sne.s32 s18, $0x3E40;
	[tilespmem:s21+$0x1A1D0] =	vst v1;
	s21 =	smov.u32 s18;
	s18 =	sadd.s32 $0x40, s18  }
.Ltmp9:
0xff: {  	(pc) =	sbr.rel @p0 .LBB2_16-.Ltmp9, $2  }
0x100: {  	_ =	sdelay $0x2  }
0x101: {  	s21 =	sshra.s32 s21, $0x2  }
0x102: {  	[tilespmem:s21+$0x1A1D0] =	vst v1;
	s18 =	simm.s32 $0x40;
	s21 =	simm.s32 $0x0  }
.LBB2_18:
0x103: {  	p0 =	sne.s32 s18, $0x3E40;
	[tilespmem:s21+$0x1B170] =	vst v1;
	s21 =	smov.u32 s18;
	s18 =	sadd.s32 $0x40, s18  }
.Ltmp10:
0x104: {  	(pc) =	sbr.rel @p0 .LBB2_18-.Ltmp10, $2  }
0x105: {  	_ =	sdelay $0x2  }
0x106: {  	s21 =	sshra.s32 s21, $0x2  }
0x107: {  	[dreg:$0x1b] =	wrdreg s19;
	[tilespmem:s21+$0x1B170] =	vst v1  }
0x108: {  	[bflag:$0x0] =	sbarrier.arrive $0xFFFF  }
0x109: {  	s18 =	simm.s32 $0x0;
	s19 =	rddreg [dreg:$0x18]  }
0x10a: {  	[tilespmem:s18], [sflag:$0x19] =	stream.linear.gather [hbm4b:s19+s18], $0x5000, $0x38;
	[tilespmem:$0x1E820] =	vst v63  }
0x10b: {  	_ =	swait.ge [sflag:s23], $0x5000  }
0x10c: {  	[sflag:s23] =	ssyncset.done $0x0  }
0x10d: {  	s24 =	simm.s32 $0x5000;
	s20 =	rddreg [dreg:$0x19];
	[sflag:s23] =	ssyncadd.s32 $0xFFFFB000  }
0x10e: {  	[tilespmem:s24], [sflag:$0x19] =	stream.linear.gather [hbm4b:s20+s18], $0x5000, $0x38;
	[tilespmem:$0x1E820] =	vst v63  }
0x10f: {  	_ =	swait.ge [sflag:s23], $0x5000  }
0x110: {  	[sflag:s23] =	ssyncset.done $0x0  }
0x111: {  	[sflag:s23] =	ssyncadd.s32 $0xFFFFB000  }
0x112: {  	[spmem:s3] =	stream.indirect.scatter.add.f32 [tilespmem:s8], [sflag:$0x11], $0x10, s24, s0, $0xb8;
	[tilespmem:$0x1E820] =	vst v63  }
0x113: {  	s21 =	simm.s32 $0x5100  }
0x114: {  	[spmem:s3] =	stream.indirect.scatter.add.f32 [tilespmem:s9], [sflag:$0x12], $0x10, s21, s0, $0xb8;
	[tilespmem:$0x1E820] =	vst v63  }
0x115: {  	s22 =	simm.s32 $0x5200  }
0x116: {  	[spmem:s3] =	stream.indirect.scatter.add.f32 [tilespmem:s10], [sflag:$0x13], $0x10, s22, s0, $0xb8;
	[tilespmem:$0x1E820] =	vst v63  }
0x117: {  	s23 =	simm.s32 $0x5300  }
0x118: {  	[spmem:s3] =	stream.indirect.scatter.add.f32 [tilespmem:s11], [sflag:$0x14], $0x10, s23, s0, $0xb8;
	[tilespmem:$0x1E820] =	vst v63  }
0x119: {  	s24 =	simm.s32 $0x5400  }
0x11a: {  	[spmem:s3] =	stream.indirect.scatter.add.f32 [tilespmem:s12], [sflag:$0x15], $0x10, s24, s0, $0xb8;
	[tilespmem:$0x1E820] =	vst v63  }
0x11b: {  	s25 =	simm.s32 $0x5500  }
0x11c: {  	[spmem:s3] =	stream.indirect.scatter.add.f32 [tilespmem:s13], [sflag:$0x16], $0x10, s25, s0, $0xb8;
	[tilespmem:$0x1E820] =	vst v63  }
0x11d: {  	s31 =	simm.s32 $0x5600  }
0x11e: {  	[spmem:s3] =	stream.indirect.scatter.add.f32 [tilespmem:s14], [sflag:$0x17], $0x10, s31, s0, $0xb8;
	[tilespmem:$0x1E820] =	vst v63  }
0x11f: {  	s19 =	simm.s32 $0x5700  }
0x120: {  	[spmem:s3] =	stream.indirect.scatter.add.f32 [tilespmem:s15], [sflag:$0x18], $0x10, s19, s0, $0xb8;
	[tilespmem:$0x1E820] =	vst v63  }
0x121: {  	_ =	swait.ge [sflag:s16], $0xFA0  }
0x122: {  	[sflag:s16] =	ssyncset.done $0x0  }
0x123: {  	s20 =	simm.s32 $0x5800;
	[sflag:s16] =	ssyncadd.s32 $0xFFFFF060  }
0x124: {  	[spmem:s3] =	stream.indirect.scatter.add.f32 [tilespmem:s8], [sflag:$0x11], $0x10, s20, s0, $0xb8;
	[tilespmem:$0x1E820] =	vst v63  }
0x125: {  	_ =	swait.ge [sflag:s17], $0xFA0  }
0x126: {  	[sflag:s17] =	ssyncset.done $0x0  }
0x127: {  	s21 =	simm.s32 $0x5900;
	[sflag:s17] =	ssyncadd.s32 $0xFFFFF060  }
0x128: {  	[spmem:s3] =	stream.indirect.scatter.add.f32 [tilespmem:s9], [sflag:$0x12], $0x10, s21, s0, $0xb8;
	[tilespmem:$0x1E820] =	vst v63  }
0x129: {  	_ =	swait.ge [sflag:s1], $0xFA0  }
0x12a: {  	[sflag:s1] =	ssyncset.done $0x0  }
0x12b: {  	s22 =	simm.s32 $0x5A00;
	[sflag:s1] =	ssyncadd.s32 $0xFFFFF060  }
0x12c: {  	[spmem:s3] =	stream.indirect.scatter.add.f32 [tilespmem:s10], [sflag:$0x13], $0x10, s22, s0, $0xb8;
	[tilespmem:$0x1E820] =	vst v63  }
0x12d: {  	_ =	swait.ge [sflag:s26], $0xFA0  }
0x12e: {  	[sflag:s26] =	ssyncset.done $0x0  }
0x12f: {  	s23 =	simm.s32 $0x5B00;
	[sflag:s26] =	ssyncadd.s32 $0xFFFFF060  }
0x130: {  	[spmem:s3] =	stream.indirect.scatter.add.f32 [tilespmem:s11], [sflag:$0x14], $0x10, s23, s0, $0xb8;
	[tilespmem:$0x1E820] =	vst v63  }
0x131: {  	_ =	swait.ge [sflag:s28], $0xFA0  }
0x132: {  	[sflag:s28] =	ssyncset.done $0x0  }
0x133: {  	s24 =	simm.s32 $0x5C00;
	[sflag:s28] =	ssyncadd.s32 $0xFFFFF060  }
0x134: {  	[spmem:s3] =	stream.indirect.scatter.add.f32 [tilespmem:s12], [sflag:$0x15], $0x10, s24, s0, $0xb8;
	[tilespmem:$0x1E820] =	vst v63  }
0x135: {  	_ =	swait.ge [sflag:s29], $0xFA0  }
0x136: {  	[sflag:s29] =	ssyncset.done $0x0  }
0x137: {  	s25 =	simm.s32 $0x5D00;
	[sflag:s29] =	ssyncadd.s32 $0xFFFFF060  }
0x138: {  	[spmem:s3] =	stream.indirect.scatter.add.f32 [tilespmem:s13], [sflag:$0x16], $0x10, s25, s0, $0xb8;
	[tilespmem:$0x1E820] =	vst v63  }
0x139: {  	_ =	swait.ge [sflag:s6], $0xFA0  }
0x13a: {  	[sflag:s6] =	ssyncset.done $0x0  }
0x13b: {  	s31 =	simm.s32 $0x5E00;
	[sflag:s6] =	ssyncadd.s32 $0xFFFFF060  }
0x13c: {  	[spmem:s3] =	stream.indirect.scatter.add.f32 [tilespmem:s14], [sflag:$0x17], $0x10, s31, s0, $0xb8;
	[tilespmem:$0x1E820] =	vst v63  }
0x13d: {  	_ =	swait.ge [sflag:s7], $0xFA0  }
0x13e: {  	[sflag:s7] =	ssyncset.done $0x0  }
0x13f: {  	s18 =	simm.s32 $0x2000;
	s21 =	simm.s32 $0x5F00;
	[sflag:s7] =	ssyncadd.s32 $0xFFFFF060  }
.LBB2_20:
0x140: {  	[spmem:s3] =	stream.indirect.scatter.add.f32 [tilespmem:s15], [sflag:$0x18], $0x10, s21, s0, $0xb8;
	[tilespmem:$0x1E820] =	vst v63  }
0x141: {  	s21 =	smov.u32 s18  }
0x142: {  	p0 =	sne.s32 s18, $0x10000;
	s18 =	sadd.s32 $0x2000, s18;
	_ =	swait.ge [sflag:s16], $0xFA0  }
0x143: {  	s31 =	sshra.s32 s21, $0x2;
	[sflag:s16] =	ssyncset.done $0x0  }
0x144: {  	s21 =	sadd.s32 $0x5800, s31;
	[sflag:s16] =	ssyncadd.s32 $0xFFFFF060  }
0x145: {  	[spmem:s3] =	stream.indirect.scatter.add.f32 [tilespmem:s8], [sflag:$0x11], $0x10, s21, s0, $0xb8;
	[tilespmem:$0x1E820] =	vst v63  }
0x146: {  	_ =	swait.ge [sflag:s17], $0xFA0  }
0x147: {  	[sflag:s17] =	ssyncset.done $0x0  }
0x148: {  	s21 =	sadd.s32 $0x5900, s31;
	[sflag:s17] =	ssyncadd.s32 $0xFFFFF060  }
0x149: {  	[spmem:s3] =	stream.indirect.scatter.add.f32 [tilespmem:s9], [sflag:$0x12], $0x10, s21, s0, $0xb8;
	[tilespmem:$0x1E820] =	vst v63  }
0x14a: {  	_ =	swait.ge [sflag:s1], $0xFA0  }
0x14b: {  	[sflag:s1] =	ssyncset.done $0x0  }
0x14c: {  	s21 =	sadd.s32 $0x5A00, s31;
	[sflag:s1] =	ssyncadd.s32 $0xFFFFF060  }
0x14d: {  	[spmem:s3] =	stream.indirect.scatter.add.f32 [tilespmem:s10], [sflag:$0x13], $0x10, s21, s0, $0xb8;
	[tilespmem:$0x1E820] =	vst v63  }
0x14e: {  	_ =	swait.ge [sflag:s26], $0xFA0  }
0x14f: {  	[sflag:s26] =	ssyncset.done $0x0  }
0x150: {  	s21 =	sadd.s32 $0x5B00, s31;
	[sflag:s26] =	ssyncadd.s32 $0xFFFFF060  }
0x151: {  	[spmem:s3] =	stream.indirect.scatter.add.f32 [tilespmem:s11], [sflag:$0x14], $0x10, s21, s0, $0xb8;
	[tilespmem:$0x1E820] =	vst v63  }
0x152: {  	_ =	swait.ge [sflag:s28], $0xFA0  }
0x153: {  	[sflag:s28] =	ssyncset.done $0x0  }
0x154: {  	s21 =	sadd.s32 $0x5C00, s31;
	[sflag:s28] =	ssyncadd.s32 $0xFFFFF060  }
0x155: {  	[spmem:s3] =	stream.indirect.scatter.add.f32 [tilespmem:s12], [sflag:$0x15], $0x10, s21, s0, $0xb8;
	[tilespmem:$0x1E820] =	vst v63  }
0x156: {  	_ =	swait.ge [sflag:s29], $0xFA0  }
0x157: {  	[sflag:s29] =	ssyncset.done $0x0  }
0x158: {  	s21 =	sadd.s32 $0x5D00, s31;
	[sflag:s29] =	ssyncadd.s32 $0xFFFFF060  }
0x159: {  	[spmem:s3] =	stream.indirect.scatter.add.f32 [tilespmem:s13], [sflag:$0x16], $0x10, s21, s0, $0xb8;
	[tilespmem:$0x1E820] =	vst v63  }
0x15a: {  	_ =	swait.ge [sflag:s6], $0xFA0  }
0x15b: {  	[sflag:s6] =	ssyncset.done $0x0  }
.Ltmp11:
0x15c: {  	s21 =	sadd.s32 $0x5E00, s31;
	[sflag:s6] =	ssyncadd.s32 $0xFFFFF060;
	(pc) =	sbr.rel @p0 .LBB2_20-.Ltmp11, $4  }
0x15d: {  	[spmem:s3] =	stream.indirect.scatter.add.f32 [tilespmem:s14], [sflag:$0x17], $0x10, s21, s0, $0xb8;
	[tilespmem:$0x1E820] =	vst v63  }
0x15e: {  	_ =	swait.ge [sflag:s7], $0xFA0  }
0x15f: {  	[sflag:s7] =	ssyncset.done $0x0  }
0x160: {  	s21 =	sadd.s32 $0x5F00, s31;
	[sflag:s7] =	ssyncadd.s32 $0xFFFFF060  }
0x161: {  	[spmem:s3] =	stream.indirect.scatter.add.f32 [tilespmem:s15], [sflag:$0x18], $0x10, s21, s0, $0xb8;
	[tilespmem:$0x1E820] =	vst v63  }
0x162: {  	s18 =	simm.s32 $0x0;
	s23 =	simm.s32 $0xC710  }
0x163: {  	[tilespmem:s23], [sflag:$0x1] =	stream.indirect.gather [hbm4b:s5+s0], $0x10, s18, s0, $0xb8;
	[tilespmem:$0x1E820] =	vst v63  }
0x164: {  	s24 =	simm.s32 $0x100;
	s23 =	simm.s32 $0xD6B0  }
0x165: {  	[tilespmem:s23], [sflag:$0x2] =	stream.indirect.gather [hbm4b:s5+s0], $0x10, s24, s0, $0xb8;
	[tilespmem:$0x1E820] =	vst v63  }
0x166: {  	s25 =	simm.s32 $0x200;
	s24 =	simm.s32 $0xE650  }
0x167: {  	[tilespmem:s24], [sflag:$0x3] =	stream.indirect.gather [hbm4b:s5+s0], $0x10, s25, s0, $0xb8;
	[tilespmem:$0x1E820] =	vst v63  }
0x168: {  	s31 =	simm.s32 $0x300;
	s25 =	simm.s32 $0x13470  }
0x169: {  	[tilespmem:s30], [sflag:$0x4] =	stream.indirect.gather [hbm4b:s5+s0], $0x10, s31, s0, $0xb8;
	[tilespmem:$0x1E820] =	vst v63  }
.LBB2_22:
0x16a: {  	s19 =	simm.s32 $0x1  }
0x16b: {  	_ =	swait.ge [sflag:s19], $0xFA0  }
0x16c: {  	s31 =	sshra.s32 s18, $0x2;
	s23 =	simm.s32 $0xC710;
	[sflag:s19] =	ssyncset.done $0x0  }
0x16d: {  	p0 =	seq.s32 s18, $0x0;
	s21 =	sadd.s32 $0x5000, s31;
	[sflag:s19] =	ssyncadd.s32 $0xFFFFF060  }
0x16e: {  	[spmem:s2] =	stream.indirect.scatter.add.f32 [tilespmem:s23], [sflag:$0x9], $0x10, s21, s0, $0xb8;
	[tilespmem:$0x1E820] =	vst v63  }
0x16f: {  	s21 =	simm.s32 @!p0 $0xD  }
0x170: {  	_ =	swait.ge @!p0 [sflag:s21], $0xFA0  }
0x171: {  	s22 =	sadd.s32 $0x400, s31;
	[sflag:s21] =	ssyncset.done @!p0 $0x0  }
0x172: {  	s19 =	simm.s32 $0x10590;
	s23 =	simm.s32 $0x2;
	[sflag:s21] =	ssyncadd.s32 @!p0 $0xFFFFF060  }
0x173: {  	[tilespmem:s19], [sflag:$0x5] =	stream.indirect.gather [hbm4b:s5+s0], $0x10, s22, s0, $0xb8;
	[tilespmem:$0x1E820] =	vst v63  }
0x174: {  	_ =	swait.ge [sflag:s23], $0xFA0  }
0x175: {  	s20 =	sadd.s32 $0x5100, s31;
	[sflag:s23] =	ssyncset.done $0x0  }
0x176: {  	s21 =	simm.s32 @!p0 $0xE;
	s22 =	simm.s32 $0xD6B0;
	[sflag:s23] =	ssyncadd.s32 $0xFFFFF060  }
0x177: {  	[spmem:s2] =	stream.indirect.scatter.add.f32 [tilespmem:s22], [sflag:$0xA], $0x10, s20, s0, $0xb8;
	[tilespmem:$0x1E820] =	vst v63  }
0x178: {  	_ =	swait.ge @!p0 [sflag:s21], $0xFA0  }
0x179: {  	s23 =	sadd.s32 $0x500, s31;
	[sflag:s21] =	ssyncset.done @!p0 $0x0  }
0x17a: {  	s20 =	simm.s32 $0x11530;
	s22 =	simm.s32 $0x3;
	[sflag:s21] =	ssyncadd.s32 @!p0 $0xFFFFF060  }
0x17b: {  	[tilespmem:s20], [sflag:$0x6] =	stream.indirect.gather [hbm4b:s5+s0], $0x10, s23, s0, $0xb8;
	[tilespmem:$0x1E820] =	vst v63  }
0x17c: {  	_ =	swait.ge [sflag:s22], $0xFA0  }
0x17d: {  	[sflag:s22] =	ssyncset.done $0x0  }
0x17e: {  	s21 =	simm.s32 @!p0 $0xF;
	s23 =	sadd.s32 $0x5200, s31;
	[sflag:s22] =	ssyncadd.s32 $0xFFFFF060  }
0x17f: {  	[spmem:s2] =	stream.indirect.scatter.add.f32 [tilespmem:s24], [sflag:$0xB], $0x10, s23, s0, $0xb8;
	[tilespmem:$0x1E820] =	vst v63  }
0x180: {  	_ =	swait.ge @!p0 [sflag:s21], $0xFA0  }
0x181: {  	s20 =	simm.s32 $0x124D0;
	[sflag:s21] =	ssyncset.done @!p0 $0x0  }
0x182: {  	s22 =	simm.s32 $0x4;
	s24 =	sadd.s32 $0x600, s31;
	[sflag:s21] =	ssyncadd.s32 @!p0 $0xFFFFF060  }
0x183: {  	[tilespmem:s20], [sflag:$0x7] =	stream.indirect.gather [hbm4b:s5+s0], $0x10, s24, s0, $0xb8;
	[tilespmem:$0x1E820] =	vst v63  }
0x184: {  	_ =	swait.ge [sflag:s22], $0xFA0  }
0x185: {  	[sflag:s22] =	ssyncset.done $0x0  }
0x186: {  	s23 =	sadd.s32 $0x5300, s31;
	s21 =	simm.s32 @!p0 $0x10;
	[sflag:s22] =	ssyncadd.s32 $0xFFFFF060  }
0x187: {  	[spmem:s2] =	stream.indirect.scatter.add.f32 [tilespmem:s30], [sflag:$0xC], $0x10, s23, s0, $0xb8;
	[tilespmem:$0x1E820] =	vst v63  }
0x188: {  	_ =	swait.ge @!p0 [sflag:s21], $0xFA0  }
0x189: {  	[sflag:s21] =	ssyncset.done @!p0 $0x0  }
0x18a: {  	s24 =	sadd.s32 $0x700, s31;
	s22 =	simm.s32 $0x5;
	[sflag:s21] =	ssyncadd.s32 @!p0 $0xFFFFF060  }
0x18b: {  	[tilespmem:s25], [sflag:$0x8] =	stream.indirect.gather [hbm4b:s5+s0], $0x10, s24, s0, $0xb8;
	[tilespmem:$0x1E820] =	vst v63  }
0x18c: {  	_ =	swait.ge [sflag:s22], $0xFA0  }
0x18d: {  	p0 =	seq.s32 s18, $0x12000;
	[sflag:s22] =	ssyncset.done $0x0  }
0x18e: {  	s23 =	sadd.s32 $0x5400, s31;
	s21 =	simm.s32 @p0 $0x6;
	[sflag:s22] =	ssyncadd.s32 $0xFFFFF060  }
0x18f: {  	[spmem:s2] =	stream.indirect.scatter.add.f32 [tilespmem:s19], [sflag:$0xD], $0x10, s23, s0, $0xb8;
	[tilespmem:$0x1E820] =	vst v63  }
0x190: {  	_ =	swait.ge @p0 [sflag:s21], $0xFA0  }
0x191: {  	[sflag:s21] =	ssyncset.done @p0 $0x0  }
0x192: {  	[sflag:s21] =	ssyncadd.s32 @p0 $0xFFFFF060;
	s21 =	sshra.s32 @p0 s18, $0x2  }
0x193: {  	s25 =	simm.s32 @p0 $0x11530;
	s23 =	simm.s32 @p0 $0xFA;
	s21 =	sadd.s32 @p0 $0x5500, s21  }
0x194: {  	[spmem:s2] =	stream.indirect.scatter.add.f32 @p0 [tilespmem:s25], [sflag:$0xE], $0x10, s21, s23, $0xb8;
	[tilespmem:$0x1E820] =	vst v63  }
0x195: {  	s21 =	simm.s32 @!p0 $0x9  }
0x196: {  	_ =	swait.ge @!p0 [sflag:s21], $0xFA0  }
0x197: {  	[sflag:s21] =	ssyncset.done @!p0 $0x0  }
0x198: {  	[sflag:s21] =	ssyncadd.s32 @!p0 $0xFFFFF060;
	s21 =	sshra.s32 @!p0 s18, $0x2  }
0x199: {  	s24 =	simm.s32 @!p0 $0xC710;
	s25 =	simm.s32 @!p0 $0xFA;
	s23 =	sadd.s32 @!p0 $0x800, s21  }
0x19a: {  	[tilespmem:s24], [sflag:$0x1] =	stream.indirect.gather @!p0 [hbm4b:s5+s25], $0x10, s23, s25, $0xb8;
	[tilespmem:$0x1E820] =	vst v63  }
0x19b: {  	s23 =	simm.s32 @!p0 $0x6  }
0x19c: {  	_ =	swait.ge @!p0 [sflag:s23], $0xFA0  }
0x19d: {  	[sflag:s23] =	ssyncset.done @!p0 $0x0  }
0x19e: {  	s24 =	simm.s32 @!p0 $0x11530;
	[sflag:s23] =	ssyncadd.s32 @!p0 $0xFFFFF060;
	s23 =	sadd.s32 @!p0 $0x5500, s21  }
0x19f: {  	[spmem:s2] =	stream.indirect.scatter.add.f32 @!p0 [tilespmem:s24], [sflag:$0xE], $0x10, s23, s25, $0xb8;
	[tilespmem:$0x1E820] =	vst v63  }
0x1a0: {  	s23 =	simm.s32 @!p0 $0xA  }
0x1a1: {  	_ =	swait.ge @!p0 [sflag:s23], $0xFA0  }
0x1a2: {  	[sflag:s23] =	ssyncset.done @!p0 $0x0  }
0x1a3: {  	s21 =	sadd.s32 @!p0 $0x900, s21;
	[sflag:s23] =	ssyncadd.s32 @!p0 $0xFFFFF060;
	s23 =	simm.s32 @!p0 $0xD6B0  }
0x1a4: {  	[tilespmem:s23], [sflag:$0x2] =	stream.indirect.gather @!p0 [hbm4b:s5+s25], $0x10, s21, s25, $0xb8;
	[tilespmem:$0x1E820] =	vst v63  }
.Ltmp12:
0x1a5: {  	s24 =	simm.s32 $0x7;
	(pc) =	sbr.rel @p0 .LBB2_24-.Ltmp12, $4  }
0x1a6: {  	s30 =	simm.s32 $0xE650;
	_ =	swait.ge [sflag:s24], $0xFA0  }
0x1a7: {  	s22 =	simm.s32 $0x13470;
	s19 =	simm.s32 $0xF5F0;
	[sflag:s24] =	ssyncset.done $0x0  }
0x1a8: {  	s25 =	sadd.s32 $0x5600, s31;
	s21 =	sadd.s32 $0x5700, s31;
	[sflag:s24] =	ssyncadd.s32 $0xFFFFF060  }
0x1a9: {  	[spmem:s2] =	stream.indirect.scatter.add.f32 [tilespmem:s20], [sflag:$0xF], $0x10, s25, s0, $0xb8;
	[tilespmem:$0x1E820] =	vst v63  }
0x1aa: {  	s20 =	simm.s32 $0xB  }
0x1ab: {  	_ =	swait.ge [sflag:s20], $0xFA0  }
0x1ac: {  	[sflag:s20] =	ssyncset.done $0x0  }
0x1ad: {  	s23 =	sadd.s32 $0xA00, s31;
	s25 =	simm.s32 $0x8;
	[sflag:s20] =	ssyncadd.s32 $0xFFFFF060  }
0x1ae: {  	[tilespmem:s30], [sflag:$0x3] =	stream.indirect.gather [hbm4b:s5+s0], $0x10, s23, s0, $0xb8;
	[tilespmem:$0x1E820] =	vst v63  }
0x1af: {  	_ =	swait.ge [sflag:s25], $0xFA0  }
0x1b0: {  	[sflag:s25] =	ssyncset.done $0x0  }
0x1b1: {  	[sflag:s25] =	ssyncadd.s32 $0xFFFFF060  }
0x1b2: {  	[spmem:s2] =	stream.indirect.scatter.add.f32 [tilespmem:s22], [sflag:$0x10], $0x10, s21, s0, $0xb8;
	[tilespmem:$0x1E820] =	vst v63  }
.Ltmp13:
0x1b3: {  	_ = 	snop;
	(pc) =	sbr.rel .LBB2_22-.Ltmp13, $4  }
0x1b4: {  	s31 =	sadd.s32 $0xB00, s31;
	_ =	swait.ge [sflag:s4], $0xFA0  }
0x1b5: {  	s18 =	sadd.s32 $0x2000, s18;
	s24 =	simm.s32 $0xE650;
	[sflag:s4] =	ssyncset.done $0x0  }
0x1b6: {  	s30 =	simm.s32 $0xF5F0;
	s25 =	simm.s32 $0x13470;
	[sflag:s4] =	ssyncadd.s32 $0xFFFFF060  }
0x1b7: {  	[tilespmem:s19], [sflag:$0x4] =	stream.indirect.gather [hbm4b:s5+s0], $0x10, s31, s0, $0xb8;
	[tilespmem:$0x1E820] =	vst v63  }
.LBB2_25:
0x1b8: {  	_ =	sfence.sel $0x180000  }
0x1b9: {  	[bflag:$0x0] =	sbarrier.arrive $0xFFFF  }
0x1ba: {  	_ =	strace $0x90000047  }
0x1bb: {  	s0 =	stileid.u32;
	[bflag:$0x2] =	sbarrier.arrive $0xFFFF  }
0x1bc: {  	p0 =	sne.s32 s0, $0x0;
	s0 =	rddreg [dreg:$0x3]  }
0x1bd: {  	s0 =	sadd.s32 @!p0 $0x100000, s0  }
0x1be: {  	[sflag:s0] =	ssyncadd.tile.s32 @!p0 $0x1;
	_ =	shalt  }
.Lfunc_end2:
_tile_overlayer_lowered:
.L_overlay_start_2:
0x1bf: {  	(tag) =	ssettag $0x2  }
0x1c0: {  	s0 =	rddreg [dreg:$0x0];
	s2 =	stileid.u32  }
0x1c1: {  	s1 =	rddreg [dreg:$0x1];
	p0 =	sne.s32 s2, $0x0  }
0x1c2: {  	s3 =	rddreg [dreg:$0x2];
	[bflag:$0x3] =	sbarrier.arrive $0xFFFF;
	s2 =	simm.s32 @!p0 $0x1C19  }
0x1c3: {  	[timem:s3], [sflag:s2] =	dma.local @!p0 [hbm:s0], s1  }
0x1c4: {  	s0 =	simm.s32 @!p0 $0x19  }
0x1c5: {  	_ =	swait.ge @!p0 [sflag:s0], s1  }
0x1c6: {  	s1 =	ssub.s32 @!p0 $0x0, s1;
	[sflag:s0] =	ssyncset.done @!p0 $0x0  }
0x1c7: {  	[sflag:s0] =	ssyncadd.s32 @!p0 s1  }
0x1c8: {  	[bflag:$0x3] =	sbarrier.arrive $0xFFFF  }
0x1c9: {  	_ =	shalt  }

// kernel: kernel.9.cloned.1.call-start
scs
__scs_entry_jumppad:
0x0: {  	(pc) =	sbr.rel $0x88, $3  }
0x1: {  	(tag) =	ssettag $0x0;
	lr =	simm.s32 $0x1  }
0x2: {  	[smem:$0x3F91] =	sst lr;
	_ =	strace $0xD0000000  }
0x3: {  	_ = 	snop  }
0x4: {  	_ = 	snop  }
0x5: {  	_ = 	snop  }
0x6: {  	_ = 	snop  }
0x7: {  	_ = 	snop  }
__scs_overlays_trampoline_lowered:
0x8: {  	[smem:$0x3FA0] =	sst s0  }
0x9: {  	[smem:$0x3FA1] =	sst s1  }
0xa: {  	[smem:$0x3FA2] =	sst s2  }
0xb: {  	[smem:$0x3FA3] =	sst s3  }
0xc: {  	[smem:$0x3FA4] =	sst s4  }
0xd: {  	[smem:$0x3FA5] =	sst s5  }
0xe: {  	[smem:$0x3FA6] =	sst s6  }
0xf: {  	[smem:$0x3FA7] =	sst s7  }
0x10: {  	[smem:$0x3FA8] =	sst s8  }
0x11: {  	[smem:$0x3FA9] =	sst s9;
	s0 =	simm.s32 @!p0 $0x0  }
0x12: {  	s1 =	sld [smem:$0x3F8F];
	s0 =	simm.s32 @p0 $0x1  }
0x13: {  	[smem:$0x3FAA] =	sst s0;
	s0 =	simm.s32 @!p1 $0x0  }
0x14: {  	s2 =	sld [smem:$0x3F8E];
	s0 =	simm.s32 @p1 $0x1  }
0x15: {  	[smem:$0x3FAB] =	sst s0;
	s0 =	simm.s32 @!p2 $0x0  }
0x16: {  	s3 =	sld [smem:$0x3FDB];
	s0 =	simm.s32 @p2 $0x1  }
0x17: {  	s4 =	simm.s32 $0x1BF5;
	[smem:$0x3FAD] =	sst s0  }
0x18: {  	s0 =	sld [smem:$0x3F90];
	_ =	swait.ge [sflag:s4], $0x0  }
0x19: {  	s7 =	sld [smem:$0x3F91]  }
0x1a: {  	s8 =	sadd.s32 $0xFFFFE003, lr  }
0x1b: {  	s9 =	sadd.s32 $0xFFFFFEF7, lr;
	s5 =	simm.s32 $0xFFFFFFFF;
	p2 =	slt.u32 s8, $0xFFFFF086  }
0x1c: {  	p1 =	slt.u32 s9, $0xF7A;
	s5 =	simm.s32 @!p2 $0x0  }
0x1d: {  	s5 =	simm.s32 @p1 $0x1;
	p0 =	seq.s32 s7, s2  }
0x1e: {  	s7 =	smul.u32 @!p0 $0xF7A, s2;
	p2 =	seq.s32 @!p0 s5, $0x0  }
0x1f: {  	s9 =	smul.u32 $0xF7A, s1;
	s8 =	simm.s32 @!p0 $0x1BF5;
	p2 =	por !p2, p0  }
0x20: {  	[sflag:s8] =	ssyncset.s32 @!p0 $0xFFFFF086;
	s6 =	sadd.s32 @!p0 s3, s7;
	s7 =	simm.s32 @!p0 $0x108  }
0x21: {  	s3 =	sadd.s32 s3, s9;
	s6 =	sadd.s32 @!p0 $0x88, s6;
	s7 =	simm.s32 @p2 $0x1082  }
0x22: {  	[simem:s7], [sflag:s8] =	dma.local @!p0 [hbm:s6], $0xF7A  }
0x23: {  	s9 =	sor.u32 $0xD0000000, s2;
	s6 =	simm.s32 $0x108;
	_ =	swait.ge @!p0 [sflag:s8], $0x0  }
0x24: {  	s3 =	sadd.s32 $0x88, s3;
	s6 =	simm.s32 @!p1 $0x1082;
	[sflag:s4] =	ssyncset.s32 $0xFFFFF086  }
0x25: {  	[simem:s6], [sflag:s4] =	dma.local [hbm:s3], $0xF7A  }
0x26: {  	[smem:$0x3F91] =	sst s1;
	(tag) =	ssettag s2;
	_ =	strace s9  }
0x27: {  	s1 =	sld [smem:$0x3FA1]  }
0x28: {  	s2 =	sld [smem:$0x3FA2]  }
0x29: {  	s4 =	sld [smem:$0x3FA4]  }
0x2a: {  	p0 =	seq.s32 s5, $0x0;
	s5 =	sld [smem:$0x3FA5]  }
0x2b: {  	s6 =	sld [smem:$0x3FA6]  }
0x2c: {  	s7 =	sld [smem:$0x3FA7]  }
0x2d: {  	s3 =	simm.s32 $0x108;
	s8 =	sld [smem:$0x3FA8]  }
0x2e: {  	s3 =	simm.s32 @!p0 $0x1082;
	s9 =	sld [smem:$0x3FA9]  }
0x2f: {  	lr =	sadd.s32 s0, s3;
	s0 =	sld [smem:$0x3FA0]  }
0x30: {  	s3 =	sld [smem:$0x3FA3]  }
0x31: {  	[smem:$0x3FAC] =	sst s10  }
0x32: {  	s10 =	sld [smem:$0x3FAA];
	_ =	sdelay $0x3  }
0x33: {  	p0 =	seq.s32 s10, $0x1;
	s10 =	sld [smem:$0x3FAC];
	_ =	sdelay $0x3  }
0x34: {  	[smem:$0x3FAC] =	sst s10  }
0x35: {  	s10 =	sld [smem:$0x3FAB];
	_ =	sdelay $0x3  }
0x36: {  	p1 =	seq.s32 s10, $0x1;
	s10 =	sld [smem:$0x3FAC];
	_ =	sdelay $0x3  }
0x37: {  	[smem:$0x3FAC] =	sst s10  }
0x38: {  	s10 =	sld [smem:$0x3FAD]  }
0x39: {  	_ = 	snop;
	(pc) =	sbr.ind lr, $3  }
0x3a: {  	_ = 	snop  }
0x3b: {  	_ = 	snop  }
0x3c: {  	p2 =	seq.s32 s10, $0x1;
	s10 =	sld [smem:$0x3FAC]  }
0x3d: {  	_ =	shalt  }
0x3e: {  	_ =	shalt  }
0x3f: {  	_ =	shalt  }
0x40: {  	_ =	shalt  }
0x41: {  	_ =	shalt  }
0x42: {  	_ =	shalt  }
0x43: {  	_ =	shalt  }
0x44: {  	_ =	shalt  }
0x45: {  	_ =	shalt  }
0x46: {  	_ =	shalt  }
0x47: {  	_ =	shalt  }
0x48: {  	_ =	shalt  }
0x49: {  	_ =	shalt  }
0x4a: {  	_ =	shalt  }
0x4b: {  	_ =	shalt  }
0x4c: {  	_ =	shalt  }
0x4d: {  	_ =	shalt  }
0x4e: {  	_ =	shalt  }
0x4f: {  	_ =	shalt  }
0x50: {  	_ =	shalt  }
0x51: {  	_ =	shalt  }
0x52: {  	_ =	shalt  }
0x53: {  	_ =	shalt  }
0x54: {  	_ =	shalt  }
0x55: {  	_ =	shalt  }
0x56: {  	_ =	shalt  }
0x57: {  	_ =	shalt  }
0x58: {  	_ =	shalt  }
0x59: {  	_ =	shalt  }
0x5a: {  	_ =	shalt  }
0x5b: {  	_ =	shalt  }
0x5c: {  	_ =	shalt  }
0x5d: {  	_ =	shalt  }
0x5e: {  	_ =	shalt  }
0x5f: {  	_ =	shalt  }
0x60: {  	_ =	shalt  }
0x61: {  	_ =	shalt  }
0x62: {  	_ =	shalt  }
0x63: {  	_ =	shalt  }
0x64: {  	_ =	shalt  }
0x65: {  	_ =	shalt  }
0x66: {  	_ =	shalt  }
0x67: {  	_ =	shalt  }
0x68: {  	_ =	shalt  }
0x69: {  	_ =	shalt  }
0x6a: {  	_ =	shalt  }
0x6b: {  	_ =	shalt  }
0x6c: {  	_ =	shalt  }
0x6d: {  	_ =	shalt  }
0x6e: {  	_ =	shalt  }
0x6f: {  	_ =	shalt  }
0x70: {  	_ =	shalt  }
0x71: {  	_ =	shalt  }
0x72: {  	_ =	shalt  }
0x73: {  	_ =	shalt  }
0x74: {  	_ =	shalt  }
0x75: {  	_ =	shalt  }
0x76: {  	_ =	shalt  }
0x77: {  	_ =	shalt  }
0x78: {  	_ =	shalt  }
0x79: {  	_ =	shalt  }
0x7a: {  	_ =	shalt  }
0x7b: {  	_ =	shalt  }
0x7c: {  	_ =	shalt  }
0x7d: {  	_ =	shalt  }
0x7e: {  	_ =	shalt  }
0x7f: {  	_ =	shalt  }
0x80: {  	_ =	shalt  }
0x81: {  	_ =	shalt  }
0x82: {  	_ =	shalt  }
0x83: {  	_ =	shalt  }
0x84: {  	_ =	shalt  }
0x85: {  	_ =	shalt  }
0x86: {  	_ =	shalt  }
0x87: {  	_ =	shalt  }
.Lfunc_end0:
.L_simem_size_0:
called_computation.1_lowered:
.L_overlay_start_0:
0x88: {  	s2 =	sld [smem:$0x3FD9]  }
0x89: {  	s3 =	sld [smem:$0x3FFE];
	_ =	sdelay $0x1  }
0x8a: {  	s1 =	srdreg.scid  }
0x8b: {  	s0 =	sand.u32 $0x1, s1  }
0x8c: {  	s14 =	sshll.u32 s0, $0xA;
	s2 =	sadd.s32 s3, s2  }
0x8d: {  	s2 =	sadd.s32 s2, s14  }
0x8e: {  	[smem:$0x3FB8] =	sst s2  }
0x8f: {  	_ = 	snop  }
0x90: {  	s2 =	sld [smem:$0x3FD0];
	_ =	sdelay $0x2  }
0x91: {  	s15 =	simm.s32 $0xA;
	s4 =	simm.s32 $0x10  }
0x92: {  	[smem:s4], [sflag:s15] =	dma.local [hbm:s2], $0x1  }
0x93: {  	_ =	swait.eq [sflag:s15], $0x1  }
0x94: {  	[sflag:s15] =	ssyncset.done $0x0  }
0x95: {  	[sflag:s15] =	ssyncadd.s32 $0xFFFFFFFF  }
0x96: {  	s16 =	sld [smem:$0x11];
	(tm) =	ssettm $0x1  }
0x97: {  	s17 =	sld [smem:$0x3FFB];
	_ =	sdelay $0x3  }
0x98: {  	_ =	strace s17  }
0x99: {  	s3 =	sld [smem:$0x3FFC];
	_ =	sdelay $0x3  }
0x9a: {  	_ =	strace s3  }
0x9b: {  	s3 =	sld [smem:$0x3FFD];
	_ =	sdelay $0x3  }
0x9c: {  	_ =	strace s3  }
0x9d: {  	_ =	strace $0x8FFFFFFF  }
0x9e: {  	s18 =	sld [smem:$0x3FDB];
	_ =	sdelay $0x1  }
0x9f: {  	s19 =	simm.s32 $_scs_section_size  }
0xa0: {  	s5 =	simm.s32 $_size__tile_overlayer_lowered;
	s6 =	simm.s32 $_tile_overlayer_lowered  }
0xa1: {  	s22 =	simm.s32 $0x1BFF;
	s21 =	sshll.u32 s6, $0x1;
	s3 =	sadd.s32 s19, s18  }
0xa2: {  	s7 =	simm.s32 $0x0;
	s20 =	sshll.u32 s5, $0x1;
	s5 =	sadd.s32 s21, s3  }
0xa3: {  	[timem:s7], [sflag:s22] =	dma.local [hbm:s5], s20  }
0xa4: {  	_ =	swait.ge [sflag:s22], s20  }
0xa5: {  	s4 =	ssub.s32 $0x0, s20;
	[sflag:s22] =	ssyncset.done $0x0  }
0xa6: {  	[sflag:s22] =	ssyncadd.s32 s4;
	_ =	sdelay $0x1  }
0xa7: {  	s23 =	simm.s32 $0x1B8B  }
0xa8: {  	_ =	swait.ge [sflag:s23], $0x1  }
0xa9: {  	[sflag:s23] =	ssyncset.done $0x0  }
0xaa: {  	s25 =	simm.s32 $0x1B8E;
	s24 =	sld [smem:$0x3FFE];
	[sflag:s23] =	ssyncadd.s32 $0xFFFFFFFF  }
0xab: {  	s26 =	simm.s32 $execute0_lowered;
	[smem:$0x3FD2] =	sst s25  }
0xac: {  	s5 =	sshll.u32 s26, $0x1;
	_ =	strace $0x80000049;
	[dreg:$0x1] =	wrdreg $0xFFFFFFFF  }
0xad: {  	s28 =	simm.s32 $_size_execute0_lowered;
	s3 =	sadd.s32 s3, s5;
	[dreg:$0x0] =	wrdreg $0x0  }
0xae: {  	s5 =	sshll.u32 s28, $0x1;
	[dreg:$0x2] =	wrdreg s3  }
0xaf: {  	[dreg:$0x3] =	wrdreg s5  }
0xb0: {  	[dreg:$0x4] =	wrdreg $0xC0  }
0xb1: {  	_ =	task [dreg:s7], $0x5FFFF  }
0xb2: {  	[dreg:$0x1] =	wrdreg $0xFFFFFFFF  }
0xb3: {  	[dreg:$0x0] =	wrdreg $0x60  }
0xb4: {  	[dreg:$0x2] =	wrdreg s24  }
0xb5: {  	[dreg:$0x3] =	wrdreg s16  }
0xb6: {  	[dreg:$0x4] =	wrdreg $0xA0000  }
0xb7: {  	[dreg:$0x5] =	wrdreg $0x9  }
0xb8: {  	_ =	task.clear_ibuf [dreg:s7], $0x6FFFF;
	_ =	strace $0x90000049  }
0xb9: {  	s29 =	simm.s32 $0x9;
	_ =	strace $0x8000004B  }
0xba: {  	_ =	swait.ge [sflag:s29], $0x1  }
0xbb: {  	[sflag:s29] =	ssyncadd.s32 $0xFFFFFFFF  }
0xbc: {  	_ =	strace $0x9000004B  }
0xbd: {  	_ =	sfence  }
0xbe: {  	s30 =	sld [smem:$0x0];
	_ =	sdelay $0x2  }
0xbf: {  	s31 =	sshll.u32 s1, $0xD;
	s1 =	sshrl.u32 s1, $0x2  }
0xc0: {  	s3 =	sand.u32 $0x4000, s31;
	s1 =	sadd.s32 s1, s30  }
0xc1: {  	s0 =	sor.u32 s3, s0;
	s1 =	sshll.u32 s1, $0x11  }
0xc2: {  	s0 =	sor.u32 s1, s0  }
0xc3: {  	s0 =	sadd.s32 $0x8F2B, s0  }
0xc4: {  	[sflag:s0] =	ssyncadd.remote.s32 $0x1  }
0xc5: {  	_ =	sfence.sel $0xFFFF  }
0xc6: {  	[dreg:$0x0] =	wrdreg $0xFFFFFFFF;
	(pc) =	sbr.abs _section_cstart, $3  }
0xc7: {  	[dreg:$0x1] =	wrdreg $0xFFFFFFFF  }
0xc8: {  	_ =	task.clear_ibuf [dreg:s7], $0x2FFFF;
	_ =	strace $0x9FFFFFFF  }
0xc9: {  	(tm) =	ssettm $0x7FFFFFFF  }
tec
execute0_lowered:
.L_overlay_start_1:
0x0: {  	(tag) =	ssettag $0x1  }
0x1: {  	s0 =	srdreg.scid;
	s3 =	rddreg [dreg:$0x0]  }
0x2: {  	s7 =	stileid.u32;
	s4 =	rddreg [dreg:$0x1]  }
0x3: {  	s5 =	simm.s32 $0x0;
	s30 =	simm.s32 $0xC710;
	s31 =	simm.s32 $0x11  }
0x4: {  	s28 =	simm.s32 $0x0;
	s0 =	sand.u32 $0x1, s0;
	s2 =	smul.u32 $0x5000, s7  }
0x5: {  	[smem:$0x7FF] =	sst s5;
	s5 =	sadd.s32 $0x3E600, s3;
	s7 =	smul.u32 $0x2710, s7  }
0x6: {  	s8 =	sadd.s32 $0x48400, s3;
	s1 =	smul.u32 $0x50000, s0;
	s6 =	ssub.s32 $0x2, s0  }
0x7: {  	s10 =	smul.u32 $0x27100, s0;
	s0 =	sshll.u32 s0, $0x1;
	s9 =	sshrl.u32 s6, $0x1  }
0x8: {  	s11 =	sadd.s32 $0xFA0, s7;
	s12 =	sadd.s32 $0x1770, s7;
	s14 =	sadd.s32 $0x1F40, s7  }
0x9: {  	s0 =	sadd.s32 s4, s0;
	s1 =	sadd.s32 s2, s1;
	s2 =	sadd.s32 $0x34800, s3  }
0xa: {  	s6 =	ssub.s32 s6, s9;
	s9 =	sadd.s32 $0x7D0, s7;
	s13 =	sadd.s32 s7, s10  }
0xb: {  	[dreg:$0x4] =	wrdreg s0;
	s22 =	sadd.s32 s10, s11;
	s17 =	sshrl.u32 s13, $0x3  }
0xc: {  	s26 =	sadd.s32 s10, s12;
	s15 =	sadd.s32 s10, s14;
	s18 =	sadd.s32 s2, s17  }
0xd: {  	s1 =	sshrl.u32 s1, $0x3;
	s19 =	sadd.s32 s5, s17;
	[dreg:$0x5] =	wrdreg s18  }
0xe: {  	s4 =	sshrl.u32 s22, $0x3;
	s0 =	sadd.s32 s8, s17;
	[dreg:$0x6] =	wrdreg s19  }
0xf: {  	s20 =	sadd.s32 s10, s9;
	s25 =	sadd.s32 s2, s4;
	[dreg:$0x7] =	wrdreg s0  }
0x10: {  	s10 =	simm.s32 $0x13470;
	s29 =	sadd.s32 s5, s4;
	[dreg:$0xb] =	wrdreg s25  }
0x11: {  	s21 =	sshrl.u32 s20, $0x3;
	s4 =	sadd.s32 s8, s4;
	[dreg:$0xc] =	wrdreg s29  }
0x12: {  	s17 =	sshrl.u32 s15, $0x3;
	s23 =	sadd.s32 s2, s21;
	[dreg:$0xd] =	wrdreg s4  }
0x13: {  	s20 =	sadd.s32 $0x2AA00, s3;
	s24 =	sadd.s32 s5, s21;
	[dreg:$0x8] =	wrdreg s23  }
0x14: {  	s0 =	sadd.s32 s8, s21;
	s18 =	sadd.s32 s5, s17;
	[dreg:$0x9] =	wrdreg s24  }
0x15: {  	s19 =	sadd.s32 s1, s3;
	[dreg:$0xa] =	wrdreg s0;
	s0 =	sshrl.u32 s26, $0x3  }
0x16: {  	s29 =	smax.u32 s6, $0x1;
	[dreg:$0x12] =	wrdreg s18;
	s13 =	sadd.s32 s2, s0  }
0x17: {  	s1 =	simm.s32 $0xFA;
	s16 =	sadd.s32 s5, s0;
	[dreg:$0xe] =	wrdreg s13  }
0x18: {  	s3 =	simm.s32 $0x1;
	s0 =	sadd.s32 s8, s0;
	[dreg:$0xf] =	wrdreg s16  }
0x19: {  	s4 =	simm.s32 $0x10590;
	s6 =	simm.s32 $0x11530;
	[dreg:$0x10] =	wrdreg s0  }
0x1a: {  	s26 =	sadd.s32 $0x16A00, s19;
	s2 =	sadd.s32 s2, s17;
	s16 =	rddreg [dreg:$0x2]  }
0x1b: {  	s18 =	simm.s32 $0xB;
	s5 =	simm.s32 $0x2;
	[dreg:$0x11] =	wrdreg s2  }
0x1c: {  	s0 =	sadd.s32 s8, s17;
	s13 =	simm.s32 $0xE650;
	s2 =	simm.s32 $0xF5F0  }
0x1d: {  	s8 =	simm.s32 $0x124D0;
	[dreg:$0x13] =	wrdreg s0;
	s22 =	sadd.s32 s7, s16  }
0x1e: {  	s23 =	sadd.s32 s9, s16;
	s24 =	sadd.s32 s11, s16;
	s21 =	sadd.s32 s12, s16  }
0x1f: {  	s25 =	sadd.s32 s14, s16;
	_ =	strace $0x8000004A;
	[dreg:$0x14] =	wrdreg s21  }
0x20: {  	s0 =	sadd.s32 $0x2A00, s19;
	s7 =	simm.s32 $0x3;
	[dreg:$0x15] =	wrdreg s25  }
0x21: {  	s9 =	simm.s32 $0x4;
	s11 =	simm.s32 $0x5;
	[dreg:$0x16] =	wrdreg s26  }
0x22: {  	s12 =	simm.s32 $0x7;
	s14 =	simm.s32 $0x8;
	[dreg:$0x17] =	wrdreg s0  }
0x23: {  	v0 =	vimm.f32 $0.0e+00;
	s19 =	simm.s32 $0xC;
	[dreg:$0x18] =	wrdreg s29;
	s0 =	simm.s32 $0xD6B0  }
.LBB2_1:
0x24: {  	s15 =	simm.s32 $0x40;
	s21 =	simm.s32 $0x0  }
.LBB2_2:
0x25: {  	p0 =	sne.s32 s15, $0x1F00;
	[tilespmem:s21+$0xC710] =	vst v0;
	s21 =	smov.u32 s15;
	s15 =	sadd.s32 $0x40, s15  }
.Ltmp0:
0x26: {  	(pc) =	sbr.rel @p0 .LBB2_2-.Ltmp0, $2  }
0x27: {  	_ =	sdelay $0x2  }
0x28: {  	s21 =	sshra.s32 s21, $0x2  }
0x29: {  	[tilespmem:s21+$0xC710] =	vst v0  }
0x2a: {  	[spmem:s22] =	stream.linear.scatter [tilespmem:s30], [sflag:$0x11], $0x7D0, $0x38;
	[tilespmem:$0x153C0] =	vst v63  }
0x2b: {  	_ =	swait.ge [sflag:s31], $0x7D0  }
0x2c: {  	[sflag:s31] =	ssyncset.done $0x0  }
0x2d: {  	[sflag:s31] =	ssyncadd.s32 $0xFFFFF830  }
0x2e: {  	[spmem:s23] =	stream.linear.scatter [tilespmem:s30], [sflag:$0x11], $0x7D0, $0x38;
	[tilespmem:$0x153C0] =	vst v63  }
0x2f: {  	_ =	swait.ge [sflag:s31], $0x7D0  }
0x30: {  	[sflag:s31] =	ssyncset.done $0x0  }
0x31: {  	[sflag:s31] =	ssyncadd.s32 $0xFFFFF830  }
0x32: {  	[spmem:s24] =	stream.linear.scatter [tilespmem:s30], [sflag:$0x11], $0x7D0, $0x38;
	[tilespmem:$0x153C0] =	vst v63  }
0x33: {  	_ =	swait.ge [sflag:s31], $0x7D0  }
0x34: {  	[sflag:s31] =	ssyncset.done $0x0  }
0x35: {  	s15 =	rddreg [dreg:$0x14];
	[sflag:s31] =	ssyncadd.s32 $0xFFFFF830  }
0x36: {  	[spmem:s15] =	stream.linear.scatter [tilespmem:s30], [sflag:$0x11], $0x7D0, $0x38;
	[tilespmem:$0x153C0] =	vst v63  }
0x37: {  	_ =	swait.ge [sflag:s31], $0x7D0  }
0x38: {  	[sflag:s31] =	ssyncset.done $0x0  }
0x39: {  	s17 =	smov.u32 s23;
	s23 =	rddreg [dreg:$0x15];
	[sflag:s31] =	ssyncadd.s32 $0xFFFFF830  }
0x3a: {  	[spmem:s23] =	stream.linear.scatter [tilespmem:s30], [sflag:$0x11], $0x7D0, $0x38;
	[tilespmem:$0x153C0] =	vst v63  }
0x3b: {  	_ =	swait.ge [sflag:s31], $0x7D0  }
0x3c: {  	[sflag:s31] =	ssyncset.done $0x0  }
0x3d: {  	[sflag:s31] =	ssyncadd.s32 $0xFFFFF830  }
0x3e: {  	[bflag:$0x0] =	sbarrier.arrive $0xFFFF  }
0x3f: {  	s26 =	smov.u32 s24;
	s29 =	simm.s32 $0x0;
	s24 =	rddreg [dreg:$0x16]  }
0x40: {  	[tilespmem:s29], [sflag:$0x11] =	stream.linear.gather [hbm4b:s24+s29], $0x5000, $0x38;
	[tilespmem:$0x153C0] =	vst v63  }
0x41: {  	_ =	swait.ge [sflag:s31], $0x5000  }
0x42: {  	s25 =	smov.u32 s22;
	[sflag:s31] =	ssyncset.done $0x0  }
0x43: {  	s22 =	simm.s32 $0x5000;
	s21 =	rddreg [dreg:$0x17];
	[sflag:s31] =	ssyncadd.s32 $0xFFFFB000  }
0x44: {  	[tilespmem:s22], [sflag:$0x11] =	stream.linear.gather [hbm4b:s21+s29], $0x5000, $0x38;
	[tilespmem:$0x153C0] =	vst v63  }
0x45: {  	_ =	swait.ge [sflag:s31], $0x5000  }
0x46: {  	[sflag:s31] =	ssyncset.done $0x0  }
0x47: {  	s24 =	simm.s32 $0x153B0;
	s23 =	rddreg [dreg:$0x4];
	[sflag:s31] =	ssyncadd.s32 $0xFFFFB000  }
0x48: {  	[tilespmem:s24], [sflag:$0x11] =	stream.linear.gather [hbm4b:s23+s29], $0x10, $0x38;
	[tilespmem:$0x153C0] =	vst v63  }
0x49: {  	_ =	swait.ge [sflag:s31], $0x10  }
0x4a: {  	[sflag:s31] =	ssyncset.done $0x0  }
0x4b: {  	[sflag:s31] =	ssyncadd.s32 $0xFFFFFFF0  }
0x4c: {  	[tilespmem:s30], [sflag:$0x1] =	stream.indirect.gather [hbm4b:s20+s1], $0x10, s29, s1, $0xb8;
	[tilespmem:$0x153C0] =	vst v63  }
0x4d: {  	s22 =	simm.s32 $0x100  }
0x4e: {  	[tilespmem:s0], [sflag:$0x2] =	stream.indirect.gather [hbm4b:s20+s1], $0x10, s22, s1, $0xb8;
	[tilespmem:$0x153C0] =	vst v63  }
0x4f: {  	s23 =	simm.s32 $0x200  }
0x50: {  	[tilespmem:s13], [sflag:$0x3] =	stream.indirect.gather [hbm4b:s20+s1], $0x10, s23, s1, $0xb8;
	[tilespmem:$0x153C0] =	vst v63  }
0x51: {  	s24 =	simm.s32 $0x300  }
0x52: {  	[tilespmem:s2], [sflag:$0x4] =	stream.indirect.gather [hbm4b:s20+s1], $0x10, s24, s1, $0xb8;
	[tilespmem:$0x153C0] =	vst v63  }
.LBB2_4:
0x53: {  	_ =	swait.ge [sflag:s3], $0xFA0  }
0x54: {  	s15 =	sshra.s32 s29, $0x2;
	[sflag:s3] =	ssyncset.done $0x0  }
0x55: {  	p0 =	seq.s32 s29, $0x0;
	s21 =	sadd.s32 $0x5000, s15;
	[sflag:s3] =	ssyncadd.s32 $0xFFFFF060  }
0x56: {  	[spmem:s16] =	stream.indirect.scatter.add.f32 [tilespmem:s30], [sflag:$0x9], $0x10, s21, s1, $0xb8;
	[tilespmem:$0x153C0] =	vst v63  }
0x57: {  	s21 =	simm.s32 @!p0 $0xD  }
0x58: {  	_ =	swait.ge @!p0 [sflag:s21], $0xFA0  }
0x59: {  	[sflag:s21] =	ssyncset.done @!p0 $0x0  }
0x5a: {  	s22 =	sadd.s32 $0x400, s15;
	[sflag:s21] =	ssyncadd.s32 @!p0 $0xFFFFF060  }
0x5b: {  	[tilespmem:s4], [sflag:$0x5] =	stream.indirect.gather [hbm4b:s20+s1], $0x10, s22, s1, $0xb8;
	[tilespmem:$0x153C0] =	vst v63  }
0x5c: {  	_ =	swait.ge [sflag:s5], $0xFA0  }
0x5d: {  	[sflag:s5] =	ssyncset.done $0x0  }
0x5e: {  	s23 =	sadd.s32 $0x5100, s15;
	s21 =	simm.s32 @!p0 $0xE;
	[sflag:s5] =	ssyncadd.s32 $0xFFFFF060  }
0x5f: {  	[spmem:s16] =	stream.indirect.scatter.add.f32 [tilespmem:s0], [sflag:$0xA], $0x10, s23, s1, $0xb8;
	[tilespmem:$0x153C0] =	vst v63  }
0x60: {  	_ =	swait.ge @!p0 [sflag:s21], $0xFA0  }
0x61: {  	[sflag:s21] =	ssyncset.done @!p0 $0x0  }
0x62: {  	s24 =	sadd.s32 $0x500, s15;
	[sflag:s21] =	ssyncadd.s32 @!p0 $0xFFFFF060  }
0x63: {  	[tilespmem:s6], [sflag:$0x6] =	stream.indirect.gather [hbm4b:s20+s1], $0x10, s24, s1, $0xb8;
	[tilespmem:$0x153C0] =	vst v63  }
0x64: {  	_ =	swait.ge [sflag:s7], $0xFA0  }
0x65: {  	[sflag:s7] =	ssyncset.done $0x0  }
0x66: {  	s22 =	sadd.s32 $0x5200, s15;
	s21 =	simm.s32 @!p0 $0xF;
	[sflag:s7] =	ssyncadd.s32 $0xFFFFF060  }
0x67: {  	[spmem:s16] =	stream.indirect.scatter.add.f32 [tilespmem:s13], [sflag:$0xB], $0x10, s22, s1, $0xb8;
	[tilespmem:$0x153C0] =	vst v63  }
0x68: {  	_ =	swait.ge @!p0 [sflag:s21], $0xFA0  }
0x69: {  	[sflag:s21] =	ssyncset.done @!p0 $0x0  }
0x6a: {  	s23 =	sadd.s32 $0x600, s15;
	[sflag:s21] =	ssyncadd.s32 @!p0 $0xFFFFF060  }
0x6b: {  	[tilespmem:s8], [sflag:$0x7] =	stream.indirect.gather [hbm4b:s20+s1], $0x10, s23, s1, $0xb8;
	[tilespmem:$0x153C0] =	vst v63  }
0x6c: {  	_ =	swait.ge [sflag:s9], $0xFA0  }
0x6d: {  	[sflag:s9] =	ssyncset.done $0x0  }
0x6e: {  	s24 =	sadd.s32 $0x5300, s15;
	s21 =	simm.s32 @!p0 $0x10;
	[sflag:s9] =	ssyncadd.s32 $0xFFFFF060  }
0x6f: {  	[spmem:s16] =	stream.indirect.scatter.add.f32 [tilespmem:s2], [sflag:$0xC], $0x10, s24, s1, $0xb8;
	[tilespmem:$0x153C0] =	vst v63  }
0x70: {  	_ =	swait.ge @!p0 [sflag:s21], $0xFA0  }
0x71: {  	[sflag:s21] =	ssyncset.done @!p0 $0x0  }
0x72: {  	s22 =	sadd.s32 $0x700, s15;
	[sflag:s21] =	ssyncadd.s32 @!p0 $0xFFFFF060  }
0x73: {  	[tilespmem:s10], [sflag:$0x8] =	stream.indirect.gather [hbm4b:s20+s1], $0x10, s22, s1, $0xb8;
	[tilespmem:$0x153C0] =	vst v63  }
0x74: {  	_ =	swait.ge [sflag:s11], $0xFA0  }
0x75: {  	p0 =	seq.s32 s29, $0x12000;
	[sflag:s11] =	ssyncset.done $0x0  }
0x76: {  	s23 =	sadd.s32 $0x5400, s15;
	s21 =	simm.s32 @p0 $0x6;
	[sflag:s11] =	ssyncadd.s32 $0xFFFFF060  }
0x77: {  	[spmem:s16] =	stream.indirect.scatter.add.f32 [tilespmem:s4], [sflag:$0xD], $0x10, s23, s1, $0xb8;
	[tilespmem:$0x153C0] =	vst v63  }
0x78: {  	_ =	swait.ge @p0 [sflag:s21], $0xFA0  }
0x79: {  	[sflag:s21] =	ssyncset.done @p0 $0x0  }
0x7a: {  	[sflag:s21] =	ssyncadd.s32 @p0 $0xFFFFF060;
	s21 =	sshra.s32 @p0 s29, $0x2  }
0x7b: {  	s22 =	simm.s32 @p0 $0xFA;
	s23 =	simm.s32 @p0 $0x11530;
	s21 =	sadd.s32 @p0 $0x5500, s21  }
0x7c: {  	[spmem:s16] =	stream.indirect.scatter.add.f32 @p0 [tilespmem:s23], [sflag:$0xE], $0x10, s21, s22, $0xb8;
	[tilespmem:$0x153C0] =	vst v63  }
0x7d: {  	s21 =	simm.s32 @!p0 $0x9  }
0x7e: {  	_ =	swait.ge @!p0 [sflag:s21], $0xFA0  }
0x7f: {  	[sflag:s21] =	ssyncset.done @!p0 $0x0  }
0x80: {  	[sflag:s21] =	ssyncadd.s32 @!p0 $0xFFFFF060;
	s21 =	sshra.s32 @!p0 s29, $0x2  }
0x81: {  	s24 =	simm.s32 @!p0 $0xC710;
	s23 =	simm.s32 @!p0 $0xFA;
	s22 =	sadd.s32 @!p0 $0x800, s21  }
0x82: {  	[tilespmem:s24], [sflag:$0x1] =	stream.indirect.gather @!p0 [hbm4b:s20+s23], $0x10, s22, s23, $0xb8;
	[tilespmem:$0x153C0] =	vst v63  }
0x83: {  	s22 =	simm.s32 @!p0 $0x6  }
0x84: {  	_ =	swait.ge @!p0 [sflag:s22], $0xFA0  }
0x85: {  	[sflag:s22] =	ssyncset.done @!p0 $0x0  }
0x86: {  	s24 =	simm.s32 @!p0 $0x11530;
	[sflag:s22] =	ssyncadd.s32 @!p0 $0xFFFFF060;
	s22 =	sadd.s32 @!p0 $0x5500, s21  }
0x87: {  	[spmem:s16] =	stream.indirect.scatter.add.f32 @!p0 [tilespmem:s24], [sflag:$0xE], $0x10, s22, s23, $0xb8;
	[tilespmem:$0x153C0] =	vst v63  }
0x88: {  	s22 =	simm.s32 @!p0 $0xA  }
0x89: {  	_ =	swait.ge @!p0 [sflag:s22], $0xFA0  }
0x8a: {  	[sflag:s22] =	ssyncset.done @!p0 $0x0  }
0x8b: {  	s21 =	sadd.s32 @!p0 $0x900, s21;
	[sflag:s22] =	ssyncadd.s32 @!p0 $0xFFFFF060;
	s22 =	simm.s32 @!p0 $0xD6B0  }
0x8c: {  	[tilespmem:s22], [sflag:$0x2] =	stream.indirect.gather @!p0 [hbm4b:s20+s23], $0x10, s21, s23, $0xb8;
	[tilespmem:$0x153C0] =	vst v63  }
.Ltmp1:
0x8d: {  	_ = 	snop;
	(pc) =	sbr.rel @p0 .LBB2_6-.Ltmp1, $4  }
0x8e: {  	_ =	swait.ge [sflag:s12], $0xFA0  }
0x8f: {  	[sflag:s12] =	ssyncset.done $0x0  }
0x90: {  	s24 =	sadd.s32 $0x5600, s15;
	s21 =	sadd.s32 $0x5700, s15;
	[sflag:s12] =	ssyncadd.s32 $0xFFFFF060  }
0x91: {  	[spmem:s16] =	stream.indirect.scatter.add.f32 [tilespmem:s8], [sflag:$0xF], $0x10, s24, s1, $0xb8;
	[tilespmem:$0x153C0] =	vst v63  }
0x92: {  	_ =	swait.ge [sflag:s18], $0xFA0  }
0x93: {  	[sflag:s18] =	ssyncset.done $0x0  }
0x94: {  	s22 =	sadd.s32 $0xA00, s15;
	[sflag:s18] =	ssyncadd.s32 $0xFFFFF060  }
0x95: {  	[tilespmem:s13], [sflag:$0x3] =	stream.indirect.gather [hbm4b:s20+s1], $0x10, s22, s1, $0xb8;
	[tilespmem:$0x153C0] =	vst v63  }
0x96: {  	_ =	swait.ge [sflag:s14], $0xFA0  }
0x97: {  	[sflag:s14] =	ssyncset.done $0x0  }
0x98: {  	[sflag:s14] =	ssyncadd.s32 $0xFFFFF060  }
0x99: {  	[spmem:s16] =	stream.indirect.scatter.add.f32 [tilespmem:s10], [sflag:$0x10], $0x10, s21, s1, $0xb8;
	[tilespmem:$0x153C0] =	vst v63  }
.Ltmp2:
0x9a: {  	_ = 	snop;
	(pc) =	sbr.rel .LBB2_4-.Ltmp2, $4  }
0x9b: {  	_ =	swait.ge [sflag:s19], $0xFA0  }
0x9c: {  	[sflag:s19] =	ssyncset.done $0x0  }
0x9d: {  	s24 =	sadd.s32 $0xB00, s15;
	s29 =	sadd.s32 $0x2000, s29;
	[sflag:s19] =	ssyncadd.s32 $0xFFFFF060  }
0x9e: {  	[tilespmem:s2], [sflag:$0x4] =	stream.indirect.gather [hbm4b:s20+s1], $0x10, s24, s1, $0xb8;
	[tilespmem:$0x153C0] =	vst v63  }
.LBB2_6:
0x9f: {  	_ =	swait.ge [sflag:s14], $0xFA0  }
0xa0: {  	[sflag:s14] =	ssyncset.done $0x0  }
0xa1: {  	s15 =	simm.s32 $0x9;
	[sflag:s14] =	ssyncadd.s32 $0xFFFFF060  }
0xa2: {  	[spmem:s16] =	stream.indirect.scatter.add.f32 [tilespmem:s10], [sflag:$0x10], $0x10, s21, s1, $0xb8;
	[tilespmem:$0x153C0] =	vst v63  }
0xa3: {  	_ =	swait.ge [sflag:s15], $0xFA0  }
0xa4: {  	[sflag:s15] =	ssyncset.done $0x0  }
0xa5: {  	s22 =	simm.s32 $0xA;
	[sflag:s15] =	ssyncadd.s32 $0xFFFFF060  }
0xa6: {  	_ =	swait.ge [sflag:s22], $0xFA0  }
0xa7: {  	[sflag:s22] =	ssyncset.done $0x0  }
0xa8: {  	[sflag:s22] =	ssyncadd.s32 $0xFFFFF060  }
0xa9: {  	_ =	swait.ge [sflag:s18], $0xFA0  }
0xaa: {  	[sflag:s18] =	ssyncset.done $0x0  }
0xab: {  	[sflag:s18] =	ssyncadd.s32 $0xFFFFF060  }
0xac: {  	_ =	swait.ge [sflag:s19], $0xFA0  }
0xad: {  	[sflag:s19] =	ssyncset.done $0x0  }
0xae: {  	s23 =	simm.s32 $0xD;
	[sflag:s19] =	ssyncadd.s32 $0xFFFFF060  }
0xaf: {  	_ =	swait.ge [sflag:s23], $0xFA0  }
0xb0: {  	[sflag:s23] =	ssyncset.done $0x0  }
0xb1: {  	s24 =	simm.s32 $0xE;
	[sflag:s23] =	ssyncadd.s32 $0xFFFFF060  }
0xb2: {  	_ =	swait.ge [sflag:s24], $0xFA0  }
0xb3: {  	[sflag:s24] =	ssyncset.done $0x0  }
0xb4: {  	s21 =	simm.s32 $0xF;
	[sflag:s24] =	ssyncadd.s32 $0xFFFFF060  }
0xb5: {  	_ =	swait.ge [sflag:s21], $0xFA0  }
0xb6: {  	[sflag:s21] =	ssyncset.done $0x0  }
0xb7: {  	s22 =	simm.s32 $0x10;
	[sflag:s21] =	ssyncadd.s32 $0xFFFFF060  }
0xb8: {  	_ =	swait.ge [sflag:s22], $0xFA0  }
0xb9: {  	[sflag:s22] =	ssyncset.done $0x0  }
0xba: {  	[sflag:s22] =	ssyncadd.s32 $0xFFFFF060  }
0xbb: {  	[bflag:$0x0] =	sbarrier.arrive $0xFFFF  }
0xbc: {  	v1 =	vld [tilespmem:$0x153B0];
	[tilespmem:s30], [sflag:$0x11] =	stream.linear.gather [spmem:s25], $0x7D0, $0x38  }
0xbd: {  	_ =	swait.ge [sflag:s31], $0x7D0  }
0xbe: {  	s15 =	simm.s32 $0x0;
	s22 =	smov.u32 s25;
	[sflag:s31] =	ssyncset.done $0x0  }
0xbf: {  	s25 =	simm.s32 $0x14410;
	s23 =	rddreg [dreg:$0x5];
	[sflag:s31] =	ssyncadd.s32 $0xFFFFF830  }
0xc0: {  	[tilespmem:s25], [sflag:$0x11] =	stream.linear.gather [hbm4b:s23+s15], $0x7D0, $0x38;
	[tilespmem:$0x153C0] =	vst v63  }
0xc1: {  	_ =	swait.ge [sflag:s31], $0x7D0  }
0xc2: {  	[sflag:s31] =	ssyncset.done $0x0  }
0xc3: {  	s23 =	simm.s32 $0x14BE0;
	s24 =	rddreg [dreg:$0x6];
	[sflag:s31] =	ssyncadd.s32 $0xFFFFF830  }
0xc4: {  	[tilespmem:s23], [sflag:$0x11] =	stream.linear.gather [hbm4b:s24+s15], $0x7D0, $0x38;
	[tilespmem:$0x153C0] =	vst v63  }
0xc5: {  	_ =	swait.ge [sflag:s31], $0x7D0  }
0xc6: {  	[sflag:s31] =	ssyncset.done $0x0  }
0xc7: {  	s15 =	simm.s32 $0x0;
	[sflag:s31] =	ssyncadd.s32 $0xFFFFF830  }
0xc8: {  	s29 =	simm.s32 $0x40;
	s23 =	smov.u32 s17;
	v2 =	vld [tilespmem:s15+$0x14410]  }
.LBB2_7:
0xc9: {  	p0 =	sne.s32 s29, $0x1F00;
	v3 =	vld [tilespmem:s15+$0xC710];
	_ =	sdelay $0x3  }
0xca: {  	v4 =	vld [tilespmem:s15+$0x14BE0]  }
0xcb: {  	v2 =	vmul.f32 v2, v3;
	_ =	sdelay $0x1  }
0xcc: {  	v2 =	vadd.f32 v2, v1  }
.Ltmp3:
0xcd: {  	(pc) =	sbr.rel @p0 .LBB2_7-.Ltmp3, $3  }
0xce: {  	v2 =	vadd.f32 v2, v4;
	_ =	sdelay $0x1  }
0xcf: {  	s21 =	sshra.s32 s29, $0x2;
	v3 =	vmax.f32 v2, $0.0e+00  }
0xd0: {  	s29 =	sadd.s32 $0x40, s29;
	v2 =	vld [tilespmem:s21+$0x14410];
	[tilespmem:s15+$0xC710] =	vst v3;
	s15 =	smov.u32 s21  }
0xd1: {  	v3 =	vld [tilespmem:s15+$0xC710];
	_ =	sdelay $0x3  }
0xd2: {  	v4 =	vld [tilespmem:s15+$0x14BE0]  }
0xd3: {  	v2 =	vmul.f32 v2, v3;
	_ =	sdelay $0x1  }
0xd4: {  	v2 =	vadd.f32 v2, v1;
	_ =	sdelay $0x1  }
0xd5: {  	v2 =	vadd.f32 v2, v4;
	_ =	sdelay $0x1  }
0xd6: {  	v2 =	vmax.f32 v2, $0.0e+00  }
0xd7: {  	s21 =	rddreg [dreg:$0x7];
	[tilespmem:s15+$0xC710] =	vst v2;
	s15 =	simm.s32 $0x0  }
0xd8: {  	[hbm4b:s21+s15] =	stream.linear.scatter [tilespmem:s30], [sflag:$0x11], $0x7D0, $0x38;
	[tilespmem:$0x153C0] =	vst v63  }
0xd9: {  	_ =	swait.ge [sflag:s31], $0x7D0  }
0xda: {  	[sflag:s31] =	ssyncset.done $0x0  }
0xdb: {  	[sflag:s31] =	ssyncadd.s32 $0xFFFFF830  }
0xdc: {  	[tilespmem:s30], [sflag:$0x11] =	stream.linear.gather [spmem:s23], $0x7D0, $0x38;
	[tilespmem:$0x153C0] =	vst v63  }
0xdd: {  	_ =	swait.ge [sflag:s31], $0x7D0  }
0xde: {  	[sflag:s31] =	ssyncset.done $0x0  }
0xdf: {  	s17 =	rddreg [dreg:$0x8];
	[sflag:s31] =	ssyncadd.s32 $0xFFFFF830  }
0xe0: {  	[tilespmem:s25], [sflag:$0x11] =	stream.linear.gather [hbm4b:s17+s15], $0x7D0, $0x38;
	[tilespmem:$0x153C0] =	vst v63  }
0xe1: {  	_ =	swait.ge [sflag:s31], $0x7D0  }
0xe2: {  	[sflag:s31] =	ssyncset.done $0x0  }
0xe3: {  	s17 =	simm.s32 $0x14BE0;
	s24 =	rddreg [dreg:$0x9];
	[sflag:s31] =	ssyncadd.s32 $0xFFFFF830  }
0xe4: {  	[tilespmem:s17], [sflag:$0x11] =	stream.linear.gather [hbm4b:s24+s15], $0x7D0, $0x38;
	[tilespmem:$0x153C0] =	vst v63  }
0xe5: {  	_ =	swait.ge [sflag:s31], $0x7D0  }
0xe6: {  	[sflag:s31] =	ssyncset.done $0x0  }
0xe7: {  	s15 =	simm.s32 $0x0;
	[sflag:s31] =	ssyncadd.s32 $0xFFFFF830  }
0xe8: {  	s29 =	simm.s32 $0x40;
	s24 =	smov.u32 s26;
	v2 =	vld [tilespmem:s15+$0x14410]  }
.LBB2_9:
0xe9: {  	p0 =	sne.s32 s29, $0x1F00;
	v3 =	vld [tilespmem:s15+$0xC710];
	_ =	sdelay $0x3  }
0xea: {  	v4 =	vld [tilespmem:s15+$0x14BE0]  }
0xeb: {  	v2 =	vmul.f32 v2, v3;
	_ =	sdelay $0x1  }
0xec: {  	v2 =	vadd.f32 v2, v1  }
.Ltmp4:
0xed: {  	(pc) =	sbr.rel @p0 .LBB2_9-.Ltmp4, $3  }
0xee: {  	v2 =	vadd.f32 v2, v4;
	_ =	sdelay $0x1  }
0xef: {  	s21 =	sshra.s32 s29, $0x2;
	v3 =	vmax.f32 v2, $0.0e+00  }
0xf0: {  	s29 =	sadd.s32 $0x40, s29;
	v2 =	vld [tilespmem:s21+$0x14410];
	[tilespmem:s15+$0xC710] =	vst v3;
	s15 =	smov.u32 s21  }
0xf1: {  	v3 =	vld [tilespmem:s15+$0xC710];
	_ =	sdelay $0x3  }
0xf2: {  	v4 =	vld [tilespmem:s15+$0x14BE0]  }
0xf3: {  	v2 =	vmul.f32 v2, v3;
	_ =	sdelay $0x1  }
0xf4: {  	v2 =	vadd.f32 v2, v1;
	_ =	sdelay $0x1  }
0xf5: {  	v2 =	vadd.f32 v2, v4;
	_ =	sdelay $0x1  }
0xf6: {  	v2 =	vmax.f32 v2, $0.0e+00  }
0xf7: {  	s21 =	rddreg [dreg:$0xa];
	[tilespmem:s15+$0xC710] =	vst v2;
	s15 =	simm.s32 $0x0  }
0xf8: {  	[hbm4b:s21+s15] =	stream.linear.scatter [tilespmem:s30], [sflag:$0x11], $0x7D0, $0x38;
	[tilespmem:$0x153C0] =	vst v63  }
0xf9: {  	_ =	swait.ge [sflag:s31], $0x7D0  }
0xfa: {  	[sflag:s31] =	ssyncset.done $0x0  }
0xfb: {  	[sflag:s31] =	ssyncadd.s32 $0xFFFFF830  }
0xfc: {  	[tilespmem:s30], [sflag:$0x11] =	stream.linear.gather [spmem:s24], $0x7D0, $0x38;
	[tilespmem:$0x153C0] =	vst v63  }
0xfd: {  	_ =	swait.ge [sflag:s31], $0x7D0  }
0xfe: {  	[sflag:s31] =	ssyncset.done $0x0  }
0xff: {  	s17 =	rddreg [dreg:$0xb];
	[sflag:s31] =	ssyncadd.s32 $0xFFFFF830  }
0x100: {  	[tilespmem:s25], [sflag:$0x11] =	stream.linear.gather [hbm4b:s17+s15], $0x7D0, $0x38;
	[tilespmem:$0x153C0] =	vst v63  }
0x101: {  	_ =	swait.ge [sflag:s31], $0x7D0  }
0x102: {  	[sflag:s31] =	ssyncset.done $0x0  }
0x103: {  	s17 =	simm.s32 $0x14BE0;
	s26 =	rddreg [dreg:$0xc];
	[sflag:s31] =	ssyncadd.s32 $0xFFFFF830  }
0x104: {  	[tilespmem:s17], [sflag:$0x11] =	stream.linear.gather [hbm4b:s26+s15], $0x7D0, $0x38;
	[tilespmem:$0x153C0] =	vst v63  }
0x105: {  	_ =	swait.ge [sflag:s31], $0x7D0  }
0x106: {  	[sflag:s31] =	ssyncset.done $0x0  }
0x107: {  	s15 =	simm.s32 $0x0;
	[sflag:s31] =	ssyncadd.s32 $0xFFFFF830  }
0x108: {  	s29 =	simm.s32 $0x40;
	v2 =	vld [tilespmem:s15+$0x14410]  }
.LBB2_11:
0x109: {  	p0 =	sne.s32 s29, $0x1F00;
	v3 =	vld [tilespmem:s15+$0xC710];
	_ =	sdelay $0x3  }
0x10a: {  	v4 =	vld [tilespmem:s15+$0x14BE0]  }
0x10b: {  	v2 =	vmul.f32 v2, v3;
	_ =	sdelay $0x1  }
0x10c: {  	v2 =	vadd.f32 v2, v1  }
.Ltmp5:
0x10d: {  	(pc) =	sbr.rel @p0 .LBB2_11-.Ltmp5, $3  }
0x10e: {  	v2 =	vadd.f32 v2, v4;
	_ =	sdelay $0x1  }
0x10f: {  	s21 =	sshra.s32 s29, $0x2;
	v3 =	vmax.f32 v2, $0.0e+00  }
0x110: {  	s29 =	sadd.s32 $0x40, s29;
	v2 =	vld [tilespmem:s21+$0x14410];
	[tilespmem:s15+$0xC710] =	vst v3;
	s15 =	smov.u32 s21  }
0x111: {  	v3 =	vld [tilespmem:s15+$0xC710];
	_ =	sdelay $0x3  }
0x112: {  	v4 =	vld [tilespmem:s15+$0x14BE0]  }
0x113: {  	v2 =	vmul.f32 v2, v3;
	_ =	sdelay $0x1  }
0x114: {  	v2 =	vadd.f32 v2, v1;
	_ =	sdelay $0x1  }
0x115: {  	v2 =	vadd.f32 v2, v4;
	_ =	sdelay $0x1  }
0x116: {  	v2 =	vmax.f32 v2, $0.0e+00  }
0x117: {  	s21 =	rddreg [dreg:$0xd];
	[tilespmem:s15+$0xC710] =	vst v2;
	s15 =	simm.s32 $0x0  }
0x118: {  	[hbm4b:s21+s15] =	stream.linear.scatter [tilespmem:s30], [sflag:$0x11], $0x7D0, $0x38;
	[tilespmem:$0x153C0] =	vst v63  }
0x119: {  	_ =	swait.ge [sflag:s31], $0x7D0  }
0x11a: {  	[sflag:s31] =	ssyncset.done $0x0  }
0x11b: {  	s17 =	rddreg [dreg:$0x14];
	[sflag:s31] =	ssyncadd.s32 $0xFFFFF830  }
0x11c: {  	[tilespmem:s30], [sflag:$0x11] =	stream.linear.gather [spmem:s17], $0x7D0, $0x38;
	[tilespmem:$0x153C0] =	vst v63  }
0x11d: {  	_ =	swait.ge [sflag:s31], $0x7D0  }
0x11e: {  	[sflag:s31] =	ssyncset.done $0x0  }
0x11f: {  	s26 =	rddreg [dreg:$0xe];
	[sflag:s31] =	ssyncadd.s32 $0xFFFFF830  }
0x120: {  	[tilespmem:s25], [sflag:$0x11] =	stream.linear.gather [hbm4b:s26+s15], $0x7D0, $0x38;
	[tilespmem:$0x153C0] =	vst v63  }
0x121: {  	_ =	swait.ge [sflag:s31], $0x7D0  }
0x122: {  	[sflag:s31] =	ssyncset.done $0x0  }
0x123: {  	s26 =	simm.s32 $0x14BE0;
	s17 =	rddreg [dreg:$0xf];
	[sflag:s31] =	ssyncadd.s32 $0xFFFFF830  }
0x124: {  	[tilespmem:s26], [sflag:$0x11] =	stream.linear.gather [hbm4b:s17+s15], $0x7D0, $0x38;
	[tilespmem:$0x153C0] =	vst v63  }
0x125: {  	_ =	swait.ge [sflag:s31], $0x7D0  }
0x126: {  	[sflag:s31] =	ssyncset.done $0x0  }
0x127: {  	s15 =	simm.s32 $0x0;
	[sflag:s31] =	ssyncadd.s32 $0xFFFFF830  }
0x128: {  	s29 =	simm.s32 $0x40;
	v2 =	vld [tilespmem:s15+$0x14410]  }
.LBB2_13:
0x129: {  	p0 =	sne.s32 s29, $0x1F00;
	v3 =	vld [tilespmem:s15+$0xC710];
	_ =	sdelay $0x3  }
0x12a: {  	v4 =	vld [tilespmem:s15+$0x14BE0]  }
0x12b: {  	v2 =	vmul.f32 v2, v3;
	_ =	sdelay $0x1  }
0x12c: {  	v2 =	vadd.f32 v2, v1  }
.Ltmp6:
0x12d: {  	(pc) =	sbr.rel @p0 .LBB2_13-.Ltmp6, $3  }
0x12e: {  	v2 =	vadd.f32 v2, v4;
	_ =	sdelay $0x1  }
0x12f: {  	s21 =	sshra.s32 s29, $0x2;
	v3 =	vmax.f32 v2, $0.0e+00  }
0x130: {  	s29 =	sadd.s32 $0x40, s29;
	v2 =	vld [tilespmem:s21+$0x14410];
	[tilespmem:s15+$0xC710] =	vst v3;
	s15 =	smov.u32 s21  }
0x131: {  	v3 =	vld [tilespmem:s15+$0xC710];
	_ =	sdelay $0x3  }
0x132: {  	v4 =	vld [tilespmem:s15+$0x14BE0]  }
0x133: {  	v2 =	vmul.f32 v2, v3;
	_ =	sdelay $0x1  }
0x134: {  	v2 =	vadd.f32 v2, v1;
	_ =	sdelay $0x1  }
0x135: {  	v2 =	vadd.f32 v2, v4;
	_ =	sdelay $0x1  }
0x136: {  	v2 =	vmax.f32 v2, $0.0e+00  }
0x137: {  	s21 =	rddreg [dreg:$0x10];
	[tilespmem:s15+$0xC710] =	vst v2;
	s15 =	simm.s32 $0x0  }
0x138: {  	[hbm4b:s21+s15] =	stream.linear.scatter [tilespmem:s30], [sflag:$0x11], $0x7D0, $0x38;
	[tilespmem:$0x153C0] =	vst v63  }
0x139: {  	_ =	swait.ge [sflag:s31], $0x7D0  }
0x13a: {  	[sflag:s31] =	ssyncset.done $0x0  }
0x13b: {  	s17 =	rddreg [dreg:$0x15];
	[sflag:s31] =	ssyncadd.s32 $0xFFFFF830  }
0x13c: {  	[tilespmem:s30], [sflag:$0x11] =	stream.linear.gather [spmem:s17], $0x7D0, $0x38;
	[tilespmem:$0x153C0] =	vst v63  }
0x13d: {  	_ =	swait.ge [sflag:s31], $0x7D0  }
0x13e: {  	[sflag:s31] =	ssyncset.done $0x0  }
0x13f: {  	s17 =	rddreg [dreg:$0x11];
	[sflag:s31] =	ssyncadd.s32 $0xFFFFF830  }
0x140: {  	[tilespmem:s25], [sflag:$0x11] =	stream.linear.gather [hbm4b:s17+s15], $0x7D0, $0x38;
	[tilespmem:$0x153C0] =	vst v63  }
0x141: {  	_ =	swait.ge [sflag:s31], $0x7D0  }
0x142: {  	[sflag:s31] =	ssyncset.done $0x0  }
0x143: {  	s26 =	simm.s32 $0x14BE0;
	s25 =	rddreg [dreg:$0x12];
	[sflag:s31] =	ssyncadd.s32 $0xFFFFF830  }
0x144: {  	[tilespmem:s26], [sflag:$0x11] =	stream.linear.gather [hbm4b:s25+s15], $0x7D0, $0x38;
	[tilespmem:$0x153C0] =	vst v63  }
0x145: {  	_ =	swait.ge [sflag:s31], $0x7D0  }
0x146: {  	[sflag:s31] =	ssyncset.done $0x0  }
0x147: {  	s15 =	simm.s32 $0x0;
	[sflag:s31] =	ssyncadd.s32 $0xFFFFF830  }
0x148: {  	s29 =	simm.s32 $0x40;
	v2 =	vld [tilespmem:s15+$0x14410]  }
.LBB2_15:
0x149: {  	p0 =	sne.s32 s29, $0x1F00;
	v3 =	vld [tilespmem:s15+$0xC710];
	_ =	sdelay $0x3  }
0x14a: {  	v4 =	vld [tilespmem:s15+$0x14BE0]  }
0x14b: {  	v2 =	vmul.f32 v2, v3;
	_ =	sdelay $0x1  }
0x14c: {  	v2 =	vadd.f32 v2, v1  }
.Ltmp7:
0x14d: {  	(pc) =	sbr.rel @p0 .LBB2_15-.Ltmp7, $3  }
0x14e: {  	v2 =	vadd.f32 v2, v4;
	_ =	sdelay $0x1  }
0x14f: {  	s21 =	sshra.s32 s29, $0x2;
	v3 =	vmax.f32 v2, $0.0e+00  }
0x150: {  	s29 =	sadd.s32 $0x40, s29;
	v2 =	vld [tilespmem:s21+$0x14410];
	[tilespmem:s15+$0xC710] =	vst v3;
	s15 =	smov.u32 s21  }
0x151: {  	v3 =	vld [tilespmem:s15+$0xC710];
	_ =	sdelay $0x3  }
0x152: {  	v4 =	vld [tilespmem:s15+$0x14BE0]  }
0x153: {  	v2 =	vmul.f32 v2, v3;
	_ =	sdelay $0x1  }
0x154: {  	v1 =	vadd.f32 v2, v1;
	_ =	sdelay $0x1  }
0x155: {  	v1 =	vadd.f32 v1, v4;
	_ =	sdelay $0x1  }
0x156: {  	v1 =	vmax.f32 v1, $0.0e+00  }
0x157: {  	s26 =	simm.s32 $0x0;
	s21 =	rddreg [dreg:$0x13];
	[tilespmem:s15+$0xC710] =	vst v1  }
0x158: {  	[hbm4b:s21+s26] =	stream.linear.scatter [tilespmem:s30], [sflag:$0x11], $0x7D0, $0x38;
	[tilespmem:$0x153C0] =	vst v63  }
0x159: {  	_ =	swait.ge [sflag:s31], $0x7D0  }
0x15a: {  	s28 =	sadd.s32 $0x1, s28;
	s29 =	rddreg [dreg:$0x18]  }
0x15b: {  	p0 =	sne.s32 s28, s29  }
.Ltmp8:
0x15c: {  	_ = 	snop;
	(pc) =	sbr.rel @p0 .LBB2_1-.Ltmp8, $3  }
0x15d: {  	_ =	sdelay $0x1  }
0x15e: {  	[sflag:s31] =	ssyncset.done $0x0  }
0x15f: {  	[sflag:s31] =	ssyncadd.s32 $0xFFFFF830  }
0x160: {  	_ =	sfence.sel $0x180000  }
0x161: {  	[bflag:$0x0] =	sbarrier.arrive $0xFFFF  }
0x162: {  	_ =	strace $0x9000004A  }
0x163: {  	s0 =	stileid.u32;
	[bflag:$0x2] =	sbarrier.arrive $0xFFFF  }
0x164: {  	p0 =	sne.s32 s0, $0x0;
	s0 =	rddreg [dreg:$0x3]  }
0x165: {  	s0 =	sadd.s32 @!p0 $0x100000, s0  }
0x166: {  	[sflag:s0] =	ssyncadd.tile.s32 @!p0 $0x1;
	_ =	shalt  }
.Lfunc_end2:
_tile_overlayer_lowered:
.L_overlay_start_2:
0x167: {  	(tag) =	ssettag $0x2  }
0x168: {  	s0 =	rddreg [dreg:$0x0];
	s2 =	stileid.u32  }
0x169: {  	s1 =	rddreg [dreg:$0x1];
	p0 =	sne.s32 s2, $0x0  }
0x16a: {  	s3 =	rddreg [dreg:$0x2];
	[bflag:$0x3] =	sbarrier.arrive $0xFFFF;
	s2 =	simm.s32 @!p0 $0x1C11  }
0x16b: {  	[timem:s3], [sflag:s2] =	dma.local @!p0 [hbm:s0], s1  }
0x16c: {  	s0 =	simm.s32 @!p0 $0x11  }
0x16d: {  	_ =	swait.ge @!p0 [sflag:s0], s1  }
0x16e: {  	s1 =	ssub.s32 @!p0 $0x0, s1;
	[sflag:s0] =	ssyncset.done @!p0 $0x0  }
0x16f: {  	[sflag:s0] =	ssyncadd.s32 @!p0 s1  }
0x170: {  	[bflag:$0x3] =	sbarrier.arrive $0xFFFF  }
0x171: {  	_ =	shalt  }

</sc_bundles>
